<compile_context>
chip_gen: v7x
topology: tpu7x:2x2x1
jax: 0.10.2.dev20260603
libtpu: 0.0.44.dev20260713+nightly
codegen_flags: <defaults>
</compile_context>

<pallas_src>
import functools

import jax
import jax.numpy as jnp
from jax import lax
from jax.experimental import pallas as pl
from jax.experimental.pallas import tpu as pltpu
from jax.experimental.pallas import tpu_sc as plsc

BLOCK = 64
NSEL = 16
LANES = 16


def kernel(keys, compression_scores):
  batch, seq_len, key_dim = keys.shape
  num_blocks = seq_len // BLOCK
  nchunks = num_blocks // LANES
  out_rows = NSEL * BLOCK
  nring = 8
  lag = 3

  info = plsc.get_sparse_core_info()
  nc, ns = info.num_cores, info.num_subcores
  assert nc * ns == batch, (nc, ns, batch)

  table = keys.reshape(batch * seq_len, key_dim)

  mesh = plsc.VectorSubcoreMesh(core_axis_name="c", subcore_axis_name="s")

  @functools.partial(
      pl.kernel,
      out_type=jax.ShapeDtypeStruct((batch * out_rows, key_dim), jnp.float32),
      mesh=mesh,
      scratch_types=[
          pltpu.VMEM((num_blocks,), jnp.float32),
          pltpu.VMEM((nring, BLOCK, key_dim), jnp.float32),
          pltpu.SemaphoreType.DMA,
          pltpu.SemaphoreType.DMA,
      ],
  )
  def run(table_hbm, scores_hbm, out_hbm, scores_v, buf, gsem, osem):
    b = lax.axis_index("s") * nc + lax.axis_index("c")
    pltpu.sync_copy(scores_hbm.at[b], scores_v)

    chunks = [scores_v[pl.ds(LANES * i, LANES)] for i in range(nchunks)]
    gidx = [lax.iota(jnp.int32, LANES) + LANES * i for i in range(nchunks)]
    valid = [jnp.ones((LANES,), jnp.bool_) for _ in range(nchunks)]

    neg_inf = jnp.float32(-jnp.inf)
    big = jnp.int32(num_blocks)
    lane = lax.iota(jnp.int32, LANES)
    perms = [lane ^ s for s in (8, 4, 2, 1)]

    def butterfly(v, op):
      for s in range(4):
        v = op(v, v.at[perms[s]].get(mode="promise_in_bounds"))
      return v

    seq_base = b * (num_blocks * BLOCK)
    out_base = b * out_rows
    gathers = [None] * NSEL
    outs = [None] * NSEL

    def start_out(j):
      gathers[j].wait()
      outs[j] = pltpu.async_copy(
          buf.at[j % nring],
          out_hbm.at[pl.ds(out_base + j * BLOCK, BLOCK)], osem)

    for j in range(NSEL):
      masked = [jnp.where(valid[i], chunks[i], neg_inf) for i in range(nchunks)]
      mv = masked[0]
      for i in range(1, nchunks):
        mv = jnp.maximum(mv, masked[i])
      m = butterfly(mv, jnp.maximum)
      iv = jnp.where(valid[0] & (chunks[0] == m), gidx[0], big)
      for i in range(1, nchunks):
        iv = jnp.minimum(iv, jnp.where(valid[i] & (chunks[i] == m), gidx[i],
                                       big))
      sel_v = butterfly(iv, jnp.minimum)
      valid = [valid[i] & (gidx[i] != sel_v) for i in range(nchunks)]
      sel = sel_v[0]
      if j >= nring:
        outs[j - nring].wait()
      gathers[j] = pltpu.async_copy(
          table_hbm.at[pl.ds(seq_base + sel * BLOCK, BLOCK)],
          buf.at[j % nring], gsem)
      if j >= lag:
        start_out(j - lag)
    for j in range(NSEL - lag, NSEL):
      start_out(j)
    for j in range(NSEL - nring, NSEL):
      outs[j].wait()

  out = run(table, compression_scores)
  return out.reshape(batch, out_rows, key_dim)

# --- scband reference (transcript-rebuilt; emitter-appended) ---
"""Pipeline reference for scband-token-selection-60868276518924 (READ-ONLY COPY).

The authoritative reference and input builder live on the scoring server;
editing this copy changes nothing except your own understanding.
"""

import jax, jax.numpy as jnp
import numpy as np

BLOCK_SIZE = 64
NUM_SELECTED_BLOCKS = 16

def setup_inputs(seed: int = 0) -> dict:
    key = jax.random.key(seed)
    k1, k2 = jax.random.split(key)
    keys = jax.random.normal(k1, (32, 4096, 128), dtype=jnp.float32)
    compression_scores = jax.random.normal(k2, (32, 64), dtype=jnp.float32)
    return {"keys": keys, "compression_scores": compression_scores}

def reference(keys, compression_scores):
    batch_size, seq_len, key_dim = keys.shape
    num_blocks = seq_len // BLOCK_SIZE
    block_scores = compression_scores.reshape(batch_size, num_blocks)
    _, top_blocks = jax.lax.top_k(block_scores, NUM_SELECTED_BLOCKS)  # [B, K]
    # Expand block indices to token indices: [B, K, block_size]
    token_idx = top_blocks[:, :, None] * BLOCK_SIZE + jnp.arange(BLOCK_SIZE, dtype=top_blocks.dtype)[None, None, :]
    token_idx = token_idx.reshape(batch_size, NUM_SELECTED_BLOCKS * BLOCK_SIZE)
    # Gather selected key tokens per batch: [B, K*block_size, d]
    selected_keys = jnp.take_along_axis(keys, token_idx[:, :, None], axis=1)
    return selected_keys

if __name__ == "__main__":
    import jax
    _d = setup_inputs()
    print(jax.jit(kernel)(*tuple(_d.values())))

</pallas_src>

<mosaic_0001>
#map = affine_map<(d0, d1) -> (0, 0)>
module attributes {stable_mosaic.version = 14 : i64} {
  func.func @run(%arg0: i32, %arg1: i32, %arg2: memref<131072x128xf32, #tpu.memory_space<hbm>>, %arg3: memref<32x64xf32, #tpu.memory_space<hbm>>, %arg4: memref<32768x128xf32, #tpu.memory_space<hbm>>, %arg5: memref<64xf32, #tpu.memory_space<vmem>>, %arg6: memref<8x64x128xf32, #tpu.memory_space<vmem>>, %arg7: memref<!tpu.dma_semaphore, #tpu.memory_space<semaphore_mem>>, %arg8: memref<!tpu.dma_semaphore, #tpu.memory_space<semaphore_mem>>) attributes {dimension_semantics = [#tpu.dimension_semantics<core_parallel>, #tpu.dimension_semantics<subcore_parallel>], iteration_bounds = array<i64: 2, 16>, scalar_prefetch = 0 : i64, scratch_operands = 4 : i64, tpu.core_type = #tpu.core_type<sc_vector_subcore>, window_params = [{transform_indices = #map}, {transform_indices = #map}, {transform_indices = #map}]} {
    %mul3A = arith.constant 2 : i32
    %mul3A_0 = arith.muli %arg1, %mul3A : i32
    %add3A = arith.addi %mul3A_0, %arg0 : i32
    "tpu.region"() ({
      %run_scoped3A = tpu.sem_alloc : memref<!tpu.dma_semaphore, #tpu.memory_space<semaphore_mem>>
      %dma_start3A_3125 = arith.constant 0 : i32
      %dma_start3A_3126 = tpu.memref_slice %arg3[%add3A, %dma_start3A_3125] : memref<32x64xf32, #tpu.memory_space<hbm>> -> memref<1x64xf32, #tpu.memory_space<hbm>>
      %dma_start3A_3127 = tpu.memref_squeeze %dma_start3A_3126 : memref<1x64xf32, #tpu.memory_space<hbm>> -> memref<64xf32, #tpu.memory_space<hbm>>
      %dma_start3A_3128 = arith.constant 0 : i32
      %dma_start3A_3129 = tpu.memref_slice %arg3[%add3A, %dma_start3A_3128] : memref<32x64xf32, #tpu.memory_space<hbm>> -> memref<1x64xf32, #tpu.memory_space<hbm>>
      %dma_start3A_3130 = tpu.memref_squeeze %dma_start3A_3129 : memref<1x64xf32, #tpu.memory_space<hbm>> -> memref<64xf32, #tpu.memory_space<hbm>>
      tpu.enqueue_dma source(%dma_start3A_3130 : memref<64xf32, #tpu.memory_space<hbm>>) target(%arg5 : memref<64xf32, #tpu.memory_space<vmem>>) target_semaphore(%run_scoped3A : memref<!tpu.dma_semaphore, #tpu.memory_space<semaphore_mem>>)
      %dma_wait3A_3131 = arith.constant 0 : i32
      %dma_wait3A_3132 = tpu.memref_slice %arg3[%add3A, %dma_wait3A_3131] : memref<32x64xf32, #tpu.memory_space<hbm>> -> memref<1x64xf32, #tpu.memory_space<hbm>>
      %dma_wait3A_3133 = tpu.memref_squeeze %dma_wait3A_3132 : memref<1x64xf32, #tpu.memory_space<hbm>> -> memref<64xf32, #tpu.memory_space<hbm>>
      %dma_wait3A_3134 = arith.constant 0 : i32
      %dma_wait3A_3135 = tpu.memref_slice %arg3[%add3A, %dma_wait3A_3134] : memref<32x64xf32, #tpu.memory_space<hbm>> -> memref<1x64xf32, #tpu.memory_space<hbm>>
      %dma_wait3A_3136 = tpu.memref_squeeze %dma_wait3A_3135 : memref<1x64xf32, #tpu.memory_space<hbm>> -> memref<64xf32, #tpu.memory_space<hbm>>
      tpu.wait_dma2 semaphore(%run_scoped3A : memref<!tpu.dma_semaphore, #tpu.memory_space<semaphore_mem>>) src(%dma_wait3A_3136 : memref<64xf32, #tpu.memory_space<hbm>>) dst(%arg5 : memref<64xf32, #tpu.memory_space<vmem>>)
      tpu.yield
    }) : () -> ()
    %get3A = arith.constant 0 : index
    %get3A_1 = tpu.vector_load %arg5[%get3A] {strides = array<i32>} : memref<64xf32, #tpu.memory_space<vmem>>, vector<16xf32>,
    %get3A_2 = vector.shape_cast %get3A_1 : vector<16xf32> to vector<16xf32>
    %get3A_3 = arith.constant 16 : index
    %get3A_4 = tpu.vector_load %arg5[%get3A_3] {strides = array<i32>} : memref<64xf32, #tpu.memory_space<vmem>>, vector<16xf32>,
    %get3A_5 = vector.shape_cast %get3A_4 : vector<16xf32> to vector<16xf32>
    %get3A_6 = arith.constant 32 : index
    %get3A_7 = tpu.vector_load %arg5[%get3A_6] {strides = array<i32>} : memref<64xf32, #tpu.memory_space<vmem>>, vector<16xf32>,
    %get3A_8 = vector.shape_cast %get3A_7 : vector<16xf32> to vector<16xf32>
    %get3A_9 = arith.constant 48 : index
    %get3A_10 = tpu.vector_load %arg5[%get3A_9] {strides = array<i32>} : memref<64xf32, #tpu.memory_space<vmem>>, vector<16xf32>,
    %get3A_11 = vector.shape_cast %get3A_10 : vector<16xf32> to vector<16xf32>
    %iota3A = tpu.iota {dimensions = array<i32: 0>} : vector<16xi32>
    %add3A_12 = arith.constant 0 : i32
    %add3A_13 = vector.broadcast %add3A_12 : i32 to vector<16xi32>
    %add3A_14 = arith.addi %iota3A, %add3A_13 : vector<16xi32>
    %iota3A_15 = tpu.iota {dimensions = array<i32: 0>} : vector<16xi32>
    %add3A_16 = arith.constant 16 : i32
    %add3A_17 = vector.broadcast %add3A_16 : i32 to vector<16xi32>
    %add3A_18 = arith.addi %iota3A_15, %add3A_17 : vector<16xi32>
    %iota3A_19 = tpu.iota {dimensions = array<i32: 0>} : vector<16xi32>
    %add3A_20 = arith.constant 32 : i32
    %add3A_21 = vector.broadcast %add3A_20 : i32 to vector<16xi32>
    %add3A_22 = arith.addi %iota3A_19, %add3A_21 : vector<16xi32>
    %iota3A_23 = tpu.iota {dimensions = array<i32: 0>} : vector<16xi32>
    %add3A_24 = arith.constant 48 : i32
    %add3A_25 = vector.broadcast %add3A_24 : i32 to vector<16xi32>
    %add3A_26 = arith.addi %iota3A_23, %add3A_25 : vector<16xi32>
    %broadcast_in_dim3A = arith.constant true
    %broadcast_in_dim3A_27 = vector.broadcast %broadcast_in_dim3A : i1 to vector<16xi1>
    %broadcast_in_dim3A_28 = arith.constant true
    %broadcast_in_dim3A_29 = vector.broadcast %broadcast_in_dim3A_28 : i1 to vector<16xi1>
    %broadcast_in_dim3A_30 = arith.constant true
    %broadcast_in_dim3A_31 = vector.broadcast %broadcast_in_dim3A_30 : i1 to vector<16xi1>
    %broadcast_in_dim3A_32 = arith.constant true
    %broadcast_in_dim3A_33 = vector.broadcast %broadcast_in_dim3A_32 : i1 to vector<16xi1>
    %iota3A_34 = tpu.iota {dimensions = array<i32: 0>} : vector<16xi32>
    %xor3A = arith.constant 8 : i32
    %xor3A_35 = vector.broadcast %xor3A : i32 to vector<16xi32>
    %xor3A_36 = arith.xori %iota3A_34, %xor3A_35 : vector<16xi32>
    %xor3A_37 = arith.constant 4 : i32
    %xor3A_38 = vector.broadcast %xor3A_37 : i32 to vector<16xi32>
    %xor3A_39 = arith.xori %iota3A_34, %xor3A_38 : vector<16xi32>
    %xor3A_40 = arith.constant 2 : i32
    %xor3A_41 = vector.broadcast %xor3A_40 : i32 to vector<16xi32>
    %xor3A_42 = arith.xori %iota3A_34, %xor3A_41 : vector<16xi32>
    %xor3A_43 = arith.constant 1 : i32
    %xor3A_44 = vector.broadcast %xor3A_43 : i32 to vector<16xi32>
    %xor3A_45 = arith.xori %iota3A_34, %xor3A_44 : vector<16xi32>
    %mul3A_46 = arith.constant 4096 : i32
    %mul3A_47 = arith.muli %add3A, %mul3A_46 : i32
    %mul3A_48 = arith.constant 1024 : i32
    %mul3A_49 = arith.muli %add3A, %mul3A_48 : i32
    %jit3A = arith.constant 0xFF800000 : f32
    %broadcast_in_dim3A_50 = vector.broadcast %jit3A : f32 to vector<16xf32>
    %select_n3A = arith.select %broadcast_in_dim3A_27, %get3A_2, %broadcast_in_dim3A_50 : vector<16xi1>, vector<16xf32>
    %jit3A_51 = arith.constant 0xFF800000 : f32
    %broadcast_in_dim3A_52 = vector.broadcast %jit3A_51 : f32 to vector<16xf32>
    %select_n3A_53 = arith.select %broadcast_in_dim3A_29, %get3A_5, %broadcast_in_dim3A_52 : vector<16xi1>, vector<16xf32>
    %jit3A_54 = arith.constant 0xFF800000 : f32
    %broadcast_in_dim3A_55 = vector.broadcast %jit3A_54 : f32 to vector<16xf32>
    %select_n3A_56 = arith.select %broadcast_in_dim3A_31, %get3A_8, %broadcast_in_dim3A_55 : vector<16xi1>, vector<16xf32>
    %jit3A_57 = arith.constant 0xFF800000 : f32
    %broadcast_in_dim3A_58 = vector.broadcast %jit3A_57 : f32 to vector<16xf32>
    %select_n3A_59 = arith.select %broadcast_in_dim3A_33, %get3A_11, %broadcast_in_dim3A_58 : vector<16xi1>, vector<16xf32>
    %max3A = arith.maximumf %select_n3A, %select_n3A_53 : vector<16xf32>
    %max3A_60 = arith.maximumf %max3A, %select_n3A_56 : vector<16xf32>
    %max3A_61 = arith.maximumf %max3A_60, %select_n3A_59 : vector<16xf32>
    %lt3A = arith.constant 0 : i32
    %lt3A_62 = vector.broadcast %lt3A : i32 to vector<16xi32>
    %lt3A_63 = arith.cmpi slt, %xor3A_36, %lt3A_62 : vector<16xi32>
    %add3A_64 = arith.constant 16 : i32
    %add3A_65 = vector.broadcast %add3A_64 : i32 to vector<16xi32>
    %add3A_66 = arith.addi %xor3A_36, %add3A_65 : vector<16xi32>
    %select_n3A_67 = arith.select %lt3A_63, %add3A_66, %xor3A_36 : vector<16xi1>, vector<16xi32>
    %broadcast_in_dim3A_68 = vector.shape_cast %select_n3A_67 : vector<16xi32> to vector<16x1xi32>
    %gather3A = vector.shape_cast %broadcast_in_dim3A_68 : vector<16x1xi32> to vector<16xi32>
    %gather3A_69 = tpu.dynamic_gather %max3A_61[%gather3A] in [0] : vector<16xf32>, vector<16xi32> -> vector<16xf32>
    %max3A_70 = arith.maximumf %max3A_61, %gather3A_69 : vector<16xf32>
    %lt3A_71 = arith.constant 0 : i32
    %lt3A_72 = vector.broadcast %lt3A_71 : i32 to vector<16xi32>
    %lt3A_73 = arith.cmpi slt, %xor3A_39, %lt3A_72 : vector<16xi32>
    %add3A_74 = arith.constant 16 : i32
    %add3A_75 = vector.broadcast %add3A_74 : i32 to vector<16xi32>
    %add3A_76 = arith.addi %xor3A_39, %add3A_75 : vector<16xi32>
    %select_n3A_77 = arith.select %lt3A_73, %add3A_76, %xor3A_39 : vector<16xi1>, vector<16xi32>
    %broadcast_in_dim3A_78 = vector.shape_cast %select_n3A_77 : vector<16xi32> to vector<16x1xi32>
    %gather3A_79 = vector.shape_cast %broadcast_in_dim3A_78 : vector<16x1xi32> to vector<16xi32>
    %gather3A_80 = tpu.dynamic_gather %max3A_70[%gather3A_79] in [0] : vector<16xf32>, vector<16xi32> -> vector<16xf32>
    %max3A_81 = arith.maximumf %max3A_70, %gather3A_80 : vector<16xf32>
    %lt3A_82 = arith.constant 0 : i32
    %lt3A_83 = vector.broadcast %lt3A_82 : i32 to vector<16xi32>
    %lt3A_84 = arith.cmpi slt, %xor3A_42, %lt3A_83 : vector<16xi32>
    %add3A_85 = arith.constant 16 : i32
    %add3A_86 = vector.broadcast %add3A_85 : i32 to vector<16xi32>
    %add3A_87 = arith.addi %xor3A_42, %add3A_86 : vector<16xi32>
    %select_n3A_88 = arith.select %lt3A_84, %add3A_87, %xor3A_42 : vector<16xi1>, vector<16xi32>
    %broadcast_in_dim3A_89 = vector.shape_cast %select_n3A_88 : vector<16xi32> to vector<16x1xi32>
    %gather3A_90 = vector.shape_cast %broadcast_in_dim3A_89 : vector<16x1xi32> to vector<16xi32>
    %gather3A_91 = tpu.dynamic_gather %max3A_81[%gather3A_90] in [0] : vector<16xf32>, vector<16xi32> -> vector<16xf32>
    %max3A_92 = arith.maximumf %max3A_81, %gather3A_91 : vector<16xf32>
    %lt3A_93 = arith.constant 0 : i32
    %lt3A_94 = vector.broadcast %lt3A_93 : i32 to vector<16xi32>
    %lt3A_95 = arith.cmpi slt, %xor3A_45, %lt3A_94 : vector<16xi32>
    %add3A_96 = arith.constant 16 : i32
    %add3A_97 = vector.broadcast %add3A_96 : i32 to vector<16xi32>
    %add3A_98 = arith.addi %xor3A_45, %add3A_97 : vector<16xi32>
    %select_n3A_99 = arith.select %lt3A_95, %add3A_98, %xor3A_45 : vector<16xi1>, vector<16xi32>
    %broadcast_in_dim3A_100 = vector.shape_cast %select_n3A_99 : vector<16xi32> to vector<16x1xi32>
    %gather3A_101 = vector.shape_cast %broadcast_in_dim3A_100 : vector<16x1xi32> to vector<16xi32>
    %gather3A_102 = tpu.dynamic_gather %max3A_92[%gather3A_101] in [0] : vector<16xf32>, vector<16xi32> -> vector<16xf32>
    %max3A_103 = arith.maximumf %max3A_92, %gather3A_102 : vector<16xf32>
    %eq3A = arith.cmpf oeq, %get3A_2, %max3A_103 : vector<16xf32>
    %and3A = arith.andi %broadcast_in_dim3A_27, %eq3A : vector<16xi1>
    %jit3A_104 = arith.constant 64 : i32
    %broadcast_in_dim3A_105 = vector.broadcast %jit3A_104 : i32 to vector<16xi32>
    %select_n3A_106 = arith.select %and3A, %add3A_14, %broadcast_in_dim3A_105 : vector<16xi1>, vector<16xi32>
    %eq3A_107 = arith.cmpf oeq, %get3A_5, %max3A_103 : vector<16xf32>
    %and3A_108 = arith.andi %broadcast_in_dim3A_29, %eq3A_107 : vector<16xi1>
    %jit3A_109 = arith.constant 64 : i32
    %broadcast_in_dim3A_110 = vector.broadcast %jit3A_109 : i32 to vector<16xi32>
    %select_n3A_111 = arith.select %and3A_108, %add3A_18, %broadcast_in_dim3A_110 : vector<16xi1>, vector<16xi32>
    %min3A = arith.minsi %select_n3A_106, %select_n3A_111 : vector<16xi32>
    %eq3A_112 = arith.cmpf oeq, %get3A_8, %max3A_103 : vector<16xf32>
    %and3A_113 = arith.andi %broadcast_in_dim3A_31, %eq3A_112 : vector<16xi1>
    %jit3A_114 = arith.constant 64 : i32
    %broadcast_in_dim3A_115 = vector.broadcast %jit3A_114 : i32 to vector<16xi32>
    %select_n3A_116 = arith.select %and3A_113, %add3A_22, %broadcast_in_dim3A_115 : vector<16xi1>, vector<16xi32>
    %min3A_117 = arith.minsi %min3A, %select_n3A_116 : vector<16xi32>
    %eq3A_118 = arith.cmpf oeq, %get3A_11, %max3A_103 : vector<16xf32>
    %and3A_119 = arith.andi %broadcast_in_dim3A_33, %eq3A_118 : vector<16xi1>
    %jit3A_120 = arith.constant 64 : i32
    %broadcast_in_dim3A_121 = vector.broadcast %jit3A_120 : i32 to vector<16xi32>
    %select_n3A_122 = arith.select %and3A_119, %add3A_26, %broadcast_in_dim3A_121 : vector<16xi1>, vector<16xi32>
    %min3A_123 = arith.minsi %min3A_117, %select_n3A_122 : vector<16xi32>
    %lt3A_124 = arith.constant 0 : i32
    %lt3A_125 = vector.broadcast %lt3A_124 : i32 to vector<16xi32>
    %lt3A_126 = arith.cmpi slt, %xor3A_36, %lt3A_125 : vector<16xi32>
    %add3A_127 = arith.constant 16 : i32
    %add3A_128 = vector.broadcast %add3A_127 : i32 to vector<16xi32>
    %add3A_129 = arith.addi %xor3A_36, %add3A_128 : vector<16xi32>
    %select_n3A_130 = arith.select %lt3A_126, %add3A_129, %xor3A_36 : vector<16xi1>, vector<16xi32>
    %broadcast_in_dim3A_131 = vector.shape_cast %select_n3A_130 : vector<16xi32> to vector<16x1xi32>
    %gather3A_132 = vector.shape_cast %broadcast_in_dim3A_131 : vector<16x1xi32> to vector<16xi32>
    %gather3A_133 = tpu.dynamic_gather %min3A_123[%gather3A_132] in [0] : vector<16xi32>, vector<16xi32> -> vector<16xi32>
    %min3A_134 = arith.minsi %min3A_123, %gather3A_133 : vector<16xi32>
    %lt3A_135 = arith.constant 0 : i32
    %lt3A_136 = vector.broadcast %lt3A_135 : i32 to vector<16xi32>
    %lt3A_137 = arith.cmpi slt, %xor3A_39, %lt3A_136 : vector<16xi32>
    %add3A_138 = arith.constant 16 : i32
    %add3A_139 = vector.broadcast %add3A_138 : i32 to vector<16xi32>
    %add3A_140 = arith.addi %xor3A_39, %add3A_139 : vector<16xi32>
    %select_n3A_141 = arith.select %lt3A_137, %add3A_140, %xor3A_39 : vector<16xi1>, vector<16xi32>
    %broadcast_in_dim3A_142 = vector.shape_cast %select_n3A_141 : vector<16xi32> to vector<16x1xi32>
    %gather3A_143 = vector.shape_cast %broadcast_in_dim3A_142 : vector<16x1xi32> to vector<16xi32>
    %gather3A_144 = tpu.dynamic_gather %min3A_134[%gather3A_143] in [0] : vector<16xi32>, vector<16xi32> -> vector<16xi32>
    %min3A_145 = arith.minsi %min3A_134, %gather3A_144 : vector<16xi32>
    %lt3A_146 = arith.constant 0 : i32
    %lt3A_147 = vector.broadcast %lt3A_146 : i32 to vector<16xi32>
    %lt3A_148 = arith.cmpi slt, %xor3A_42, %lt3A_147 : vector<16xi32>
    %add3A_149 = arith.constant 16 : i32
    %add3A_150 = vector.broadcast %add3A_149 : i32 to vector<16xi32>
    %add3A_151 = arith.addi %xor3A_42, %add3A_150 : vector<16xi32>
    %select_n3A_152 = arith.select %lt3A_148, %add3A_151, %xor3A_42 : vector<16xi1>, vector<16xi32>
    %broadcast_in_dim3A_153 = vector.shape_cast %select_n3A_152 : vector<16xi32> to vector<16x1xi32>
    %gather3A_154 = vector.shape_cast %broadcast_in_dim3A_153 : vector<16x1xi32> to vector<16xi32>
    %gather3A_155 = tpu.dynamic_gather %min3A_145[%gather3A_154] in [0] : vector<16xi32>, vector<16xi32> -> vector<16xi32>
    %min3A_156 = arith.minsi %min3A_145, %gather3A_155 : vector<16xi32>
    %lt3A_157 = arith.constant 0 : i32
    %lt3A_158 = vector.broadcast %lt3A_157 : i32 to vector<16xi32>
    %lt3A_159 = arith.cmpi slt, %xor3A_45, %lt3A_158 : vector<16xi32>
    %add3A_160 = arith.constant 16 : i32
    %add3A_161 = vector.broadcast %add3A_160 : i32 to vector<16xi32>
    %add3A_162 = arith.addi %xor3A_45, %add3A_161 : vector<16xi32>
    %select_n3A_163 = arith.select %lt3A_159, %add3A_162, %xor3A_45 : vector<16xi1>, vector<16xi32>
    %broadcast_in_dim3A_164 = vector.shape_cast %select_n3A_163 : vector<16xi32> to vector<16x1xi32>
    %gather3A_165 = vector.shape_cast %broadcast_in_dim3A_164 : vector<16x1xi32> to vector<16xi32>
    %gather3A_166 = tpu.dynamic_gather %min3A_156[%gather3A_165] in [0] : vector<16xi32>, vector<16xi32> -> vector<16xi32>
    %min3A_167 = arith.minsi %min3A_156, %gather3A_166 : vector<16xi32>
    %ne3A = arith.cmpi ne, %add3A_14, %min3A_167 : vector<16xi32>
    %and3A_168 = arith.andi %broadcast_in_dim3A_27, %ne3A : vector<16xi1>
    %ne3A_169 = arith.cmpi ne, %add3A_18, %min3A_167 : vector<16xi32>
    %and3A_170 = arith.andi %broadcast_in_dim3A_29, %ne3A_169 : vector<16xi1>
    %ne3A_171 = arith.cmpi ne, %add3A_22, %min3A_167 : vector<16xi32>
    %and3A_172 = arith.andi %broadcast_in_dim3A_31, %ne3A_171 : vector<16xi1>
    %ne3A_173 = arith.cmpi ne, %add3A_26, %min3A_167 : vector<16xi32>
    %and3A_174 = arith.andi %broadcast_in_dim3A_33, %ne3A_173 : vector<16xi1>
    %slice3A = vector.extract_strided_slice %min3A_167 {offsets = [0], sizes = [1], strides = [1]} : vector<16xi32> to vector<1xi32>
    %squeeze3A = vector.extract %slice3A[0] : i32 from vector<1xi32>
    %mul3A_175 = arith.constant 64 : i32
    %mul3A_176 = arith.muli %squeeze3A, %mul3A_175 : i32
    %add3A_177 = arith.addi %mul3A_47, %mul3A_176 : i32
    %dma_start3A = arith.constant 0 : i32
    %dma_start3A_178 = arith.constant 0 : i32
    %dma_start3A_179 = arith.constant 0 : i32
    %dma_start3A_180 = tpu.memref_slice %arg6[%dma_start3A, %dma_start3A_178, %dma_start3A_179] : memref<8x64x128xf32, #tpu.memory_space<vmem>> -> memref<1x64x128xf32, #tpu.memory_space<vmem>>
    %dma_start3A_181 = tpu.memref_squeeze %dma_start3A_180 : memref<1x64x128xf32, #tpu.memory_space<vmem>> -> memref<64x128xf32, #tpu.memory_space<vmem>>
    %dma_start3A_182 = arith.constant 0 : i32
    %dma_start3A_183 = tpu.memref_slice %arg2[%add3A_177, %dma_start3A_182] : memref<131072x128xf32, #tpu.memory_space<hbm>> -> memref<64x128xf32, #tpu.memory_space<hbm>>
    %dma_start3A_184 = arith.constant 0 : i32
    %dma_start3A_185 = arith.constant 0 : i32
    %dma_start3A_186 = tpu.memref_slice %arg6[%dma_start3A, %dma_start3A_184, %dma_start3A_185] : memref<8x64x128xf32, #tpu.memory_space<vmem>> -> memref<1x64x128xf32, #tpu.memory_space<vmem>>
    %dma_start3A_187 = tpu.memref_squeeze %dma_start3A_186 : memref<1x64x128xf32, #tpu.memory_space<vmem>> -> memref<64x128xf32, #tpu.memory_space<vmem>>
    %dma_start3A_188 = arith.constant 0 : i32
    %dma_start3A_189 = tpu.memref_slice %arg2[%add3A_177, %dma_start3A_188] : memref<131072x128xf32, #tpu.memory_space<hbm>> -> memref<64x128xf32, #tpu.memory_space<hbm>>
    tpu.enqueue_dma source(%dma_start3A_189 : memref<64x128xf32, #tpu.memory_space<hbm>>) target(%dma_start3A_187 : memref<64x128xf32, #tpu.memory_space<vmem>>) target_semaphore(%arg7 : memref<!tpu.dma_semaphore, #tpu.memory_space<semaphore_mem>>)
    %jit3A_190 = arith.constant 0xFF800000 : f32
    %broadcast_in_dim3A_191 = vector.broadcast %jit3A_190 : f32 to vector<16xf32>
    %select_n3A_192 = arith.select %and3A_168, %get3A_2, %broadcast_in_dim3A_191 : vector<16xi1>, vector<16xf32>
    %jit3A_193 = arith.constant 0xFF800000 : f32
    %broadcast_in_dim3A_194 = vector.broadcast %jit3A_193 : f32 to vector<16xf32>
    %select_n3A_195 = arith.select %and3A_170, %get3A_5, %broadcast_in_dim3A_194 : vector<16xi1>, vector<16xf32>
    %jit3A_196 = arith.constant 0xFF800000 : f32
    %broadcast_in_dim3A_197 = vector.broadcast %jit3A_196 : f32 to vector<16xf32>
    %select_n3A_198 = arith.select %and3A_172, %get3A_8, %broadcast_in_dim3A_197 : vector<16xi1>, vector<16xf32>
    %jit3A_199 = arith.constant 0xFF800000 : f32
    %broadcast_in_dim3A_200 = vector.broadcast %jit3A_199 : f32 to vector<16xf32>
    %select_n3A_201 = arith.select %and3A_174, %get3A_11, %broadcast_in_dim3A_200 : vector<16xi1>, vector<16xf32>
    %max3A_202 = arith.maximumf %select_n3A_192, %select_n3A_195 : vector<16xf32>
    %max3A_203 = arith.maximumf %max3A_202, %select_n3A_198 : vector<16xf32>
    %max3A_204 = arith.maximumf %max3A_203, %select_n3A_201 : vector<16xf32>
    %lt3A_205 = arith.constant 0 : i32
    %lt3A_206 = vector.broadcast %lt3A_205 : i32 to vector<16xi32>
    %lt3A_207 = arith.cmpi slt, %xor3A_36, %lt3A_206 : vector<16xi32>
    %add3A_208 = arith.constant 16 : i32
    %add3A_209 = vector.broadcast %add3A_208 : i32 to vector<16xi32>
    %add3A_210 = arith.addi %xor3A_36, %add3A_209 : vector<16xi32>
    %select_n3A_211 = arith.select %lt3A_207, %add3A_210, %xor3A_36 : vector<16xi1>, vector<16xi32>
    %broadcast_in_dim3A_212 = vector.shape_cast %select_n3A_211 : vector<16xi32> to vector<16x1xi32>
    %gather3A_213 = vector.shape_cast %broadcast_in_dim3A_212 : vector<16x1xi32> to vector<16xi32>
    %gather3A_214 = tpu.dynamic_gather %max3A_204[%gather3A_213] in [0] : vector<16xf32>, vector<16xi32> -> vector<16xf32>
    %max3A_215 = arith.maximumf %max3A_204, %gather3A_214 : vector<16xf32>
    %lt3A_216 = arith.constant 0 : i32
    %lt3A_217 = vector.broadcast %lt3A_216 : i32 to vector<16xi32>
    %lt3A_218 = arith.cmpi slt, %xor3A_39, %lt3A_217 : vector<16xi32>
    %add3A_219 = arith.constant 16 : i32
    %add3A_220 = vector.broadcast %add3A_219 : i32 to vector<16xi32>
    %add3A_221 = arith.addi %xor3A_39, %add3A_220 : vector<16xi32>
    %select_n3A_222 = arith.select %lt3A_218, %add3A_221, %xor3A_39 : vector<16xi1>, vector<16xi32>
    %broadcast_in_dim3A_223 = vector.shape_cast %select_n3A_222 : vector<16xi32> to vector<16x1xi32>
    %gather3A_224 = vector.shape_cast %broadcast_in_dim3A_223 : vector<16x1xi32> to vector<16xi32>
    %gather3A_225 = tpu.dynamic_gather %max3A_215[%gather3A_224] in [0] : vector<16xf32>, vector<16xi32> -> vector<16xf32>
    %max3A_226 = arith.maximumf %max3A_215, %gather3A_225 : vector<16xf32>
    %lt3A_227 = arith.constant 0 : i32
    %lt3A_228 = vector.broadcast %lt3A_227 : i32 to vector<16xi32>
    %lt3A_229 = arith.cmpi slt, %xor3A_42, %lt3A_228 : vector<16xi32>
    %add3A_230 = arith.constant 16 : i32
    %add3A_231 = vector.broadcast %add3A_230 : i32 to vector<16xi32>
    %add3A_232 = arith.addi %xor3A_42, %add3A_231 : vector<16xi32>
    %select_n3A_233 = arith.select %lt3A_229, %add3A_232, %xor3A_42 : vector<16xi1>, vector<16xi32>
    %broadcast_in_dim3A_234 = vector.shape_cast %select_n3A_233 : vector<16xi32> to vector<16x1xi32>
    %gather3A_235 = vector.shape_cast %broadcast_in_dim3A_234 : vector<16x1xi32> to vector<16xi32>
    %gather3A_236 = tpu.dynamic_gather %max3A_226[%gather3A_235] in [0] : vector<16xf32>, vector<16xi32> -> vector<16xf32>
    %max3A_237 = arith.maximumf %max3A_226, %gather3A_236 : vector<16xf32>
    %lt3A_238 = arith.constant 0 : i32
    %lt3A_239 = vector.broadcast %lt3A_238 : i32 to vector<16xi32>
    %lt3A_240 = arith.cmpi slt, %xor3A_45, %lt3A_239 : vector<16xi32>
    %add3A_241 = arith.constant 16 : i32
    %add3A_242 = vector.broadcast %add3A_241 : i32 to vector<16xi32>
    %add3A_243 = arith.addi %xor3A_45, %add3A_242 : vector<16xi32>
    %select_n3A_244 = arith.select %lt3A_240, %add3A_243, %xor3A_45 : vector<16xi1>, vector<16xi32>
    %broadcast_in_dim3A_245 = vector.shape_cast %select_n3A_244 : vector<16xi32> to vector<16x1xi32>
    %gather3A_246 = vector.shape_cast %broadcast_in_dim3A_245 : vector<16x1xi32> to vector<16xi32>
    %gather3A_247 = tpu.dynamic_gather %max3A_237[%gather3A_246] in [0] : vector<16xf32>, vector<16xi32> -> vector<16xf32>
    %max3A_248 = arith.maximumf %max3A_237, %gather3A_247 : vector<16xf32>
    %eq3A_249 = arith.cmpf oeq, %get3A_2, %max3A_248 : vector<16xf32>
    %and3A_250 = arith.andi %and3A_168, %eq3A_249 : vector<16xi1>
    %jit3A_251 = arith.constant 64 : i32
    %broadcast_in_dim3A_252 = vector.broadcast %jit3A_251 : i32 to vector<16xi32>
    %select_n3A_253 = arith.select %and3A_250, %add3A_14, %broadcast_in_dim3A_252 : vector<16xi1>, vector<16xi32>
    %eq3A_254 = arith.cmpf oeq, %get3A_5, %max3A_248 : vector<16xf32>
    %and3A_255 = arith.andi %and3A_170, %eq3A_254 : vector<16xi1>
    %jit3A_256 = arith.constant 64 : i32
    %broadcast_in_dim3A_257 = vector.broadcast %jit3A_256 : i32 to vector<16xi32>
    %select_n3A_258 = arith.select %and3A_255, %add3A_18, %broadcast_in_dim3A_257 : vector<16xi1>, vector<16xi32>
    %min3A_259 = arith.minsi %select_n3A_253, %select_n3A_258 : vector<16xi32>
    %eq3A_260 = arith.cmpf oeq, %get3A_8, %max3A_248 : vector<16xf32>
    %and3A_261 = arith.andi %and3A_172, %eq3A_260 : vector<16xi1>
    %jit3A_262 = arith.constant 64 : i32
    %broadcast_in_dim3A_263 = vector.broadcast %jit3A_262 : i32 to vector<16xi32>
    %select_n3A_264 = arith.select %and3A_261, %add3A_22, %broadcast_in_dim3A_263 : vector<16xi1>, vector<16xi32>
    %min3A_265 = arith.minsi %min3A_259, %select_n3A_264 : vector<16xi32>
    %eq3A_266 = arith.cmpf oeq, %get3A_11, %max3A_248 : vector<16xf32>
    %and3A_267 = arith.andi %and3A_174, %eq3A_266 : vector<16xi1>
    %jit3A_268 = arith.constant 64 : i32
    %broadcast_in_dim3A_269 = vector.broadcast %jit3A_268 : i32 to vector<16xi32>
    %select_n3A_270 = arith.select %and3A_267, %add3A_26, %broadcast_in_dim3A_269 : vector<16xi1>, vector<16xi32>
    %min3A_271 = arith.minsi %min3A_265, %select_n3A_270 : vector<16xi32>
    %lt3A_272 = arith.constant 0 : i32
    %lt3A_273 = vector.broadcast %lt3A_272 : i32 to vector<16xi32>
    %lt3A_274 = arith.cmpi slt, %xor3A_36, %lt3A_273 : vector<16xi32>
    %add3A_275 = arith.constant 16 : i32
    %add3A_276 = vector.broadcast %add3A_275 : i32 to vector<16xi32>
    %add3A_277 = arith.addi %xor3A_36, %add3A_276 : vector<16xi32>
    %select_n3A_278 = arith.select %lt3A_274, %add3A_277, %xor3A_36 : vector<16xi1>, vector<16xi32>
    %broadcast_in_dim3A_279 = vector.shape_cast %select_n3A_278 : vector<16xi32> to vector<16x1xi32>
    %gather3A_280 = vector.shape_cast %broadcast_in_dim3A_279 : vector<16x1xi32> to vector<16xi32>
    %gather3A_281 = tpu.dynamic_gather %min3A_271[%gather3A_280] in [0] : vector<16xi32>, vector<16xi32> -> vector<16xi32>
    %min3A_282 = arith.minsi %min3A_271, %gather3A_281 : vector<16xi32>
    %lt3A_283 = arith.constant 0 : i32
    %lt3A_284 = vector.broadcast %lt3A_283 : i32 to vector<16xi32>
    %lt3A_285 = arith.cmpi slt, %xor3A_39, %lt3A_284 : vector<16xi32>
    %add3A_286 = arith.constant 16 : i32
    %add3A_287 = vector.broadcast %add3A_286 : i32 to vector<16xi32>
    %add3A_288 = arith.addi %xor3A_39, %add3A_287 : vector<16xi32>
    %select_n3A_289 = arith.select %lt3A_285, %add3A_288, %xor3A_39 : vector<16xi1>, vector<16xi32>
    %broadcast_in_dim3A_290 = vector.shape_cast %select_n3A_289 : vector<16xi32> to vector<16x1xi32>
    %gather3A_291 = vector.shape_cast %broadcast_in_dim3A_290 : vector<16x1xi32> to vector<16xi32>
    %gather3A_292 = tpu.dynamic_gather %min3A_282[%gather3A_291] in [0] : vector<16xi32>, vector<16xi32> -> vector<16xi32>
    %min3A_293 = arith.minsi %min3A_282, %gather3A_292 : vector<16xi32>
    %lt3A_294 = arith.constant 0 : i32
    %lt3A_295 = vector.broadcast %lt3A_294 : i32 to vector<16xi32>
    %lt3A_296 = arith.cmpi slt, %xor3A_42, %lt3A_295 : vector<16xi32>
    %add3A_297 = arith.constant 16 : i32
    %add3A_298 = vector.broadcast %add3A_297 : i32 to vector<16xi32>
    %add3A_299 = arith.addi %xor3A_42, %add3A_298 : vector<16xi32>
    %select_n3A_300 = arith.select %lt3A_296, %add3A_299, %xor3A_42 : vector<16xi1>, vector<16xi32>
    %broadcast_in_dim3A_301 = vector.shape_cast %select_n3A_300 : vector<16xi32> to vector<16x1xi32>
    %gather3A_302 = vector.shape_cast %broadcast_in_dim3A_301 : vector<16x1xi32> to vector<16xi32>
    %gather3A_303 = tpu.dynamic_gather %min3A_293[%gather3A_302] in [0] : vector<16xi32>, vector<16xi32> -> vector<16xi32>
    %min3A_304 = arith.minsi %min3A_293, %gather3A_303 : vector<16xi32>
    %lt3A_305 = arith.constant 0 : i32
    %lt3A_306 = vector.broadcast %lt3A_305 : i32 to vector<16xi32>
    %lt3A_307 = arith.cmpi slt, %xor3A_45, %lt3A_306 : vector<16xi32>
    %add3A_308 = arith.constant 16 : i32
    %add3A_309 = vector.broadcast %add3A_308 : i32 to vector<16xi32>
    %add3A_310 = arith.addi %xor3A_45, %add3A_309 : vector<16xi32>
    %select_n3A_311 = arith.select %lt3A_307, %add3A_310, %xor3A_45 : vector<16xi1>, vector<16xi32>
    %broadcast_in_dim3A_312 = vector.shape_cast %select_n3A_311 : vector<16xi32> to vector<16x1xi32>
    %gather3A_313 = vector.shape_cast %broadcast_in_dim3A_312 : vector<16x1xi32> to vector<16xi32>
    %gather3A_314 = tpu.dynamic_gather %min3A_304[%gather3A_313] in [0] : vector<16xi32>, vector<16xi32> -> vector<16xi32>
    %min3A_315 = arith.minsi %min3A_304, %gather3A_314 : vector<16xi32>
    %ne3A_316 = arith.cmpi ne, %add3A_14, %min3A_315 : vector<16xi32>
    %and3A_317 = arith.andi %and3A_168, %ne3A_316 : vector<16xi1>
    %ne3A_318 = arith.cmpi ne, %add3A_18, %min3A_315 : vector<16xi32>
    %and3A_319 = arith.andi %and3A_170, %ne3A_318 : vector<16xi1>
    %ne3A_320 = arith.cmpi ne, %add3A_22, %min3A_315 : vector<16xi32>
    %and3A_321 = arith.andi %and3A_172, %ne3A_320 : vector<16xi1>
    %ne3A_322 = arith.cmpi ne, %add3A_26, %min3A_315 : vector<16xi32>
    %and3A_323 = arith.andi %and3A_174, %ne3A_322 : vector<16xi1>
    %slice3A_324 = vector.extract_strided_slice %min3A_315 {offsets = [0], sizes = [1], strides = [1]} : vector<16xi32> to vector<1xi32>
    %squeeze3A_325 = vector.extract %slice3A_324[0] : i32 from vector<1xi32>
    %mul3A_326 = arith.constant 64 : i32
    %mul3A_327 = arith.muli %squeeze3A_325, %mul3A_326 : i32
    %add3A_328 = arith.addi %mul3A_47, %mul3A_327 : i32
    %dma_start3A_329 = arith.constant 1 : i32
    %dma_start3A_330 = arith.constant 0 : i32
    %dma_start3A_331 = arith.constant 0 : i32
    %dma_start3A_332 = tpu.memref_slice %arg6[%dma_start3A_329, %dma_start3A_330, %dma_start3A_331] : memref<8x64x128xf32, #tpu.memory_space<vmem>> -> memref<1x64x128xf32, #tpu.memory_space<vmem>>
    %dma_start3A_333 = tpu.memref_squeeze %dma_start3A_332 : memref<1x64x128xf32, #tpu.memory_space<vmem>> -> memref<64x128xf32, #tpu.memory_space<vmem>>
    %dma_start3A_334 = arith.constant 0 : i32
    %dma_start3A_335 = tpu.memref_slice %arg2[%add3A_328, %dma_start3A_334] : memref<131072x128xf32, #tpu.memory_space<hbm>> -> memref<64x128xf32, #tpu.memory_space<hbm>>
    %dma_start3A_336 = arith.constant 0 : i32
    %dma_start3A_337 = arith.constant 0 : i32
    %dma_start3A_338 = tpu.memref_slice %arg6[%dma_start3A_329, %dma_start3A_336, %dma_start3A_337] : memref<8x64x128xf32, #tpu.memory_space<vmem>> -> memref<1x64x128xf32, #tpu.memory_space<vmem>>
    %dma_start3A_339 = tpu.memref_squeeze %dma_start3A_338 : memref<1x64x128xf32, #tpu.memory_space<vmem>> -> memref<64x128xf32, #tpu.memory_space<vmem>>
    %dma_start3A_340 = arith.constant 0 : i32
    %dma_start3A_341 = tpu.memref_slice %arg2[%add3A_328, %dma_start3A_340] : memref<131072x128xf32, #tpu.memory_space<hbm>> -> memref<64x128xf32, #tpu.memory_space<hbm>>
    tpu.enqueue_dma source(%dma_start3A_341 : memref<64x128xf32, #tpu.memory_space<hbm>>) target(%dma_start3A_339 : memref<64x128xf32, #tpu.memory_space<vmem>>) target_semaphore(%arg7 : memref<!tpu.dma_semaphore, #tpu.memory_space<semaphore_mem>>)
    %jit3A_342 = arith.constant 0xFF800000 : f32
    %broadcast_in_dim3A_343 = vector.broadcast %jit3A_342 : f32 to vector<16xf32>
    %select_n3A_344 = arith.select %and3A_317, %get3A_2, %broadcast_in_dim3A_343 : vector<16xi1>, vector<16xf32>
    %jit3A_345 = arith.constant 0xFF800000 : f32
    %broadcast_in_dim3A_346 = vector.broadcast %jit3A_345 : f32 to vector<16xf32>
    %select_n3A_347 = arith.select %and3A_319, %get3A_5, %broadcast_in_dim3A_346 : vector<16xi1>, vector<16xf32>
    %jit3A_348 = arith.constant 0xFF800000 : f32
    %broadcast_in_dim3A_349 = vector.broadcast %jit3A_348 : f32 to vector<16xf32>
    %select_n3A_350 = arith.select %and3A_321, %get3A_8, %broadcast_in_dim3A_349 : vector<16xi1>, vector<16xf32>
    %jit3A_351 = arith.constant 0xFF800000 : f32
    %broadcast_in_dim3A_352 = vector.broadcast %jit3A_351 : f32 to vector<16xf32>
    %select_n3A_353 = arith.select %and3A_323, %get3A_11, %broadcast_in_dim3A_352 : vector<16xi1>, vector<16xf32>
    %max3A_354 = arith.maximumf %select_n3A_344, %select_n3A_347 : vector<16xf32>
    %max3A_355 = arith.maximumf %max3A_354, %select_n3A_350 : vector<16xf32>
    %max3A_356 = arith.maximumf %max3A_355, %select_n3A_353 : vector<16xf32>
    %lt3A_357 = arith.constant 0 : i32
    %lt3A_358 = vector.broadcast %lt3A_357 : i32 to vector<16xi32>
    %lt3A_359 = arith.cmpi slt, %xor3A_36, %lt3A_358 : vector<16xi32>
    %add3A_360 = arith.constant 16 : i32
    %add3A_361 = vector.broadcast %add3A_360 : i32 to vector<16xi32>
    %add3A_362 = arith.addi %xor3A_36, %add3A_361 : vector<16xi32>
    %select_n3A_363 = arith.select %lt3A_359, %add3A_362, %xor3A_36 : vector<16xi1>, vector<16xi32>
    %broadcast_in_dim3A_364 = vector.shape_cast %select_n3A_363 : vector<16xi32> to vector<16x1xi32>
    %gather3A_365 = vector.shape_cast %broadcast_in_dim3A_364 : vector<16x1xi32> to vector<16xi32>
    %gather3A_366 = tpu.dynamic_gather %max3A_356[%gather3A_365] in [0] : vector<16xf32>, vector<16xi32> -> vector<16xf32>
    %max3A_367 = arith.maximumf %max3A_356, %gather3A_366 : vector<16xf32>
    %lt3A_368 = arith.constant 0 : i32
    %lt3A_369 = vector.broadcast %lt3A_368 : i32 to vector<16xi32>
    %lt3A_370 = arith.cmpi slt, %xor3A_39, %lt3A_369 : vector<16xi32>
    %add3A_371 = arith.constant 16 : i32
    %add3A_372 = vector.broadcast %add3A_371 : i32 to vector<16xi32>
    %add3A_373 = arith.addi %xor3A_39, %add3A_372 : vector<16xi32>
    %select_n3A_374 = arith.select %lt3A_370, %add3A_373, %xor3A_39 : vector<16xi1>, vector<16xi32>
    %broadcast_in_dim3A_375 = vector.shape_cast %select_n3A_374 : vector<16xi32> to vector<16x1xi32>
    %gather3A_376 = vector.shape_cast %broadcast_in_dim3A_375 : vector<16x1xi32> to vector<16xi32>
    %gather3A_377 = tpu.dynamic_gather %max3A_367[%gather3A_376] in [0] : vector<16xf32>, vector<16xi32> -> vector<16xf32>
    %max3A_378 = arith.maximumf %max3A_367, %gather3A_377 : vector<16xf32>
    %lt3A_379 = arith.constant 0 : i32
    %lt3A_380 = vector.broadcast %lt3A_379 : i32 to vector<16xi32>
    %lt3A_381 = arith.cmpi slt, %xor3A_42, %lt3A_380 : vector<16xi32>
    %add3A_382 = arith.constant 16 : i32
    %add3A_383 = vector.broadcast %add3A_382 : i32 to vector<16xi32>
    %add3A_384 = arith.addi %xor3A_42, %add3A_383 : vector<16xi32>
    %select_n3A_385 = arith.select %lt3A_381, %add3A_384, %xor3A_42 : vector<16xi1>, vector<16xi32>
    %broadcast_in_dim3A_386 = vector.shape_cast %select_n3A_385 : vector<16xi32> to vector<16x1xi32>
    %gather3A_387 = vector.shape_cast %broadcast_in_dim3A_386 : vector<16x1xi32> to vector<16xi32>
    %gather3A_388 = tpu.dynamic_gather %max3A_378[%gather3A_387] in [0] : vector<16xf32>, vector<16xi32> -> vector<16xf32>
    %max3A_389 = arith.maximumf %max3A_378, %gather3A_388 : vector<16xf32>
    %lt3A_390 = arith.constant 0 : i32
    %lt3A_391 = vector.broadcast %lt3A_390 : i32 to vector<16xi32>
    %lt3A_392 = arith.cmpi slt, %xor3A_45, %lt3A_391 : vector<16xi32>
    %add3A_393 = arith.constant 16 : i32
    %add3A_394 = vector.broadcast %add3A_393 : i32 to vector<16xi32>
    %add3A_395 = arith.addi %xor3A_45, %add3A_394 : vector<16xi32>
    %select_n3A_396 = arith.select %lt3A_392, %add3A_395, %xor3A_45 : vector<16xi1>, vector<16xi32>
    %broadcast_in_dim3A_397 = vector.shape_cast %select_n3A_396 : vector<16xi32> to vector<16x1xi32>
    %gather3A_398 = vector.shape_cast %broadcast_in_dim3A_397 : vector<16x1xi32> to vector<16xi32>
    %gather3A_399 = tpu.dynamic_gather %max3A_389[%gather3A_398] in [0] : vector<16xf32>, vector<16xi32> -> vector<16xf32>
    %max3A_400 = arith.maximumf %max3A_389, %gather3A_399 : vector<16xf32>
    %eq3A_401 = arith.cmpf oeq, %get3A_2, %max3A_400 : vector<16xf32>
    %and3A_402 = arith.andi %and3A_317, %eq3A_401 : vector<16xi1>
    %jit3A_403 = arith.constant 64 : i32
    %broadcast_in_dim3A_404 = vector.broadcast %jit3A_403 : i32 to vector<16xi32>
    %select_n3A_405 = arith.select %and3A_402, %add3A_14, %broadcast_in_dim3A_404 : vector<16xi1>, vector<16xi32>
    %eq3A_406 = arith.cmpf oeq, %get3A_5, %max3A_400 : vector<16xf32>
    %and3A_407 = arith.andi %and3A_319, %eq3A_406 : vector<16xi1>
    %jit3A_408 = arith.constant 64 : i32
    %broadcast_in_dim3A_409 = vector.broadcast %jit3A_408 : i32 to vector<16xi32>
    %select_n3A_410 = arith.select %and3A_407, %add3A_18, %broadcast_in_dim3A_409 : vector<16xi1>, vector<16xi32>
    %min3A_411 = arith.minsi %select_n3A_405, %select_n3A_410 : vector<16xi32>
    %eq3A_412 = arith.cmpf oeq, %get3A_8, %max3A_400 : vector<16xf32>
    %and3A_413 = arith.andi %and3A_321, %eq3A_412 : vector<16xi1>
    %jit3A_414 = arith.constant 64 : i32
    %broadcast_in_dim3A_415 = vector.broadcast %jit3A_414 : i32 to vector<16xi32>
    %select_n3A_416 = arith.select %and3A_413, %add3A_22, %broadcast_in_dim3A_415 : vector<16xi1>, vector<16xi32>
    %min3A_417 = arith.minsi %min3A_411, %select_n3A_416 : vector<16xi32>
    %eq3A_418 = arith.cmpf oeq, %get3A_11, %max3A_400 : vector<16xf32>
    %and3A_419 = arith.andi %and3A_323, %eq3A_418 : vector<16xi1>
    %jit3A_420 = arith.constant 64 : i32
    %broadcast_in_dim3A_421 = vector.broadcast %jit3A_420 : i32 to vector<16xi32>
    %select_n3A_422 = arith.select %and3A_419, %add3A_26, %broadcast_in_dim3A_421 : vector<16xi1>, vector<16xi32>
    %min3A_423 = arith.minsi %min3A_417, %select_n3A_422 : vector<16xi32>
    %lt3A_424 = arith.constant 0 : i32
    %lt3A_425 = vector.broadcast %lt3A_424 : i32 to vector<16xi32>
    %lt3A_426 = arith.cmpi slt, %xor3A_36, %lt3A_425 : vector<16xi32>
    %add3A_427 = arith.constant 16 : i32
    %add3A_428 = vector.broadcast %add3A_427 : i32 to vector<16xi32>
    %add3A_429 = arith.addi %xor3A_36, %add3A_428 : vector<16xi32>
    %select_n3A_430 = arith.select %lt3A_426, %add3A_429, %xor3A_36 : vector<16xi1>, vector<16xi32>
    %broadcast_in_dim3A_431 = vector.shape_cast %select_n3A_430 : vector<16xi32> to vector<16x1xi32>
    %gather3A_432 = vector.shape_cast %broadcast_in_dim3A_431 : vector<16x1xi32> to vector<16xi32>
    %gather3A_433 = tpu.dynamic_gather %min3A_423[%gather3A_432] in [0] : vector<16xi32>, vector<16xi32> -> vector<16xi32>
    %min3A_434 = arith.minsi %min3A_423, %gather3A_433 : vector<16xi32>
    %lt3A_435 = arith.constant 0 : i32
    %lt3A_436 = vector.broadcast %lt3A_435 : i32 to vector<16xi32>
    %lt3A_437 = arith.cmpi slt, %xor3A_39, %lt3A_436 : vector<16xi32>
    %add3A_438 = arith.constant 16 : i32
    %add3A_439 = vector.broadcast %add3A_438 : i32 to vector<16xi32>
    %add3A_440 = arith.addi %xor3A_39, %add3A_439 : vector<16xi32>
    %select_n3A_441 = arith.select %lt3A_437, %add3A_440, %xor3A_39 : vector<16xi1>, vector<16xi32>
    %broadcast_in_dim3A_442 = vector.shape_cast %select_n3A_441 : vector<16xi32> to vector<16x1xi32>
    %gather3A_443 = vector.shape_cast %broadcast_in_dim3A_442 : vector<16x1xi32> to vector<16xi32>
    %gather3A_444 = tpu.dynamic_gather %min3A_434[%gather3A_443] in [0] : vector<16xi32>, vector<16xi32> -> vector<16xi32>
    %min3A_445 = arith.minsi %min3A_434, %gather3A_444 : vector<16xi32>
    %lt3A_446 = arith.constant 0 : i32
    %lt3A_447 = vector.broadcast %lt3A_446 : i32 to vector<16xi32>
    %lt3A_448 = arith.cmpi slt, %xor3A_42, %lt3A_447 : vector<16xi32>
    %add3A_449 = arith.constant 16 : i32
    %add3A_450 = vector.broadcast %add3A_449 : i32 to vector<16xi32>
    %add3A_451 = arith.addi %xor3A_42, %add3A_450 : vector<16xi32>
    %select_n3A_452 = arith.select %lt3A_448, %add3A_451, %xor3A_42 : vector<16xi1>, vector<16xi32>
    %broadcast_in_dim3A_453 = vector.shape_cast %select_n3A_452 : vector<16xi32> to vector<16x1xi32>
    %gather3A_454 = vector.shape_cast %broadcast_in_dim3A_453 : vector<16x1xi32> to vector<16xi32>
    %gather3A_455 = tpu.dynamic_gather %min3A_445[%gather3A_454] in [0] : vector<16xi32>, vector<16xi32> -> vector<16xi32>
    %min3A_456 = arith.minsi %min3A_445, %gather3A_455 : vector<16xi32>
    %lt3A_457 = arith.constant 0 : i32
    %lt3A_458 = vector.broadcast %lt3A_457 : i32 to vector<16xi32>
    %lt3A_459 = arith.cmpi slt, %xor3A_45, %lt3A_458 : vector<16xi32>
    %add3A_460 = arith.constant 16 : i32
    %add3A_461 = vector.broadcast %add3A_460 : i32 to vector<16xi32>
    %add3A_462 = arith.addi %xor3A_45, %add3A_461 : vector<16xi32>
    %select_n3A_463 = arith.select %lt3A_459, %add3A_462, %xor3A_45 : vector<16xi1>, vector<16xi32>
    %broadcast_in_dim3A_464 = vector.shape_cast %select_n3A_463 : vector<16xi32> to vector<16x1xi32>
    %gather3A_465 = vector.shape_cast %broadcast_in_dim3A_464 : vector<16x1xi32> to vector<16xi32>
    %gather3A_466 = tpu.dynamic_gather %min3A_456[%gather3A_465] in [0] : vector<16xi32>, vector<16xi32> -> vector<16xi32>
    %min3A_467 = arith.minsi %min3A_456, %gather3A_466 : vector<16xi32>
    %ne3A_468 = arith.cmpi ne, %add3A_14, %min3A_467 : vector<16xi32>
    %and3A_469 = arith.andi %and3A_317, %ne3A_468 : vector<16xi1>
    %ne3A_470 = arith.cmpi ne, %add3A_18, %min3A_467 : vector<16xi32>
    %and3A_471 = arith.andi %and3A_319, %ne3A_470 : vector<16xi1>
    %ne3A_472 = arith.cmpi ne, %add3A_22, %min3A_467 : vector<16xi32>
    %and3A_473 = arith.andi %and3A_321, %ne3A_472 : vector<16xi1>
    %ne3A_474 = arith.cmpi ne, %add3A_26, %min3A_467 : vector<16xi32>
    %and3A_475 = arith.andi %and3A_323, %ne3A_474 : vector<16xi1>
    %slice3A_476 = vector.extract_strided_slice %min3A_467 {offsets = [0], sizes = [1], strides = [1]} : vector<16xi32> to vector<1xi32>
    %squeeze3A_477 = vector.extract %slice3A_476[0] : i32 from vector<1xi32>
    %mul3A_478 = arith.constant 64 : i32
    %mul3A_479 = arith.muli %squeeze3A_477, %mul3A_478 : i32
    %add3A_480 = arith.addi %mul3A_47, %mul3A_479 : i32
    %dma_start3A_481 = arith.constant 2 : i32
    %dma_start3A_482 = arith.constant 0 : i32
    %dma_start3A_483 = arith.constant 0 : i32
    %dma_start3A_484 = tpu.memref_slice %arg6[%dma_start3A_481, %dma_start3A_482, %dma_start3A_483] : memref<8x64x128xf32, #tpu.memory_space<vmem>> -> memref<1x64x128xf32, #tpu.memory_space<vmem>>
    %dma_start3A_485 = tpu.memref_squeeze %dma_start3A_484 : memref<1x64x128xf32, #tpu.memory_space<vmem>> -> memref<64x128xf32, #tpu.memory_space<vmem>>
    %dma_start3A_486 = arith.constant 0 : i32
    %dma_start3A_487 = tpu.memref_slice %arg2[%add3A_480, %dma_start3A_486] : memref<131072x128xf32, #tpu.memory_space<hbm>> -> memref<64x128xf32, #tpu.memory_space<hbm>>
    %dma_start3A_488 = arith.constant 0 : i32
    %dma_start3A_489 = arith.constant 0 : i32
    %dma_start3A_490 = tpu.memref_slice %arg6[%dma_start3A_481, %dma_start3A_488, %dma_start3A_489] : memref<8x64x128xf32, #tpu.memory_space<vmem>> -> memref<1x64x128xf32, #tpu.memory_space<vmem>>
    %dma_start3A_491 = tpu.memref_squeeze %dma_start3A_490 : memref<1x64x128xf32, #tpu.memory_space<vmem>> -> memref<64x128xf32, #tpu.memory_space<vmem>>
    %dma_start3A_492 = arith.constant 0 : i32
    %dma_start3A_493 = tpu.memref_slice %arg2[%add3A_480, %dma_start3A_492] : memref<131072x128xf32, #tpu.memory_space<hbm>> -> memref<64x128xf32, #tpu.memory_space<hbm>>
    tpu.enqueue_dma source(%dma_start3A_493 : memref<64x128xf32, #tpu.memory_space<hbm>>) target(%dma_start3A_491 : memref<64x128xf32, #tpu.memory_space<vmem>>) target_semaphore(%arg7 : memref<!tpu.dma_semaphore, #tpu.memory_space<semaphore_mem>>)
    %jit3A_494 = arith.constant 0xFF800000 : f32
    %broadcast_in_dim3A_495 = vector.broadcast %jit3A_494 : f32 to vector<16xf32>
    %select_n3A_496 = arith.select %and3A_469, %get3A_2, %broadcast_in_dim3A_495 : vector<16xi1>, vector<16xf32>
    %jit3A_497 = arith.constant 0xFF800000 : f32
    %broadcast_in_dim3A_498 = vector.broadcast %jit3A_497 : f32 to vector<16xf32>
    %select_n3A_499 = arith.select %and3A_471, %get3A_5, %broadcast_in_dim3A_498 : vector<16xi1>, vector<16xf32>
    %jit3A_500 = arith.constant 0xFF800000 : f32
    %broadcast_in_dim3A_501 = vector.broadcast %jit3A_500 : f32 to vector<16xf32>
    %select_n3A_502 = arith.select %and3A_473, %get3A_8, %broadcast_in_dim3A_501 : vector<16xi1>, vector<16xf32>
    %jit3A_503 = arith.constant 0xFF800000 : f32
    %broadcast_in_dim3A_504 = vector.broadcast %jit3A_503 : f32 to vector<16xf32>
    %select_n3A_505 = arith.select %and3A_475, %get3A_11, %broadcast_in_dim3A_504 : vector<16xi1>, vector<16xf32>
    %max3A_506 = arith.maximumf %select_n3A_496, %select_n3A_499 : vector<16xf32>
    %max3A_507 = arith.maximumf %max3A_506, %select_n3A_502 : vector<16xf32>
    %max3A_508 = arith.maximumf %max3A_507, %select_n3A_505 : vector<16xf32>
    %lt3A_509 = arith.constant 0 : i32
    %lt3A_510 = vector.broadcast %lt3A_509 : i32 to vector<16xi32>
    %lt3A_511 = arith.cmpi slt, %xor3A_36, %lt3A_510 : vector<16xi32>
    %add3A_512 = arith.constant 16 : i32
    %add3A_513 = vector.broadcast %add3A_512 : i32 to vector<16xi32>
    %add3A_514 = arith.addi %xor3A_36, %add3A_513 : vector<16xi32>
    %select_n3A_515 = arith.select %lt3A_511, %add3A_514, %xor3A_36 : vector<16xi1>, vector<16xi32>
    %broadcast_in_dim3A_516 = vector.shape_cast %select_n3A_515 : vector<16xi32> to vector<16x1xi32>
    %gather3A_517 = vector.shape_cast %broadcast_in_dim3A_516 : vector<16x1xi32> to vector<16xi32>
    %gather3A_518 = tpu.dynamic_gather %max3A_508[%gather3A_517] in [0] : vector<16xf32>, vector<16xi32> -> vector<16xf32>
    %max3A_519 = arith.maximumf %max3A_508, %gather3A_518 : vector<16xf32>
    %lt3A_520 = arith.constant 0 : i32
    %lt3A_521 = vector.broadcast %lt3A_520 : i32 to vector<16xi32>
    %lt3A_522 = arith.cmpi slt, %xor3A_39, %lt3A_521 : vector<16xi32>
    %add3A_523 = arith.constant 16 : i32
    %add3A_524 = vector.broadcast %add3A_523 : i32 to vector<16xi32>
    %add3A_525 = arith.addi %xor3A_39, %add3A_524 : vector<16xi32>
    %select_n3A_526 = arith.select %lt3A_522, %add3A_525, %xor3A_39 : vector<16xi1>, vector<16xi32>
    %broadcast_in_dim3A_527 = vector.shape_cast %select_n3A_526 : vector<16xi32> to vector<16x1xi32>
    %gather3A_528 = vector.shape_cast %broadcast_in_dim3A_527 : vector<16x1xi32> to vector<16xi32>
    %gather3A_529 = tpu.dynamic_gather %max3A_519[%gather3A_528] in [0] : vector<16xf32>, vector<16xi32> -> vector<16xf32>
    %max3A_530 = arith.maximumf %max3A_519, %gather3A_529 : vector<16xf32>
    %lt3A_531 = arith.constant 0 : i32
    %lt3A_532 = vector.broadcast %lt3A_531 : i32 to vector<16xi32>
    %lt3A_533 = arith.cmpi slt, %xor3A_42, %lt3A_532 : vector<16xi32>
    %add3A_534 = arith.constant 16 : i32
    %add3A_535 = vector.broadcast %add3A_534 : i32 to vector<16xi32>
    %add3A_536 = arith.addi %xor3A_42, %add3A_535 : vector<16xi32>
    %select_n3A_537 = arith.select %lt3A_533, %add3A_536, %xor3A_42 : vector<16xi1>, vector<16xi32>
    %broadcast_in_dim3A_538 = vector.shape_cast %select_n3A_537 : vector<16xi32> to vector<16x1xi32>
    %gather3A_539 = vector.shape_cast %broadcast_in_dim3A_538 : vector<16x1xi32> to vector<16xi32>
    %gather3A_540 = tpu.dynamic_gather %max3A_530[%gather3A_539] in [0] : vector<16xf32>, vector<16xi32> -> vector<16xf32>
    %max3A_541 = arith.maximumf %max3A_530, %gather3A_540 : vector<16xf32>
    %lt3A_542 = arith.constant 0 : i32
    %lt3A_543 = vector.broadcast %lt3A_542 : i32 to vector<16xi32>
    %lt3A_544 = arith.cmpi slt, %xor3A_45, %lt3A_543 : vector<16xi32>
    %add3A_545 = arith.constant 16 : i32
    %add3A_546 = vector.broadcast %add3A_545 : i32 to vector<16xi32>
    %add3A_547 = arith.addi %xor3A_45, %add3A_546 : vector<16xi32>
    %select_n3A_548 = arith.select %lt3A_544, %add3A_547, %xor3A_45 : vector<16xi1>, vector<16xi32>
    %broadcast_in_dim3A_549 = vector.shape_cast %select_n3A_548 : vector<16xi32> to vector<16x1xi32>
    %gather3A_550 = vector.shape_cast %broadcast_in_dim3A_549 : vector<16x1xi32> to vector<16xi32>
    %gather3A_551 = tpu.dynamic_gather %max3A_541[%gather3A_550] in [0] : vector<16xf32>, vector<16xi32> -> vector<16xf32>
    %max3A_552 = arith.maximumf %max3A_541, %gather3A_551 : vector<16xf32>
    %eq3A_553 = arith.cmpf oeq, %get3A_2, %max3A_552 : vector<16xf32>
    %and3A_554 = arith.andi %and3A_469, %eq3A_553 : vector<16xi1>
    %jit3A_555 = arith.constant 64 : i32
    %broadcast_in_dim3A_556 = vector.broadcast %jit3A_555 : i32 to vector<16xi32>
    %select_n3A_557 = arith.select %and3A_554, %add3A_14, %broadcast_in_dim3A_556 : vector<16xi1>, vector<16xi32>
    %eq3A_558 = arith.cmpf oeq, %get3A_5, %max3A_552 : vector<16xf32>
    %and3A_559 = arith.andi %and3A_471, %eq3A_558 : vector<16xi1>
    %jit3A_560 = arith.constant 64 : i32
    %broadcast_in_dim3A_561 = vector.broadcast %jit3A_560 : i32 to vector<16xi32>
    %select_n3A_562 = arith.select %and3A_559, %add3A_18, %broadcast_in_dim3A_561 : vector<16xi1>, vector<16xi32>
    %min3A_563 = arith.minsi %select_n3A_557, %select_n3A_562 : vector<16xi32>
    %eq3A_564 = arith.cmpf oeq, %get3A_8, %max3A_552 : vector<16xf32>
    %and3A_565 = arith.andi %and3A_473, %eq3A_564 : vector<16xi1>
    %jit3A_566 = arith.constant 64 : i32
    %broadcast_in_dim3A_567 = vector.broadcast %jit3A_566 : i32 to vector<16xi32>
    %select_n3A_568 = arith.select %and3A_565, %add3A_22, %broadcast_in_dim3A_567 : vector<16xi1>, vector<16xi32>
    %min3A_569 = arith.minsi %min3A_563, %select_n3A_568 : vector<16xi32>
    %eq3A_570 = arith.cmpf oeq, %get3A_11, %max3A_552 : vector<16xf32>
    %and3A_571 = arith.andi %and3A_475, %eq3A_570 : vector<16xi1>
    %jit3A_572 = arith.constant 64 : i32
    %broadcast_in_dim3A_573 = vector.broadcast %jit3A_572 : i32 to vector<16xi32>
    %select_n3A_574 = arith.select %and3A_571, %add3A_26, %broadcast_in_dim3A_573 : vector<16xi1>, vector<16xi32>
    %min3A_575 = arith.minsi %min3A_569, %select_n3A_574 : vector<16xi32>
    %lt3A_576 = arith.constant 0 : i32
    %lt3A_577 = vector.broadcast %lt3A_576 : i32 to vector<16xi32>
    %lt3A_578 = arith.cmpi slt, %xor3A_36, %lt3A_577 : vector<16xi32>
    %add3A_579 = arith.constant 16 : i32
    %add3A_580 = vector.broadcast %add3A_579 : i32 to vector<16xi32>
    %add3A_581 = arith.addi %xor3A_36, %add3A_580 : vector<16xi32>
    %select_n3A_582 = arith.select %lt3A_578, %add3A_581, %xor3A_36 : vector<16xi1>, vector<16xi32>
    %broadcast_in_dim3A_583 = vector.shape_cast %select_n3A_582 : vector<16xi32> to vector<16x1xi32>
    %gather3A_584 = vector.shape_cast %broadcast_in_dim3A_583 : vector<16x1xi32> to vector<16xi32>
    %gather3A_585 = tpu.dynamic_gather %min3A_575[%gather3A_584] in [0] : vector<16xi32>, vector<16xi32> -> vector<16xi32>
    %min3A_586 = arith.minsi %min3A_575, %gather3A_585 : vector<16xi32>
    %lt3A_587 = arith.constant 0 : i32
    %lt3A_588 = vector.broadcast %lt3A_587 : i32 to vector<16xi32>
    %lt3A_589 = arith.cmpi slt, %xor3A_39, %lt3A_588 : vector<16xi32>
    %add3A_590 = arith.constant 16 : i32
    %add3A_591 = vector.broadcast %add3A_590 : i32 to vector<16xi32>
    %add3A_592 = arith.addi %xor3A_39, %add3A_591 : vector<16xi32>
    %select_n3A_593 = arith.select %lt3A_589, %add3A_592, %xor3A_39 : vector<16xi1>, vector<16xi32>
    %broadcast_in_dim3A_594 = vector.shape_cast %select_n3A_593 : vector<16xi32> to vector<16x1xi32>
    %gather3A_595 = vector.shape_cast %broadcast_in_dim3A_594 : vector<16x1xi32> to vector<16xi32>
    %gather3A_596 = tpu.dynamic_gather %min3A_586[%gather3A_595] in [0] : vector<16xi32>, vector<16xi32> -> vector<16xi32>
    %min3A_597 = arith.minsi %min3A_586, %gather3A_596 : vector<16xi32>
    %lt3A_598 = arith.constant 0 : i32
    %lt3A_599 = vector.broadcast %lt3A_598 : i32 to vector<16xi32>
    %lt3A_600 = arith.cmpi slt, %xor3A_42, %lt3A_599 : vector<16xi32>
    %add3A_601 = arith.constant 16 : i32
    %add3A_602 = vector.broadcast %add3A_601 : i32 to vector<16xi32>
    %add3A_603 = arith.addi %xor3A_42, %add3A_602 : vector<16xi32>
    %select_n3A_604 = arith.select %lt3A_600, %add3A_603, %xor3A_42 : vector<16xi1>, vector<16xi32>
    %broadcast_in_dim3A_605 = vector.shape_cast %select_n3A_604 : vector<16xi32> to vector<16x1xi32>
    %gather3A_606 = vector.shape_cast %broadcast_in_dim3A_605 : vector<16x1xi32> to vector<16xi32>
    %gather3A_607 = tpu.dynamic_gather %min3A_597[%gather3A_606] in [0] : vector<16xi32>, vector<16xi32> -> vector<16xi32>
    %min3A_608 = arith.minsi %min3A_597, %gather3A_607 : vector<16xi32>
    %lt3A_609 = arith.constant 0 : i32
    %lt3A_610 = vector.broadcast %lt3A_609 : i32 to vector<16xi32>
    %lt3A_611 = arith.cmpi slt, %xor3A_45, %lt3A_610 : vector<16xi32>
    %add3A_612 = arith.constant 16 : i32
    %add3A_613 = vector.broadcast %add3A_612 : i32 to vector<16xi32>
    %add3A_614 = arith.addi %xor3A_45, %add3A_613 : vector<16xi32>
    %select_n3A_615 = arith.select %lt3A_611, %add3A_614, %xor3A_45 : vector<16xi1>, vector<16xi32>
    %broadcast_in_dim3A_616 = vector.shape_cast %select_n3A_615 : vector<16xi32> to vector<16x1xi32>
    %gather3A_617 = vector.shape_cast %broadcast_in_dim3A_616 : vector<16x1xi32> to vector<16xi32>
    %gather3A_618 = tpu.dynamic_gather %min3A_608[%gather3A_617] in [0] : vector<16xi32>, vector<16xi32> -> vector<16xi32>
    %min3A_619 = arith.minsi %min3A_608, %gather3A_618 : vector<16xi32>
    %ne3A_620 = arith.cmpi ne, %add3A_14, %min3A_619 : vector<16xi32>
    %and3A_621 = arith.andi %and3A_469, %ne3A_620 : vector<16xi1>
    %ne3A_622 = arith.cmpi ne, %add3A_18, %min3A_619 : vector<16xi32>
    %and3A_623 = arith.andi %and3A_471, %ne3A_622 : vector<16xi1>
    %ne3A_624 = arith.cmpi ne, %add3A_22, %min3A_619 : vector<16xi32>
    %and3A_625 = arith.andi %and3A_473, %ne3A_624 : vector<16xi1>
    %ne3A_626 = arith.cmpi ne, %add3A_26, %min3A_619 : vector<16xi32>
    %and3A_627 = arith.andi %and3A_475, %ne3A_626 : vector<16xi1>
    %slice3A_628 = vector.extract_strided_slice %min3A_619 {offsets = [0], sizes = [1], strides = [1]} : vector<16xi32> to vector<1xi32>
    %squeeze3A_629 = vector.extract %slice3A_628[0] : i32 from vector<1xi32>
    %mul3A_630 = arith.constant 64 : i32
    %mul3A_631 = arith.muli %squeeze3A_629, %mul3A_630 : i32
    %add3A_632 = arith.addi %mul3A_47, %mul3A_631 : i32
    %dma_start3A_633 = arith.constant 3 : i32
    %dma_start3A_634 = arith.constant 0 : i32
    %dma_start3A_635 = arith.constant 0 : i32
    %dma_start3A_636 = tpu.memref_slice %arg6[%dma_start3A_633, %dma_start3A_634, %dma_start3A_635] : memref<8x64x128xf32, #tpu.memory_space<vmem>> -> memref<1x64x128xf32, #tpu.memory_space<vmem>>
    %dma_start3A_637 = tpu.memref_squeeze %dma_start3A_636 : memref<1x64x128xf32, #tpu.memory_space<vmem>> -> memref<64x128xf32, #tpu.memory_space<vmem>>
    %dma_start3A_638 = arith.constant 0 : i32
    %dma_start3A_639 = tpu.memref_slice %arg2[%add3A_632, %dma_start3A_638] : memref<131072x128xf32, #tpu.memory_space<hbm>> -> memref<64x128xf32, #tpu.memory_space<hbm>>
    %dma_start3A_640 = arith.constant 0 : i32
    %dma_start3A_641 = arith.constant 0 : i32
    %dma_start3A_642 = tpu.memref_slice %arg6[%dma_start3A_633, %dma_start3A_640, %dma_start3A_641] : memref<8x64x128xf32, #tpu.memory_space<vmem>> -> memref<1x64x128xf32, #tpu.memory_space<vmem>>
    %dma_start3A_643 = tpu.memref_squeeze %dma_start3A_642 : memref<1x64x128xf32, #tpu.memory_space<vmem>> -> memref<64x128xf32, #tpu.memory_space<vmem>>
    %dma_start3A_644 = arith.constant 0 : i32
    %dma_start3A_645 = tpu.memref_slice %arg2[%add3A_632, %dma_start3A_644] : memref<131072x128xf32, #tpu.memory_space<hbm>> -> memref<64x128xf32, #tpu.memory_space<hbm>>
    tpu.enqueue_dma source(%dma_start3A_645 : memref<64x128xf32, #tpu.memory_space<hbm>>) target(%dma_start3A_643 : memref<64x128xf32, #tpu.memory_space<vmem>>) target_semaphore(%arg7 : memref<!tpu.dma_semaphore, #tpu.memory_space<semaphore_mem>>)
    %dma_wait3A = arith.constant 0 : i32
    %dma_wait3A_646 = arith.constant 0 : i32
    %dma_wait3A_647 = arith.constant 0 : i32
    %dma_wait3A_648 = tpu.memref_slice %arg6[%dma_wait3A, %dma_wait3A_646, %dma_wait3A_647] : memref<8x64x128xf32, #tpu.memory_space<vmem>> -> memref<1x64x128xf32, #tpu.memory_space<vmem>>
    %dma_wait3A_649 = tpu.memref_squeeze %dma_wait3A_648 : memref<1x64x128xf32, #tpu.memory_space<vmem>> -> memref<64x128xf32, #tpu.memory_space<vmem>>
    %dma_wait3A_650 = arith.constant 0 : i32
    %dma_wait3A_651 = tpu.memref_slice %arg2[%add3A_177, %dma_wait3A_650] : memref<131072x128xf32, #tpu.memory_space<hbm>> -> memref<64x128xf32, #tpu.memory_space<hbm>>
    %dma_wait3A_652 = arith.constant 0 : i32
    %dma_wait3A_653 = arith.constant 0 : i32
    %dma_wait3A_654 = tpu.memref_slice %arg6[%dma_wait3A, %dma_wait3A_652, %dma_wait3A_653] : memref<8x64x128xf32, #tpu.memory_space<vmem>> -> memref<1x64x128xf32, #tpu.memory_space<vmem>>
    %dma_wait3A_655 = tpu.memref_squeeze %dma_wait3A_654 : memref<1x64x128xf32, #tpu.memory_space<vmem>> -> memref<64x128xf32, #tpu.memory_space<vmem>>
    %dma_wait3A_656 = arith.constant 0 : i32
    %dma_wait3A_657 = tpu.memref_slice %arg2[%add3A_177, %dma_wait3A_656] : memref<131072x128xf32, #tpu.memory_space<hbm>> -> memref<64x128xf32, #tpu.memory_space<hbm>>
    tpu.wait_dma2 semaphore(%arg7 : memref<!tpu.dma_semaphore, #tpu.memory_space<semaphore_mem>>) src(%dma_wait3A_657 : memref<64x128xf32, #tpu.memory_space<hbm>>) dst(%dma_wait3A_655 : memref<64x128xf32, #tpu.memory_space<vmem>>)
    %add3A_658 = arith.constant 0 : i32
    %add3A_659 = arith.addi %mul3A_49, %add3A_658 : i32
    %dma_start3A_660 = arith.constant 0 : i32
    %dma_start3A_661 = arith.constant 0 : i32
    %dma_start3A_662 = arith.constant 0 : i32
    %dma_start3A_663 = tpu.memref_slice %arg6[%dma_start3A_660, %dma_start3A_661, %dma_start3A_662] : memref<8x64x128xf32, #tpu.memory_space<vmem>> -> memref<1x64x128xf32, #tpu.memory_space<vmem>>
    %dma_start3A_664 = tpu.memref_squeeze %dma_start3A_663 : memref<1x64x128xf32, #tpu.memory_space<vmem>> -> memref<64x128xf32, #tpu.memory_space<vmem>>
    %dma_start3A_665 = arith.constant 0 : i32
    %dma_start3A_666 = tpu.memref_slice %arg4[%add3A_659, %dma_start3A_665] : memref<32768x128xf32, #tpu.memory_space<hbm>> -> memref<64x128xf32, #tpu.memory_space<hbm>>
    %dma_start3A_667 = arith.constant 0 : i32
    %dma_start3A_668 = tpu.memref_slice %arg4[%add3A_659, %dma_start3A_667] : memref<32768x128xf32, #tpu.memory_space<hbm>> -> memref<64x128xf32, #tpu.memory_space<hbm>>
    %dma_start3A_669 = arith.constant 0 : i32
    %dma_start3A_670 = arith.constant 0 : i32
    %dma_start3A_671 = tpu.memref_slice %arg6[%dma_start3A_660, %dma_start3A_669, %dma_start3A_670] : memref<8x64x128xf32, #tpu.memory_space<vmem>> -> memref<1x64x128xf32, #tpu.memory_space<vmem>>
    %dma_start3A_672 = tpu.memref_squeeze %dma_start3A_671 : memref<1x64x128xf32, #tpu.memory_space<vmem>> -> memref<64x128xf32, #tpu.memory_space<vmem>>
    tpu.enqueue_dma source(%dma_start3A_672 : memref<64x128xf32, #tpu.memory_space<vmem>>) target(%dma_start3A_668 : memref<64x128xf32, #tpu.memory_space<hbm>>) target_semaphore(%arg8 : memref<!tpu.dma_semaphore, #tpu.memory_space<semaphore_mem>>)
    %jit3A_673 = arith.constant 0xFF800000 : f32
    %broadcast_in_dim3A_674 = vector.broadcast %jit3A_673 : f32 to vector<16xf32>
    %select_n3A_675 = arith.select %and3A_621, %get3A_2, %broadcast_in_dim3A_674 : vector<16xi1>, vector<16xf32>
    %jit3A_676 = arith.constant 0xFF800000 : f32
    %broadcast_in_dim3A_677 = vector.broadcast %jit3A_676 : f32 to vector<16xf32>
    %select_n3A_678 = arith.select %and3A_623, %get3A_5, %broadcast_in_dim3A_677 : vector<16xi1>, vector<16xf32>
    %jit3A_679 = arith.constant 0xFF800000 : f32
    %broadcast_in_dim3A_680 = vector.broadcast %jit3A_679 : f32 to vector<16xf32>
    %select_n3A_681 = arith.select %and3A_625, %get3A_8, %broadcast_in_dim3A_680 : vector<16xi1>, vector<16xf32>
    %jit3A_682 = arith.constant 0xFF800000 : f32
    %broadcast_in_dim3A_683 = vector.broadcast %jit3A_682 : f32 to vector<16xf32>
    %select_n3A_684 = arith.select %and3A_627, %get3A_11, %broadcast_in_dim3A_683 : vector<16xi1>, vector<16xf32>
    %max3A_685 = arith.maximumf %select_n3A_675, %select_n3A_678 : vector<16xf32>
    %max3A_686 = arith.maximumf %max3A_685, %select_n3A_681 : vector<16xf32>
    %max3A_687 = arith.maximumf %max3A_686, %select_n3A_684 : vector<16xf32>
    %lt3A_688 = arith.constant 0 : i32
    %lt3A_689 = vector.broadcast %lt3A_688 : i32 to vector<16xi32>
    %lt3A_690 = arith.cmpi slt, %xor3A_36, %lt3A_689 : vector<16xi32>
    %add3A_691 = arith.constant 16 : i32
    %add3A_692 = vector.broadcast %add3A_691 : i32 to vector<16xi32>
    %add3A_693 = arith.addi %xor3A_36, %add3A_692 : vector<16xi32>
    %select_n3A_694 = arith.select %lt3A_690, %add3A_693, %xor3A_36 : vector<16xi1>, vector<16xi32>
    %broadcast_in_dim3A_695 = vector.shape_cast %select_n3A_694 : vector<16xi32> to vector<16x1xi32>
    %gather3A_696 = vector.shape_cast %broadcast_in_dim3A_695 : vector<16x1xi32> to vector<16xi32>
    %gather3A_697 = tpu.dynamic_gather %max3A_687[%gather3A_696] in [0] : vector<16xf32>, vector<16xi32> -> vector<16xf32>
    %max3A_698 = arith.maximumf %max3A_687, %gather3A_697 : vector<16xf32>
    %lt3A_699 = arith.constant 0 : i32
    %lt3A_700 = vector.broadcast %lt3A_699 : i32 to vector<16xi32>
    %lt3A_701 = arith.cmpi slt, %xor3A_39, %lt3A_700 : vector<16xi32>
    %add3A_702 = arith.constant 16 : i32
    %add3A_703 = vector.broadcast %add3A_702 : i32 to vector<16xi32>
    %add3A_704 = arith.addi %xor3A_39, %add3A_703 : vector<16xi32>
    %select_n3A_705 = arith.select %lt3A_701, %add3A_704, %xor3A_39 : vector<16xi1>, vector<16xi32>
    %broadcast_in_dim3A_706 = vector.shape_cast %select_n3A_705 : vector<16xi32> to vector<16x1xi32>
    %gather3A_707 = vector.shape_cast %broadcast_in_dim3A_706 : vector<16x1xi32> to vector<16xi32>
    %gather3A_708 = tpu.dynamic_gather %max3A_698[%gather3A_707] in [0] : vector<16xf32>, vector<16xi32> -> vector<16xf32>
    %max3A_709 = arith.maximumf %max3A_698, %gather3A_708 : vector<16xf32>
    %lt3A_710 = arith.constant 0 : i32
    %lt3A_711 = vector.broadcast %lt3A_710 : i32 to vector<16xi32>
    %lt3A_712 = arith.cmpi slt, %xor3A_42, %lt3A_711 : vector<16xi32>
    %add3A_713 = arith.constant 16 : i32
    %add3A_714 = vector.broadcast %add3A_713 : i32 to vector<16xi32>
    %add3A_715 = arith.addi %xor3A_42, %add3A_714 : vector<16xi32>
    %select_n3A_716 = arith.select %lt3A_712, %add3A_715, %xor3A_42 : vector<16xi1>, vector<16xi32>
    %broadcast_in_dim3A_717 = vector.shape_cast %select_n3A_716 : vector<16xi32> to vector<16x1xi32>
    %gather3A_718 = vector.shape_cast %broadcast_in_dim3A_717 : vector<16x1xi32> to vector<16xi32>
    %gather3A_719 = tpu.dynamic_gather %max3A_709[%gather3A_718] in [0] : vector<16xf32>, vector<16xi32> -> vector<16xf32>
    %max3A_720 = arith.maximumf %max3A_709, %gather3A_719 : vector<16xf32>
    %lt3A_721 = arith.constant 0 : i32
    %lt3A_722 = vector.broadcast %lt3A_721 : i32 to vector<16xi32>
    %lt3A_723 = arith.cmpi slt, %xor3A_45, %lt3A_722 : vector<16xi32>
    %add3A_724 = arith.constant 16 : i32
    %add3A_725 = vector.broadcast %add3A_724 : i32 to vector<16xi32>
    %add3A_726 = arith.addi %xor3A_45, %add3A_725 : vector<16xi32>
    %select_n3A_727 = arith.select %lt3A_723, %add3A_726, %xor3A_45 : vector<16xi1>, vector<16xi32>
    %broadcast_in_dim3A_728 = vector.shape_cast %select_n3A_727 : vector<16xi32> to vector<16x1xi32>
    %gather3A_729 = vector.shape_cast %broadcast_in_dim3A_728 : vector<16x1xi32> to vector<16xi32>
    %gather3A_730 = tpu.dynamic_gather %max3A_720[%gather3A_729] in [0] : vector<16xf32>, vector<16xi32> -> vector<16xf32>
    %max3A_731 = arith.maximumf %max3A_720, %gather3A_730 : vector<16xf32>
    %eq3A_732 = arith.cmpf oeq, %get3A_2, %max3A_731 : vector<16xf32>
    %and3A_733 = arith.andi %and3A_621, %eq3A_732 : vector<16xi1>
    %jit3A_734 = arith.constant 64 : i32
    %broadcast_in_dim3A_735 = vector.broadcast %jit3A_734 : i32 to vector<16xi32>
    %select_n3A_736 = arith.select %and3A_733, %add3A_14, %broadcast_in_dim3A_735 : vector<16xi1>, vector<16xi32>
    %eq3A_737 = arith.cmpf oeq, %get3A_5, %max3A_731 : vector<16xf32>
    %and3A_738 = arith.andi %and3A_623, %eq3A_737 : vector<16xi1>
    %jit3A_739 = arith.constant 64 : i32
    %broadcast_in_dim3A_740 = vector.broadcast %jit3A_739 : i32 to vector<16xi32>
    %select_n3A_741 = arith.select %and3A_738, %add3A_18, %broadcast_in_dim3A_740 : vector<16xi1>, vector<16xi32>
    %min3A_742 = arith.minsi %select_n3A_736, %select_n3A_741 : vector<16xi32>
    %eq3A_743 = arith.cmpf oeq, %get3A_8, %max3A_731 : vector<16xf32>
    %and3A_744 = arith.andi %and3A_625, %eq3A_743 : vector<16xi1>
    %jit3A_745 = arith.constant 64 : i32
    %broadcast_in_dim3A_746 = vector.broadcast %jit3A_745 : i32 to vector<16xi32>
    %select_n3A_747 = arith.select %and3A_744, %add3A_22, %broadcast_in_dim3A_746 : vector<16xi1>, vector<16xi32>
    %min3A_748 = arith.minsi %min3A_742, %select_n3A_747 : vector<16xi32>
    %eq3A_749 = arith.cmpf oeq, %get3A_11, %max3A_731 : vector<16xf32>
    %and3A_750 = arith.andi %and3A_627, %eq3A_749 : vector<16xi1>
    %jit3A_751 = arith.constant 64 : i32
    %broadcast_in_dim3A_752 = vector.broadcast %jit3A_751 : i32 to vector<16xi32>
    %select_n3A_753 = arith.select %and3A_750, %add3A_26, %broadcast_in_dim3A_752 : vector<16xi1>, vector<16xi32>
    %min3A_754 = arith.minsi %min3A_748, %select_n3A_753 : vector<16xi32>
    %lt3A_755 = arith.constant 0 : i32
    %lt3A_756 = vector.broadcast %lt3A_755 : i32 to vector<16xi32>
    %lt3A_757 = arith.cmpi slt, %xor3A_36, %lt3A_756 : vector<16xi32>
    %add3A_758 = arith.constant 16 : i32
    %add3A_759 = vector.broadcast %add3A_758 : i32 to vector<16xi32>
    %add3A_760 = arith.addi %xor3A_36, %add3A_759 : vector<16xi32>
    %select_n3A_761 = arith.select %lt3A_757, %add3A_760, %xor3A_36 : vector<16xi1>, vector<16xi32>
    %broadcast_in_dim3A_762 = vector.shape_cast %select_n3A_761 : vector<16xi32> to vector<16x1xi32>
    %gather3A_763 = vector.shape_cast %broadcast_in_dim3A_762 : vector<16x1xi32> to vector<16xi32>
    %gather3A_764 = tpu.dynamic_gather %min3A_754[%gather3A_763] in [0] : vector<16xi32>, vector<16xi32> -> vector<16xi32>
    %min3A_765 = arith.minsi %min3A_754, %gather3A_764 : vector<16xi32>
    %lt3A_766 = arith.constant 0 : i32
    %lt3A_767 = vector.broadcast %lt3A_766 : i32 to vector<16xi32>
    %lt3A_768 = arith.cmpi slt, %xor3A_39, %lt3A_767 : vector<16xi32>
    %add3A_769 = arith.constant 16 : i32
    %add3A_770 = vector.broadcast %add3A_769 : i32 to vector<16xi32>
    %add3A_771 = arith.addi %xor3A_39, %add3A_770 : vector<16xi32>
    %select_n3A_772 = arith.select %lt3A_768, %add3A_771, %xor3A_39 : vector<16xi1>, vector<16xi32>
    %broadcast_in_dim3A_773 = vector.shape_cast %select_n3A_772 : vector<16xi32> to vector<16x1xi32>
    %gather3A_774 = vector.shape_cast %broadcast_in_dim3A_773 : vector<16x1xi32> to vector<16xi32>
    %gather3A_775 = tpu.dynamic_gather %min3A_765[%gather3A_774] in [0] : vector<16xi32>, vector<16xi32> -> vector<16xi32>
    %min3A_776 = arith.minsi %min3A_765, %gather3A_775 : vector<16xi32>
    %lt3A_777 = arith.constant 0 : i32
    %lt3A_778 = vector.broadcast %lt3A_777 : i32 to vector<16xi32>
    %lt3A_779 = arith.cmpi slt, %xor3A_42, %lt3A_778 : vector<16xi32>
    %add3A_780 = arith.constant 16 : i32
    %add3A_781 = vector.broadcast %add3A_780 : i32 to vector<16xi32>
    %add3A_782 = arith.addi %xor3A_42, %add3A_781 : vector<16xi32>
    %select_n3A_783 = arith.select %lt3A_779, %add3A_782, %xor3A_42 : vector<16xi1>, vector<16xi32>
    %broadcast_in_dim3A_784 = vector.shape_cast %select_n3A_783 : vector<16xi32> to vector<16x1xi32>
    %gather3A_785 = vector.shape_cast %broadcast_in_dim3A_784 : vector<16x1xi32> to vector<16xi32>
    %gather3A_786 = tpu.dynamic_gather %min3A_776[%gather3A_785] in [0] : vector<16xi32>, vector<16xi32> -> vector<16xi32>
    %min3A_787 = arith.minsi %min3A_776, %gather3A_786 : vector<16xi32>
    %lt3A_788 = arith.constant 0 : i32
    %lt3A_789 = vector.broadcast %lt3A_788 : i32 to vector<16xi32>
    %lt3A_790 = arith.cmpi slt, %xor3A_45, %lt3A_789 : vector<16xi32>
    %add3A_791 = arith.constant 16 : i32
    %add3A_792 = vector.broadcast %add3A_791 : i32 to vector<16xi32>
    %add3A_793 = arith.addi %xor3A_45, %add3A_792 : vector<16xi32>
    %select_n3A_794 = arith.select %lt3A_790, %add3A_793, %xor3A_45 : vector<16xi1>, vector<16xi32>
    %broadcast_in_dim3A_795 = vector.shape_cast %select_n3A_794 : vector<16xi32> to vector<16x1xi32>
    %gather3A_796 = vector.shape_cast %broadcast_in_dim3A_795 : vector<16x1xi32> to vector<16xi32>
    %gather3A_797 = tpu.dynamic_gather %min3A_787[%gather3A_796] in [0] : vector<16xi32>, vector<16xi32> -> vector<16xi32>
    %min3A_798 = arith.minsi %min3A_787, %gather3A_797 : vector<16xi32>
    %ne3A_799 = arith.cmpi ne, %add3A_14, %min3A_798 : vector<16xi32>
    %and3A_800 = arith.andi %and3A_621, %ne3A_799 : vector<16xi1>
    %ne3A_801 = arith.cmpi ne, %add3A_18, %min3A_798 : vector<16xi32>
    %and3A_802 = arith.andi %and3A_623, %ne3A_801 : vector<16xi1>
    %ne3A_803 = arith.cmpi ne, %add3A_22, %min3A_798 : vector<16xi32>
    %and3A_804 = arith.andi %and3A_625, %ne3A_803 : vector<16xi1>
    %ne3A_805 = arith.cmpi ne, %add3A_26, %min3A_798 : vector<16xi32>
    %and3A_806 = arith.andi %and3A_627, %ne3A_805 : vector<16xi1>
    %slice3A_807 = vector.extract_strided_slice %min3A_798 {offsets = [0], sizes = [1], strides = [1]} : vector<16xi32> to vector<1xi32>
    %squeeze3A_808 = vector.extract %slice3A_807[0] : i32 from vector<1xi32>
    %mul3A_809 = arith.constant 64 : i32
    %mul3A_810 = arith.muli %squeeze3A_808, %mul3A_809 : i32
    %add3A_811 = arith.addi %mul3A_47, %mul3A_810 : i32
    %dma_start3A_812 = arith.constant 4 : i32
    %dma_start3A_813 = arith.constant 0 : i32
    %dma_start3A_814 = arith.constant 0 : i32
    %dma_start3A_815 = tpu.memref_slice %arg6[%dma_start3A_812, %dma_start3A_813, %dma_start3A_814] : memref<8x64x128xf32, #tpu.memory_space<vmem>> -> memref<1x64x128xf32, #tpu.memory_space<vmem>>
    %dma_start3A_816 = tpu.memref_squeeze %dma_start3A_815 : memref<1x64x128xf32, #tpu.memory_space<vmem>> -> memref<64x128xf32, #tpu.memory_space<vmem>>
    %dma_start3A_817 = arith.constant 0 : i32
    %dma_start3A_818 = tpu.memref_slice %arg2[%add3A_811, %dma_start3A_817] : memref<131072x128xf32, #tpu.memory_space<hbm>> -> memref<64x128xf32, #tpu.memory_space<hbm>>
    %dma_start3A_819 = arith.constant 0 : i32
    %dma_start3A_820 = arith.constant 0 : i32
    %dma_start3A_821 = tpu.memref_slice %arg6[%dma_start3A_812, %dma_start3A_819, %dma_start3A_820] : memref<8x64x128xf32, #tpu.memory_space<vmem>> -> memref<1x64x128xf32, #tpu.memory_space<vmem>>
    %dma_start3A_822 = tpu.memref_squeeze %dma_start3A_821 : memref<1x64x128xf32, #tpu.memory_space<vmem>> -> memref<64x128xf32, #tpu.memory_space<vmem>>
    %dma_start3A_823 = arith.constant 0 : i32
    %dma_start3A_824 = tpu.memref_slice %arg2[%add3A_811, %dma_start3A_823] : memref<131072x128xf32, #tpu.memory_space<hbm>> -> memref<64x128xf32, #tpu.memory_space<hbm>>
    tpu.enqueue_dma source(%dma_start3A_824 : memref<64x128xf32, #tpu.memory_space<hbm>>) target(%dma_start3A_822 : memref<64x128xf32, #tpu.memory_space<vmem>>) target_semaphore(%arg7 : memref<!tpu.dma_semaphore, #tpu.memory_space<semaphore_mem>>)
    %dma_wait3A_825 = arith.constant 1 : i32
    %dma_wait3A_826 = arith.constant 0 : i32
    %dma_wait3A_827 = arith.constant 0 : i32
    %dma_wait3A_828 = tpu.memref_slice %arg6[%dma_wait3A_825, %dma_wait3A_826, %dma_wait3A_827] : memref<8x64x128xf32, #tpu.memory_space<vmem>> -> memref<1x64x128xf32, #tpu.memory_space<vmem>>
    %dma_wait3A_829 = tpu.memref_squeeze %dma_wait3A_828 : memref<1x64x128xf32, #tpu.memory_space<vmem>> -> memref<64x128xf32, #tpu.memory_space<vmem>>
    %dma_wait3A_830 = arith.constant 0 : i32
    %dma_wait3A_831 = tpu.memref_slice %arg2[%add3A_328, %dma_wait3A_830] : memref<131072x128xf32, #tpu.memory_space<hbm>> -> memref<64x128xf32, #tpu.memory_space<hbm>>
    %dma_wait3A_832 = arith.constant 0 : i32
    %dma_wait3A_833 = arith.constant 0 : i32
    %dma_wait3A_834 = tpu.memref_slice %arg6[%dma_wait3A_825, %dma_wait3A_832, %dma_wait3A_833] : memref<8x64x128xf32, #tpu.memory_space<vmem>> -> memref<1x64x128xf32, #tpu.memory_space<vmem>>
    %dma_wait3A_835 = tpu.memref_squeeze %dma_wait3A_834 : memref<1x64x128xf32, #tpu.memory_space<vmem>> -> memref<64x128xf32, #tpu.memory_space<vmem>>
    %dma_wait3A_836 = arith.constant 0 : i32
    %dma_wait3A_837 = tpu.memref_slice %arg2[%add3A_328, %dma_wait3A_836] : memref<131072x128xf32, #tpu.memory_space<hbm>> -> memref<64x128xf32, #tpu.memory_space<hbm>>
    tpu.wait_dma2 semaphore(%arg7 : memref<!tpu.dma_semaphore, #tpu.memory_space<semaphore_mem>>) src(%dma_wait3A_837 : memref<64x128xf32, #tpu.memory_space<hbm>>) dst(%dma_wait3A_835 : memref<64x128xf32, #tpu.memory_space<vmem>>)
    %add3A_838 = arith.constant 64 : i32
    %add3A_839 = arith.addi %mul3A_49, %add3A_838 : i32
    %dma_start3A_840 = arith.constant 1 : i32
    %dma_start3A_841 = arith.constant 0 : i32
    %dma_start3A_842 = arith.constant 0 : i32
    %dma_start3A_843 = tpu.memref_slice %arg6[%dma_start3A_840, %dma_start3A_841, %dma_start3A_842] : memref<8x64x128xf32, #tpu.memory_space<vmem>> -> memref<1x64x128xf32, #tpu.memory_space<vmem>>
    %dma_start3A_844 = tpu.memref_squeeze %dma_start3A_843 : memref<1x64x128xf32, #tpu.memory_space<vmem>> -> memref<64x128xf32, #tpu.memory_space<vmem>>
    %dma_start3A_845 = arith.constant 0 : i32
    %dma_start3A_846 = tpu.memref_slice %arg4[%add3A_839, %dma_start3A_845] : memref<32768x128xf32, #tpu.memory_space<hbm>> -> memref<64x128xf32, #tpu.memory_space<hbm>>
    %dma_start3A_847 = arith.constant 0 : i32
    %dma_start3A_848 = tpu.memref_slice %arg4[%add3A_839, %dma_start3A_847] : memref<32768x128xf32, #tpu.memory_space<hbm>> -> memref<64x128xf32, #tpu.memory_space<hbm>>
    %dma_start3A_849 = arith.constant 0 : i32
    %dma_start3A_850 = arith.constant 0 : i32
    %dma_start3A_851 = tpu.memref_slice %arg6[%dma_start3A_840, %dma_start3A_849, %dma_start3A_850] : memref<8x64x128xf32, #tpu.memory_space<vmem>> -> memref<1x64x128xf32, #tpu.memory_space<vmem>>
    %dma_start3A_852 = tpu.memref_squeeze %dma_start3A_851 : memref<1x64x128xf32, #tpu.memory_space<vmem>> -> memref<64x128xf32, #tpu.memory_space<vmem>>
    tpu.enqueue_dma source(%dma_start3A_852 : memref<64x128xf32, #tpu.memory_space<vmem>>) target(%dma_start3A_848 : memref<64x128xf32, #tpu.memory_space<hbm>>) target_semaphore(%arg8 : memref<!tpu.dma_semaphore, #tpu.memory_space<semaphore_mem>>)
    %jit3A_853 = arith.constant 0xFF800000 : f32
    %broadcast_in_dim3A_854 = vector.broadcast %jit3A_853 : f32 to vector<16xf32>
    %select_n3A_855 = arith.select %and3A_800, %get3A_2, %broadcast_in_dim3A_854 : vector<16xi1>, vector<16xf32>
    %jit3A_856 = arith.constant 0xFF800000 : f32
    %broadcast_in_dim3A_857 = vector.broadcast %jit3A_856 : f32 to vector<16xf32>
    %select_n3A_858 = arith.select %and3A_802, %get3A_5, %broadcast_in_dim3A_857 : vector<16xi1>, vector<16xf32>
    %jit3A_859 = arith.constant 0xFF800000 : f32
    %broadcast_in_dim3A_860 = vector.broadcast %jit3A_859 : f32 to vector<16xf32>
    %select_n3A_861 = arith.select %and3A_804, %get3A_8, %broadcast_in_dim3A_860 : vector<16xi1>, vector<16xf32>
    %jit3A_862 = arith.constant 0xFF800000 : f32
    %broadcast_in_dim3A_863 = vector.broadcast %jit3A_862 : f32 to vector<16xf32>
    %select_n3A_864 = arith.select %and3A_806, %get3A_11, %broadcast_in_dim3A_863 : vector<16xi1>, vector<16xf32>
    %max3A_865 = arith.maximumf %select_n3A_855, %select_n3A_858 : vector<16xf32>
    %max3A_866 = arith.maximumf %max3A_865, %select_n3A_861 : vector<16xf32>
    %max3A_867 = arith.maximumf %max3A_866, %select_n3A_864 : vector<16xf32>
    %lt3A_868 = arith.constant 0 : i32
    %lt3A_869 = vector.broadcast %lt3A_868 : i32 to vector<16xi32>
    %lt3A_870 = arith.cmpi slt, %xor3A_36, %lt3A_869 : vector<16xi32>
    %add3A_871 = arith.constant 16 : i32
    %add3A_872 = vector.broadcast %add3A_871 : i32 to vector<16xi32>
    %add3A_873 = arith.addi %xor3A_36, %add3A_872 : vector<16xi32>
    %select_n3A_874 = arith.select %lt3A_870, %add3A_873, %xor3A_36 : vector<16xi1>, vector<16xi32>
    %broadcast_in_dim3A_875 = vector.shape_cast %select_n3A_874 : vector<16xi32> to vector<16x1xi32>
    %gather3A_876 = vector.shape_cast %broadcast_in_dim3A_875 : vector<16x1xi32> to vector<16xi32>
    %gather3A_877 = tpu.dynamic_gather %max3A_867[%gather3A_876] in [0] : vector<16xf32>, vector<16xi32> -> vector<16xf32>
    %max3A_878 = arith.maximumf %max3A_867, %gather3A_877 : vector<16xf32>
    %lt3A_879 = arith.constant 0 : i32
    %lt3A_880 = vector.broadcast %lt3A_879 : i32 to vector<16xi32>
    %lt3A_881 = arith.cmpi slt, %xor3A_39, %lt3A_880 : vector<16xi32>
    %add3A_882 = arith.constant 16 : i32
    %add3A_883 = vector.broadcast %add3A_882 : i32 to vector<16xi32>
    %add3A_884 = arith.addi %xor3A_39, %add3A_883 : vector<16xi32>
    %select_n3A_885 = arith.select %lt3A_881, %add3A_884, %xor3A_39 : vector<16xi1>, vector<16xi32>
    %broadcast_in_dim3A_886 = vector.shape_cast %select_n3A_885 : vector<16xi32> to vector<16x1xi32>
    %gather3A_887 = vector.shape_cast %broadcast_in_dim3A_886 : vector<16x1xi32> to vector<16xi32>
    %gather3A_888 = tpu.dynamic_gather %max3A_878[%gather3A_887] in [0] : vector<16xf32>, vector<16xi32> -> vector<16xf32>
    %max3A_889 = arith.maximumf %max3A_878, %gather3A_888 : vector<16xf32>
    %lt3A_890 = arith.constant 0 : i32
    %lt3A_891 = vector.broadcast %lt3A_890 : i32 to vector<16xi32>
    %lt3A_892 = arith.cmpi slt, %xor3A_42, %lt3A_891 : vector<16xi32>
    %add3A_893 = arith.constant 16 : i32
    %add3A_894 = vector.broadcast %add3A_893 : i32 to vector<16xi32>
    %add3A_895 = arith.addi %xor3A_42, %add3A_894 : vector<16xi32>
    %select_n3A_896 = arith.select %lt3A_892, %add3A_895, %xor3A_42 : vector<16xi1>, vector<16xi32>
    %broadcast_in_dim3A_897 = vector.shape_cast %select_n3A_896 : vector<16xi32> to vector<16x1xi32>
    %gather3A_898 = vector.shape_cast %broadcast_in_dim3A_897 : vector<16x1xi32> to vector<16xi32>
    %gather3A_899 = tpu.dynamic_gather %max3A_889[%gather3A_898] in [0] : vector<16xf32>, vector<16xi32> -> vector<16xf32>
    %max3A_900 = arith.maximumf %max3A_889, %gather3A_899 : vector<16xf32>
    %lt3A_901 = arith.constant 0 : i32
    %lt3A_902 = vector.broadcast %lt3A_901 : i32 to vector<16xi32>
    %lt3A_903 = arith.cmpi slt, %xor3A_45, %lt3A_902 : vector<16xi32>
    %add3A_904 = arith.constant 16 : i32
    %add3A_905 = vector.broadcast %add3A_904 : i32 to vector<16xi32>
    %add3A_906 = arith.addi %xor3A_45, %add3A_905 : vector<16xi32>
    %select_n3A_907 = arith.select %lt3A_903, %add3A_906, %xor3A_45 : vector<16xi1>, vector<16xi32>
    %broadcast_in_dim3A_908 = vector.shape_cast %select_n3A_907 : vector<16xi32> to vector<16x1xi32>
    %gather3A_909 = vector.shape_cast %broadcast_in_dim3A_908 : vector<16x1xi32> to vector<16xi32>
    %gather3A_910 = tpu.dynamic_gather %max3A_900[%gather3A_909] in [0] : vector<16xf32>, vector<16xi32> -> vector<16xf32>
    %max3A_911 = arith.maximumf %max3A_900, %gather3A_910 : vector<16xf32>
    %eq3A_912 = arith.cmpf oeq, %get3A_2, %max3A_911 : vector<16xf32>
    %and3A_913 = arith.andi %and3A_800, %eq3A_912 : vector<16xi1>
    %jit3A_914 = arith.constant 64 : i32
    %broadcast_in_dim3A_915 = vector.broadcast %jit3A_914 : i32 to vector<16xi32>
    %select_n3A_916 = arith.select %and3A_913, %add3A_14, %broadcast_in_dim3A_915 : vector<16xi1>, vector<16xi32>
    %eq3A_917 = arith.cmpf oeq, %get3A_5, %max3A_911 : vector<16xf32>
    %and3A_918 = arith.andi %and3A_802, %eq3A_917 : vector<16xi1>
    %jit3A_919 = arith.constant 64 : i32
    %broadcast_in_dim3A_920 = vector.broadcast %jit3A_919 : i32 to vector<16xi32>
    %select_n3A_921 = arith.select %and3A_918, %add3A_18, %broadcast_in_dim3A_920 : vector<16xi1>, vector<16xi32>
    %min3A_922 = arith.minsi %select_n3A_916, %select_n3A_921 : vector<16xi32>
    %eq3A_923 = arith.cmpf oeq, %get3A_8, %max3A_911 : vector<16xf32>
    %and3A_924 = arith.andi %and3A_804, %eq3A_923 : vector<16xi1>
    %jit3A_925 = arith.constant 64 : i32
    %broadcast_in_dim3A_926 = vector.broadcast %jit3A_925 : i32 to vector<16xi32>
    %select_n3A_927 = arith.select %and3A_924, %add3A_22, %broadcast_in_dim3A_926 : vector<16xi1>, vector<16xi32>
    %min3A_928 = arith.minsi %min3A_922, %select_n3A_927 : vector<16xi32>
    %eq3A_929 = arith.cmpf oeq, %get3A_11, %max3A_911 : vector<16xf32>
    %and3A_930 = arith.andi %and3A_806, %eq3A_929 : vector<16xi1>
    %jit3A_931 = arith.constant 64 : i32
    %broadcast_in_dim3A_932 = vector.broadcast %jit3A_931 : i32 to vector<16xi32>
    %select_n3A_933 = arith.select %and3A_930, %add3A_26, %broadcast_in_dim3A_932 : vector<16xi1>, vector<16xi32>
    %min3A_934 = arith.minsi %min3A_928, %select_n3A_933 : vector<16xi32>
    %lt3A_935 = arith.constant 0 : i32
    %lt3A_936 = vector.broadcast %lt3A_935 : i32 to vector<16xi32>
    %lt3A_937 = arith.cmpi slt, %xor3A_36, %lt3A_936 : vector<16xi32>
    %add3A_938 = arith.constant 16 : i32
    %add3A_939 = vector.broadcast %add3A_938 : i32 to vector<16xi32>
    %add3A_940 = arith.addi %xor3A_36, %add3A_939 : vector<16xi32>
    %select_n3A_941 = arith.select %lt3A_937, %add3A_940, %xor3A_36 : vector<16xi1>, vector<16xi32>
    %broadcast_in_dim3A_942 = vector.shape_cast %select_n3A_941 : vector<16xi32> to vector<16x1xi32>
    %gather3A_943 = vector.shape_cast %broadcast_in_dim3A_942 : vector<16x1xi32> to vector<16xi32>
    %gather3A_944 = tpu.dynamic_gather %min3A_934[%gather3A_943] in [0] : vector<16xi32>, vector<16xi32> -> vector<16xi32>
    %min3A_945 = arith.minsi %min3A_934, %gather3A_944 : vector<16xi32>
    %lt3A_946 = arith.constant 0 : i32
    %lt3A_947 = vector.broadcast %lt3A_946 : i32 to vector<16xi32>
    %lt3A_948 = arith.cmpi slt, %xor3A_39, %lt3A_947 : vector<16xi32>
    %add3A_949 = arith.constant 16 : i32
    %add3A_950 = vector.broadcast %add3A_949 : i32 to vector<16xi32>
    %add3A_951 = arith.addi %xor3A_39, %add3A_950 : vector<16xi32>
    %select_n3A_952 = arith.select %lt3A_948, %add3A_951, %xor3A_39 : vector<16xi1>, vector<16xi32>
    %broadcast_in_dim3A_953 = vector.shape_cast %select_n3A_952 : vector<16xi32> to vector<16x1xi32>
    %gather3A_954 = vector.shape_cast %broadcast_in_dim3A_953 : vector<16x1xi32> to vector<16xi32>
    %gather3A_955 = tpu.dynamic_gather %min3A_945[%gather3A_954] in [0] : vector<16xi32>, vector<16xi32> -> vector<16xi32>
    %min3A_956 = arith.minsi %min3A_945, %gather3A_955 : vector<16xi32>
    %lt3A_957 = arith.constant 0 : i32
    %lt3A_958 = vector.broadcast %lt3A_957 : i32 to vector<16xi32>
    %lt3A_959 = arith.cmpi slt, %xor3A_42, %lt3A_958 : vector<16xi32>
    %add3A_960 = arith.constant 16 : i32
    %add3A_961 = vector.broadcast %add3A_960 : i32 to vector<16xi32>
    %add3A_962 = arith.addi %xor3A_42, %add3A_961 : vector<16xi32>
    %select_n3A_963 = arith.select %lt3A_959, %add3A_962, %xor3A_42 : vector<16xi1>, vector<16xi32>
    %broadcast_in_dim3A_964 = vector.shape_cast %select_n3A_963 : vector<16xi32> to vector<16x1xi32>
    %gather3A_965 = vector.shape_cast %broadcast_in_dim3A_964 : vector<16x1xi32> to vector<16xi32>
    %gather3A_966 = tpu.dynamic_gather %min3A_956[%gather3A_965] in [0] : vector<16xi32>, vector<16xi32> -> vector<16xi32>
    %min3A_967 = arith.minsi %min3A_956, %gather3A_966 : vector<16xi32>
    %lt3A_968 = arith.constant 0 : i32
    %lt3A_969 = vector.broadcast %lt3A_968 : i32 to vector<16xi32>
    %lt3A_970 = arith.cmpi slt, %xor3A_45, %lt3A_969 : vector<16xi32>
    %add3A_971 = arith.constant 16 : i32
    %add3A_972 = vector.broadcast %add3A_971 : i32 to vector<16xi32>
    %add3A_973 = arith.addi %xor3A_45, %add3A_972 : vector<16xi32>
    %select_n3A_974 = arith.select %lt3A_970, %add3A_973, %xor3A_45 : vector<16xi1>, vector<16xi32>
    %broadcast_in_dim3A_975 = vector.shape_cast %select_n3A_974 : vector<16xi32> to vector<16x1xi32>
    %gather3A_976 = vector.shape_cast %broadcast_in_dim3A_975 : vector<16x1xi32> to vector<16xi32>
    %gather3A_977 = tpu.dynamic_gather %min3A_967[%gather3A_976] in [0] : vector<16xi32>, vector<16xi32> -> vector<16xi32>
    %min3A_978 = arith.minsi %min3A_967, %gather3A_977 : vector<16xi32>
    %ne3A_979 = arith.cmpi ne, %add3A_14, %min3A_978 : vector<16xi32>
    %and3A_980 = arith.andi %and3A_800, %ne3A_979 : vector<16xi1>
    %ne3A_981 = arith.cmpi ne, %add3A_18, %min3A_978 : vector<16xi32>
    %and3A_982 = arith.andi %and3A_802, %ne3A_981 : vector<16xi1>
    %ne3A_983 = arith.cmpi ne, %add3A_22, %min3A_978 : vector<16xi32>
    %and3A_984 = arith.andi %and3A_804, %ne3A_983 : vector<16xi1>
    %ne3A_985 = arith.cmpi ne, %add3A_26, %min3A_978 : vector<16xi32>
    %and3A_986 = arith.andi %and3A_806, %ne3A_985 : vector<16xi1>
    %slice3A_987 = vector.extract_strided_slice %min3A_978 {offsets = [0], sizes = [1], strides = [1]} : vector<16xi32> to vector<1xi32>
    %squeeze3A_988 = vector.extract %slice3A_987[0] : i32 from vector<1xi32>
    %mul3A_989 = arith.constant 64 : i32
    %mul3A_990 = arith.muli %squeeze3A_988, %mul3A_989 : i32
    %add3A_991 = arith.addi %mul3A_47, %mul3A_990 : i32
    %dma_start3A_992 = arith.constant 5 : i32
    %dma_start3A_993 = arith.constant 0 : i32
    %dma_start3A_994 = arith.constant 0 : i32
    %dma_start3A_995 = tpu.memref_slice %arg6[%dma_start3A_992, %dma_start3A_993, %dma_start3A_994] : memref<8x64x128xf32, #tpu.memory_space<vmem>> -> memref<1x64x128xf32, #tpu.memory_space<vmem>>
    %dma_start3A_996 = tpu.memref_squeeze %dma_start3A_995 : memref<1x64x128xf32, #tpu.memory_space<vmem>> -> memref<64x128xf32, #tpu.memory_space<vmem>>
    %dma_start3A_997 = arith.constant 0 : i32
    %dma_start3A_998 = tpu.memref_slice %arg2[%add3A_991, %dma_start3A_997] : memref<131072x128xf32, #tpu.memory_space<hbm>> -> memref<64x128xf32, #tpu.memory_space<hbm>>
    %dma_start3A_999 = arith.constant 0 : i32
    %dma_start3A_1000 = arith.constant 0 : i32
    %dma_start3A_1001 = tpu.memref_slice %arg6[%dma_start3A_992, %dma_start3A_999, %dma_start3A_1000] : memref<8x64x128xf32, #tpu.memory_space<vmem>> -> memref<1x64x128xf32, #tpu.memory_space<vmem>>
    %dma_start3A_1002 = tpu.memref_squeeze %dma_start3A_1001 : memref<1x64x128xf32, #tpu.memory_space<vmem>> -> memref<64x128xf32, #tpu.memory_space<vmem>>
    %dma_start3A_1003 = arith.constant 0 : i32
    %dma_start3A_1004 = tpu.memref_slice %arg2[%add3A_991, %dma_start3A_1003] : memref<131072x128xf32, #tpu.memory_space<hbm>> -> memref<64x128xf32, #tpu.memory_space<hbm>>
    tpu.enqueue_dma source(%dma_start3A_1004 : memref<64x128xf32, #tpu.memory_space<hbm>>) target(%dma_start3A_1002 : memref<64x128xf32, #tpu.memory_space<vmem>>) target_semaphore(%arg7 : memref<!tpu.dma_semaphore, #tpu.memory_space<semaphore_mem>>)
    %dma_wait3A_1005 = arith.constant 2 : i32
    %dma_wait3A_1006 = arith.constant 0 : i32
    %dma_wait3A_1007 = arith.constant 0 : i32
    %dma_wait3A_1008 = tpu.memref_slice %arg6[%dma_wait3A_1005, %dma_wait3A_1006, %dma_wait3A_1007] : memref<8x64x128xf32, #tpu.memory_space<vmem>> -> memref<1x64x128xf32, #tpu.memory_space<vmem>>
    %dma_wait3A_1009 = tpu.memref_squeeze %dma_wait3A_1008 : memref<1x64x128xf32, #tpu.memory_space<vmem>> -> memref<64x128xf32, #tpu.memory_space<vmem>>
    %dma_wait3A_1010 = arith.constant 0 : i32
    %dma_wait3A_1011 = tpu.memref_slice %arg2[%add3A_480, %dma_wait3A_1010] : memref<131072x128xf32, #tpu.memory_space<hbm>> -> memref<64x128xf32, #tpu.memory_space<hbm>>
    %dma_wait3A_1012 = arith.constant 0 : i32
    %dma_wait3A_1013 = arith.constant 0 : i32
    %dma_wait3A_1014 = tpu.memref_slice %arg6[%dma_wait3A_1005, %dma_wait3A_1012, %dma_wait3A_1013] : memref<8x64x128xf32, #tpu.memory_space<vmem>> -> memref<1x64x128xf32, #tpu.memory_space<vmem>>
    %dma_wait3A_1015 = tpu.memref_squeeze %dma_wait3A_1014 : memref<1x64x128xf32, #tpu.memory_space<vmem>> -> memref<64x128xf32, #tpu.memory_space<vmem>>
    %dma_wait3A_1016 = arith.constant 0 : i32
    %dma_wait3A_1017 = tpu.memref_slice %arg2[%add3A_480, %dma_wait3A_1016] : memref<131072x128xf32, #tpu.memory_space<hbm>> -> memref<64x128xf32, #tpu.memory_space<hbm>>
    tpu.wait_dma2 semaphore(%arg7 : memref<!tpu.dma_semaphore, #tpu.memory_space<semaphore_mem>>) src(%dma_wait3A_1017 : memref<64x128xf32, #tpu.memory_space<hbm>>) dst(%dma_wait3A_1015 : memref<64x128xf32, #tpu.memory_space<vmem>>)
    %add3A_1018 = arith.constant 128 : i32
    %add3A_1019 = arith.addi %mul3A_49, %add3A_1018 : i32
    %dma_start3A_1020 = arith.constant 2 : i32
    %dma_start3A_1021 = arith.constant 0 : i32
    %dma_start3A_1022 = arith.constant 0 : i32
    %dma_start3A_1023 = tpu.memref_slice %arg6[%dma_start3A_1020, %dma_start3A_1021, %dma_start3A_1022] : memref<8x64x128xf32, #tpu.memory_space<vmem>> -> memref<1x64x128xf32, #tpu.memory_space<vmem>>
    %dma_start3A_1024 = tpu.memref_squeeze %dma_start3A_1023 : memref<1x64x128xf32, #tpu.memory_space<vmem>> -> memref<64x128xf32, #tpu.memory_space<vmem>>
    %dma_start3A_1025 = arith.constant 0 : i32
    %dma_start3A_1026 = tpu.memref_slice %arg4[%add3A_1019, %dma_start3A_1025] : memref<32768x128xf32, #tpu.memory_space<hbm>> -> memref<64x128xf32, #tpu.memory_space<hbm>>
    %dma_start3A_1027 = arith.constant 0 : i32
    %dma_start3A_1028 = tpu.memref_slice %arg4[%add3A_1019, %dma_start3A_1027] : memref<32768x128xf32, #tpu.memory_space<hbm>> -> memref<64x128xf32, #tpu.memory_space<hbm>>
    %dma_start3A_1029 = arith.constant 0 : i32
    %dma_start3A_1030 = arith.constant 0 : i32
    %dma_start3A_1031 = tpu.memref_slice %arg6[%dma_start3A_1020, %dma_start3A_1029, %dma_start3A_1030] : memref<8x64x128xf32, #tpu.memory_space<vmem>> -> memref<1x64x128xf32, #tpu.memory_space<vmem>>
    %dma_start3A_1032 = tpu.memref_squeeze %dma_start3A_1031 : memref<1x64x128xf32, #tpu.memory_space<vmem>> -> memref<64x128xf32, #tpu.memory_space<vmem>>
    tpu.enqueue_dma source(%dma_start3A_1032 : memref<64x128xf32, #tpu.memory_space<vmem>>) target(%dma_start3A_1028 : memref<64x128xf32, #tpu.memory_space<hbm>>) target_semaphore(%arg8 : memref<!tpu.dma_semaphore, #tpu.memory_space<semaphore_mem>>)
    %jit3A_1033 = arith.constant 0xFF800000 : f32
    %broadcast_in_dim3A_1034 = vector.broadcast %jit3A_1033 : f32 to vector<16xf32>
    %select_n3A_1035 = arith.select %and3A_980, %get3A_2, %broadcast_in_dim3A_1034 : vector<16xi1>, vector<16xf32>
    %jit3A_1036 = arith.constant 0xFF800000 : f32
    %broadcast_in_dim3A_1037 = vector.broadcast %jit3A_1036 : f32 to vector<16xf32>
    %select_n3A_1038 = arith.select %and3A_982, %get3A_5, %broadcast_in_dim3A_1037 : vector<16xi1>, vector<16xf32>
    %jit3A_1039 = arith.constant 0xFF800000 : f32
    %broadcast_in_dim3A_1040 = vector.broadcast %jit3A_1039 : f32 to vector<16xf32>
    %select_n3A_1041 = arith.select %and3A_984, %get3A_8, %broadcast_in_dim3A_1040 : vector<16xi1>, vector<16xf32>
    %jit3A_1042 = arith.constant 0xFF800000 : f32
    %broadcast_in_dim3A_1043 = vector.broadcast %jit3A_1042 : f32 to vector<16xf32>
    %select_n3A_1044 = arith.select %and3A_986, %get3A_11, %broadcast_in_dim3A_1043 : vector<16xi1>, vector<16xf32>
    %max3A_1045 = arith.maximumf %select_n3A_1035, %select_n3A_1038 : vector<16xf32>
    %max3A_1046 = arith.maximumf %max3A_1045, %select_n3A_1041 : vector<16xf32>
    %max3A_1047 = arith.maximumf %max3A_1046, %select_n3A_1044 : vector<16xf32>
    %lt3A_1048 = arith.constant 0 : i32
    %lt3A_1049 = vector.broadcast %lt3A_1048 : i32 to vector<16xi32>
    %lt3A_1050 = arith.cmpi slt, %xor3A_36, %lt3A_1049 : vector<16xi32>
    %add3A_1051 = arith.constant 16 : i32
    %add3A_1052 = vector.broadcast %add3A_1051 : i32 to vector<16xi32>
    %add3A_1053 = arith.addi %xor3A_36, %add3A_1052 : vector<16xi32>
    %select_n3A_1054 = arith.select %lt3A_1050, %add3A_1053, %xor3A_36 : vector<16xi1>, vector<16xi32>
    %broadcast_in_dim3A_1055 = vector.shape_cast %select_n3A_1054 : vector<16xi32> to vector<16x1xi32>
    %gather3A_1056 = vector.shape_cast %broadcast_in_dim3A_1055 : vector<16x1xi32> to vector<16xi32>
    %gather3A_1057 = tpu.dynamic_gather %max3A_1047[%gather3A_1056] in [0] : vector<16xf32>, vector<16xi32> -> vector<16xf32>
    %max3A_1058 = arith.maximumf %max3A_1047, %gather3A_1057 : vector<16xf32>
    %lt3A_1059 = arith.constant 0 : i32
    %lt3A_1060 = vector.broadcast %lt3A_1059 : i32 to vector<16xi32>
    %lt3A_1061 = arith.cmpi slt, %xor3A_39, %lt3A_1060 : vector<16xi32>
    %add3A_1062 = arith.constant 16 : i32
    %add3A_1063 = vector.broadcast %add3A_1062 : i32 to vector<16xi32>
    %add3A_1064 = arith.addi %xor3A_39, %add3A_1063 : vector<16xi32>
    %select_n3A_1065 = arith.select %lt3A_1061, %add3A_1064, %xor3A_39 : vector<16xi1>, vector<16xi32>
    %broadcast_in_dim3A_1066 = vector.shape_cast %select_n3A_1065 : vector<16xi32> to vector<16x1xi32>
    %gather3A_1067 = vector.shape_cast %broadcast_in_dim3A_1066 : vector<16x1xi32> to vector<16xi32>
    %gather3A_1068 = tpu.dynamic_gather %max3A_1058[%gather3A_1067] in [0] : vector<16xf32>, vector<16xi32> -> vector<16xf32>
    %max3A_1069 = arith.maximumf %max3A_1058, %gather3A_1068 : vector<16xf32>
    %lt3A_1070 = arith.constant 0 : i32
    %lt3A_1071 = vector.broadcast %lt3A_1070 : i32 to vector<16xi32>
    %lt3A_1072 = arith.cmpi slt, %xor3A_42, %lt3A_1071 : vector<16xi32>
    %add3A_1073 = arith.constant 16 : i32
    %add3A_1074 = vector.broadcast %add3A_1073 : i32 to vector<16xi32>
    %add3A_1075 = arith.addi %xor3A_42, %add3A_1074 : vector<16xi32>
    %select_n3A_1076 = arith.select %lt3A_1072, %add3A_1075, %xor3A_42 : vector<16xi1>, vector<16xi32>
    %broadcast_in_dim3A_1077 = vector.shape_cast %select_n3A_1076 : vector<16xi32> to vector<16x1xi32>
    %gather3A_1078 = vector.shape_cast %broadcast_in_dim3A_1077 : vector<16x1xi32> to vector<16xi32>
    %gather3A_1079 = tpu.dynamic_gather %max3A_1069[%gather3A_1078] in [0] : vector<16xf32>, vector<16xi32> -> vector<16xf32>
    %max3A_1080 = arith.maximumf %max3A_1069, %gather3A_1079 : vector<16xf32>
    %lt3A_1081 = arith.constant 0 : i32
    %lt3A_1082 = vector.broadcast %lt3A_1081 : i32 to vector<16xi32>
    %lt3A_1083 = arith.cmpi slt, %xor3A_45, %lt3A_1082 : vector<16xi32>
    %add3A_1084 = arith.constant 16 : i32
    %add3A_1085 = vector.broadcast %add3A_1084 : i32 to vector<16xi32>
    %add3A_1086 = arith.addi %xor3A_45, %add3A_1085 : vector<16xi32>
    %select_n3A_1087 = arith.select %lt3A_1083, %add3A_1086, %xor3A_45 : vector<16xi1>, vector<16xi32>
    %broadcast_in_dim3A_1088 = vector.shape_cast %select_n3A_1087 : vector<16xi32> to vector<16x1xi32>
    %gather3A_1089 = vector.shape_cast %broadcast_in_dim3A_1088 : vector<16x1xi32> to vector<16xi32>
    %gather3A_1090 = tpu.dynamic_gather %max3A_1080[%gather3A_1089] in [0] : vector<16xf32>, vector<16xi32> -> vector<16xf32>
    %max3A_1091 = arith.maximumf %max3A_1080, %gather3A_1090 : vector<16xf32>
    %eq3A_1092 = arith.cmpf oeq, %get3A_2, %max3A_1091 : vector<16xf32>
    %and3A_1093 = arith.andi %and3A_980, %eq3A_1092 : vector<16xi1>
    %jit3A_1094 = arith.constant 64 : i32
    %broadcast_in_dim3A_1095 = vector.broadcast %jit3A_1094 : i32 to vector<16xi32>
    %select_n3A_1096 = arith.select %and3A_1093, %add3A_14, %broadcast_in_dim3A_1095 : vector<16xi1>, vector<16xi32>
    %eq3A_1097 = arith.cmpf oeq, %get3A_5, %max3A_1091 : vector<16xf32>
    %and3A_1098 = arith.andi %and3A_982, %eq3A_1097 : vector<16xi1>
    %jit3A_1099 = arith.constant 64 : i32
    %broadcast_in_dim3A_1100 = vector.broadcast %jit3A_1099 : i32 to vector<16xi32>
    %select_n3A_1101 = arith.select %and3A_1098, %add3A_18, %broadcast_in_dim3A_1100 : vector<16xi1>, vector<16xi32>
    %min3A_1102 = arith.minsi %select_n3A_1096, %select_n3A_1101 : vector<16xi32>
    %eq3A_1103 = arith.cmpf oeq, %get3A_8, %max3A_1091 : vector<16xf32>
    %and3A_1104 = arith.andi %and3A_984, %eq3A_1103 : vector<16xi1>
    %jit3A_1105 = arith.constant 64 : i32
    %broadcast_in_dim3A_1106 = vector.broadcast %jit3A_1105 : i32 to vector<16xi32>
    %select_n3A_1107 = arith.select %and3A_1104, %add3A_22, %broadcast_in_dim3A_1106 : vector<16xi1>, vector<16xi32>
    %min3A_1108 = arith.minsi %min3A_1102, %select_n3A_1107 : vector<16xi32>
    %eq3A_1109 = arith.cmpf oeq, %get3A_11, %max3A_1091 : vector<16xf32>
    %and3A_1110 = arith.andi %and3A_986, %eq3A_1109 : vector<16xi1>
    %jit3A_1111 = arith.constant 64 : i32
    %broadcast_in_dim3A_1112 = vector.broadcast %jit3A_1111 : i32 to vector<16xi32>
    %select_n3A_1113 = arith.select %and3A_1110, %add3A_26, %broadcast_in_dim3A_1112 : vector<16xi1>, vector<16xi32>
    %min3A_1114 = arith.minsi %min3A_1108, %select_n3A_1113 : vector<16xi32>
    %lt3A_1115 = arith.constant 0 : i32
    %lt3A_1116 = vector.broadcast %lt3A_1115 : i32 to vector<16xi32>
    %lt3A_1117 = arith.cmpi slt, %xor3A_36, %lt3A_1116 : vector<16xi32>
    %add3A_1118 = arith.constant 16 : i32
    %add3A_1119 = vector.broadcast %add3A_1118 : i32 to vector<16xi32>
    %add3A_1120 = arith.addi %xor3A_36, %add3A_1119 : vector<16xi32>
    %select_n3A_1121 = arith.select %lt3A_1117, %add3A_1120, %xor3A_36 : vector<16xi1>, vector<16xi32>
    %broadcast_in_dim3A_1122 = vector.shape_cast %select_n3A_1121 : vector<16xi32> to vector<16x1xi32>
    %gather3A_1123 = vector.shape_cast %broadcast_in_dim3A_1122 : vector<16x1xi32> to vector<16xi32>
    %gather3A_1124 = tpu.dynamic_gather %min3A_1114[%gather3A_1123] in [0] : vector<16xi32>, vector<16xi32> -> vector<16xi32>
    %min3A_1125 = arith.minsi %min3A_1114, %gather3A_1124 : vector<16xi32>
    %lt3A_1126 = arith.constant 0 : i32
    %lt3A_1127 = vector.broadcast %lt3A_1126 : i32 to vector<16xi32>
    %lt3A_1128 = arith.cmpi slt, %xor3A_39, %lt3A_1127 : vector<16xi32>
    %add3A_1129 = arith.constant 16 : i32
    %add3A_1130 = vector.broadcast %add3A_1129 : i32 to vector<16xi32>
    %add3A_1131 = arith.addi %xor3A_39, %add3A_1130 : vector<16xi32>
    %select_n3A_1132 = arith.select %lt3A_1128, %add3A_1131, %xor3A_39 : vector<16xi1>, vector<16xi32>
    %broadcast_in_dim3A_1133 = vector.shape_cast %select_n3A_1132 : vector<16xi32> to vector<16x1xi32>
    %gather3A_1134 = vector.shape_cast %broadcast_in_dim3A_1133 : vector<16x1xi32> to vector<16xi32>
    %gather3A_1135 = tpu.dynamic_gather %min3A_1125[%gather3A_1134] in [0] : vector<16xi32>, vector<16xi32> -> vector<16xi32>
    %min3A_1136 = arith.minsi %min3A_1125, %gather3A_1135 : vector<16xi32>
    %lt3A_1137 = arith.constant 0 : i32
    %lt3A_1138 = vector.broadcast %lt3A_1137 : i32 to vector<16xi32>
    %lt3A_1139 = arith.cmpi slt, %xor3A_42, %lt3A_1138 : vector<16xi32>
    %add3A_1140 = arith.constant 16 : i32
    %add3A_1141 = vector.broadcast %add3A_1140 : i32 to vector<16xi32>
    %add3A_1142 = arith.addi %xor3A_42, %add3A_1141 : vector<16xi32>
    %select_n3A_1143 = arith.select %lt3A_1139, %add3A_1142, %xor3A_42 : vector<16xi1>, vector<16xi32>
    %broadcast_in_dim3A_1144 = vector.shape_cast %select_n3A_1143 : vector<16xi32> to vector<16x1xi32>
    %gather3A_1145 = vector.shape_cast %broadcast_in_dim3A_1144 : vector<16x1xi32> to vector<16xi32>
    %gather3A_1146 = tpu.dynamic_gather %min3A_1136[%gather3A_1145] in [0] : vector<16xi32>, vector<16xi32> -> vector<16xi32>
    %min3A_1147 = arith.minsi %min3A_1136, %gather3A_1146 : vector<16xi32>
    %lt3A_1148 = arith.constant 0 : i32
    %lt3A_1149 = vector.broadcast %lt3A_1148 : i32 to vector<16xi32>
    %lt3A_1150 = arith.cmpi slt, %xor3A_45, %lt3A_1149 : vector<16xi32>
    %add3A_1151 = arith.constant 16 : i32
    %add3A_1152 = vector.broadcast %add3A_1151 : i32 to vector<16xi32>
    %add3A_1153 = arith.addi %xor3A_45, %add3A_1152 : vector<16xi32>
    %select_n3A_1154 = arith.select %lt3A_1150, %add3A_1153, %xor3A_45 : vector<16xi1>, vector<16xi32>
    %broadcast_in_dim3A_1155 = vector.shape_cast %select_n3A_1154 : vector<16xi32> to vector<16x1xi32>
    %gather3A_1156 = vector.shape_cast %broadcast_in_dim3A_1155 : vector<16x1xi32> to vector<16xi32>
    %gather3A_1157 = tpu.dynamic_gather %min3A_1147[%gather3A_1156] in [0] : vector<16xi32>, vector<16xi32> -> vector<16xi32>
    %min3A_1158 = arith.minsi %min3A_1147, %gather3A_1157 : vector<16xi32>
    %ne3A_1159 = arith.cmpi ne, %add3A_14, %min3A_1158 : vector<16xi32>
    %and3A_1160 = arith.andi %and3A_980, %ne3A_1159 : vector<16xi1>
    %ne3A_1161 = arith.cmpi ne, %add3A_18, %min3A_1158 : vector<16xi32>
    %and3A_1162 = arith.andi %and3A_982, %ne3A_1161 : vector<16xi1>
    %ne3A_1163 = arith.cmpi ne, %add3A_22, %min3A_1158 : vector<16xi32>
    %and3A_1164 = arith.andi %and3A_984, %ne3A_1163 : vector<16xi1>
    %ne3A_1165 = arith.cmpi ne, %add3A_26, %min3A_1158 : vector<16xi32>
    %and3A_1166 = arith.andi %and3A_986, %ne3A_1165 : vector<16xi1>
    %slice3A_1167 = vector.extract_strided_slice %min3A_1158 {offsets = [0], sizes = [1], strides = [1]} : vector<16xi32> to vector<1xi32>
    %squeeze3A_1168 = vector.extract %slice3A_1167[0] : i32 from vector<1xi32>
    %mul3A_1169 = arith.constant 64 : i32
    %mul3A_1170 = arith.muli %squeeze3A_1168, %mul3A_1169 : i32
    %add3A_1171 = arith.addi %mul3A_47, %mul3A_1170 : i32
    %dma_start3A_1172 = arith.constant 6 : i32
    %dma_start3A_1173 = arith.constant 0 : i32
    %dma_start3A_1174 = arith.constant 0 : i32
    %dma_start3A_1175 = tpu.memref_slice %arg6[%dma_start3A_1172, %dma_start3A_1173, %dma_start3A_1174] : memref<8x64x128xf32, #tpu.memory_space<vmem>> -> memref<1x64x128xf32, #tpu.memory_space<vmem>>
    %dma_start3A_1176 = tpu.memref_squeeze %dma_start3A_1175 : memref<1x64x128xf32, #tpu.memory_space<vmem>> -> memref<64x128xf32, #tpu.memory_space<vmem>>
    %dma_start3A_1177 = arith.constant 0 : i32
    %dma_start3A_1178 = tpu.memref_slice %arg2[%add3A_1171, %dma_start3A_1177] : memref<131072x128xf32, #tpu.memory_space<hbm>> -> memref<64x128xf32, #tpu.memory_space<hbm>>
    %dma_start3A_1179 = arith.constant 0 : i32
    %dma_start3A_1180 = arith.constant 0 : i32
    %dma_start3A_1181 = tpu.memref_slice %arg6[%dma_start3A_1172, %dma_start3A_1179, %dma_start3A_1180] : memref<8x64x128xf32, #tpu.memory_space<vmem>> -> memref<1x64x128xf32, #tpu.memory_space<vmem>>
    %dma_start3A_1182 = tpu.memref_squeeze %dma_start3A_1181 : memref<1x64x128xf32, #tpu.memory_space<vmem>> -> memref<64x128xf32, #tpu.memory_space<vmem>>
    %dma_start3A_1183 = arith.constant 0 : i32
    %dma_start3A_1184 = tpu.memref_slice %arg2[%add3A_1171, %dma_start3A_1183] : memref<131072x128xf32, #tpu.memory_space<hbm>> -> memref<64x128xf32, #tpu.memory_space<hbm>>
    tpu.enqueue_dma source(%dma_start3A_1184 : memref<64x128xf32, #tpu.memory_space<hbm>>) target(%dma_start3A_1182 : memref<64x128xf32, #tpu.memory_space<vmem>>) target_semaphore(%arg7 : memref<!tpu.dma_semaphore, #tpu.memory_space<semaphore_mem>>)
    %dma_wait3A_1185 = arith.constant 3 : i32
    %dma_wait3A_1186 = arith.constant 0 : i32
    %dma_wait3A_1187 = arith.constant 0 : i32
    %dma_wait3A_1188 = tpu.memref_slice %arg6[%dma_wait3A_1185, %dma_wait3A_1186, %dma_wait3A_1187] : memref<8x64x128xf32, #tpu.memory_space<vmem>> -> memref<1x64x128xf32, #tpu.memory_space<vmem>>
    %dma_wait3A_1189 = tpu.memref_squeeze %dma_wait3A_1188 : memref<1x64x128xf32, #tpu.memory_space<vmem>> -> memref<64x128xf32, #tpu.memory_space<vmem>>
    %dma_wait3A_1190 = arith.constant 0 : i32
    %dma_wait3A_1191 = tpu.memref_slice %arg2[%add3A_632, %dma_wait3A_1190] : memref<131072x128xf32, #tpu.memory_space<hbm>> -> memref<64x128xf32, #tpu.memory_space<hbm>>
    %dma_wait3A_1192 = arith.constant 0 : i32
    %dma_wait3A_1193 = arith.constant 0 : i32
    %dma_wait3A_1194 = tpu.memref_slice %arg6[%dma_wait3A_1185, %dma_wait3A_1192, %dma_wait3A_1193] : memref<8x64x128xf32, #tpu.memory_space<vmem>> -> memref<1x64x128xf32, #tpu.memory_space<vmem>>
    %dma_wait3A_1195 = tpu.memref_squeeze %dma_wait3A_1194 : memref<1x64x128xf32, #tpu.memory_space<vmem>> -> memref<64x128xf32, #tpu.memory_space<vmem>>
    %dma_wait3A_1196 = arith.constant 0 : i32
    %dma_wait3A_1197 = tpu.memref_slice %arg2[%add3A_632, %dma_wait3A_1196] : memref<131072x128xf32, #tpu.memory_space<hbm>> -> memref<64x128xf32, #tpu.memory_space<hbm>>
    tpu.wait_dma2 semaphore(%arg7 : memref<!tpu.dma_semaphore, #tpu.memory_space<semaphore_mem>>) src(%dma_wait3A_1197 : memref<64x128xf32, #tpu.memory_space<hbm>>) dst(%dma_wait3A_1195 : memref<64x128xf32, #tpu.memory_space<vmem>>)
    %add3A_1198 = arith.constant 192 : i32
    %add3A_1199 = arith.addi %mul3A_49, %add3A_1198 : i32
    %dma_start3A_1200 = arith.constant 3 : i32
    %dma_start3A_1201 = arith.constant 0 : i32
    %dma_start3A_1202 = arith.constant 0 : i32
    %dma_start3A_1203 = tpu.memref_slice %arg6[%dma_start3A_1200, %dma_start3A_1201, %dma_start3A_1202] : memref<8x64x128xf32, #tpu.memory_space<vmem>> -> memref<1x64x128xf32, #tpu.memory_space<vmem>>
    %dma_start3A_1204 = tpu.memref_squeeze %dma_start3A_1203 : memref<1x64x128xf32, #tpu.memory_space<vmem>> -> memref<64x128xf32, #tpu.memory_space<vmem>>
    %dma_start3A_1205 = arith.constant 0 : i32
    %dma_start3A_1206 = tpu.memref_slice %arg4[%add3A_1199, %dma_start3A_1205] : memref<32768x128xf32, #tpu.memory_space<hbm>> -> memref<64x128xf32, #tpu.memory_space<hbm>>
    %dma_start3A_1207 = arith.constant 0 : i32
    %dma_start3A_1208 = tpu.memref_slice %arg4[%add3A_1199, %dma_start3A_1207] : memref<32768x128xf32, #tpu.memory_space<hbm>> -> memref<64x128xf32, #tpu.memory_space<hbm>>
    %dma_start3A_1209 = arith.constant 0 : i32
    %dma_start3A_1210 = arith.constant 0 : i32
    %dma_start3A_1211 = tpu.memref_slice %arg6[%dma_start3A_1200, %dma_start3A_1209, %dma_start3A_1210] : memref<8x64x128xf32, #tpu.memory_space<vmem>> -> memref<1x64x128xf32, #tpu.memory_space<vmem>>
    %dma_start3A_1212 = tpu.memref_squeeze %dma_start3A_1211 : memref<1x64x128xf32, #tpu.memory_space<vmem>> -> memref<64x128xf32, #tpu.memory_space<vmem>>
    tpu.enqueue_dma source(%dma_start3A_1212 : memref<64x128xf32, #tpu.memory_space<vmem>>) target(%dma_start3A_1208 : memref<64x128xf32, #tpu.memory_space<hbm>>) target_semaphore(%arg8 : memref<!tpu.dma_semaphore, #tpu.memory_space<semaphore_mem>>)
    %jit3A_1213 = arith.constant 0xFF800000 : f32
    %broadcast_in_dim3A_1214 = vector.broadcast %jit3A_1213 : f32 to vector<16xf32>
    %select_n3A_1215 = arith.select %and3A_1160, %get3A_2, %broadcast_in_dim3A_1214 : vector<16xi1>, vector<16xf32>
    %jit3A_1216 = arith.constant 0xFF800000 : f32
    %broadcast_in_dim3A_1217 = vector.broadcast %jit3A_1216 : f32 to vector<16xf32>
    %select_n3A_1218 = arith.select %and3A_1162, %get3A_5, %broadcast_in_dim3A_1217 : vector<16xi1>, vector<16xf32>
    %jit3A_1219 = arith.constant 0xFF800000 : f32
    %broadcast_in_dim3A_1220 = vector.broadcast %jit3A_1219 : f32 to vector<16xf32>
    %select_n3A_1221 = arith.select %and3A_1164, %get3A_8, %broadcast_in_dim3A_1220 : vector<16xi1>, vector<16xf32>
    %jit3A_1222 = arith.constant 0xFF800000 : f32
    %broadcast_in_dim3A_1223 = vector.broadcast %jit3A_1222 : f32 to vector<16xf32>
    %select_n3A_1224 = arith.select %and3A_1166, %get3A_11, %broadcast_in_dim3A_1223 : vector<16xi1>, vector<16xf32>
    %max3A_1225 = arith.maximumf %select_n3A_1215, %select_n3A_1218 : vector<16xf32>
    %max3A_1226 = arith.maximumf %max3A_1225, %select_n3A_1221 : vector<16xf32>
    %max3A_1227 = arith.maximumf %max3A_1226, %select_n3A_1224 : vector<16xf32>
    %lt3A_1228 = arith.constant 0 : i32
    %lt3A_1229 = vector.broadcast %lt3A_1228 : i32 to vector<16xi32>
    %lt3A_1230 = arith.cmpi slt, %xor3A_36, %lt3A_1229 : vector<16xi32>
    %add3A_1231 = arith.constant 16 : i32
    %add3A_1232 = vector.broadcast %add3A_1231 : i32 to vector<16xi32>
    %add3A_1233 = arith.addi %xor3A_36, %add3A_1232 : vector<16xi32>
    %select_n3A_1234 = arith.select %lt3A_1230, %add3A_1233, %xor3A_36 : vector<16xi1>, vector<16xi32>
    %broadcast_in_dim3A_1235 = vector.shape_cast %select_n3A_1234 : vector<16xi32> to vector<16x1xi32>
    %gather3A_1236 = vector.shape_cast %broadcast_in_dim3A_1235 : vector<16x1xi32> to vector<16xi32>
    %gather3A_1237 = tpu.dynamic_gather %max3A_1227[%gather3A_1236] in [0] : vector<16xf32>, vector<16xi32> -> vector<16xf32>
    %max3A_1238 = arith.maximumf %max3A_1227, %gather3A_1237 : vector<16xf32>
    %lt3A_1239 = arith.constant 0 : i32
    %lt3A_1240 = vector.broadcast %lt3A_1239 : i32 to vector<16xi32>
    %lt3A_1241 = arith.cmpi slt, %xor3A_39, %lt3A_1240 : vector<16xi32>
    %add3A_1242 = arith.constant 16 : i32
    %add3A_1243 = vector.broadcast %add3A_1242 : i32 to vector<16xi32>
    %add3A_1244 = arith.addi %xor3A_39, %add3A_1243 : vector<16xi32>
    %select_n3A_1245 = arith.select %lt3A_1241, %add3A_1244, %xor3A_39 : vector<16xi1>, vector<16xi32>
    %broadcast_in_dim3A_1246 = vector.shape_cast %select_n3A_1245 : vector<16xi32> to vector<16x1xi32>
    %gather3A_1247 = vector.shape_cast %broadcast_in_dim3A_1246 : vector<16x1xi32> to vector<16xi32>
    %gather3A_1248 = tpu.dynamic_gather %max3A_1238[%gather3A_1247] in [0] : vector<16xf32>, vector<16xi32> -> vector<16xf32>
    %max3A_1249 = arith.maximumf %max3A_1238, %gather3A_1248 : vector<16xf32>
    %lt3A_1250 = arith.constant 0 : i32
    %lt3A_1251 = vector.broadcast %lt3A_1250 : i32 to vector<16xi32>
    %lt3A_1252 = arith.cmpi slt, %xor3A_42, %lt3A_1251 : vector<16xi32>
    %add3A_1253 = arith.constant 16 : i32
    %add3A_1254 = vector.broadcast %add3A_1253 : i32 to vector<16xi32>
    %add3A_1255 = arith.addi %xor3A_42, %add3A_1254 : vector<16xi32>
    %select_n3A_1256 = arith.select %lt3A_1252, %add3A_1255, %xor3A_42 : vector<16xi1>, vector<16xi32>
    %broadcast_in_dim3A_1257 = vector.shape_cast %select_n3A_1256 : vector<16xi32> to vector<16x1xi32>
    %gather3A_1258 = vector.shape_cast %broadcast_in_dim3A_1257 : vector<16x1xi32> to vector<16xi32>
    %gather3A_1259 = tpu.dynamic_gather %max3A_1249[%gather3A_1258] in [0] : vector<16xf32>, vector<16xi32> -> vector<16xf32>
    %max3A_1260 = arith.maximumf %max3A_1249, %gather3A_1259 : vector<16xf32>
    %lt3A_1261 = arith.constant 0 : i32
    %lt3A_1262 = vector.broadcast %lt3A_1261 : i32 to vector<16xi32>
    %lt3A_1263 = arith.cmpi slt, %xor3A_45, %lt3A_1262 : vector<16xi32>
    %add3A_1264 = arith.constant 16 : i32
    %add3A_1265 = vector.broadcast %add3A_1264 : i32 to vector<16xi32>
    %add3A_1266 = arith.addi %xor3A_45, %add3A_1265 : vector<16xi32>
    %select_n3A_1267 = arith.select %lt3A_1263, %add3A_1266, %xor3A_45 : vector<16xi1>, vector<16xi32>
    %broadcast_in_dim3A_1268 = vector.shape_cast %select_n3A_1267 : vector<16xi32> to vector<16x1xi32>
    %gather3A_1269 = vector.shape_cast %broadcast_in_dim3A_1268 : vector<16x1xi32> to vector<16xi32>
    %gather3A_1270 = tpu.dynamic_gather %max3A_1260[%gather3A_1269] in [0] : vector<16xf32>, vector<16xi32> -> vector<16xf32>
    %max3A_1271 = arith.maximumf %max3A_1260, %gather3A_1270 : vector<16xf32>
    %eq3A_1272 = arith.cmpf oeq, %get3A_2, %max3A_1271 : vector<16xf32>
    %and3A_1273 = arith.andi %and3A_1160, %eq3A_1272 : vector<16xi1>
    %jit3A_1274 = arith.constant 64 : i32
    %broadcast_in_dim3A_1275 = vector.broadcast %jit3A_1274 : i32 to vector<16xi32>
    %select_n3A_1276 = arith.select %and3A_1273, %add3A_14, %broadcast_in_dim3A_1275 : vector<16xi1>, vector<16xi32>
    %eq3A_1277 = arith.cmpf oeq, %get3A_5, %max3A_1271 : vector<16xf32>
    %and3A_1278 = arith.andi %and3A_1162, %eq3A_1277 : vector<16xi1>
    %jit3A_1279 = arith.constant 64 : i32
    %broadcast_in_dim3A_1280 = vector.broadcast %jit3A_1279 : i32 to vector<16xi32>
    %select_n3A_1281 = arith.select %and3A_1278, %add3A_18, %broadcast_in_dim3A_1280 : vector<16xi1>, vector<16xi32>
    %min3A_1282 = arith.minsi %select_n3A_1276, %select_n3A_1281 : vector<16xi32>
    %eq3A_1283 = arith.cmpf oeq, %get3A_8, %max3A_1271 : vector<16xf32>
    %and3A_1284 = arith.andi %and3A_1164, %eq3A_1283 : vector<16xi1>
    %jit3A_1285 = arith.constant 64 : i32
    %broadcast_in_dim3A_1286 = vector.broadcast %jit3A_1285 : i32 to vector<16xi32>
    %select_n3A_1287 = arith.select %and3A_1284, %add3A_22, %broadcast_in_dim3A_1286 : vector<16xi1>, vector<16xi32>
    %min3A_1288 = arith.minsi %min3A_1282, %select_n3A_1287 : vector<16xi32>
    %eq3A_1289 = arith.cmpf oeq, %get3A_11, %max3A_1271 : vector<16xf32>
    %and3A_1290 = arith.andi %and3A_1166, %eq3A_1289 : vector<16xi1>
    %jit3A_1291 = arith.constant 64 : i32
    %broadcast_in_dim3A_1292 = vector.broadcast %jit3A_1291 : i32 to vector<16xi32>
    %select_n3A_1293 = arith.select %and3A_1290, %add3A_26, %broadcast_in_dim3A_1292 : vector<16xi1>, vector<16xi32>
    %min3A_1294 = arith.minsi %min3A_1288, %select_n3A_1293 : vector<16xi32>
    %lt3A_1295 = arith.constant 0 : i32
    %lt3A_1296 = vector.broadcast %lt3A_1295 : i32 to vector<16xi32>
    %lt3A_1297 = arith.cmpi slt, %xor3A_36, %lt3A_1296 : vector<16xi32>
    %add3A_1298 = arith.constant 16 : i32
    %add3A_1299 = vector.broadcast %add3A_1298 : i32 to vector<16xi32>
    %add3A_1300 = arith.addi %xor3A_36, %add3A_1299 : vector<16xi32>
    %select_n3A_1301 = arith.select %lt3A_1297, %add3A_1300, %xor3A_36 : vector<16xi1>, vector<16xi32>
    %broadcast_in_dim3A_1302 = vector.shape_cast %select_n3A_1301 : vector<16xi32> to vector<16x1xi32>
    %gather3A_1303 = vector.shape_cast %broadcast_in_dim3A_1302 : vector<16x1xi32> to vector<16xi32>
    %gather3A_1304 = tpu.dynamic_gather %min3A_1294[%gather3A_1303] in [0] : vector<16xi32>, vector<16xi32> -> vector<16xi32>
    %min3A_1305 = arith.minsi %min3A_1294, %gather3A_1304 : vector<16xi32>
    %lt3A_1306 = arith.constant 0 : i32
    %lt3A_1307 = vector.broadcast %lt3A_1306 : i32 to vector<16xi32>
    %lt3A_1308 = arith.cmpi slt, %xor3A_39, %lt3A_1307 : vector<16xi32>
    %add3A_1309 = arith.constant 16 : i32
    %add3A_1310 = vector.broadcast %add3A_1309 : i32 to vector<16xi32>
    %add3A_1311 = arith.addi %xor3A_39, %add3A_1310 : vector<16xi32>
    %select_n3A_1312 = arith.select %lt3A_1308, %add3A_1311, %xor3A_39 : vector<16xi1>, vector<16xi32>
    %broadcast_in_dim3A_1313 = vector.shape_cast %select_n3A_1312 : vector<16xi32> to vector<16x1xi32>
    %gather3A_1314 = vector.shape_cast %broadcast_in_dim3A_1313 : vector<16x1xi32> to vector<16xi32>
    %gather3A_1315 = tpu.dynamic_gather %min3A_1305[%gather3A_1314] in [0] : vector<16xi32>, vector<16xi32> -> vector<16xi32>
    %min3A_1316 = arith.minsi %min3A_1305, %gather3A_1315 : vector<16xi32>
    %lt3A_1317 = arith.constant 0 : i32
    %lt3A_1318 = vector.broadcast %lt3A_1317 : i32 to vector<16xi32>
    %lt3A_1319 = arith.cmpi slt, %xor3A_42, %lt3A_1318 : vector<16xi32>
    %add3A_1320 = arith.constant 16 : i32
    %add3A_1321 = vector.broadcast %add3A_1320 : i32 to vector<16xi32>
    %add3A_1322 = arith.addi %xor3A_42, %add3A_1321 : vector<16xi32>
    %select_n3A_1323 = arith.select %lt3A_1319, %add3A_1322, %xor3A_42 : vector<16xi1>, vector<16xi32>
    %broadcast_in_dim3A_1324 = vector.shape_cast %select_n3A_1323 : vector<16xi32> to vector<16x1xi32>
    %gather3A_1325 = vector.shape_cast %broadcast_in_dim3A_1324 : vector<16x1xi32> to vector<16xi32>
    %gather3A_1326 = tpu.dynamic_gather %min3A_1316[%gather3A_1325] in [0] : vector<16xi32>, vector<16xi32> -> vector<16xi32>
    %min3A_1327 = arith.minsi %min3A_1316, %gather3A_1326 : vector<16xi32>
    %lt3A_1328 = arith.constant 0 : i32
    %lt3A_1329 = vector.broadcast %lt3A_1328 : i32 to vector<16xi32>
    %lt3A_1330 = arith.cmpi slt, %xor3A_45, %lt3A_1329 : vector<16xi32>
    %add3A_1331 = arith.constant 16 : i32
    %add3A_1332 = vector.broadcast %add3A_1331 : i32 to vector<16xi32>
    %add3A_1333 = arith.addi %xor3A_45, %add3A_1332 : vector<16xi32>
    %select_n3A_1334 = arith.select %lt3A_1330, %add3A_1333, %xor3A_45 : vector<16xi1>, vector<16xi32>
    %broadcast_in_dim3A_1335 = vector.shape_cast %select_n3A_1334 : vector<16xi32> to vector<16x1xi32>
    %gather3A_1336 = vector.shape_cast %broadcast_in_dim3A_1335 : vector<16x1xi32> to vector<16xi32>
    %gather3A_1337 = tpu.dynamic_gather %min3A_1327[%gather3A_1336] in [0] : vector<16xi32>, vector<16xi32> -> vector<16xi32>
    %min3A_1338 = arith.minsi %min3A_1327, %gather3A_1337 : vector<16xi32>
    %ne3A_1339 = arith.cmpi ne, %add3A_14, %min3A_1338 : vector<16xi32>
    %and3A_1340 = arith.andi %and3A_1160, %ne3A_1339 : vector<16xi1>
    %ne3A_1341 = arith.cmpi ne, %add3A_18, %min3A_1338 : vector<16xi32>
    %and3A_1342 = arith.andi %and3A_1162, %ne3A_1341 : vector<16xi1>
    %ne3A_1343 = arith.cmpi ne, %add3A_22, %min3A_1338 : vector<16xi32>
    %and3A_1344 = arith.andi %and3A_1164, %ne3A_1343 : vector<16xi1>
    %ne3A_1345 = arith.cmpi ne, %add3A_26, %min3A_1338 : vector<16xi32>
    %and3A_1346 = arith.andi %and3A_1166, %ne3A_1345 : vector<16xi1>
    %slice3A_1347 = vector.extract_strided_slice %min3A_1338 {offsets = [0], sizes = [1], strides = [1]} : vector<16xi32> to vector<1xi32>
    %squeeze3A_1348 = vector.extract %slice3A_1347[0] : i32 from vector<1xi32>
    %mul3A_1349 = arith.constant 64 : i32
    %mul3A_1350 = arith.muli %squeeze3A_1348, %mul3A_1349 : i32
    %add3A_1351 = arith.addi %mul3A_47, %mul3A_1350 : i32
    %dma_start3A_1352 = arith.constant 7 : i32
    %dma_start3A_1353 = arith.constant 0 : i32
    %dma_start3A_1354 = arith.constant 0 : i32
    %dma_start3A_1355 = tpu.memref_slice %arg6[%dma_start3A_1352, %dma_start3A_1353, %dma_start3A_1354] : memref<8x64x128xf32, #tpu.memory_space<vmem>> -> memref<1x64x128xf32, #tpu.memory_space<vmem>>
    %dma_start3A_1356 = tpu.memref_squeeze %dma_start3A_1355 : memref<1x64x128xf32, #tpu.memory_space<vmem>> -> memref<64x128xf32, #tpu.memory_space<vmem>>
    %dma_start3A_1357 = arith.constant 0 : i32
    %dma_start3A_1358 = tpu.memref_slice %arg2[%add3A_1351, %dma_start3A_1357] : memref<131072x128xf32, #tpu.memory_space<hbm>> -> memref<64x128xf32, #tpu.memory_space<hbm>>
    %dma_start3A_1359 = arith.constant 0 : i32
    %dma_start3A_1360 = arith.constant 0 : i32
    %dma_start3A_1361 = tpu.memref_slice %arg6[%dma_start3A_1352, %dma_start3A_1359, %dma_start3A_1360] : memref<8x64x128xf32, #tpu.memory_space<vmem>> -> memref<1x64x128xf32, #tpu.memory_space<vmem>>
    %dma_start3A_1362 = tpu.memref_squeeze %dma_start3A_1361 : memref<1x64x128xf32, #tpu.memory_space<vmem>> -> memref<64x128xf32, #tpu.memory_space<vmem>>
    %dma_start3A_1363 = arith.constant 0 : i32
    %dma_start3A_1364 = tpu.memref_slice %arg2[%add3A_1351, %dma_start3A_1363] : memref<131072x128xf32, #tpu.memory_space<hbm>> -> memref<64x128xf32, #tpu.memory_space<hbm>>
    tpu.enqueue_dma source(%dma_start3A_1364 : memref<64x128xf32, #tpu.memory_space<hbm>>) target(%dma_start3A_1362 : memref<64x128xf32, #tpu.memory_space<vmem>>) target_semaphore(%arg7 : memref<!tpu.dma_semaphore, #tpu.memory_space<semaphore_mem>>)
    %dma_wait3A_1365 = arith.constant 4 : i32
    %dma_wait3A_1366 = arith.constant 0 : i32
    %dma_wait3A_1367 = arith.constant 0 : i32
    %dma_wait3A_1368 = tpu.memref_slice %arg6[%dma_wait3A_1365, %dma_wait3A_1366, %dma_wait3A_1367] : memref<8x64x128xf32, #tpu.memory_space<vmem>> -> memref<1x64x128xf32, #tpu.memory_space<vmem>>
    %dma_wait3A_1369 = tpu.memref_squeeze %dma_wait3A_1368 : memref<1x64x128xf32, #tpu.memory_space<vmem>> -> memref<64x128xf32, #tpu.memory_space<vmem>>
    %dma_wait3A_1370 = arith.constant 0 : i32
    %dma_wait3A_1371 = tpu.memref_slice %arg2[%add3A_811, %dma_wait3A_1370] : memref<131072x128xf32, #tpu.memory_space<hbm>> -> memref<64x128xf32, #tpu.memory_space<hbm>>
    %dma_wait3A_1372 = arith.constant 0 : i32
    %dma_wait3A_1373 = arith.constant 0 : i32
    %dma_wait3A_1374 = tpu.memref_slice %arg6[%dma_wait3A_1365, %dma_wait3A_1372, %dma_wait3A_1373] : memref<8x64x128xf32, #tpu.memory_space<vmem>> -> memref<1x64x128xf32, #tpu.memory_space<vmem>>
    %dma_wait3A_1375 = tpu.memref_squeeze %dma_wait3A_1374 : memref<1x64x128xf32, #tpu.memory_space<vmem>> -> memref<64x128xf32, #tpu.memory_space<vmem>>
    %dma_wait3A_1376 = arith.constant 0 : i32
    %dma_wait3A_1377 = tpu.memref_slice %arg2[%add3A_811, %dma_wait3A_1376] : memref<131072x128xf32, #tpu.memory_space<hbm>> -> memref<64x128xf32, #tpu.memory_space<hbm>>
    tpu.wait_dma2 semaphore(%arg7 : memref<!tpu.dma_semaphore, #tpu.memory_space<semaphore_mem>>) src(%dma_wait3A_1377 : memref<64x128xf32, #tpu.memory_space<hbm>>) dst(%dma_wait3A_1375 : memref<64x128xf32, #tpu.memory_space<vmem>>)
    %add3A_1378 = arith.constant 256 : i32
    %add3A_1379 = arith.addi %mul3A_49, %add3A_1378 : i32
    %dma_start3A_1380 = arith.constant 4 : i32
    %dma_start3A_1381 = arith.constant 0 : i32
    %dma_start3A_1382 = arith.constant 0 : i32
    %dma_start3A_1383 = tpu.memref_slice %arg6[%dma_start3A_1380, %dma_start3A_1381, %dma_start3A_1382] : memref<8x64x128xf32, #tpu.memory_space<vmem>> -> memref<1x64x128xf32, #tpu.memory_space<vmem>>
    %dma_start3A_1384 = tpu.memref_squeeze %dma_start3A_1383 : memref<1x64x128xf32, #tpu.memory_space<vmem>> -> memref<64x128xf32, #tpu.memory_space<vmem>>
    %dma_start3A_1385 = arith.constant 0 : i32
    %dma_start3A_1386 = tpu.memref_slice %arg4[%add3A_1379, %dma_start3A_1385] : memref<32768x128xf32, #tpu.memory_space<hbm>> -> memref<64x128xf32, #tpu.memory_space<hbm>>
    %dma_start3A_1387 = arith.constant 0 : i32
    %dma_start3A_1388 = tpu.memref_slice %arg4[%add3A_1379, %dma_start3A_1387] : memref<32768x128xf32, #tpu.memory_space<hbm>> -> memref<64x128xf32, #tpu.memory_space<hbm>>
    %dma_start3A_1389 = arith.constant 0 : i32
    %dma_start3A_1390 = arith.constant 0 : i32
    %dma_start3A_1391 = tpu.memref_slice %arg6[%dma_start3A_1380, %dma_start3A_1389, %dma_start3A_1390] : memref<8x64x128xf32, #tpu.memory_space<vmem>> -> memref<1x64x128xf32, #tpu.memory_space<vmem>>
    %dma_start3A_1392 = tpu.memref_squeeze %dma_start3A_1391 : memref<1x64x128xf32, #tpu.memory_space<vmem>> -> memref<64x128xf32, #tpu.memory_space<vmem>>
    tpu.enqueue_dma source(%dma_start3A_1392 : memref<64x128xf32, #tpu.memory_space<vmem>>) target(%dma_start3A_1388 : memref<64x128xf32, #tpu.memory_space<hbm>>) target_semaphore(%arg8 : memref<!tpu.dma_semaphore, #tpu.memory_space<semaphore_mem>>)
    %jit3A_1393 = arith.constant 0xFF800000 : f32
    %broadcast_in_dim3A_1394 = vector.broadcast %jit3A_1393 : f32 to vector<16xf32>
    %select_n3A_1395 = arith.select %and3A_1340, %get3A_2, %broadcast_in_dim3A_1394 : vector<16xi1>, vector<16xf32>
    %jit3A_1396 = arith.constant 0xFF800000 : f32
    %broadcast_in_dim3A_1397 = vector.broadcast %jit3A_1396 : f32 to vector<16xf32>
    %select_n3A_1398 = arith.select %and3A_1342, %get3A_5, %broadcast_in_dim3A_1397 : vector<16xi1>, vector<16xf32>
    %jit3A_1399 = arith.constant 0xFF800000 : f32
    %broadcast_in_dim3A_1400 = vector.broadcast %jit3A_1399 : f32 to vector<16xf32>
    %select_n3A_1401 = arith.select %and3A_1344, %get3A_8, %broadcast_in_dim3A_1400 : vector<16xi1>, vector<16xf32>
    %jit3A_1402 = arith.constant 0xFF800000 : f32
    %broadcast_in_dim3A_1403 = vector.broadcast %jit3A_1402 : f32 to vector<16xf32>
    %select_n3A_1404 = arith.select %and3A_1346, %get3A_11, %broadcast_in_dim3A_1403 : vector<16xi1>, vector<16xf32>
    %max3A_1405 = arith.maximumf %select_n3A_1395, %select_n3A_1398 : vector<16xf32>
    %max3A_1406 = arith.maximumf %max3A_1405, %select_n3A_1401 : vector<16xf32>
    %max3A_1407 = arith.maximumf %max3A_1406, %select_n3A_1404 : vector<16xf32>
    %lt3A_1408 = arith.constant 0 : i32
    %lt3A_1409 = vector.broadcast %lt3A_1408 : i32 to vector<16xi32>
    %lt3A_1410 = arith.cmpi slt, %xor3A_36, %lt3A_1409 : vector<16xi32>
    %add3A_1411 = arith.constant 16 : i32
    %add3A_1412 = vector.broadcast %add3A_1411 : i32 to vector<16xi32>
    %add3A_1413 = arith.addi %xor3A_36, %add3A_1412 : vector<16xi32>
    %select_n3A_1414 = arith.select %lt3A_1410, %add3A_1413, %xor3A_36 : vector<16xi1>, vector<16xi32>
    %broadcast_in_dim3A_1415 = vector.shape_cast %select_n3A_1414 : vector<16xi32> to vector<16x1xi32>
    %gather3A_1416 = vector.shape_cast %broadcast_in_dim3A_1415 : vector<16x1xi32> to vector<16xi32>
    %gather3A_1417 = tpu.dynamic_gather %max3A_1407[%gather3A_1416] in [0] : vector<16xf32>, vector<16xi32> -> vector<16xf32>
    %max3A_1418 = arith.maximumf %max3A_1407, %gather3A_1417 : vector<16xf32>
    %lt3A_1419 = arith.constant 0 : i32
    %lt3A_1420 = vector.broadcast %lt3A_1419 : i32 to vector<16xi32>
    %lt3A_1421 = arith.cmpi slt, %xor3A_39, %lt3A_1420 : vector<16xi32>
    %add3A_1422 = arith.constant 16 : i32
    %add3A_1423 = vector.broadcast %add3A_1422 : i32 to vector<16xi32>
    %add3A_1424 = arith.addi %xor3A_39, %add3A_1423 : vector<16xi32>
    %select_n3A_1425 = arith.select %lt3A_1421, %add3A_1424, %xor3A_39 : vector<16xi1>, vector<16xi32>
    %broadcast_in_dim3A_1426 = vector.shape_cast %select_n3A_1425 : vector<16xi32> to vector<16x1xi32>
    %gather3A_1427 = vector.shape_cast %broadcast_in_dim3A_1426 : vector<16x1xi32> to vector<16xi32>
    %gather3A_1428 = tpu.dynamic_gather %max3A_1418[%gather3A_1427] in [0] : vector<16xf32>, vector<16xi32> -> vector<16xf32>
    %max3A_1429 = arith.maximumf %max3A_1418, %gather3A_1428 : vector<16xf32>
    %lt3A_1430 = arith.constant 0 : i32
    %lt3A_1431 = vector.broadcast %lt3A_1430 : i32 to vector<16xi32>
    %lt3A_1432 = arith.cmpi slt, %xor3A_42, %lt3A_1431 : vector<16xi32>
    %add3A_1433 = arith.constant 16 : i32
    %add3A_1434 = vector.broadcast %add3A_1433 : i32 to vector<16xi32>
    %add3A_1435 = arith.addi %xor3A_42, %add3A_1434 : vector<16xi32>
    %select_n3A_1436 = arith.select %lt3A_1432, %add3A_1435, %xor3A_42 : vector<16xi1>, vector<16xi32>
    %broadcast_in_dim3A_1437 = vector.shape_cast %select_n3A_1436 : vector<16xi32> to vector<16x1xi32>
    %gather3A_1438 = vector.shape_cast %broadcast_in_dim3A_1437 : vector<16x1xi32> to vector<16xi32>
    %gather3A_1439 = tpu.dynamic_gather %max3A_1429[%gather3A_1438] in [0] : vector<16xf32>, vector<16xi32> -> vector<16xf32>
    %max3A_1440 = arith.maximumf %max3A_1429, %gather3A_1439 : vector<16xf32>
    %lt3A_1441 = arith.constant 0 : i32
    %lt3A_1442 = vector.broadcast %lt3A_1441 : i32 to vector<16xi32>
    %lt3A_1443 = arith.cmpi slt, %xor3A_45, %lt3A_1442 : vector<16xi32>
    %add3A_1444 = arith.constant 16 : i32
    %add3A_1445 = vector.broadcast %add3A_1444 : i32 to vector<16xi32>
    %add3A_1446 = arith.addi %xor3A_45, %add3A_1445 : vector<16xi32>
    %select_n3A_1447 = arith.select %lt3A_1443, %add3A_1446, %xor3A_45 : vector<16xi1>, vector<16xi32>
    %broadcast_in_dim3A_1448 = vector.shape_cast %select_n3A_1447 : vector<16xi32> to vector<16x1xi32>
    %gather3A_1449 = vector.shape_cast %broadcast_in_dim3A_1448 : vector<16x1xi32> to vector<16xi32>
    %gather3A_1450 = tpu.dynamic_gather %max3A_1440[%gather3A_1449] in [0] : vector<16xf32>, vector<16xi32> -> vector<16xf32>
    %max3A_1451 = arith.maximumf %max3A_1440, %gather3A_1450 : vector<16xf32>
    %eq3A_1452 = arith.cmpf oeq, %get3A_2, %max3A_1451 : vector<16xf32>
    %and3A_1453 = arith.andi %and3A_1340, %eq3A_1452 : vector<16xi1>
    %jit3A_1454 = arith.constant 64 : i32
    %broadcast_in_dim3A_1455 = vector.broadcast %jit3A_1454 : i32 to vector<16xi32>
    %select_n3A_1456 = arith.select %and3A_1453, %add3A_14, %broadcast_in_dim3A_1455 : vector<16xi1>, vector<16xi32>
    %eq3A_1457 = arith.cmpf oeq, %get3A_5, %max3A_1451 : vector<16xf32>
    %and3A_1458 = arith.andi %and3A_1342, %eq3A_1457 : vector<16xi1>
    %jit3A_1459 = arith.constant 64 : i32
    %broadcast_in_dim3A_1460 = vector.broadcast %jit3A_1459 : i32 to vector<16xi32>
    %select_n3A_1461 = arith.select %and3A_1458, %add3A_18, %broadcast_in_dim3A_1460 : vector<16xi1>, vector<16xi32>
    %min3A_1462 = arith.minsi %select_n3A_1456, %select_n3A_1461 : vector<16xi32>
    %eq3A_1463 = arith.cmpf oeq, %get3A_8, %max3A_1451 : vector<16xf32>
    %and3A_1464 = arith.andi %and3A_1344, %eq3A_1463 : vector<16xi1>
    %jit3A_1465 = arith.constant 64 : i32
    %broadcast_in_dim3A_1466 = vector.broadcast %jit3A_1465 : i32 to vector<16xi32>
    %select_n3A_1467 = arith.select %and3A_1464, %add3A_22, %broadcast_in_dim3A_1466 : vector<16xi1>, vector<16xi32>
    %min3A_1468 = arith.minsi %min3A_1462, %select_n3A_1467 : vector<16xi32>
    %eq3A_1469 = arith.cmpf oeq, %get3A_11, %max3A_1451 : vector<16xf32>
    %and3A_1470 = arith.andi %and3A_1346, %eq3A_1469 : vector<16xi1>
    %jit3A_1471 = arith.constant 64 : i32
    %broadcast_in_dim3A_1472 = vector.broadcast %jit3A_1471 : i32 to vector<16xi32>
    %select_n3A_1473 = arith.select %and3A_1470, %add3A_26, %broadcast_in_dim3A_1472 : vector<16xi1>, vector<16xi32>
    %min3A_1474 = arith.minsi %min3A_1468, %select_n3A_1473 : vector<16xi32>
    %lt3A_1475 = arith.constant 0 : i32
    %lt3A_1476 = vector.broadcast %lt3A_1475 : i32 to vector<16xi32>
    %lt3A_1477 = arith.cmpi slt, %xor3A_36, %lt3A_1476 : vector<16xi32>
    %add3A_1478 = arith.constant 16 : i32
    %add3A_1479 = vector.broadcast %add3A_1478 : i32 to vector<16xi32>
    %add3A_1480 = arith.addi %xor3A_36, %add3A_1479 : vector<16xi32>
    %select_n3A_1481 = arith.select %lt3A_1477, %add3A_1480, %xor3A_36 : vector<16xi1>, vector<16xi32>
    %broadcast_in_dim3A_1482 = vector.shape_cast %select_n3A_1481 : vector<16xi32> to vector<16x1xi32>
    %gather3A_1483 = vector.shape_cast %broadcast_in_dim3A_1482 : vector<16x1xi32> to vector<16xi32>
    %gather3A_1484 = tpu.dynamic_gather %min3A_1474[%gather3A_1483] in [0] : vector<16xi32>, vector<16xi32> -> vector<16xi32>
    %min3A_1485 = arith.minsi %min3A_1474, %gather3A_1484 : vector<16xi32>
    %lt3A_1486 = arith.constant 0 : i32
    %lt3A_1487 = vector.broadcast %lt3A_1486 : i32 to vector<16xi32>
    %lt3A_1488 = arith.cmpi slt, %xor3A_39, %lt3A_1487 : vector<16xi32>
    %add3A_1489 = arith.constant 16 : i32
    %add3A_1490 = vector.broadcast %add3A_1489 : i32 to vector<16xi32>
    %add3A_1491 = arith.addi %xor3A_39, %add3A_1490 : vector<16xi32>
    %select_n3A_1492 = arith.select %lt3A_1488, %add3A_1491, %xor3A_39 : vector<16xi1>, vector<16xi32>
    %broadcast_in_dim3A_1493 = vector.shape_cast %select_n3A_1492 : vector<16xi32> to vector<16x1xi32>
    %gather3A_1494 = vector.shape_cast %broadcast_in_dim3A_1493 : vector<16x1xi32> to vector<16xi32>
    %gather3A_1495 = tpu.dynamic_gather %min3A_1485[%gather3A_1494] in [0] : vector<16xi32>, vector<16xi32> -> vector<16xi32>
    %min3A_1496 = arith.minsi %min3A_1485, %gather3A_1495 : vector<16xi32>
    %lt3A_1497 = arith.constant 0 : i32
    %lt3A_1498 = vector.broadcast %lt3A_1497 : i32 to vector<16xi32>
    %lt3A_1499 = arith.cmpi slt, %xor3A_42, %lt3A_1498 : vector<16xi32>
    %add3A_1500 = arith.constant 16 : i32
    %add3A_1501 = vector.broadcast %add3A_1500 : i32 to vector<16xi32>
    %add3A_1502 = arith.addi %xor3A_42, %add3A_1501 : vector<16xi32>
    %select_n3A_1503 = arith.select %lt3A_1499, %add3A_1502, %xor3A_42 : vector<16xi1>, vector<16xi32>
    %broadcast_in_dim3A_1504 = vector.shape_cast %select_n3A_1503 : vector<16xi32> to vector<16x1xi32>
    %gather3A_1505 = vector.shape_cast %broadcast_in_dim3A_1504 : vector<16x1xi32> to vector<16xi32>
    %gather3A_1506 = tpu.dynamic_gather %min3A_1496[%gather3A_1505] in [0] : vector<16xi32>, vector<16xi32> -> vector<16xi32>
    %min3A_1507 = arith.minsi %min3A_1496, %gather3A_1506 : vector<16xi32>
    %lt3A_1508 = arith.constant 0 : i32
    %lt3A_1509 = vector.broadcast %lt3A_1508 : i32 to vector<16xi32>
    %lt3A_1510 = arith.cmpi slt, %xor3A_45, %lt3A_1509 : vector<16xi32>
    %add3A_1511 = arith.constant 16 : i32
    %add3A_1512 = vector.broadcast %add3A_1511 : i32 to vector<16xi32>
    %add3A_1513 = arith.addi %xor3A_45, %add3A_1512 : vector<16xi32>
    %select_n3A_1514 = arith.select %lt3A_1510, %add3A_1513, %xor3A_45 : vector<16xi1>, vector<16xi32>
    %broadcast_in_dim3A_1515 = vector.shape_cast %select_n3A_1514 : vector<16xi32> to vector<16x1xi32>
    %gather3A_1516 = vector.shape_cast %broadcast_in_dim3A_1515 : vector<16x1xi32> to vector<16xi32>
    %gather3A_1517 = tpu.dynamic_gather %min3A_1507[%gather3A_1516] in [0] : vector<16xi32>, vector<16xi32> -> vector<16xi32>
    %min3A_1518 = arith.minsi %min3A_1507, %gather3A_1517 : vector<16xi32>
    %ne3A_1519 = arith.cmpi ne, %add3A_14, %min3A_1518 : vector<16xi32>
    %and3A_1520 = arith.andi %and3A_1340, %ne3A_1519 : vector<16xi1>
    %ne3A_1521 = arith.cmpi ne, %add3A_18, %min3A_1518 : vector<16xi32>
    %and3A_1522 = arith.andi %and3A_1342, %ne3A_1521 : vector<16xi1>
    %ne3A_1523 = arith.cmpi ne, %add3A_22, %min3A_1518 : vector<16xi32>
    %and3A_1524 = arith.andi %and3A_1344, %ne3A_1523 : vector<16xi1>
    %ne3A_1525 = arith.cmpi ne, %add3A_26, %min3A_1518 : vector<16xi32>
    %and3A_1526 = arith.andi %and3A_1346, %ne3A_1525 : vector<16xi1>
    %slice3A_1527 = vector.extract_strided_slice %min3A_1518 {offsets = [0], sizes = [1], strides = [1]} : vector<16xi32> to vector<1xi32>
    %squeeze3A_1528 = vector.extract %slice3A_1527[0] : i32 from vector<1xi32>
    %dma_wait3A_1529 = arith.constant 0 : i32
    %dma_wait3A_1530 = arith.constant 0 : i32
    %dma_wait3A_1531 = arith.constant 0 : i32
    %dma_wait3A_1532 = tpu.memref_slice %arg6[%dma_wait3A_1529, %dma_wait3A_1530, %dma_wait3A_1531] : memref<8x64x128xf32, #tpu.memory_space<vmem>> -> memref<1x64x128xf32, #tpu.memory_space<vmem>>
    %dma_wait3A_1533 = tpu.memref_squeeze %dma_wait3A_1532 : memref<1x64x128xf32, #tpu.memory_space<vmem>> -> memref<64x128xf32, #tpu.memory_space<vmem>>
    %dma_wait3A_1534 = arith.constant 0 : i32
    %dma_wait3A_1535 = tpu.memref_slice %arg4[%add3A_659, %dma_wait3A_1534] : memref<32768x128xf32, #tpu.memory_space<hbm>> -> memref<64x128xf32, #tpu.memory_space<hbm>>
    %dma_wait3A_1536 = arith.constant 0 : i32
    %dma_wait3A_1537 = tpu.memref_slice %arg4[%add3A_659, %dma_wait3A_1536] : memref<32768x128xf32, #tpu.memory_space<hbm>> -> memref<64x128xf32, #tpu.memory_space<hbm>>
    %dma_wait3A_1538 = arith.constant 0 : i32
    %dma_wait3A_1539 = arith.constant 0 : i32
    %dma_wait3A_1540 = tpu.memref_slice %arg6[%dma_wait3A_1529, %dma_wait3A_1538, %dma_wait3A_1539] : memref<8x64x128xf32, #tpu.memory_space<vmem>> -> memref<1x64x128xf32, #tpu.memory_space<vmem>>
    %dma_wait3A_1541 = tpu.memref_squeeze %dma_wait3A_1540 : memref<1x64x128xf32, #tpu.memory_space<vmem>> -> memref<64x128xf32, #tpu.memory_space<vmem>>
    tpu.wait_dma2 semaphore(%arg8 : memref<!tpu.dma_semaphore, #tpu.memory_space<semaphore_mem>>) src(%dma_wait3A_1541 : memref<64x128xf32, #tpu.memory_space<vmem>>) dst(%dma_wait3A_1537 : memref<64x128xf32, #tpu.memory_space<hbm>>)
    %mul3A_1542 = arith.constant 64 : i32
    %mul3A_1543 = arith.muli %squeeze3A_1528, %mul3A_1542 : i32
    %add3A_1544 = arith.addi %mul3A_47, %mul3A_1543 : i32
    %dma_start3A_1545 = arith.constant 0 : i32
    %dma_start3A_1546 = arith.constant 0 : i32
    %dma_start3A_1547 = arith.constant 0 : i32
    %dma_start3A_1548 = tpu.memref_slice %arg6[%dma_start3A_1545, %dma_start3A_1546, %dma_start3A_1547] : memref<8x64x128xf32, #tpu.memory_space<vmem>> -> memref<1x64x128xf32, #tpu.memory_space<vmem>>
    %dma_start3A_1549 = tpu.memref_squeeze %dma_start3A_1548 : memref<1x64x128xf32, #tpu.memory_space<vmem>> -> memref<64x128xf32, #tpu.memory_space<vmem>>
    %dma_start3A_1550 = arith.constant 0 : i32
    %dma_start3A_1551 = tpu.memref_slice %arg2[%add3A_1544, %dma_start3A_1550] : memref<131072x128xf32, #tpu.memory_space<hbm>> -> memref<64x128xf32, #tpu.memory_space<hbm>>
    %dma_start3A_1552 = arith.constant 0 : i32
    %dma_start3A_1553 = arith.constant 0 : i32
    %dma_start3A_1554 = tpu.memref_slice %arg6[%dma_start3A_1545, %dma_start3A_1552, %dma_start3A_1553] : memref<8x64x128xf32, #tpu.memory_space<vmem>> -> memref<1x64x128xf32, #tpu.memory_space<vmem>>
    %dma_start3A_1555 = tpu.memref_squeeze %dma_start3A_1554 : memref<1x64x128xf32, #tpu.memory_space<vmem>> -> memref<64x128xf32, #tpu.memory_space<vmem>>
    %dma_start3A_1556 = arith.constant 0 : i32
    %dma_start3A_1557 = tpu.memref_slice %arg2[%add3A_1544, %dma_start3A_1556] : memref<131072x128xf32, #tpu.memory_space<hbm>> -> memref<64x128xf32, #tpu.memory_space<hbm>>
    tpu.enqueue_dma source(%dma_start3A_1557 : memref<64x128xf32, #tpu.memory_space<hbm>>) target(%dma_start3A_1555 : memref<64x128xf32, #tpu.memory_space<vmem>>) target_semaphore(%arg7 : memref<!tpu.dma_semaphore, #tpu.memory_space<semaphore_mem>>)
    %dma_wait3A_1558 = arith.constant 5 : i32
    %dma_wait3A_1559 = arith.constant 0 : i32
    %dma_wait3A_1560 = arith.constant 0 : i32
    %dma_wait3A_1561 = tpu.memref_slice %arg6[%dma_wait3A_1558, %dma_wait3A_1559, %dma_wait3A_1560] : memref<8x64x128xf32, #tpu.memory_space<vmem>> -> memref<1x64x128xf32, #tpu.memory_space<vmem>>
    %dma_wait3A_1562 = tpu.memref_squeeze %dma_wait3A_1561 : memref<1x64x128xf32, #tpu.memory_space<vmem>> -> memref<64x128xf32, #tpu.memory_space<vmem>>
    %dma_wait3A_1563 = arith.constant 0 : i32
    %dma_wait3A_1564 = tpu.memref_slice %arg2[%add3A_991, %dma_wait3A_1563] : memref<131072x128xf32, #tpu.memory_space<hbm>> -> memref<64x128xf32, #tpu.memory_space<hbm>>
    %dma_wait3A_1565 = arith.constant 0 : i32
    %dma_wait3A_1566 = arith.constant 0 : i32
    %dma_wait3A_1567 = tpu.memref_slice %arg6[%dma_wait3A_1558, %dma_wait3A_1565, %dma_wait3A_1566] : memref<8x64x128xf32, #tpu.memory_space<vmem>> -> memref<1x64x128xf32, #tpu.memory_space<vmem>>
    %dma_wait3A_1568 = tpu.memref_squeeze %dma_wait3A_1567 : memref<1x64x128xf32, #tpu.memory_space<vmem>> -> memref<64x128xf32, #tpu.memory_space<vmem>>
    %dma_wait3A_1569 = arith.constant 0 : i32
    %dma_wait3A_1570 = tpu.memref_slice %arg2[%add3A_991, %dma_wait3A_1569] : memref<131072x128xf32, #tpu.memory_space<hbm>> -> memref<64x128xf32, #tpu.memory_space<hbm>>
    tpu.wait_dma2 semaphore(%arg7 : memref<!tpu.dma_semaphore, #tpu.memory_space<semaphore_mem>>) src(%dma_wait3A_1570 : memref<64x128xf32, #tpu.memory_space<hbm>>) dst(%dma_wait3A_1568 : memref<64x128xf32, #tpu.memory_space<vmem>>)
    %add3A_1571 = arith.constant 320 : i32
    %add3A_1572 = arith.addi %mul3A_49, %add3A_1571 : i32
    %dma_start3A_1573 = arith.constant 5 : i32
    %dma_start3A_1574 = arith.constant 0 : i32
    %dma_start3A_1575 = arith.constant 0 : i32
    %dma_start3A_1576 = tpu.memref_slice %arg6[%dma_start3A_1573, %dma_start3A_1574, %dma_start3A_1575] : memref<8x64x128xf32, #tpu.memory_space<vmem>> -> memref<1x64x128xf32, #tpu.memory_space<vmem>>
    %dma_start3A_1577 = tpu.memref_squeeze %dma_start3A_1576 : memref<1x64x128xf32, #tpu.memory_space<vmem>> -> memref<64x128xf32, #tpu.memory_space<vmem>>
    %dma_start3A_1578 = arith.constant 0 : i32
    %dma_start3A_1579 = tpu.memref_slice %arg4[%add3A_1572, %dma_start3A_1578] : memref<32768x128xf32, #tpu.memory_space<hbm>> -> memref<64x128xf32, #tpu.memory_space<hbm>>
    %dma_start3A_1580 = arith.constant 0 : i32
    %dma_start3A_1581 = tpu.memref_slice %arg4[%add3A_1572, %dma_start3A_1580] : memref<32768x128xf32, #tpu.memory_space<hbm>> -> memref<64x128xf32, #tpu.memory_space<hbm>>
    %dma_start3A_1582 = arith.constant 0 : i32
    %dma_start3A_1583 = arith.constant 0 : i32
    %dma_start3A_1584 = tpu.memref_slice %arg6[%dma_start3A_1573, %dma_start3A_1582, %dma_start3A_1583] : memref<8x64x128xf32, #tpu.memory_space<vmem>> -> memref<1x64x128xf32, #tpu.memory_space<vmem>>
    %dma_start3A_1585 = tpu.memref_squeeze %dma_start3A_1584 : memref<1x64x128xf32, #tpu.memory_space<vmem>> -> memref<64x128xf32, #tpu.memory_space<vmem>>
    tpu.enqueue_dma source(%dma_start3A_1585 : memref<64x128xf32, #tpu.memory_space<vmem>>) target(%dma_start3A_1581 : memref<64x128xf32, #tpu.memory_space<hbm>>) target_semaphore(%arg8 : memref<!tpu.dma_semaphore, #tpu.memory_space<semaphore_mem>>)
    %jit3A_1586 = arith.constant 0xFF800000 : f32
    %broadcast_in_dim3A_1587 = vector.broadcast %jit3A_1586 : f32 to vector<16xf32>
    %select_n3A_1588 = arith.select %and3A_1520, %get3A_2, %broadcast_in_dim3A_1587 : vector<16xi1>, vector<16xf32>
    %jit3A_1589 = arith.constant 0xFF800000 : f32
    %broadcast_in_dim3A_1590 = vector.broadcast %jit3A_1589 : f32 to vector<16xf32>
    %select_n3A_1591 = arith.select %and3A_1522, %get3A_5, %broadcast_in_dim3A_1590 : vector<16xi1>, vector<16xf32>
    %jit3A_1592 = arith.constant 0xFF800000 : f32
    %broadcast_in_dim3A_1593 = vector.broadcast %jit3A_1592 : f32 to vector<16xf32>
    %select_n3A_1594 = arith.select %and3A_1524, %get3A_8, %broadcast_in_dim3A_1593 : vector<16xi1>, vector<16xf32>
    %jit3A_1595 = arith.constant 0xFF800000 : f32
    %broadcast_in_dim3A_1596 = vector.broadcast %jit3A_1595 : f32 to vector<16xf32>
    %select_n3A_1597 = arith.select %and3A_1526, %get3A_11, %broadcast_in_dim3A_1596 : vector<16xi1>, vector<16xf32>
    %max3A_1598 = arith.maximumf %select_n3A_1588, %select_n3A_1591 : vector<16xf32>
    %max3A_1599 = arith.maximumf %max3A_1598, %select_n3A_1594 : vector<16xf32>
    %max3A_1600 = arith.maximumf %max3A_1599, %select_n3A_1597 : vector<16xf32>
    %lt3A_1601 = arith.constant 0 : i32
    %lt3A_1602 = vector.broadcast %lt3A_1601 : i32 to vector<16xi32>
    %lt3A_1603 = arith.cmpi slt, %xor3A_36, %lt3A_1602 : vector<16xi32>
    %add3A_1604 = arith.constant 16 : i32
    %add3A_1605 = vector.broadcast %add3A_1604 : i32 to vector<16xi32>
    %add3A_1606 = arith.addi %xor3A_36, %add3A_1605 : vector<16xi32>
    %select_n3A_1607 = arith.select %lt3A_1603, %add3A_1606, %xor3A_36 : vector<16xi1>, vector<16xi32>
    %broadcast_in_dim3A_1608 = vector.shape_cast %select_n3A_1607 : vector<16xi32> to vector<16x1xi32>
    %gather3A_1609 = vector.shape_cast %broadcast_in_dim3A_1608 : vector<16x1xi32> to vector<16xi32>
    %gather3A_1610 = tpu.dynamic_gather %max3A_1600[%gather3A_1609] in [0] : vector<16xf32>, vector<16xi32> -> vector<16xf32>
    %max3A_1611 = arith.maximumf %max3A_1600, %gather3A_1610 : vector<16xf32>
    %lt3A_1612 = arith.constant 0 : i32
    %lt3A_1613 = vector.broadcast %lt3A_1612 : i32 to vector<16xi32>
    %lt3A_1614 = arith.cmpi slt, %xor3A_39, %lt3A_1613 : vector<16xi32>
    %add3A_1615 = arith.constant 16 : i32
    %add3A_1616 = vector.broadcast %add3A_1615 : i32 to vector<16xi32>
    %add3A_1617 = arith.addi %xor3A_39, %add3A_1616 : vector<16xi32>
    %select_n3A_1618 = arith.select %lt3A_1614, %add3A_1617, %xor3A_39 : vector<16xi1>, vector<16xi32>
    %broadcast_in_dim3A_1619 = vector.shape_cast %select_n3A_1618 : vector<16xi32> to vector<16x1xi32>
    %gather3A_1620 = vector.shape_cast %broadcast_in_dim3A_1619 : vector<16x1xi32> to vector<16xi32>
    %gather3A_1621 = tpu.dynamic_gather %max3A_1611[%gather3A_1620] in [0] : vector<16xf32>, vector<16xi32> -> vector<16xf32>
    %max3A_1622 = arith.maximumf %max3A_1611, %gather3A_1621 : vector<16xf32>
    %lt3A_1623 = arith.constant 0 : i32
    %lt3A_1624 = vector.broadcast %lt3A_1623 : i32 to vector<16xi32>
    %lt3A_1625 = arith.cmpi slt, %xor3A_42, %lt3A_1624 : vector<16xi32>
    %add3A_1626 = arith.constant 16 : i32
    %add3A_1627 = vector.broadcast %add3A_1626 : i32 to vector<16xi32>
    %add3A_1628 = arith.addi %xor3A_42, %add3A_1627 : vector<16xi32>
    %select_n3A_1629 = arith.select %lt3A_1625, %add3A_1628, %xor3A_42 : vector<16xi1>, vector<16xi32>
    %broadcast_in_dim3A_1630 = vector.shape_cast %select_n3A_1629 : vector<16xi32> to vector<16x1xi32>
    %gather3A_1631 = vector.shape_cast %broadcast_in_dim3A_1630 : vector<16x1xi32> to vector<16xi32>
    %gather3A_1632 = tpu.dynamic_gather %max3A_1622[%gather3A_1631] in [0] : vector<16xf32>, vector<16xi32> -> vector<16xf32>
    %max3A_1633 = arith.maximumf %max3A_1622, %gather3A_1632 : vector<16xf32>
    %lt3A_1634 = arith.constant 0 : i32
    %lt3A_1635 = vector.broadcast %lt3A_1634 : i32 to vector<16xi32>
    %lt3A_1636 = arith.cmpi slt, %xor3A_45, %lt3A_1635 : vector<16xi32>
    %add3A_1637 = arith.constant 16 : i32
    %add3A_1638 = vector.broadcast %add3A_1637 : i32 to vector<16xi32>
    %add3A_1639 = arith.addi %xor3A_45, %add3A_1638 : vector<16xi32>
    %select_n3A_1640 = arith.select %lt3A_1636, %add3A_1639, %xor3A_45 : vector<16xi1>, vector<16xi32>
    %broadcast_in_dim3A_1641 = vector.shape_cast %select_n3A_1640 : vector<16xi32> to vector<16x1xi32>
    %gather3A_1642 = vector.shape_cast %broadcast_in_dim3A_1641 : vector<16x1xi32> to vector<16xi32>
    %gather3A_1643 = tpu.dynamic_gather %max3A_1633[%gather3A_1642] in [0] : vector<16xf32>, vector<16xi32> -> vector<16xf32>
    %max3A_1644 = arith.maximumf %max3A_1633, %gather3A_1643 : vector<16xf32>
    %eq3A_1645 = arith.cmpf oeq, %get3A_2, %max3A_1644 : vector<16xf32>
    %and3A_1646 = arith.andi %and3A_1520, %eq3A_1645 : vector<16xi1>
    %jit3A_1647 = arith.constant 64 : i32
    %broadcast_in_dim3A_1648 = vector.broadcast %jit3A_1647 : i32 to vector<16xi32>
    %select_n3A_1649 = arith.select %and3A_1646, %add3A_14, %broadcast_in_dim3A_1648 : vector<16xi1>, vector<16xi32>
    %eq3A_1650 = arith.cmpf oeq, %get3A_5, %max3A_1644 : vector<16xf32>
    %and3A_1651 = arith.andi %and3A_1522, %eq3A_1650 : vector<16xi1>
    %jit3A_1652 = arith.constant 64 : i32
    %broadcast_in_dim3A_1653 = vector.broadcast %jit3A_1652 : i32 to vector<16xi32>
    %select_n3A_1654 = arith.select %and3A_1651, %add3A_18, %broadcast_in_dim3A_1653 : vector<16xi1>, vector<16xi32>
    %min3A_1655 = arith.minsi %select_n3A_1649, %select_n3A_1654 : vector<16xi32>
    %eq3A_1656 = arith.cmpf oeq, %get3A_8, %max3A_1644 : vector<16xf32>
    %and3A_1657 = arith.andi %and3A_1524, %eq3A_1656 : vector<16xi1>
    %jit3A_1658 = arith.constant 64 : i32
    %broadcast_in_dim3A_1659 = vector.broadcast %jit3A_1658 : i32 to vector<16xi32>
    %select_n3A_1660 = arith.select %and3A_1657, %add3A_22, %broadcast_in_dim3A_1659 : vector<16xi1>, vector<16xi32>
    %min3A_1661 = arith.minsi %min3A_1655, %select_n3A_1660 : vector<16xi32>
    %eq3A_1662 = arith.cmpf oeq, %get3A_11, %max3A_1644 : vector<16xf32>
    %and3A_1663 = arith.andi %and3A_1526, %eq3A_1662 : vector<16xi1>
    %jit3A_1664 = arith.constant 64 : i32
    %broadcast_in_dim3A_1665 = vector.broadcast %jit3A_1664 : i32 to vector<16xi32>
    %select_n3A_1666 = arith.select %and3A_1663, %add3A_26, %broadcast_in_dim3A_1665 : vector<16xi1>, vector<16xi32>
    %min3A_1667 = arith.minsi %min3A_1661, %select_n3A_1666 : vector<16xi32>
    %lt3A_1668 = arith.constant 0 : i32
    %lt3A_1669 = vector.broadcast %lt3A_1668 : i32 to vector<16xi32>
    %lt3A_1670 = arith.cmpi slt, %xor3A_36, %lt3A_1669 : vector<16xi32>
    %add3A_1671 = arith.constant 16 : i32
    %add3A_1672 = vector.broadcast %add3A_1671 : i32 to vector<16xi32>
    %add3A_1673 = arith.addi %xor3A_36, %add3A_1672 : vector<16xi32>
    %select_n3A_1674 = arith.select %lt3A_1670, %add3A_1673, %xor3A_36 : vector<16xi1>, vector<16xi32>
    %broadcast_in_dim3A_1675 = vector.shape_cast %select_n3A_1674 : vector<16xi32> to vector<16x1xi32>
    %gather3A_1676 = vector.shape_cast %broadcast_in_dim3A_1675 : vector<16x1xi32> to vector<16xi32>
    %gather3A_1677 = tpu.dynamic_gather %min3A_1667[%gather3A_1676] in [0] : vector<16xi32>, vector<16xi32> -> vector<16xi32>
    %min3A_1678 = arith.minsi %min3A_1667, %gather3A_1677 : vector<16xi32>
    %lt3A_1679 = arith.constant 0 : i32
    %lt3A_1680 = vector.broadcast %lt3A_1679 : i32 to vector<16xi32>
    %lt3A_1681 = arith.cmpi slt, %xor3A_39, %lt3A_1680 : vector<16xi32>
    %add3A_1682 = arith.constant 16 : i32
    %add3A_1683 = vector.broadcast %add3A_1682 : i32 to vector<16xi32>
    %add3A_1684 = arith.addi %xor3A_39, %add3A_1683 : vector<16xi32>
    %select_n3A_1685 = arith.select %lt3A_1681, %add3A_1684, %xor3A_39 : vector<16xi1>, vector<16xi32>
    %broadcast_in_dim3A_1686 = vector.shape_cast %select_n3A_1685 : vector<16xi32> to vector<16x1xi32>
    %gather3A_1687 = vector.shape_cast %broadcast_in_dim3A_1686 : vector<16x1xi32> to vector<16xi32>
    %gather3A_1688 = tpu.dynamic_gather %min3A_1678[%gather3A_1687] in [0] : vector<16xi32>, vector<16xi32> -> vector<16xi32>
    %min3A_1689 = arith.minsi %min3A_1678, %gather3A_1688 : vector<16xi32>
    %lt3A_1690 = arith.constant 0 : i32
    %lt3A_1691 = vector.broadcast %lt3A_1690 : i32 to vector<16xi32>
    %lt3A_1692 = arith.cmpi slt, %xor3A_42, %lt3A_1691 : vector<16xi32>
    %add3A_1693 = arith.constant 16 : i32
    %add3A_1694 = vector.broadcast %add3A_1693 : i32 to vector<16xi32>
    %add3A_1695 = arith.addi %xor3A_42, %add3A_1694 : vector<16xi32>
    %select_n3A_1696 = arith.select %lt3A_1692, %add3A_1695, %xor3A_42 : vector<16xi1>, vector<16xi32>
    %broadcast_in_dim3A_1697 = vector.shape_cast %select_n3A_1696 : vector<16xi32> to vector<16x1xi32>
    %gather3A_1698 = vector.shape_cast %broadcast_in_dim3A_1697 : vector<16x1xi32> to vector<16xi32>
    %gather3A_1699 = tpu.dynamic_gather %min3A_1689[%gather3A_1698] in [0] : vector<16xi32>, vector<16xi32> -> vector<16xi32>
    %min3A_1700 = arith.minsi %min3A_1689, %gather3A_1699 : vector<16xi32>
    %lt3A_1701 = arith.constant 0 : i32
    %lt3A_1702 = vector.broadcast %lt3A_1701 : i32 to vector<16xi32>
    %lt3A_1703 = arith.cmpi slt, %xor3A_45, %lt3A_1702 : vector<16xi32>
    %add3A_1704 = arith.constant 16 : i32
    %add3A_1705 = vector.broadcast %add3A_1704 : i32 to vector<16xi32>
    %add3A_1706 = arith.addi %xor3A_45, %add3A_1705 : vector<16xi32>
    %select_n3A_1707 = arith.select %lt3A_1703, %add3A_1706, %xor3A_45 : vector<16xi1>, vector<16xi32>
    %broadcast_in_dim3A_1708 = vector.shape_cast %select_n3A_1707 : vector<16xi32> to vector<16x1xi32>
    %gather3A_1709 = vector.shape_cast %broadcast_in_dim3A_1708 : vector<16x1xi32> to vector<16xi32>
    %gather3A_1710 = tpu.dynamic_gather %min3A_1700[%gather3A_1709] in [0] : vector<16xi32>, vector<16xi32> -> vector<16xi32>
    %min3A_1711 = arith.minsi %min3A_1700, %gather3A_1710 : vector<16xi32>
    %ne3A_1712 = arith.cmpi ne, %add3A_14, %min3A_1711 : vector<16xi32>
    %and3A_1713 = arith.andi %and3A_1520, %ne3A_1712 : vector<16xi1>
    %ne3A_1714 = arith.cmpi ne, %add3A_18, %min3A_1711 : vector<16xi32>
    %and3A_1715 = arith.andi %and3A_1522, %ne3A_1714 : vector<16xi1>
    %ne3A_1716 = arith.cmpi ne, %add3A_22, %min3A_1711 : vector<16xi32>
    %and3A_1717 = arith.andi %and3A_1524, %ne3A_1716 : vector<16xi1>
    %ne3A_1718 = arith.cmpi ne, %add3A_26, %min3A_1711 : vector<16xi32>
    %and3A_1719 = arith.andi %and3A_1526, %ne3A_1718 : vector<16xi1>
    %slice3A_1720 = vector.extract_strided_slice %min3A_1711 {offsets = [0], sizes = [1], strides = [1]} : vector<16xi32> to vector<1xi32>
    %squeeze3A_1721 = vector.extract %slice3A_1720[0] : i32 from vector<1xi32>
    %dma_wait3A_1722 = arith.constant 1 : i32
    %dma_wait3A_1723 = arith.constant 0 : i32
    %dma_wait3A_1724 = arith.constant 0 : i32
    %dma_wait3A_1725 = tpu.memref_slice %arg6[%dma_wait3A_1722, %dma_wait3A_1723, %dma_wait3A_1724] : memref<8x64x128xf32, #tpu.memory_space<vmem>> -> memref<1x64x128xf32, #tpu.memory_space<vmem>>
    %dma_wait3A_1726 = tpu.memref_squeeze %dma_wait3A_1725 : memref<1x64x128xf32, #tpu.memory_space<vmem>> -> memref<64x128xf32, #tpu.memory_space<vmem>>
    %dma_wait3A_1727 = arith.constant 0 : i32
    %dma_wait3A_1728 = tpu.memref_slice %arg4[%add3A_839, %dma_wait3A_1727] : memref<32768x128xf32, #tpu.memory_space<hbm>> -> memref<64x128xf32, #tpu.memory_space<hbm>>
    %dma_wait3A_1729 = arith.constant 0 : i32
    %dma_wait3A_1730 = tpu.memref_slice %arg4[%add3A_839, %dma_wait3A_1729] : memref<32768x128xf32, #tpu.memory_space<hbm>> -> memref<64x128xf32, #tpu.memory_space<hbm>>
    %dma_wait3A_1731 = arith.constant 0 : i32
    %dma_wait3A_1732 = arith.constant 0 : i32
    %dma_wait3A_1733 = tpu.memref_slice %arg6[%dma_wait3A_1722, %dma_wait3A_1731, %dma_wait3A_1732] : memref<8x64x128xf32, #tpu.memory_space<vmem>> -> memref<1x64x128xf32, #tpu.memory_space<vmem>>
    %dma_wait3A_1734 = tpu.memref_squeeze %dma_wait3A_1733 : memref<1x64x128xf32, #tpu.memory_space<vmem>> -> memref<64x128xf32, #tpu.memory_space<vmem>>
    tpu.wait_dma2 semaphore(%arg8 : memref<!tpu.dma_semaphore, #tpu.memory_space<semaphore_mem>>) src(%dma_wait3A_1734 : memref<64x128xf32, #tpu.memory_space<vmem>>) dst(%dma_wait3A_1730 : memref<64x128xf32, #tpu.memory_space<hbm>>)
    %mul3A_1735 = arith.constant 64 : i32
    %mul3A_1736 = arith.muli %squeeze3A_1721, %mul3A_1735 : i32
    %add3A_1737 = arith.addi %mul3A_47, %mul3A_1736 : i32
    %dma_start3A_1738 = arith.constant 1 : i32
    %dma_start3A_1739 = arith.constant 0 : i32
    %dma_start3A_1740 = arith.constant 0 : i32
    %dma_start3A_1741 = tpu.memref_slice %arg6[%dma_start3A_1738, %dma_start3A_1739, %dma_start3A_1740] : memref<8x64x128xf32, #tpu.memory_space<vmem>> -> memref<1x64x128xf32, #tpu.memory_space<vmem>>
    %dma_start3A_1742 = tpu.memref_squeeze %dma_start3A_1741 : memref<1x64x128xf32, #tpu.memory_space<vmem>> -> memref<64x128xf32, #tpu.memory_space<vmem>>
    %dma_start3A_1743 = arith.constant 0 : i32
    %dma_start3A_1744 = tpu.memref_slice %arg2[%add3A_1737, %dma_start3A_1743] : memref<131072x128xf32, #tpu.memory_space<hbm>> -> memref<64x128xf32, #tpu.memory_space<hbm>>
    %dma_start3A_1745 = arith.constant 0 : i32
    %dma_start3A_1746 = arith.constant 0 : i32
    %dma_start3A_1747 = tpu.memref_slice %arg6[%dma_start3A_1738, %dma_start3A_1745, %dma_start3A_1746] : memref<8x64x128xf32, #tpu.memory_space<vmem>> -> memref<1x64x128xf32, #tpu.memory_space<vmem>>
    %dma_start3A_1748 = tpu.memref_squeeze %dma_start3A_1747 : memref<1x64x128xf32, #tpu.memory_space<vmem>> -> memref<64x128xf32, #tpu.memory_space<vmem>>
    %dma_start3A_1749 = arith.constant 0 : i32
    %dma_start3A_1750 = tpu.memref_slice %arg2[%add3A_1737, %dma_start3A_1749] : memref<131072x128xf32, #tpu.memory_space<hbm>> -> memref<64x128xf32, #tpu.memory_space<hbm>>
    tpu.enqueue_dma source(%dma_start3A_1750 : memref<64x128xf32, #tpu.memory_space<hbm>>) target(%dma_start3A_1748 : memref<64x128xf32, #tpu.memory_space<vmem>>) target_semaphore(%arg7 : memref<!tpu.dma_semaphore, #tpu.memory_space<semaphore_mem>>)
    %dma_wait3A_1751 = arith.constant 6 : i32
    %dma_wait3A_1752 = arith.constant 0 : i32
    %dma_wait3A_1753 = arith.constant 0 : i32
    %dma_wait3A_1754 = tpu.memref_slice %arg6[%dma_wait3A_1751, %dma_wait3A_1752, %dma_wait3A_1753] : memref<8x64x128xf32, #tpu.memory_space<vmem>> -> memref<1x64x128xf32, #tpu.memory_space<vmem>>
    %dma_wait3A_1755 = tpu.memref_squeeze %dma_wait3A_1754 : memref<1x64x128xf32, #tpu.memory_space<vmem>> -> memref<64x128xf32, #tpu.memory_space<vmem>>
    %dma_wait3A_1756 = arith.constant 0 : i32
    %dma_wait3A_1757 = tpu.memref_slice %arg2[%add3A_1171, %dma_wait3A_1756] : memref<131072x128xf32, #tpu.memory_space<hbm>> -> memref<64x128xf32, #tpu.memory_space<hbm>>
    %dma_wait3A_1758 = arith.constant 0 : i32
    %dma_wait3A_1759 = arith.constant 0 : i32
    %dma_wait3A_1760 = tpu.memref_slice %arg6[%dma_wait3A_1751, %dma_wait3A_1758, %dma_wait3A_1759] : memref<8x64x128xf32, #tpu.memory_space<vmem>> -> memref<1x64x128xf32, #tpu.memory_space<vmem>>
    %dma_wait3A_1761 = tpu.memref_squeeze %dma_wait3A_1760 : memref<1x64x128xf32, #tpu.memory_space<vmem>> -> memref<64x128xf32, #tpu.memory_space<vmem>>
    %dma_wait3A_1762 = arith.constant 0 : i32
    %dma_wait3A_1763 = tpu.memref_slice %arg2[%add3A_1171, %dma_wait3A_1762] : memref<131072x128xf32, #tpu.memory_space<hbm>> -> memref<64x128xf32, #tpu.memory_space<hbm>>
    tpu.wait_dma2 semaphore(%arg7 : memref<!tpu.dma_semaphore, #tpu.memory_space<semaphore_mem>>) src(%dma_wait3A_1763 : memref<64x128xf32, #tpu.memory_space<hbm>>) dst(%dma_wait3A_1761 : memref<64x128xf32, #tpu.memory_space<vmem>>)
    %add3A_1764 = arith.constant 384 : i32
    %add3A_1765 = arith.addi %mul3A_49, %add3A_1764 : i32
    %dma_start3A_1766 = arith.constant 6 : i32
    %dma_start3A_1767 = arith.constant 0 : i32
    %dma_start3A_1768 = arith.constant 0 : i32
    %dma_start3A_1769 = tpu.memref_slice %arg6[%dma_start3A_1766, %dma_start3A_1767, %dma_start3A_1768] : memref<8x64x128xf32, #tpu.memory_space<vmem>> -> memref<1x64x128xf32, #tpu.memory_space<vmem>>
    %dma_start3A_1770 = tpu.memref_squeeze %dma_start3A_1769 : memref<1x64x128xf32, #tpu.memory_space<vmem>> -> memref<64x128xf32, #tpu.memory_space<vmem>>
    %dma_start3A_1771 = arith.constant 0 : i32
    %dma_start3A_1772 = tpu.memref_slice %arg4[%add3A_1765, %dma_start3A_1771] : memref<32768x128xf32, #tpu.memory_space<hbm>> -> memref<64x128xf32, #tpu.memory_space<hbm>>
    %dma_start3A_1773 = arith.constant 0 : i32
    %dma_start3A_1774 = tpu.memref_slice %arg4[%add3A_1765, %dma_start3A_1773] : memref<32768x128xf32, #tpu.memory_space<hbm>> -> memref<64x128xf32, #tpu.memory_space<hbm>>
    %dma_start3A_1775 = arith.constant 0 : i32
    %dma_start3A_1776 = arith.constant 0 : i32
    %dma_start3A_1777 = tpu.memref_slice %arg6[%dma_start3A_1766, %dma_start3A_1775, %dma_start3A_1776] : memref<8x64x128xf32, #tpu.memory_space<vmem>> -> memref<1x64x128xf32, #tpu.memory_space<vmem>>
    %dma_start3A_1778 = tpu.memref_squeeze %dma_start3A_1777 : memref<1x64x128xf32, #tpu.memory_space<vmem>> -> memref<64x128xf32, #tpu.memory_space<vmem>>
    tpu.enqueue_dma source(%dma_start3A_1778 : memref<64x128xf32, #tpu.memory_space<vmem>>) target(%dma_start3A_1774 : memref<64x128xf32, #tpu.memory_space<hbm>>) target_semaphore(%arg8 : memref<!tpu.dma_semaphore, #tpu.memory_space<semaphore_mem>>)
    %jit3A_1779 = arith.constant 0xFF800000 : f32
    %broadcast_in_dim3A_1780 = vector.broadcast %jit3A_1779 : f32 to vector<16xf32>
    %select_n3A_1781 = arith.select %and3A_1713, %get3A_2, %broadcast_in_dim3A_1780 : vector<16xi1>, vector<16xf32>
    %jit3A_1782 = arith.constant 0xFF800000 : f32
    %broadcast_in_dim3A_1783 = vector.broadcast %jit3A_1782 : f32 to vector<16xf32>
    %select_n3A_1784 = arith.select %and3A_1715, %get3A_5, %broadcast_in_dim3A_1783 : vector<16xi1>, vector<16xf32>
    %jit3A_1785 = arith.constant 0xFF800000 : f32
    %broadcast_in_dim3A_1786 = vector.broadcast %jit3A_1785 : f32 to vector<16xf32>
    %select_n3A_1787 = arith.select %and3A_1717, %get3A_8, %broadcast_in_dim3A_1786 : vector<16xi1>, vector<16xf32>
    %jit3A_1788 = arith.constant 0xFF800000 : f32
    %broadcast_in_dim3A_1789 = vector.broadcast %jit3A_1788 : f32 to vector<16xf32>
    %select_n3A_1790 = arith.select %and3A_1719, %get3A_11, %broadcast_in_dim3A_1789 : vector<16xi1>, vector<16xf32>
    %max3A_1791 = arith.maximumf %select_n3A_1781, %select_n3A_1784 : vector<16xf32>
    %max3A_1792 = arith.maximumf %max3A_1791, %select_n3A_1787 : vector<16xf32>
    %max3A_1793 = arith.maximumf %max3A_1792, %select_n3A_1790 : vector<16xf32>
    %lt3A_1794 = arith.constant 0 : i32
    %lt3A_1795 = vector.broadcast %lt3A_1794 : i32 to vector<16xi32>
    %lt3A_1796 = arith.cmpi slt, %xor3A_36, %lt3A_1795 : vector<16xi32>
    %add3A_1797 = arith.constant 16 : i32
    %add3A_1798 = vector.broadcast %add3A_1797 : i32 to vector<16xi32>
    %add3A_1799 = arith.addi %xor3A_36, %add3A_1798 : vector<16xi32>
    %select_n3A_1800 = arith.select %lt3A_1796, %add3A_1799, %xor3A_36 : vector<16xi1>, vector<16xi32>
    %broadcast_in_dim3A_1801 = vector.shape_cast %select_n3A_1800 : vector<16xi32> to vector<16x1xi32>
    %gather3A_1802 = vector.shape_cast %broadcast_in_dim3A_1801 : vector<16x1xi32> to vector<16xi32>
    %gather3A_1803 = tpu.dynamic_gather %max3A_1793[%gather3A_1802] in [0] : vector<16xf32>, vector<16xi32> -> vector<16xf32>
    %max3A_1804 = arith.maximumf %max3A_1793, %gather3A_1803 : vector<16xf32>
    %lt3A_1805 = arith.constant 0 : i32
    %lt3A_1806 = vector.broadcast %lt3A_1805 : i32 to vector<16xi32>
    %lt3A_1807 = arith.cmpi slt, %xor3A_39, %lt3A_1806 : vector<16xi32>
    %add3A_1808 = arith.constant 16 : i32
    %add3A_1809 = vector.broadcast %add3A_1808 : i32 to vector<16xi32>
    %add3A_1810 = arith.addi %xor3A_39, %add3A_1809 : vector<16xi32>
    %select_n3A_1811 = arith.select %lt3A_1807, %add3A_1810, %xor3A_39 : vector<16xi1>, vector<16xi32>
    %broadcast_in_dim3A_1812 = vector.shape_cast %select_n3A_1811 : vector<16xi32> to vector<16x1xi32>
    %gather3A_1813 = vector.shape_cast %broadcast_in_dim3A_1812 : vector<16x1xi32> to vector<16xi32>
    %gather3A_1814 = tpu.dynamic_gather %max3A_1804[%gather3A_1813] in [0] : vector<16xf32>, vector<16xi32> -> vector<16xf32>
    %max3A_1815 = arith.maximumf %max3A_1804, %gather3A_1814 : vector<16xf32>
    %lt3A_1816 = arith.constant 0 : i32
    %lt3A_1817 = vector.broadcast %lt3A_1816 : i32 to vector<16xi32>
    %lt3A_1818 = arith.cmpi slt, %xor3A_42, %lt3A_1817 : vector<16xi32>
    %add3A_1819 = arith.constant 16 : i32
    %add3A_1820 = vector.broadcast %add3A_1819 : i32 to vector<16xi32>
    %add3A_1821 = arith.addi %xor3A_42, %add3A_1820 : vector<16xi32>
    %select_n3A_1822 = arith.select %lt3A_1818, %add3A_1821, %xor3A_42 : vector<16xi1>, vector<16xi32>
    %broadcast_in_dim3A_1823 = vector.shape_cast %select_n3A_1822 : vector<16xi32> to vector<16x1xi32>
    %gather3A_1824 = vector.shape_cast %broadcast_in_dim3A_1823 : vector<16x1xi32> to vector<16xi32>
    %gather3A_1825 = tpu.dynamic_gather %max3A_1815[%gather3A_1824] in [0] : vector<16xf32>, vector<16xi32> -> vector<16xf32>
    %max3A_1826 = arith.maximumf %max3A_1815, %gather3A_1825 : vector<16xf32>
    %lt3A_1827 = arith.constant 0 : i32
    %lt3A_1828 = vector.broadcast %lt3A_1827 : i32 to vector<16xi32>
    %lt3A_1829 = arith.cmpi slt, %xor3A_45, %lt3A_1828 : vector<16xi32>
    %add3A_1830 = arith.constant 16 : i32
    %add3A_1831 = vector.broadcast %add3A_1830 : i32 to vector<16xi32>
    %add3A_1832 = arith.addi %xor3A_45, %add3A_1831 : vector<16xi32>
    %select_n3A_1833 = arith.select %lt3A_1829, %add3A_1832, %xor3A_45 : vector<16xi1>, vector<16xi32>
    %broadcast_in_dim3A_1834 = vector.shape_cast %select_n3A_1833 : vector<16xi32> to vector<16x1xi32>
    %gather3A_1835 = vector.shape_cast %broadcast_in_dim3A_1834 : vector<16x1xi32> to vector<16xi32>
    %gather3A_1836 = tpu.dynamic_gather %max3A_1826[%gather3A_1835] in [0] : vector<16xf32>, vector<16xi32> -> vector<16xf32>
    %max3A_1837 = arith.maximumf %max3A_1826, %gather3A_1836 : vector<16xf32>
    %eq3A_1838 = arith.cmpf oeq, %get3A_2, %max3A_1837 : vector<16xf32>
    %and3A_1839 = arith.andi %and3A_1713, %eq3A_1838 : vector<16xi1>
    %jit3A_1840 = arith.constant 64 : i32
    %broadcast_in_dim3A_1841 = vector.broadcast %jit3A_1840 : i32 to vector<16xi32>
    %select_n3A_1842 = arith.select %and3A_1839, %add3A_14, %broadcast_in_dim3A_1841 : vector<16xi1>, vector<16xi32>
    %eq3A_1843 = arith.cmpf oeq, %get3A_5, %max3A_1837 : vector<16xf32>
    %and3A_1844 = arith.andi %and3A_1715, %eq3A_1843 : vector<16xi1>
    %jit3A_1845 = arith.constant 64 : i32
    %broadcast_in_dim3A_1846 = vector.broadcast %jit3A_1845 : i32 to vector<16xi32>
    %select_n3A_1847 = arith.select %and3A_1844, %add3A_18, %broadcast_in_dim3A_1846 : vector<16xi1>, vector<16xi32>
    %min3A_1848 = arith.minsi %select_n3A_1842, %select_n3A_1847 : vector<16xi32>
    %eq3A_1849 = arith.cmpf oeq, %get3A_8, %max3A_1837 : vector<16xf32>
    %and3A_1850 = arith.andi %and3A_1717, %eq3A_1849 : vector<16xi1>
    %jit3A_1851 = arith.constant 64 : i32
    %broadcast_in_dim3A_1852 = vector.broadcast %jit3A_1851 : i32 to vector<16xi32>
    %select_n3A_1853 = arith.select %and3A_1850, %add3A_22, %broadcast_in_dim3A_1852 : vector<16xi1>, vector<16xi32>
    %min3A_1854 = arith.minsi %min3A_1848, %select_n3A_1853 : vector<16xi32>
    %eq3A_1855 = arith.cmpf oeq, %get3A_11, %max3A_1837 : vector<16xf32>
    %and3A_1856 = arith.andi %and3A_1719, %eq3A_1855 : vector<16xi1>
    %jit3A_1857 = arith.constant 64 : i32
    %broadcast_in_dim3A_1858 = vector.broadcast %jit3A_1857 : i32 to vector<16xi32>
    %select_n3A_1859 = arith.select %and3A_1856, %add3A_26, %broadcast_in_dim3A_1858 : vector<16xi1>, vector<16xi32>
    %min3A_1860 = arith.minsi %min3A_1854, %select_n3A_1859 : vector<16xi32>
    %lt3A_1861 = arith.constant 0 : i32
    %lt3A_1862 = vector.broadcast %lt3A_1861 : i32 to vector<16xi32>
    %lt3A_1863 = arith.cmpi slt, %xor3A_36, %lt3A_1862 : vector<16xi32>
    %add3A_1864 = arith.constant 16 : i32
    %add3A_1865 = vector.broadcast %add3A_1864 : i32 to vector<16xi32>
    %add3A_1866 = arith.addi %xor3A_36, %add3A_1865 : vector<16xi32>
    %select_n3A_1867 = arith.select %lt3A_1863, %add3A_1866, %xor3A_36 : vector<16xi1>, vector<16xi32>
    %broadcast_in_dim3A_1868 = vector.shape_cast %select_n3A_1867 : vector<16xi32> to vector<16x1xi32>
    %gather3A_1869 = vector.shape_cast %broadcast_in_dim3A_1868 : vector<16x1xi32> to vector<16xi32>
    %gather3A_1870 = tpu.dynamic_gather %min3A_1860[%gather3A_1869] in [0] : vector<16xi32>, vector<16xi32> -> vector<16xi32>
    %min3A_1871 = arith.minsi %min3A_1860, %gather3A_1870 : vector<16xi32>
    %lt3A_1872 = arith.constant 0 : i32
    %lt3A_1873 = vector.broadcast %lt3A_1872 : i32 to vector<16xi32>
    %lt3A_1874 = arith.cmpi slt, %xor3A_39, %lt3A_1873 : vector<16xi32>
    %add3A_1875 = arith.constant 16 : i32
    %add3A_1876 = vector.broadcast %add3A_1875 : i32 to vector<16xi32>
    %add3A_1877 = arith.addi %xor3A_39, %add3A_1876 : vector<16xi32>
    %select_n3A_1878 = arith.select %lt3A_1874, %add3A_1877, %xor3A_39 : vector<16xi1>, vector<16xi32>
    %broadcast_in_dim3A_1879 = vector.shape_cast %select_n3A_1878 : vector<16xi32> to vector<16x1xi32>
    %gather3A_1880 = vector.shape_cast %broadcast_in_dim3A_1879 : vector<16x1xi32> to vector<16xi32>
    %gather3A_1881 = tpu.dynamic_gather %min3A_1871[%gather3A_1880] in [0] : vector<16xi32>, vector<16xi32> -> vector<16xi32>
    %min3A_1882 = arith.minsi %min3A_1871, %gather3A_1881 : vector<16xi32>
    %lt3A_1883 = arith.constant 0 : i32
    %lt3A_1884 = vector.broadcast %lt3A_1883 : i32 to vector<16xi32>
    %lt3A_1885 = arith.cmpi slt, %xor3A_42, %lt3A_1884 : vector<16xi32>
    %add3A_1886 = arith.constant 16 : i32
    %add3A_1887 = vector.broadcast %add3A_1886 : i32 to vector<16xi32>
    %add3A_1888 = arith.addi %xor3A_42, %add3A_1887 : vector<16xi32>
    %select_n3A_1889 = arith.select %lt3A_1885, %add3A_1888, %xor3A_42 : vector<16xi1>, vector<16xi32>
    %broadcast_in_dim3A_1890 = vector.shape_cast %select_n3A_1889 : vector<16xi32> to vector<16x1xi32>
    %gather3A_1891 = vector.shape_cast %broadcast_in_dim3A_1890 : vector<16x1xi32> to vector<16xi32>
    %gather3A_1892 = tpu.dynamic_gather %min3A_1882[%gather3A_1891] in [0] : vector<16xi32>, vector<16xi32> -> vector<16xi32>
    %min3A_1893 = arith.minsi %min3A_1882, %gather3A_1892 : vector<16xi32>
    %lt3A_1894 = arith.constant 0 : i32
    %lt3A_1895 = vector.broadcast %lt3A_1894 : i32 to vector<16xi32>
    %lt3A_1896 = arith.cmpi slt, %xor3A_45, %lt3A_1895 : vector<16xi32>
    %add3A_1897 = arith.constant 16 : i32
    %add3A_1898 = vector.broadcast %add3A_1897 : i32 to vector<16xi32>
    %add3A_1899 = arith.addi %xor3A_45, %add3A_1898 : vector<16xi32>
    %select_n3A_1900 = arith.select %lt3A_1896, %add3A_1899, %xor3A_45 : vector<16xi1>, vector<16xi32>
    %broadcast_in_dim3A_1901 = vector.shape_cast %select_n3A_1900 : vector<16xi32> to vector<16x1xi32>
    %gather3A_1902 = vector.shape_cast %broadcast_in_dim3A_1901 : vector<16x1xi32> to vector<16xi32>
    %gather3A_1903 = tpu.dynamic_gather %min3A_1893[%gather3A_1902] in [0] : vector<16xi32>, vector<16xi32> -> vector<16xi32>
    %min3A_1904 = arith.minsi %min3A_1893, %gather3A_1903 : vector<16xi32>
    %ne3A_1905 = arith.cmpi ne, %add3A_14, %min3A_1904 : vector<16xi32>
    %and3A_1906 = arith.andi %and3A_1713, %ne3A_1905 : vector<16xi1>
    %ne3A_1907 = arith.cmpi ne, %add3A_18, %min3A_1904 : vector<16xi32>
    %and3A_1908 = arith.andi %and3A_1715, %ne3A_1907 : vector<16xi1>
    %ne3A_1909 = arith.cmpi ne, %add3A_22, %min3A_1904 : vector<16xi32>
    %and3A_1910 = arith.andi %and3A_1717, %ne3A_1909 : vector<16xi1>
    %ne3A_1911 = arith.cmpi ne, %add3A_26, %min3A_1904 : vector<16xi32>
    %and3A_1912 = arith.andi %and3A_1719, %ne3A_1911 : vector<16xi1>
    %slice3A_1913 = vector.extract_strided_slice %min3A_1904 {offsets = [0], sizes = [1], strides = [1]} : vector<16xi32> to vector<1xi32>
    %squeeze3A_1914 = vector.extract %slice3A_1913[0] : i32 from vector<1xi32>
    %dma_wait3A_1915 = arith.constant 2 : i32
    %dma_wait3A_1916 = arith.constant 0 : i32
    %dma_wait3A_1917 = arith.constant 0 : i32
    %dma_wait3A_1918 = tpu.memref_slice %arg6[%dma_wait3A_1915, %dma_wait3A_1916, %dma_wait3A_1917] : memref<8x64x128xf32, #tpu.memory_space<vmem>> -> memref<1x64x128xf32, #tpu.memory_space<vmem>>
    %dma_wait3A_1919 = tpu.memref_squeeze %dma_wait3A_1918 : memref<1x64x128xf32, #tpu.memory_space<vmem>> -> memref<64x128xf32, #tpu.memory_space<vmem>>
    %dma_wait3A_1920 = arith.constant 0 : i32
    %dma_wait3A_1921 = tpu.memref_slice %arg4[%add3A_1019, %dma_wait3A_1920] : memref<32768x128xf32, #tpu.memory_space<hbm>> -> memref<64x128xf32, #tpu.memory_space<hbm>>
    %dma_wait3A_1922 = arith.constant 0 : i32
    %dma_wait3A_1923 = tpu.memref_slice %arg4[%add3A_1019, %dma_wait3A_1922] : memref<32768x128xf32, #tpu.memory_space<hbm>> -> memref<64x128xf32, #tpu.memory_space<hbm>>
    %dma_wait3A_1924 = arith.constant 0 : i32
    %dma_wait3A_1925 = arith.constant 0 : i32
    %dma_wait3A_1926 = tpu.memref_slice %arg6[%dma_wait3A_1915, %dma_wait3A_1924, %dma_wait3A_1925] : memref<8x64x128xf32, #tpu.memory_space<vmem>> -> memref<1x64x128xf32, #tpu.memory_space<vmem>>
    %dma_wait3A_1927 = tpu.memref_squeeze %dma_wait3A_1926 : memref<1x64x128xf32, #tpu.memory_space<vmem>> -> memref<64x128xf32, #tpu.memory_space<vmem>>
    tpu.wait_dma2 semaphore(%arg8 : memref<!tpu.dma_semaphore, #tpu.memory_space<semaphore_mem>>) src(%dma_wait3A_1927 : memref<64x128xf32, #tpu.memory_space<vmem>>) dst(%dma_wait3A_1923 : memref<64x128xf32, #tpu.memory_space<hbm>>)
    %mul3A_1928 = arith.constant 64 : i32
    %mul3A_1929 = arith.muli %squeeze3A_1914, %mul3A_1928 : i32
    %add3A_1930 = arith.addi %mul3A_47, %mul3A_1929 : i32
    %dma_start3A_1931 = arith.constant 2 : i32
    %dma_start3A_1932 = arith.constant 0 : i32
    %dma_start3A_1933 = arith.constant 0 : i32
    %dma_start3A_1934 = tpu.memref_slice %arg6[%dma_start3A_1931, %dma_start3A_1932, %dma_start3A_1933] : memref<8x64x128xf32, #tpu.memory_space<vmem>> -> memref<1x64x128xf32, #tpu.memory_space<vmem>>
    %dma_start3A_1935 = tpu.memref_squeeze %dma_start3A_1934 : memref<1x64x128xf32, #tpu.memory_space<vmem>> -> memref<64x128xf32, #tpu.memory_space<vmem>>
    %dma_start3A_1936 = arith.constant 0 : i32
    %dma_start3A_1937 = tpu.memref_slice %arg2[%add3A_1930, %dma_start3A_1936] : memref<131072x128xf32, #tpu.memory_space<hbm>> -> memref<64x128xf32, #tpu.memory_space<hbm>>
    %dma_start3A_1938 = arith.constant 0 : i32
    %dma_start3A_1939 = arith.constant 0 : i32
    %dma_start3A_1940 = tpu.memref_slice %arg6[%dma_start3A_1931, %dma_start3A_1938, %dma_start3A_1939] : memref<8x64x128xf32, #tpu.memory_space<vmem>> -> memref<1x64x128xf32, #tpu.memory_space<vmem>>
    %dma_start3A_1941 = tpu.memref_squeeze %dma_start3A_1940 : memref<1x64x128xf32, #tpu.memory_space<vmem>> -> memref<64x128xf32, #tpu.memory_space<vmem>>
    %dma_start3A_1942 = arith.constant 0 : i32
    %dma_start3A_1943 = tpu.memref_slice %arg2[%add3A_1930, %dma_start3A_1942] : memref<131072x128xf32, #tpu.memory_space<hbm>> -> memref<64x128xf32, #tpu.memory_space<hbm>>
    tpu.enqueue_dma source(%dma_start3A_1943 : memref<64x128xf32, #tpu.memory_space<hbm>>) target(%dma_start3A_1941 : memref<64x128xf32, #tpu.memory_space<vmem>>) target_semaphore(%arg7 : memref<!tpu.dma_semaphore, #tpu.memory_space<semaphore_mem>>)
    %dma_wait3A_1944 = arith.constant 7 : i32
    %dma_wait3A_1945 = arith.constant 0 : i32
    %dma_wait3A_1946 = arith.constant 0 : i32
    %dma_wait3A_1947 = tpu.memref_slice %arg6[%dma_wait3A_1944, %dma_wait3A_1945, %dma_wait3A_1946] : memref<8x64x128xf32, #tpu.memory_space<vmem>> -> memref<1x64x128xf32, #tpu.memory_space<vmem>>
    %dma_wait3A_1948 = tpu.memref_squeeze %dma_wait3A_1947 : memref<1x64x128xf32, #tpu.memory_space<vmem>> -> memref<64x128xf32, #tpu.memory_space<vmem>>
    %dma_wait3A_1949 = arith.constant 0 : i32
    %dma_wait3A_1950 = tpu.memref_slice %arg2[%add3A_1351, %dma_wait3A_1949] : memref<131072x128xf32, #tpu.memory_space<hbm>> -> memref<64x128xf32, #tpu.memory_space<hbm>>
    %dma_wait3A_1951 = arith.constant 0 : i32
    %dma_wait3A_1952 = arith.constant 0 : i32
    %dma_wait3A_1953 = tpu.memref_slice %arg6[%dma_wait3A_1944, %dma_wait3A_1951, %dma_wait3A_1952] : memref<8x64x128xf32, #tpu.memory_space<vmem>> -> memref<1x64x128xf32, #tpu.memory_space<vmem>>
    %dma_wait3A_1954 = tpu.memref_squeeze %dma_wait3A_1953 : memref<1x64x128xf32, #tpu.memory_space<vmem>> -> memref<64x128xf32, #tpu.memory_space<vmem>>
    %dma_wait3A_1955 = arith.constant 0 : i32
    %dma_wait3A_1956 = tpu.memref_slice %arg2[%add3A_1351, %dma_wait3A_1955] : memref<131072x128xf32, #tpu.memory_space<hbm>> -> memref<64x128xf32, #tpu.memory_space<hbm>>
    tpu.wait_dma2 semaphore(%arg7 : memref<!tpu.dma_semaphore, #tpu.memory_space<semaphore_mem>>) src(%dma_wait3A_1956 : memref<64x128xf32, #tpu.memory_space<hbm>>) dst(%dma_wait3A_1954 : memref<64x128xf32, #tpu.memory_space<vmem>>)
    %add3A_1957 = arith.constant 448 : i32
    %add3A_1958 = arith.addi %mul3A_49, %add3A_1957 : i32
    %dma_start3A_1959 = arith.constant 7 : i32
    %dma_start3A_1960 = arith.constant 0 : i32
    %dma_start3A_1961 = arith.constant 0 : i32
    %dma_start3A_1962 = tpu.memref_slice %arg6[%dma_start3A_1959, %dma_start3A_1960, %dma_start3A_1961] : memref<8x64x128xf32, #tpu.memory_space<vmem>> -> memref<1x64x128xf32, #tpu.memory_space<vmem>>
    %dma_start3A_1963 = tpu.memref_squeeze %dma_start3A_1962 : memref<1x64x128xf32, #tpu.memory_space<vmem>> -> memref<64x128xf32, #tpu.memory_space<vmem>>
    %dma_start3A_1964 = arith.constant 0 : i32
    %dma_start3A_1965 = tpu.memref_slice %arg4[%add3A_1958, %dma_start3A_1964] : memref<32768x128xf32, #tpu.memory_space<hbm>> -> memref<64x128xf32, #tpu.memory_space<hbm>>
    %dma_start3A_1966 = arith.constant 0 : i32
    %dma_start3A_1967 = tpu.memref_slice %arg4[%add3A_1958, %dma_start3A_1966] : memref<32768x128xf32, #tpu.memory_space<hbm>> -> memref<64x128xf32, #tpu.memory_space<hbm>>
    %dma_start3A_1968 = arith.constant 0 : i32
    %dma_start3A_1969 = arith.constant 0 : i32
    %dma_start3A_1970 = tpu.memref_slice %arg6[%dma_start3A_1959, %dma_start3A_1968, %dma_start3A_1969] : memref<8x64x128xf32, #tpu.memory_space<vmem>> -> memref<1x64x128xf32, #tpu.memory_space<vmem>>
    %dma_start3A_1971 = tpu.memref_squeeze %dma_start3A_1970 : memref<1x64x128xf32, #tpu.memory_space<vmem>> -> memref<64x128xf32, #tpu.memory_space<vmem>>
    tpu.enqueue_dma source(%dma_start3A_1971 : memref<64x128xf32, #tpu.memory_space<vmem>>) target(%dma_start3A_1967 : memref<64x128xf32, #tpu.memory_space<hbm>>) target_semaphore(%arg8 : memref<!tpu.dma_semaphore, #tpu.memory_space<semaphore_mem>>)
    %jit3A_1972 = arith.constant 0xFF800000 : f32
    %broadcast_in_dim3A_1973 = vector.broadcast %jit3A_1972 : f32 to vector<16xf32>
    %select_n3A_1974 = arith.select %and3A_1906, %get3A_2, %broadcast_in_dim3A_1973 : vector<16xi1>, vector<16xf32>
    %jit3A_1975 = arith.constant 0xFF800000 : f32
    %broadcast_in_dim3A_1976 = vector.broadcast %jit3A_1975 : f32 to vector<16xf32>
    %select_n3A_1977 = arith.select %and3A_1908, %get3A_5, %broadcast_in_dim3A_1976 : vector<16xi1>, vector<16xf32>
    %jit3A_1978 = arith.constant 0xFF800000 : f32
    %broadcast_in_dim3A_1979 = vector.broadcast %jit3A_1978 : f32 to vector<16xf32>
    %select_n3A_1980 = arith.select %and3A_1910, %get3A_8, %broadcast_in_dim3A_1979 : vector<16xi1>, vector<16xf32>
    %jit3A_1981 = arith.constant 0xFF800000 : f32
    %broadcast_in_dim3A_1982 = vector.broadcast %jit3A_1981 : f32 to vector<16xf32>
    %select_n3A_1983 = arith.select %and3A_1912, %get3A_11, %broadcast_in_dim3A_1982 : vector<16xi1>, vector<16xf32>
    %max3A_1984 = arith.maximumf %select_n3A_1974, %select_n3A_1977 : vector<16xf32>
    %max3A_1985 = arith.maximumf %max3A_1984, %select_n3A_1980 : vector<16xf32>
    %max3A_1986 = arith.maximumf %max3A_1985, %select_n3A_1983 : vector<16xf32>
    %lt3A_1987 = arith.constant 0 : i32
    %lt3A_1988 = vector.broadcast %lt3A_1987 : i32 to vector<16xi32>
    %lt3A_1989 = arith.cmpi slt, %xor3A_36, %lt3A_1988 : vector<16xi32>
    %add3A_1990 = arith.constant 16 : i32
    %add3A_1991 = vector.broadcast %add3A_1990 : i32 to vector<16xi32>
    %add3A_1992 = arith.addi %xor3A_36, %add3A_1991 : vector<16xi32>
    %select_n3A_1993 = arith.select %lt3A_1989, %add3A_1992, %xor3A_36 : vector<16xi1>, vector<16xi32>
    %broadcast_in_dim3A_1994 = vector.shape_cast %select_n3A_1993 : vector<16xi32> to vector<16x1xi32>
    %gather3A_1995 = vector.shape_cast %broadcast_in_dim3A_1994 : vector<16x1xi32> to vector<16xi32>
    %gather3A_1996 = tpu.dynamic_gather %max3A_1986[%gather3A_1995] in [0] : vector<16xf32>, vector<16xi32> -> vector<16xf32>
    %max3A_1997 = arith.maximumf %max3A_1986, %gather3A_1996 : vector<16xf32>
    %lt3A_1998 = arith.constant 0 : i32
    %lt3A_1999 = vector.broadcast %lt3A_1998 : i32 to vector<16xi32>
    %lt3A_2000 = arith.cmpi slt, %xor3A_39, %lt3A_1999 : vector<16xi32>
    %add3A_2001 = arith.constant 16 : i32
    %add3A_2002 = vector.broadcast %add3A_2001 : i32 to vector<16xi32>
    %add3A_2003 = arith.addi %xor3A_39, %add3A_2002 : vector<16xi32>
    %select_n3A_2004 = arith.select %lt3A_2000, %add3A_2003, %xor3A_39 : vector<16xi1>, vector<16xi32>
    %broadcast_in_dim3A_2005 = vector.shape_cast %select_n3A_2004 : vector<16xi32> to vector<16x1xi32>
    %gather3A_2006 = vector.shape_cast %broadcast_in_dim3A_2005 : vector<16x1xi32> to vector<16xi32>
    %gather3A_2007 = tpu.dynamic_gather %max3A_1997[%gather3A_2006] in [0] : vector<16xf32>, vector<16xi32> -> vector<16xf32>
    %max3A_2008 = arith.maximumf %max3A_1997, %gather3A_2007 : vector<16xf32>
    %lt3A_2009 = arith.constant 0 : i32
    %lt3A_2010 = vector.broadcast %lt3A_2009 : i32 to vector<16xi32>
    %lt3A_2011 = arith.cmpi slt, %xor3A_42, %lt3A_2010 : vector<16xi32>
    %add3A_2012 = arith.constant 16 : i32
    %add3A_2013 = vector.broadcast %add3A_2012 : i32 to vector<16xi32>
    %add3A_2014 = arith.addi %xor3A_42, %add3A_2013 : vector<16xi32>
    %select_n3A_2015 = arith.select %lt3A_2011, %add3A_2014, %xor3A_42 : vector<16xi1>, vector<16xi32>
    %broadcast_in_dim3A_2016 = vector.shape_cast %select_n3A_2015 : vector<16xi32> to vector<16x1xi32>
    %gather3A_2017 = vector.shape_cast %broadcast_in_dim3A_2016 : vector<16x1xi32> to vector<16xi32>
    %gather3A_2018 = tpu.dynamic_gather %max3A_2008[%gather3A_2017] in [0] : vector<16xf32>, vector<16xi32> -> vector<16xf32>
    %max3A_2019 = arith.maximumf %max3A_2008, %gather3A_2018 : vector<16xf32>
    %lt3A_2020 = arith.constant 0 : i32
    %lt3A_2021 = vector.broadcast %lt3A_2020 : i32 to vector<16xi32>
    %lt3A_2022 = arith.cmpi slt, %xor3A_45, %lt3A_2021 : vector<16xi32>
    %add3A_2023 = arith.constant 16 : i32
    %add3A_2024 = vector.broadcast %add3A_2023 : i32 to vector<16xi32>
    %add3A_2025 = arith.addi %xor3A_45, %add3A_2024 : vector<16xi32>
    %select_n3A_2026 = arith.select %lt3A_2022, %add3A_2025, %xor3A_45 : vector<16xi1>, vector<16xi32>
    %broadcast_in_dim3A_2027 = vector.shape_cast %select_n3A_2026 : vector<16xi32> to vector<16x1xi32>
    %gather3A_2028 = vector.shape_cast %broadcast_in_dim3A_2027 : vector<16x1xi32> to vector<16xi32>
    %gather3A_2029 = tpu.dynamic_gather %max3A_2019[%gather3A_2028] in [0] : vector<16xf32>, vector<16xi32> -> vector<16xf32>
    %max3A_2030 = arith.maximumf %max3A_2019, %gather3A_2029 : vector<16xf32>
    %eq3A_2031 = arith.cmpf oeq, %get3A_2, %max3A_2030 : vector<16xf32>
    %and3A_2032 = arith.andi %and3A_1906, %eq3A_2031 : vector<16xi1>
    %jit3A_2033 = arith.constant 64 : i32
    %broadcast_in_dim3A_2034 = vector.broadcast %jit3A_2033 : i32 to vector<16xi32>
    %select_n3A_2035 = arith.select %and3A_2032, %add3A_14, %broadcast_in_dim3A_2034 : vector<16xi1>, vector<16xi32>
    %eq3A_2036 = arith.cmpf oeq, %get3A_5, %max3A_2030 : vector<16xf32>
    %and3A_2037 = arith.andi %and3A_1908, %eq3A_2036 : vector<16xi1>
    %jit3A_2038 = arith.constant 64 : i32
    %broadcast_in_dim3A_2039 = vector.broadcast %jit3A_2038 : i32 to vector<16xi32>
    %select_n3A_2040 = arith.select %and3A_2037, %add3A_18, %broadcast_in_dim3A_2039 : vector<16xi1>, vector<16xi32>
    %min3A_2041 = arith.minsi %select_n3A_2035, %select_n3A_2040 : vector<16xi32>
    %eq3A_2042 = arith.cmpf oeq, %get3A_8, %max3A_2030 : vector<16xf32>
    %and3A_2043 = arith.andi %and3A_1910, %eq3A_2042 : vector<16xi1>
    %jit3A_2044 = arith.constant 64 : i32
    %broadcast_in_dim3A_2045 = vector.broadcast %jit3A_2044 : i32 to vector<16xi32>
    %select_n3A_2046 = arith.select %and3A_2043, %add3A_22, %broadcast_in_dim3A_2045 : vector<16xi1>, vector<16xi32>
    %min3A_2047 = arith.minsi %min3A_2041, %select_n3A_2046 : vector<16xi32>
    %eq3A_2048 = arith.cmpf oeq, %get3A_11, %max3A_2030 : vector<16xf32>
    %and3A_2049 = arith.andi %and3A_1912, %eq3A_2048 : vector<16xi1>
    %jit3A_2050 = arith.constant 64 : i32
    %broadcast_in_dim3A_2051 = vector.broadcast %jit3A_2050 : i32 to vector<16xi32>
    %select_n3A_2052 = arith.select %and3A_2049, %add3A_26, %broadcast_in_dim3A_2051 : vector<16xi1>, vector<16xi32>
    %min3A_2053 = arith.minsi %min3A_2047, %select_n3A_2052 : vector<16xi32>
    %lt3A_2054 = arith.constant 0 : i32
    %lt3A_2055 = vector.broadcast %lt3A_2054 : i32 to vector<16xi32>
    %lt3A_2056 = arith.cmpi slt, %xor3A_36, %lt3A_2055 : vector<16xi32>
    %add3A_2057 = arith.constant 16 : i32
    %add3A_2058 = vector.broadcast %add3A_2057 : i32 to vector<16xi32>
    %add3A_2059 = arith.addi %xor3A_36, %add3A_2058 : vector<16xi32>
    %select_n3A_2060 = arith.select %lt3A_2056, %add3A_2059, %xor3A_36 : vector<16xi1>, vector<16xi32>
    %broadcast_in_dim3A_2061 = vector.shape_cast %select_n3A_2060 : vector<16xi32> to vector<16x1xi32>
    %gather3A_2062 = vector.shape_cast %broadcast_in_dim3A_2061 : vector<16x1xi32> to vector<16xi32>
    %gather3A_2063 = tpu.dynamic_gather %min3A_2053[%gather3A_2062] in [0] : vector<16xi32>, vector<16xi32> -> vector<16xi32>
    %min3A_2064 = arith.minsi %min3A_2053, %gather3A_2063 : vector<16xi32>
    %lt3A_2065 = arith.constant 0 : i32
    %lt3A_2066 = vector.broadcast %lt3A_2065 : i32 to vector<16xi32>
    %lt3A_2067 = arith.cmpi slt, %xor3A_39, %lt3A_2066 : vector<16xi32>
    %add3A_2068 = arith.constant 16 : i32
    %add3A_2069 = vector.broadcast %add3A_2068 : i32 to vector<16xi32>
    %add3A_2070 = arith.addi %xor3A_39, %add3A_2069 : vector<16xi32>
    %select_n3A_2071 = arith.select %lt3A_2067, %add3A_2070, %xor3A_39 : vector<16xi1>, vector<16xi32>
    %broadcast_in_dim3A_2072 = vector.shape_cast %select_n3A_2071 : vector<16xi32> to vector<16x1xi32>
    %gather3A_2073 = vector.shape_cast %broadcast_in_dim3A_2072 : vector<16x1xi32> to vector<16xi32>
    %gather3A_2074 = tpu.dynamic_gather %min3A_2064[%gather3A_2073] in [0] : vector<16xi32>, vector<16xi32> -> vector<16xi32>
    %min3A_2075 = arith.minsi %min3A_2064, %gather3A_2074 : vector<16xi32>
    %lt3A_2076 = arith.constant 0 : i32
    %lt3A_2077 = vector.broadcast %lt3A_2076 : i32 to vector<16xi32>
    %lt3A_2078 = arith.cmpi slt, %xor3A_42, %lt3A_2077 : vector<16xi32>
    %add3A_2079 = arith.constant 16 : i32
    %add3A_2080 = vector.broadcast %add3A_2079 : i32 to vector<16xi32>
    %add3A_2081 = arith.addi %xor3A_42, %add3A_2080 : vector<16xi32>
    %select_n3A_2082 = arith.select %lt3A_2078, %add3A_2081, %xor3A_42 : vector<16xi1>, vector<16xi32>
    %broadcast_in_dim3A_2083 = vector.shape_cast %select_n3A_2082 : vector<16xi32> to vector<16x1xi32>
    %gather3A_2084 = vector.shape_cast %broadcast_in_dim3A_2083 : vector<16x1xi32> to vector<16xi32>
    %gather3A_2085 = tpu.dynamic_gather %min3A_2075[%gather3A_2084] in [0] : vector<16xi32>, vector<16xi32> -> vector<16xi32>
    %min3A_2086 = arith.minsi %min3A_2075, %gather3A_2085 : vector<16xi32>
    %lt3A_2087 = arith.constant 0 : i32
    %lt3A_2088 = vector.broadcast %lt3A_2087 : i32 to vector<16xi32>
    %lt3A_2089 = arith.cmpi slt, %xor3A_45, %lt3A_2088 : vector<16xi32>
    %add3A_2090 = arith.constant 16 : i32
    %add3A_2091 = vector.broadcast %add3A_2090 : i32 to vector<16xi32>
    %add3A_2092 = arith.addi %xor3A_45, %add3A_2091 : vector<16xi32>
    %select_n3A_2093 = arith.select %lt3A_2089, %add3A_2092, %xor3A_45 : vector<16xi1>, vector<16xi32>
    %broadcast_in_dim3A_2094 = vector.shape_cast %select_n3A_2093 : vector<16xi32> to vector<16x1xi32>
    %gather3A_2095 = vector.shape_cast %broadcast_in_dim3A_2094 : vector<16x1xi32> to vector<16xi32>
    %gather3A_2096 = tpu.dynamic_gather %min3A_2086[%gather3A_2095] in [0] : vector<16xi32>, vector<16xi32> -> vector<16xi32>
    %min3A_2097 = arith.minsi %min3A_2086, %gather3A_2096 : vector<16xi32>
    %ne3A_2098 = arith.cmpi ne, %add3A_14, %min3A_2097 : vector<16xi32>
    %and3A_2099 = arith.andi %and3A_1906, %ne3A_2098 : vector<16xi1>
    %ne3A_2100 = arith.cmpi ne, %add3A_18, %min3A_2097 : vector<16xi32>
    %and3A_2101 = arith.andi %and3A_1908, %ne3A_2100 : vector<16xi1>
    %ne3A_2102 = arith.cmpi ne, %add3A_22, %min3A_2097 : vector<16xi32>
    %and3A_2103 = arith.andi %and3A_1910, %ne3A_2102 : vector<16xi1>
    %ne3A_2104 = arith.cmpi ne, %add3A_26, %min3A_2097 : vector<16xi32>
    %and3A_2105 = arith.andi %and3A_1912, %ne3A_2104 : vector<16xi1>
    %slice3A_2106 = vector.extract_strided_slice %min3A_2097 {offsets = [0], sizes = [1], strides = [1]} : vector<16xi32> to vector<1xi32>
    %squeeze3A_2107 = vector.extract %slice3A_2106[0] : i32 from vector<1xi32>
    %dma_wait3A_2108 = arith.constant 3 : i32
    %dma_wait3A_2109 = arith.constant 0 : i32
    %dma_wait3A_2110 = arith.constant 0 : i32
    %dma_wait3A_2111 = tpu.memref_slice %arg6[%dma_wait3A_2108, %dma_wait3A_2109, %dma_wait3A_2110] : memref<8x64x128xf32, #tpu.memory_space<vmem>> -> memref<1x64x128xf32, #tpu.memory_space<vmem>>
    %dma_wait3A_2112 = tpu.memref_squeeze %dma_wait3A_2111 : memref<1x64x128xf32, #tpu.memory_space<vmem>> -> memref<64x128xf32, #tpu.memory_space<vmem>>
    %dma_wait3A_2113 = arith.constant 0 : i32
    %dma_wait3A_2114 = tpu.memref_slice %arg4[%add3A_1199, %dma_wait3A_2113] : memref<32768x128xf32, #tpu.memory_space<hbm>> -> memref<64x128xf32, #tpu.memory_space<hbm>>
    %dma_wait3A_2115 = arith.constant 0 : i32
    %dma_wait3A_2116 = tpu.memref_slice %arg4[%add3A_1199, %dma_wait3A_2115] : memref<32768x128xf32, #tpu.memory_space<hbm>> -> memref<64x128xf32, #tpu.memory_space<hbm>>
    %dma_wait3A_2117 = arith.constant 0 : i32
    %dma_wait3A_2118 = arith.constant 0 : i32
    %dma_wait3A_2119 = tpu.memref_slice %arg6[%dma_wait3A_2108, %dma_wait3A_2117, %dma_wait3A_2118] : memref<8x64x128xf32, #tpu.memory_space<vmem>> -> memref<1x64x128xf32, #tpu.memory_space<vmem>>
    %dma_wait3A_2120 = tpu.memref_squeeze %dma_wait3A_2119 : memref<1x64x128xf32, #tpu.memory_space<vmem>> -> memref<64x128xf32, #tpu.memory_space<vmem>>
    tpu.wait_dma2 semaphore(%arg8 : memref<!tpu.dma_semaphore, #tpu.memory_space<semaphore_mem>>) src(%dma_wait3A_2120 : memref<64x128xf32, #tpu.memory_space<vmem>>) dst(%dma_wait3A_2116 : memref<64x128xf32, #tpu.memory_space<hbm>>)
    %mul3A_2121 = arith.constant 64 : i32
    %mul3A_2122 = arith.muli %squeeze3A_2107, %mul3A_2121 : i32
    %add3A_2123 = arith.addi %mul3A_47, %mul3A_2122 : i32
    %dma_start3A_2124 = arith.constant 3 : i32
    %dma_start3A_2125 = arith.constant 0 : i32
    %dma_start3A_2126 = arith.constant 0 : i32
    %dma_start3A_2127 = tpu.memref_slice %arg6[%dma_start3A_2124, %dma_start3A_2125, %dma_start3A_2126] : memref<8x64x128xf32, #tpu.memory_space<vmem>> -> memref<1x64x128xf32, #tpu.memory_space<vmem>>
    %dma_start3A_2128 = tpu.memref_squeeze %dma_start3A_2127 : memref<1x64x128xf32, #tpu.memory_space<vmem>> -> memref<64x128xf32, #tpu.memory_space<vmem>>
    %dma_start3A_2129 = arith.constant 0 : i32
    %dma_start3A_2130 = tpu.memref_slice %arg2[%add3A_2123, %dma_start3A_2129] : memref<131072x128xf32, #tpu.memory_space<hbm>> -> memref<64x128xf32, #tpu.memory_space<hbm>>
    %dma_start3A_2131 = arith.constant 0 : i32
    %dma_start3A_2132 = arith.constant 0 : i32
    %dma_start3A_2133 = tpu.memref_slice %arg6[%dma_start3A_2124, %dma_start3A_2131, %dma_start3A_2132] : memref<8x64x128xf32, #tpu.memory_space<vmem>> -> memref<1x64x128xf32, #tpu.memory_space<vmem>>
    %dma_start3A_2134 = tpu.memref_squeeze %dma_start3A_2133 : memref<1x64x128xf32, #tpu.memory_space<vmem>> -> memref<64x128xf32, #tpu.memory_space<vmem>>
    %dma_start3A_2135 = arith.constant 0 : i32
    %dma_start3A_2136 = tpu.memref_slice %arg2[%add3A_2123, %dma_start3A_2135] : memref<131072x128xf32, #tpu.memory_space<hbm>> -> memref<64x128xf32, #tpu.memory_space<hbm>>
    tpu.enqueue_dma source(%dma_start3A_2136 : memref<64x128xf32, #tpu.memory_space<hbm>>) target(%dma_start3A_2134 : memref<64x128xf32, #tpu.memory_space<vmem>>) target_semaphore(%arg7 : memref<!tpu.dma_semaphore, #tpu.memory_space<semaphore_mem>>)
    %dma_wait3A_2137 = arith.constant 0 : i32
    %dma_wait3A_2138 = arith.constant 0 : i32
    %dma_wait3A_2139 = arith.constant 0 : i32
    %dma_wait3A_2140 = tpu.memref_slice %arg6[%dma_wait3A_2137, %dma_wait3A_2138, %dma_wait3A_2139] : memref<8x64x128xf32, #tpu.memory_space<vmem>> -> memref<1x64x128xf32, #tpu.memory_space<vmem>>
    %dma_wait3A_2141 = tpu.memref_squeeze %dma_wait3A_2140 : memref<1x64x128xf32, #tpu.memory_space<vmem>> -> memref<64x128xf32, #tpu.memory_space<vmem>>
    %dma_wait3A_2142 = arith.constant 0 : i32
    %dma_wait3A_2143 = tpu.memref_slice %arg2[%add3A_1544, %dma_wait3A_2142] : memref<131072x128xf32, #tpu.memory_space<hbm>> -> memref<64x128xf32, #tpu.memory_space<hbm>>
    %dma_wait3A_2144 = arith.constant 0 : i32
    %dma_wait3A_2145 = arith.constant 0 : i32
    %dma_wait3A_2146 = tpu.memref_slice %arg6[%dma_wait3A_2137, %dma_wait3A_2144, %dma_wait3A_2145] : memref<8x64x128xf32, #tpu.memory_space<vmem>> -> memref<1x64x128xf32, #tpu.memory_space<vmem>>
    %dma_wait3A_2147 = tpu.memref_squeeze %dma_wait3A_2146 : memref<1x64x128xf32, #tpu.memory_space<vmem>> -> memref<64x128xf32, #tpu.memory_space<vmem>>
    %dma_wait3A_2148 = arith.constant 0 : i32
    %dma_wait3A_2149 = tpu.memref_slice %arg2[%add3A_1544, %dma_wait3A_2148] : memref<131072x128xf32, #tpu.memory_space<hbm>> -> memref<64x128xf32, #tpu.memory_space<hbm>>
    tpu.wait_dma2 semaphore(%arg7 : memref<!tpu.dma_semaphore, #tpu.memory_space<semaphore_mem>>) src(%dma_wait3A_2149 : memref<64x128xf32, #tpu.memory_space<hbm>>) dst(%dma_wait3A_2147 : memref<64x128xf32, #tpu.memory_space<vmem>>)
    %add3A_2150 = arith.constant 512 : i32
    %add3A_2151 = arith.addi %mul3A_49, %add3A_2150 : i32
    %dma_start3A_2152 = arith.constant 0 : i32
    %dma_start3A_2153 = arith.constant 0 : i32
    %dma_start3A_2154 = arith.constant 0 : i32
    %dma_start3A_2155 = tpu.memref_slice %arg6[%dma_start3A_2152, %dma_start3A_2153, %dma_start3A_2154] : memref<8x64x128xf32, #tpu.memory_space<vmem>> -> memref<1x64x128xf32, #tpu.memory_space<vmem>>
    %dma_start3A_2156 = tpu.memref_squeeze %dma_start3A_2155 : memref<1x64x128xf32, #tpu.memory_space<vmem>> -> memref<64x128xf32, #tpu.memory_space<vmem>>
    %dma_start3A_2157 = arith.constant 0 : i32
    %dma_start3A_2158 = tpu.memref_slice %arg4[%add3A_2151, %dma_start3A_2157] : memref<32768x128xf32, #tpu.memory_space<hbm>> -> memref<64x128xf32, #tpu.memory_space<hbm>>
    %dma_start3A_2159 = arith.constant 0 : i32
    %dma_start3A_2160 = tpu.memref_slice %arg4[%add3A_2151, %dma_start3A_2159] : memref<32768x128xf32, #tpu.memory_space<hbm>> -> memref<64x128xf32, #tpu.memory_space<hbm>>
    %dma_start3A_2161 = arith.constant 0 : i32
    %dma_start3A_2162 = arith.constant 0 : i32
    %dma_start3A_2163 = tpu.memref_slice %arg6[%dma_start3A_2152, %dma_start3A_2161, %dma_start3A_2162] : memref<8x64x128xf32, #tpu.memory_space<vmem>> -> memref<1x64x128xf32, #tpu.memory_space<vmem>>
    %dma_start3A_2164 = tpu.memref_squeeze %dma_start3A_2163 : memref<1x64x128xf32, #tpu.memory_space<vmem>> -> memref<64x128xf32, #tpu.memory_space<vmem>>
    tpu.enqueue_dma source(%dma_start3A_2164 : memref<64x128xf32, #tpu.memory_space<vmem>>) target(%dma_start3A_2160 : memref<64x128xf32, #tpu.memory_space<hbm>>) target_semaphore(%arg8 : memref<!tpu.dma_semaphore, #tpu.memory_space<semaphore_mem>>)
    %jit3A_2165 = arith.constant 0xFF800000 : f32
    %broadcast_in_dim3A_2166 = vector.broadcast %jit3A_2165 : f32 to vector<16xf32>
    %select_n3A_2167 = arith.select %and3A_2099, %get3A_2, %broadcast_in_dim3A_2166 : vector<16xi1>, vector<16xf32>
    %jit3A_2168 = arith.constant 0xFF800000 : f32
    %broadcast_in_dim3A_2169 = vector.broadcast %jit3A_2168 : f32 to vector<16xf32>
    %select_n3A_2170 = arith.select %and3A_2101, %get3A_5, %broadcast_in_dim3A_2169 : vector<16xi1>, vector<16xf32>
    %jit3A_2171 = arith.constant 0xFF800000 : f32
    %broadcast_in_dim3A_2172 = vector.broadcast %jit3A_2171 : f32 to vector<16xf32>
    %select_n3A_2173 = arith.select %and3A_2103, %get3A_8, %broadcast_in_dim3A_2172 : vector<16xi1>, vector<16xf32>
    %jit3A_2174 = arith.constant 0xFF800000 : f32
    %broadcast_in_dim3A_2175 = vector.broadcast %jit3A_2174 : f32 to vector<16xf32>
    %select_n3A_2176 = arith.select %and3A_2105, %get3A_11, %broadcast_in_dim3A_2175 : vector<16xi1>, vector<16xf32>
    %max3A_2177 = arith.maximumf %select_n3A_2167, %select_n3A_2170 : vector<16xf32>
    %max3A_2178 = arith.maximumf %max3A_2177, %select_n3A_2173 : vector<16xf32>
    %max3A_2179 = arith.maximumf %max3A_2178, %select_n3A_2176 : vector<16xf32>
    %lt3A_2180 = arith.constant 0 : i32
    %lt3A_2181 = vector.broadcast %lt3A_2180 : i32 to vector<16xi32>
    %lt3A_2182 = arith.cmpi slt, %xor3A_36, %lt3A_2181 : vector<16xi32>
    %add3A_2183 = arith.constant 16 : i32
    %add3A_2184 = vector.broadcast %add3A_2183 : i32 to vector<16xi32>
    %add3A_2185 = arith.addi %xor3A_36, %add3A_2184 : vector<16xi32>
    %select_n3A_2186 = arith.select %lt3A_2182, %add3A_2185, %xor3A_36 : vector<16xi1>, vector<16xi32>
    %broadcast_in_dim3A_2187 = vector.shape_cast %select_n3A_2186 : vector<16xi32> to vector<16x1xi32>
    %gather3A_2188 = vector.shape_cast %broadcast_in_dim3A_2187 : vector<16x1xi32> to vector<16xi32>
    %gather3A_2189 = tpu.dynamic_gather %max3A_2179[%gather3A_2188] in [0] : vector<16xf32>, vector<16xi32> -> vector<16xf32>
    %max3A_2190 = arith.maximumf %max3A_2179, %gather3A_2189 : vector<16xf32>
    %lt3A_2191 = arith.constant 0 : i32
    %lt3A_2192 = vector.broadcast %lt3A_2191 : i32 to vector<16xi32>
    %lt3A_2193 = arith.cmpi slt, %xor3A_39, %lt3A_2192 : vector<16xi32>
    %add3A_2194 = arith.constant 16 : i32
    %add3A_2195 = vector.broadcast %add3A_2194 : i32 to vector<16xi32>
    %add3A_2196 = arith.addi %xor3A_39, %add3A_2195 : vector<16xi32>
    %select_n3A_2197 = arith.select %lt3A_2193, %add3A_2196, %xor3A_39 : vector<16xi1>, vector<16xi32>
    %broadcast_in_dim3A_2198 = vector.shape_cast %select_n3A_2197 : vector<16xi32> to vector<16x1xi32>
    %gather3A_2199 = vector.shape_cast %broadcast_in_dim3A_2198 : vector<16x1xi32> to vector<16xi32>
    %gather3A_2200 = tpu.dynamic_gather %max3A_2190[%gather3A_2199] in [0] : vector<16xf32>, vector<16xi32> -> vector<16xf32>
    %max3A_2201 = arith.maximumf %max3A_2190, %gather3A_2200 : vector<16xf32>
    %lt3A_2202 = arith.constant 0 : i32
    %lt3A_2203 = vector.broadcast %lt3A_2202 : i32 to vector<16xi32>
    %lt3A_2204 = arith.cmpi slt, %xor3A_42, %lt3A_2203 : vector<16xi32>
    %add3A_2205 = arith.constant 16 : i32
    %add3A_2206 = vector.broadcast %add3A_2205 : i32 to vector<16xi32>
    %add3A_2207 = arith.addi %xor3A_42, %add3A_2206 : vector<16xi32>
    %select_n3A_2208 = arith.select %lt3A_2204, %add3A_2207, %xor3A_42 : vector<16xi1>, vector<16xi32>
    %broadcast_in_dim3A_2209 = vector.shape_cast %select_n3A_2208 : vector<16xi32> to vector<16x1xi32>
    %gather3A_2210 = vector.shape_cast %broadcast_in_dim3A_2209 : vector<16x1xi32> to vector<16xi32>
    %gather3A_2211 = tpu.dynamic_gather %max3A_2201[%gather3A_2210] in [0] : vector<16xf32>, vector<16xi32> -> vector<16xf32>
    %max3A_2212 = arith.maximumf %max3A_2201, %gather3A_2211 : vector<16xf32>
    %lt3A_2213 = arith.constant 0 : i32
    %lt3A_2214 = vector.broadcast %lt3A_2213 : i32 to vector<16xi32>
    %lt3A_2215 = arith.cmpi slt, %xor3A_45, %lt3A_2214 : vector<16xi32>
    %add3A_2216 = arith.constant 16 : i32
    %add3A_2217 = vector.broadcast %add3A_2216 : i32 to vector<16xi32>
    %add3A_2218 = arith.addi %xor3A_45, %add3A_2217 : vector<16xi32>
    %select_n3A_2219 = arith.select %lt3A_2215, %add3A_2218, %xor3A_45 : vector<16xi1>, vector<16xi32>
    %broadcast_in_dim3A_2220 = vector.shape_cast %select_n3A_2219 : vector<16xi32> to vector<16x1xi32>
    %gather3A_2221 = vector.shape_cast %broadcast_in_dim3A_2220 : vector<16x1xi32> to vector<16xi32>
    %gather3A_2222 = tpu.dynamic_gather %max3A_2212[%gather3A_2221] in [0] : vector<16xf32>, vector<16xi32> -> vector<16xf32>
    %max3A_2223 = arith.maximumf %max3A_2212, %gather3A_2222 : vector<16xf32>
    %eq3A_2224 = arith.cmpf oeq, %get3A_2, %max3A_2223 : vector<16xf32>
    %and3A_2225 = arith.andi %and3A_2099, %eq3A_2224 : vector<16xi1>
    %jit3A_2226 = arith.constant 64 : i32
    %broadcast_in_dim3A_2227 = vector.broadcast %jit3A_2226 : i32 to vector<16xi32>
    %select_n3A_2228 = arith.select %and3A_2225, %add3A_14, %broadcast_in_dim3A_2227 : vector<16xi1>, vector<16xi32>
    %eq3A_2229 = arith.cmpf oeq, %get3A_5, %max3A_2223 : vector<16xf32>
    %and3A_2230 = arith.andi %and3A_2101, %eq3A_2229 : vector<16xi1>
    %jit3A_2231 = arith.constant 64 : i32
    %broadcast_in_dim3A_2232 = vector.broadcast %jit3A_2231 : i32 to vector<16xi32>
    %select_n3A_2233 = arith.select %and3A_2230, %add3A_18, %broadcast_in_dim3A_2232 : vector<16xi1>, vector<16xi32>
    %min3A_2234 = arith.minsi %select_n3A_2228, %select_n3A_2233 : vector<16xi32>
    %eq3A_2235 = arith.cmpf oeq, %get3A_8, %max3A_2223 : vector<16xf32>
    %and3A_2236 = arith.andi %and3A_2103, %eq3A_2235 : vector<16xi1>
    %jit3A_2237 = arith.constant 64 : i32
    %broadcast_in_dim3A_2238 = vector.broadcast %jit3A_2237 : i32 to vector<16xi32>
    %select_n3A_2239 = arith.select %and3A_2236, %add3A_22, %broadcast_in_dim3A_2238 : vector<16xi1>, vector<16xi32>
    %min3A_2240 = arith.minsi %min3A_2234, %select_n3A_2239 : vector<16xi32>
    %eq3A_2241 = arith.cmpf oeq, %get3A_11, %max3A_2223 : vector<16xf32>
    %and3A_2242 = arith.andi %and3A_2105, %eq3A_2241 : vector<16xi1>
    %jit3A_2243 = arith.constant 64 : i32
    %broadcast_in_dim3A_2244 = vector.broadcast %jit3A_2243 : i32 to vector<16xi32>
    %select_n3A_2245 = arith.select %and3A_2242, %add3A_26, %broadcast_in_dim3A_2244 : vector<16xi1>, vector<16xi32>
    %min3A_2246 = arith.minsi %min3A_2240, %select_n3A_2245 : vector<16xi32>
    %lt3A_2247 = arith.constant 0 : i32
    %lt3A_2248 = vector.broadcast %lt3A_2247 : i32 to vector<16xi32>
    %lt3A_2249 = arith.cmpi slt, %xor3A_36, %lt3A_2248 : vector<16xi32>
    %add3A_2250 = arith.constant 16 : i32
    %add3A_2251 = vector.broadcast %add3A_2250 : i32 to vector<16xi32>
    %add3A_2252 = arith.addi %xor3A_36, %add3A_2251 : vector<16xi32>
    %select_n3A_2253 = arith.select %lt3A_2249, %add3A_2252, %xor3A_36 : vector<16xi1>, vector<16xi32>
    %broadcast_in_dim3A_2254 = vector.shape_cast %select_n3A_2253 : vector<16xi32> to vector<16x1xi32>
    %gather3A_2255 = vector.shape_cast %broadcast_in_dim3A_2254 : vector<16x1xi32> to vector<16xi32>
    %gather3A_2256 = tpu.dynamic_gather %min3A_2246[%gather3A_2255] in [0] : vector<16xi32>, vector<16xi32> -> vector<16xi32>
    %min3A_2257 = arith.minsi %min3A_2246, %gather3A_2256 : vector<16xi32>
    %lt3A_2258 = arith.constant 0 : i32
    %lt3A_2259 = vector.broadcast %lt3A_2258 : i32 to vector<16xi32>
    %lt3A_2260 = arith.cmpi slt, %xor3A_39, %lt3A_2259 : vector<16xi32>
    %add3A_2261 = arith.constant 16 : i32
    %add3A_2262 = vector.broadcast %add3A_2261 : i32 to vector<16xi32>
    %add3A_2263 = arith.addi %xor3A_39, %add3A_2262 : vector<16xi32>
    %select_n3A_2264 = arith.select %lt3A_2260, %add3A_2263, %xor3A_39 : vector<16xi1>, vector<16xi32>
    %broadcast_in_dim3A_2265 = vector.shape_cast %select_n3A_2264 : vector<16xi32> to vector<16x1xi32>
    %gather3A_2266 = vector.shape_cast %broadcast_in_dim3A_2265 : vector<16x1xi32> to vector<16xi32>
    %gather3A_2267 = tpu.dynamic_gather %min3A_2257[%gather3A_2266] in [0] : vector<16xi32>, vector<16xi32> -> vector<16xi32>
    %min3A_2268 = arith.minsi %min3A_2257, %gather3A_2267 : vector<16xi32>
    %lt3A_2269 = arith.constant 0 : i32
    %lt3A_2270 = vector.broadcast %lt3A_2269 : i32 to vector<16xi32>
    %lt3A_2271 = arith.cmpi slt, %xor3A_42, %lt3A_2270 : vector<16xi32>
    %add3A_2272 = arith.constant 16 : i32
    %add3A_2273 = vector.broadcast %add3A_2272 : i32 to vector<16xi32>
    %add3A_2274 = arith.addi %xor3A_42, %add3A_2273 : vector<16xi32>
    %select_n3A_2275 = arith.select %lt3A_2271, %add3A_2274, %xor3A_42 : vector<16xi1>, vector<16xi32>
    %broadcast_in_dim3A_2276 = vector.shape_cast %select_n3A_2275 : vector<16xi32> to vector<16x1xi32>
    %gather3A_2277 = vector.shape_cast %broadcast_in_dim3A_2276 : vector<16x1xi32> to vector<16xi32>
    %gather3A_2278 = tpu.dynamic_gather %min3A_2268[%gather3A_2277] in [0] : vector<16xi32>, vector<16xi32> -> vector<16xi32>
    %min3A_2279 = arith.minsi %min3A_2268, %gather3A_2278 : vector<16xi32>
    %lt3A_2280 = arith.constant 0 : i32
    %lt3A_2281 = vector.broadcast %lt3A_2280 : i32 to vector<16xi32>
    %lt3A_2282 = arith.cmpi slt, %xor3A_45, %lt3A_2281 : vector<16xi32>
    %add3A_2283 = arith.constant 16 : i32
    %add3A_2284 = vector.broadcast %add3A_2283 : i32 to vector<16xi32>
    %add3A_2285 = arith.addi %xor3A_45, %add3A_2284 : vector<16xi32>
    %select_n3A_2286 = arith.select %lt3A_2282, %add3A_2285, %xor3A_45 : vector<16xi1>, vector<16xi32>
    %broadcast_in_dim3A_2287 = vector.shape_cast %select_n3A_2286 : vector<16xi32> to vector<16x1xi32>
    %gather3A_2288 = vector.shape_cast %broadcast_in_dim3A_2287 : vector<16x1xi32> to vector<16xi32>
    %gather3A_2289 = tpu.dynamic_gather %min3A_2279[%gather3A_2288] in [0] : vector<16xi32>, vector<16xi32> -> vector<16xi32>
    %min3A_2290 = arith.minsi %min3A_2279, %gather3A_2289 : vector<16xi32>
    %ne3A_2291 = arith.cmpi ne, %add3A_14, %min3A_2290 : vector<16xi32>
    %and3A_2292 = arith.andi %and3A_2099, %ne3A_2291 : vector<16xi1>
    %ne3A_2293 = arith.cmpi ne, %add3A_18, %min3A_2290 : vector<16xi32>
    %and3A_2294 = arith.andi %and3A_2101, %ne3A_2293 : vector<16xi1>
    %ne3A_2295 = arith.cmpi ne, %add3A_22, %min3A_2290 : vector<16xi32>
    %and3A_2296 = arith.andi %and3A_2103, %ne3A_2295 : vector<16xi1>
    %ne3A_2297 = arith.cmpi ne, %add3A_26, %min3A_2290 : vector<16xi32>
    %and3A_2298 = arith.andi %and3A_2105, %ne3A_2297 : vector<16xi1>
    %slice3A_2299 = vector.extract_strided_slice %min3A_2290 {offsets = [0], sizes = [1], strides = [1]} : vector<16xi32> to vector<1xi32>
    %squeeze3A_2300 = vector.extract %slice3A_2299[0] : i32 from vector<1xi32>
    %dma_wait3A_2301 = arith.constant 4 : i32
    %dma_wait3A_2302 = arith.constant 0 : i32
    %dma_wait3A_2303 = arith.constant 0 : i32
    %dma_wait3A_2304 = tpu.memref_slice %arg6[%dma_wait3A_2301, %dma_wait3A_2302, %dma_wait3A_2303] : memref<8x64x128xf32, #tpu.memory_space<vmem>> -> memref<1x64x128xf32, #tpu.memory_space<vmem>>
    %dma_wait3A_2305 = tpu.memref_squeeze %dma_wait3A_2304 : memref<1x64x128xf32, #tpu.memory_space<vmem>> -> memref<64x128xf32, #tpu.memory_space<vmem>>
    %dma_wait3A_2306 = arith.constant 0 : i32
    %dma_wait3A_2307 = tpu.memref_slice %arg4[%add3A_1379, %dma_wait3A_2306] : memref<32768x128xf32, #tpu.memory_space<hbm>> -> memref<64x128xf32, #tpu.memory_space<hbm>>
    %dma_wait3A_2308 = arith.constant 0 : i32
    %dma_wait3A_2309 = tpu.memref_slice %arg4[%add3A_1379, %dma_wait3A_2308] : memref<32768x128xf32, #tpu.memory_space<hbm>> -> memref<64x128xf32, #tpu.memory_space<hbm>>
    %dma_wait3A_2310 = arith.constant 0 : i32
    %dma_wait3A_2311 = arith.constant 0 : i32
    %dma_wait3A_2312 = tpu.memref_slice %arg6[%dma_wait3A_2301, %dma_wait3A_2310, %dma_wait3A_2311] : memref<8x64x128xf32, #tpu.memory_space<vmem>> -> memref<1x64x128xf32, #tpu.memory_space<vmem>>
    %dma_wait3A_2313 = tpu.memref_squeeze %dma_wait3A_2312 : memref<1x64x128xf32, #tpu.memory_space<vmem>> -> memref<64x128xf32, #tpu.memory_space<vmem>>
    tpu.wait_dma2 semaphore(%arg8 : memref<!tpu.dma_semaphore, #tpu.memory_space<semaphore_mem>>) src(%dma_wait3A_2313 : memref<64x128xf32, #tpu.memory_space<vmem>>) dst(%dma_wait3A_2309 : memref<64x128xf32, #tpu.memory_space<hbm>>)
    %mul3A_2314 = arith.constant 64 : i32
    %mul3A_2315 = arith.muli %squeeze3A_2300, %mul3A_2314 : i32
    %add3A_2316 = arith.addi %mul3A_47, %mul3A_2315 : i32
    %dma_start3A_2317 = arith.constant 4 : i32
    %dma_start3A_2318 = arith.constant 0 : i32
    %dma_start3A_2319 = arith.constant 0 : i32
    %dma_start3A_2320 = tpu.memref_slice %arg6[%dma_start3A_2317, %dma_start3A_2318, %dma_start3A_2319] : memref<8x64x128xf32, #tpu.memory_space<vmem>> -> memref<1x64x128xf32, #tpu.memory_space<vmem>>
    %dma_start3A_2321 = tpu.memref_squeeze %dma_start3A_2320 : memref<1x64x128xf32, #tpu.memory_space<vmem>> -> memref<64x128xf32, #tpu.memory_space<vmem>>
    %dma_start3A_2322 = arith.constant 0 : i32
    %dma_start3A_2323 = tpu.memref_slice %arg2[%add3A_2316, %dma_start3A_2322] : memref<131072x128xf32, #tpu.memory_space<hbm>> -> memref<64x128xf32, #tpu.memory_space<hbm>>
    %dma_start3A_2324 = arith.constant 0 : i32
    %dma_start3A_2325 = arith.constant 0 : i32
    %dma_start3A_2326 = tpu.memref_slice %arg6[%dma_start3A_2317, %dma_start3A_2324, %dma_start3A_2325] : memref<8x64x128xf32, #tpu.memory_space<vmem>> -> memref<1x64x128xf32, #tpu.memory_space<vmem>>
    %dma_start3A_2327 = tpu.memref_squeeze %dma_start3A_2326 : memref<1x64x128xf32, #tpu.memory_space<vmem>> -> memref<64x128xf32, #tpu.memory_space<vmem>>
    %dma_start3A_2328 = arith.constant 0 : i32
    %dma_start3A_2329 = tpu.memref_slice %arg2[%add3A_2316, %dma_start3A_2328] : memref<131072x128xf32, #tpu.memory_space<hbm>> -> memref<64x128xf32, #tpu.memory_space<hbm>>
    tpu.enqueue_dma source(%dma_start3A_2329 : memref<64x128xf32, #tpu.memory_space<hbm>>) target(%dma_start3A_2327 : memref<64x128xf32, #tpu.memory_space<vmem>>) target_semaphore(%arg7 : memref<!tpu.dma_semaphore, #tpu.memory_space<semaphore_mem>>)
    %dma_wait3A_2330 = arith.constant 1 : i32
    %dma_wait3A_2331 = arith.constant 0 : i32
    %dma_wait3A_2332 = arith.constant 0 : i32
    %dma_wait3A_2333 = tpu.memref_slice %arg6[%dma_wait3A_2330, %dma_wait3A_2331, %dma_wait3A_2332] : memref<8x64x128xf32, #tpu.memory_space<vmem>> -> memref<1x64x128xf32, #tpu.memory_space<vmem>>
    %dma_wait3A_2334 = tpu.memref_squeeze %dma_wait3A_2333 : memref<1x64x128xf32, #tpu.memory_space<vmem>> -> memref<64x128xf32, #tpu.memory_space<vmem>>
    %dma_wait3A_2335 = arith.constant 0 : i32
    %dma_wait3A_2336 = tpu.memref_slice %arg2[%add3A_1737, %dma_wait3A_2335] : memref<131072x128xf32, #tpu.memory_space<hbm>> -> memref<64x128xf32, #tpu.memory_space<hbm>>
    %dma_wait3A_2337 = arith.constant 0 : i32
    %dma_wait3A_2338 = arith.constant 0 : i32
    %dma_wait3A_2339 = tpu.memref_slice %arg6[%dma_wait3A_2330, %dma_wait3A_2337, %dma_wait3A_2338] : memref<8x64x128xf32, #tpu.memory_space<vmem>> -> memref<1x64x128xf32, #tpu.memory_space<vmem>>
    %dma_wait3A_2340 = tpu.memref_squeeze %dma_wait3A_2339 : memref<1x64x128xf32, #tpu.memory_space<vmem>> -> memref<64x128xf32, #tpu.memory_space<vmem>>
    %dma_wait3A_2341 = arith.constant 0 : i32
    %dma_wait3A_2342 = tpu.memref_slice %arg2[%add3A_1737, %dma_wait3A_2341] : memref<131072x128xf32, #tpu.memory_space<hbm>> -> memref<64x128xf32, #tpu.memory_space<hbm>>
    tpu.wait_dma2 semaphore(%arg7 : memref<!tpu.dma_semaphore, #tpu.memory_space<semaphore_mem>>) src(%dma_wait3A_2342 : memref<64x128xf32, #tpu.memory_space<hbm>>) dst(%dma_wait3A_2340 : memref<64x128xf32, #tpu.memory_space<vmem>>)
    %add3A_2343 = arith.constant 576 : i32
    %add3A_2344 = arith.addi %mul3A_49, %add3A_2343 : i32
    %dma_start3A_2345 = arith.constant 1 : i32
    %dma_start3A_2346 = arith.constant 0 : i32
    %dma_start3A_2347 = arith.constant 0 : i32
    %dma_start3A_2348 = tpu.memref_slice %arg6[%dma_start3A_2345, %dma_start3A_2346, %dma_start3A_2347] : memref<8x64x128xf32, #tpu.memory_space<vmem>> -> memref<1x64x128xf32, #tpu.memory_space<vmem>>
    %dma_start3A_2349 = tpu.memref_squeeze %dma_start3A_2348 : memref<1x64x128xf32, #tpu.memory_space<vmem>> -> memref<64x128xf32, #tpu.memory_space<vmem>>
    %dma_start3A_2350 = arith.constant 0 : i32
    %dma_start3A_2351 = tpu.memref_slice %arg4[%add3A_2344, %dma_start3A_2350] : memref<32768x128xf32, #tpu.memory_space<hbm>> -> memref<64x128xf32, #tpu.memory_space<hbm>>
    %dma_start3A_2352 = arith.constant 0 : i32
    %dma_start3A_2353 = tpu.memref_slice %arg4[%add3A_2344, %dma_start3A_2352] : memref<32768x128xf32, #tpu.memory_space<hbm>> -> memref<64x128xf32, #tpu.memory_space<hbm>>
    %dma_start3A_2354 = arith.constant 0 : i32
    %dma_start3A_2355 = arith.constant 0 : i32
    %dma_start3A_2356 = tpu.memref_slice %arg6[%dma_start3A_2345, %dma_start3A_2354, %dma_start3A_2355] : memref<8x64x128xf32, #tpu.memory_space<vmem>> -> memref<1x64x128xf32, #tpu.memory_space<vmem>>
    %dma_start3A_2357 = tpu.memref_squeeze %dma_start3A_2356 : memref<1x64x128xf32, #tpu.memory_space<vmem>> -> memref<64x128xf32, #tpu.memory_space<vmem>>
    tpu.enqueue_dma source(%dma_start3A_2357 : memref<64x128xf32, #tpu.memory_space<vmem>>) target(%dma_start3A_2353 : memref<64x128xf32, #tpu.memory_space<hbm>>) target_semaphore(%arg8 : memref<!tpu.dma_semaphore, #tpu.memory_space<semaphore_mem>>)
    %jit3A_2358 = arith.constant 0xFF800000 : f32
    %broadcast_in_dim3A_2359 = vector.broadcast %jit3A_2358 : f32 to vector<16xf32>
    %select_n3A_2360 = arith.select %and3A_2292, %get3A_2, %broadcast_in_dim3A_2359 : vector<16xi1>, vector<16xf32>
    %jit3A_2361 = arith.constant 0xFF800000 : f32
    %broadcast_in_dim3A_2362 = vector.broadcast %jit3A_2361 : f32 to vector<16xf32>
    %select_n3A_2363 = arith.select %and3A_2294, %get3A_5, %broadcast_in_dim3A_2362 : vector<16xi1>, vector<16xf32>
    %jit3A_2364 = arith.constant 0xFF800000 : f32
    %broadcast_in_dim3A_2365 = vector.broadcast %jit3A_2364 : f32 to vector<16xf32>
    %select_n3A_2366 = arith.select %and3A_2296, %get3A_8, %broadcast_in_dim3A_2365 : vector<16xi1>, vector<16xf32>
    %jit3A_2367 = arith.constant 0xFF800000 : f32
    %broadcast_in_dim3A_2368 = vector.broadcast %jit3A_2367 : f32 to vector<16xf32>
    %select_n3A_2369 = arith.select %and3A_2298, %get3A_11, %broadcast_in_dim3A_2368 : vector<16xi1>, vector<16xf32>
    %max3A_2370 = arith.maximumf %select_n3A_2360, %select_n3A_2363 : vector<16xf32>
    %max3A_2371 = arith.maximumf %max3A_2370, %select_n3A_2366 : vector<16xf32>
    %max3A_2372 = arith.maximumf %max3A_2371, %select_n3A_2369 : vector<16xf32>
    %lt3A_2373 = arith.constant 0 : i32
    %lt3A_2374 = vector.broadcast %lt3A_2373 : i32 to vector<16xi32>
    %lt3A_2375 = arith.cmpi slt, %xor3A_36, %lt3A_2374 : vector<16xi32>
    %add3A_2376 = arith.constant 16 : i32
    %add3A_2377 = vector.broadcast %add3A_2376 : i32 to vector<16xi32>
    %add3A_2378 = arith.addi %xor3A_36, %add3A_2377 : vector<16xi32>
    %select_n3A_2379 = arith.select %lt3A_2375, %add3A_2378, %xor3A_36 : vector<16xi1>, vector<16xi32>
    %broadcast_in_dim3A_2380 = vector.shape_cast %select_n3A_2379 : vector<16xi32> to vector<16x1xi32>
    %gather3A_2381 = vector.shape_cast %broadcast_in_dim3A_2380 : vector<16x1xi32> to vector<16xi32>
    %gather3A_2382 = tpu.dynamic_gather %max3A_2372[%gather3A_2381] in [0] : vector<16xf32>, vector<16xi32> -> vector<16xf32>
    %max3A_2383 = arith.maximumf %max3A_2372, %gather3A_2382 : vector<16xf32>
    %lt3A_2384 = arith.constant 0 : i32
    %lt3A_2385 = vector.broadcast %lt3A_2384 : i32 to vector<16xi32>
    %lt3A_2386 = arith.cmpi slt, %xor3A_39, %lt3A_2385 : vector<16xi32>
    %add3A_2387 = arith.constant 16 : i32
    %add3A_2388 = vector.broadcast %add3A_2387 : i32 to vector<16xi32>
    %add3A_2389 = arith.addi %xor3A_39, %add3A_2388 : vector<16xi32>
    %select_n3A_2390 = arith.select %lt3A_2386, %add3A_2389, %xor3A_39 : vector<16xi1>, vector<16xi32>
    %broadcast_in_dim3A_2391 = vector.shape_cast %select_n3A_2390 : vector<16xi32> to vector<16x1xi32>
    %gather3A_2392 = vector.shape_cast %broadcast_in_dim3A_2391 : vector<16x1xi32> to vector<16xi32>
    %gather3A_2393 = tpu.dynamic_gather %max3A_2383[%gather3A_2392] in [0] : vector<16xf32>, vector<16xi32> -> vector<16xf32>
    %max3A_2394 = arith.maximumf %max3A_2383, %gather3A_2393 : vector<16xf32>
    %lt3A_2395 = arith.constant 0 : i32
    %lt3A_2396 = vector.broadcast %lt3A_2395 : i32 to vector<16xi32>
    %lt3A_2397 = arith.cmpi slt, %xor3A_42, %lt3A_2396 : vector<16xi32>
    %add3A_2398 = arith.constant 16 : i32
    %add3A_2399 = vector.broadcast %add3A_2398 : i32 to vector<16xi32>
    %add3A_2400 = arith.addi %xor3A_42, %add3A_2399 : vector<16xi32>
    %select_n3A_2401 = arith.select %lt3A_2397, %add3A_2400, %xor3A_42 : vector<16xi1>, vector<16xi32>
    %broadcast_in_dim3A_2402 = vector.shape_cast %select_n3A_2401 : vector<16xi32> to vector<16x1xi32>
    %gather3A_2403 = vector.shape_cast %broadcast_in_dim3A_2402 : vector<16x1xi32> to vector<16xi32>
    %gather3A_2404 = tpu.dynamic_gather %max3A_2394[%gather3A_2403] in [0] : vector<16xf32>, vector<16xi32> -> vector<16xf32>
    %max3A_2405 = arith.maximumf %max3A_2394, %gather3A_2404 : vector<16xf32>
    %lt3A_2406 = arith.constant 0 : i32
    %lt3A_2407 = vector.broadcast %lt3A_2406 : i32 to vector<16xi32>
    %lt3A_2408 = arith.cmpi slt, %xor3A_45, %lt3A_2407 : vector<16xi32>
    %add3A_2409 = arith.constant 16 : i32
    %add3A_2410 = vector.broadcast %add3A_2409 : i32 to vector<16xi32>
    %add3A_2411 = arith.addi %xor3A_45, %add3A_2410 : vector<16xi32>
    %select_n3A_2412 = arith.select %lt3A_2408, %add3A_2411, %xor3A_45 : vector<16xi1>, vector<16xi32>
    %broadcast_in_dim3A_2413 = vector.shape_cast %select_n3A_2412 : vector<16xi32> to vector<16x1xi32>
    %gather3A_2414 = vector.shape_cast %broadcast_in_dim3A_2413 : vector<16x1xi32> to vector<16xi32>
    %gather3A_2415 = tpu.dynamic_gather %max3A_2405[%gather3A_2414] in [0] : vector<16xf32>, vector<16xi32> -> vector<16xf32>
    %max3A_2416 = arith.maximumf %max3A_2405, %gather3A_2415 : vector<16xf32>
    %eq3A_2417 = arith.cmpf oeq, %get3A_2, %max3A_2416 : vector<16xf32>
    %and3A_2418 = arith.andi %and3A_2292, %eq3A_2417 : vector<16xi1>
    %jit3A_2419 = arith.constant 64 : i32
    %broadcast_in_dim3A_2420 = vector.broadcast %jit3A_2419 : i32 to vector<16xi32>
    %select_n3A_2421 = arith.select %and3A_2418, %add3A_14, %broadcast_in_dim3A_2420 : vector<16xi1>, vector<16xi32>
    %eq3A_2422 = arith.cmpf oeq, %get3A_5, %max3A_2416 : vector<16xf32>
    %and3A_2423 = arith.andi %and3A_2294, %eq3A_2422 : vector<16xi1>
    %jit3A_2424 = arith.constant 64 : i32
    %broadcast_in_dim3A_2425 = vector.broadcast %jit3A_2424 : i32 to vector<16xi32>
    %select_n3A_2426 = arith.select %and3A_2423, %add3A_18, %broadcast_in_dim3A_2425 : vector<16xi1>, vector<16xi32>
    %min3A_2427 = arith.minsi %select_n3A_2421, %select_n3A_2426 : vector<16xi32>
    %eq3A_2428 = arith.cmpf oeq, %get3A_8, %max3A_2416 : vector<16xf32>
    %and3A_2429 = arith.andi %and3A_2296, %eq3A_2428 : vector<16xi1>
    %jit3A_2430 = arith.constant 64 : i32
    %broadcast_in_dim3A_2431 = vector.broadcast %jit3A_2430 : i32 to vector<16xi32>
    %select_n3A_2432 = arith.select %and3A_2429, %add3A_22, %broadcast_in_dim3A_2431 : vector<16xi1>, vector<16xi32>
    %min3A_2433 = arith.minsi %min3A_2427, %select_n3A_2432 : vector<16xi32>
    %eq3A_2434 = arith.cmpf oeq, %get3A_11, %max3A_2416 : vector<16xf32>
    %and3A_2435 = arith.andi %and3A_2298, %eq3A_2434 : vector<16xi1>
    %jit3A_2436 = arith.constant 64 : i32
    %broadcast_in_dim3A_2437 = vector.broadcast %jit3A_2436 : i32 to vector<16xi32>
    %select_n3A_2438 = arith.select %and3A_2435, %add3A_26, %broadcast_in_dim3A_2437 : vector<16xi1>, vector<16xi32>
    %min3A_2439 = arith.minsi %min3A_2433, %select_n3A_2438 : vector<16xi32>
    %lt3A_2440 = arith.constant 0 : i32
    %lt3A_2441 = vector.broadcast %lt3A_2440 : i32 to vector<16xi32>
    %lt3A_2442 = arith.cmpi slt, %xor3A_36, %lt3A_2441 : vector<16xi32>
    %add3A_2443 = arith.constant 16 : i32
    %add3A_2444 = vector.broadcast %add3A_2443 : i32 to vector<16xi32>
    %add3A_2445 = arith.addi %xor3A_36, %add3A_2444 : vector<16xi32>
    %select_n3A_2446 = arith.select %lt3A_2442, %add3A_2445, %xor3A_36 : vector<16xi1>, vector<16xi32>
    %broadcast_in_dim3A_2447 = vector.shape_cast %select_n3A_2446 : vector<16xi32> to vector<16x1xi32>
    %gather3A_2448 = vector.shape_cast %broadcast_in_dim3A_2447 : vector<16x1xi32> to vector<16xi32>
    %gather3A_2449 = tpu.dynamic_gather %min3A_2439[%gather3A_2448] in [0] : vector<16xi32>, vector<16xi32> -> vector<16xi32>
    %min3A_2450 = arith.minsi %min3A_2439, %gather3A_2449 : vector<16xi32>
    %lt3A_2451 = arith.constant 0 : i32
    %lt3A_2452 = vector.broadcast %lt3A_2451 : i32 to vector<16xi32>
    %lt3A_2453 = arith.cmpi slt, %xor3A_39, %lt3A_2452 : vector<16xi32>
    %add3A_2454 = arith.constant 16 : i32
    %add3A_2455 = vector.broadcast %add3A_2454 : i32 to vector<16xi32>
    %add3A_2456 = arith.addi %xor3A_39, %add3A_2455 : vector<16xi32>
    %select_n3A_2457 = arith.select %lt3A_2453, %add3A_2456, %xor3A_39 : vector<16xi1>, vector<16xi32>
    %broadcast_in_dim3A_2458 = vector.shape_cast %select_n3A_2457 : vector<16xi32> to vector<16x1xi32>
    %gather3A_2459 = vector.shape_cast %broadcast_in_dim3A_2458 : vector<16x1xi32> to vector<16xi32>
    %gather3A_2460 = tpu.dynamic_gather %min3A_2450[%gather3A_2459] in [0] : vector<16xi32>, vector<16xi32> -> vector<16xi32>
    %min3A_2461 = arith.minsi %min3A_2450, %gather3A_2460 : vector<16xi32>
    %lt3A_2462 = arith.constant 0 : i32
    %lt3A_2463 = vector.broadcast %lt3A_2462 : i32 to vector<16xi32>
    %lt3A_2464 = arith.cmpi slt, %xor3A_42, %lt3A_2463 : vector<16xi32>
    %add3A_2465 = arith.constant 16 : i32
    %add3A_2466 = vector.broadcast %add3A_2465 : i32 to vector<16xi32>
    %add3A_2467 = arith.addi %xor3A_42, %add3A_2466 : vector<16xi32>
    %select_n3A_2468 = arith.select %lt3A_2464, %add3A_2467, %xor3A_42 : vector<16xi1>, vector<16xi32>
    %broadcast_in_dim3A_2469 = vector.shape_cast %select_n3A_2468 : vector<16xi32> to vector<16x1xi32>
    %gather3A_2470 = vector.shape_cast %broadcast_in_dim3A_2469 : vector<16x1xi32> to vector<16xi32>
    %gather3A_2471 = tpu.dynamic_gather %min3A_2461[%gather3A_2470] in [0] : vector<16xi32>, vector<16xi32> -> vector<16xi32>
    %min3A_2472 = arith.minsi %min3A_2461, %gather3A_2471 : vector<16xi32>
    %lt3A_2473 = arith.constant 0 : i32
    %lt3A_2474 = vector.broadcast %lt3A_2473 : i32 to vector<16xi32>
    %lt3A_2475 = arith.cmpi slt, %xor3A_45, %lt3A_2474 : vector<16xi32>
    %add3A_2476 = arith.constant 16 : i32
    %add3A_2477 = vector.broadcast %add3A_2476 : i32 to vector<16xi32>
    %add3A_2478 = arith.addi %xor3A_45, %add3A_2477 : vector<16xi32>
    %select_n3A_2479 = arith.select %lt3A_2475, %add3A_2478, %xor3A_45 : vector<16xi1>, vector<16xi32>
    %broadcast_in_dim3A_2480 = vector.shape_cast %select_n3A_2479 : vector<16xi32> to vector<16x1xi32>
    %gather3A_2481 = vector.shape_cast %broadcast_in_dim3A_2480 : vector<16x1xi32> to vector<16xi32>
    %gather3A_2482 = tpu.dynamic_gather %min3A_2472[%gather3A_2481] in [0] : vector<16xi32>, vector<16xi32> -> vector<16xi32>
    %min3A_2483 = arith.minsi %min3A_2472, %gather3A_2482 : vector<16xi32>
    %ne3A_2484 = arith.cmpi ne, %add3A_14, %min3A_2483 : vector<16xi32>
    %and3A_2485 = arith.andi %and3A_2292, %ne3A_2484 : vector<16xi1>
    %ne3A_2486 = arith.cmpi ne, %add3A_18, %min3A_2483 : vector<16xi32>
    %and3A_2487 = arith.andi %and3A_2294, %ne3A_2486 : vector<16xi1>
    %ne3A_2488 = arith.cmpi ne, %add3A_22, %min3A_2483 : vector<16xi32>
    %and3A_2489 = arith.andi %and3A_2296, %ne3A_2488 : vector<16xi1>
    %ne3A_2490 = arith.cmpi ne, %add3A_26, %min3A_2483 : vector<16xi32>
    %and3A_2491 = arith.andi %and3A_2298, %ne3A_2490 : vector<16xi1>
    %slice3A_2492 = vector.extract_strided_slice %min3A_2483 {offsets = [0], sizes = [1], strides = [1]} : vector<16xi32> to vector<1xi32>
    %squeeze3A_2493 = vector.extract %slice3A_2492[0] : i32 from vector<1xi32>
    %dma_wait3A_2494 = arith.constant 5 : i32
    %dma_wait3A_2495 = arith.constant 0 : i32
    %dma_wait3A_2496 = arith.constant 0 : i32
    %dma_wait3A_2497 = tpu.memref_slice %arg6[%dma_wait3A_2494, %dma_wait3A_2495, %dma_wait3A_2496] : memref<8x64x128xf32, #tpu.memory_space<vmem>> -> memref<1x64x128xf32, #tpu.memory_space<vmem>>
    %dma_wait3A_2498 = tpu.memref_squeeze %dma_wait3A_2497 : memref<1x64x128xf32, #tpu.memory_space<vmem>> -> memref<64x128xf32, #tpu.memory_space<vmem>>
    %dma_wait3A_2499 = arith.constant 0 : i32
    %dma_wait3A_2500 = tpu.memref_slice %arg4[%add3A_1572, %dma_wait3A_2499] : memref<32768x128xf32, #tpu.memory_space<hbm>> -> memref<64x128xf32, #tpu.memory_space<hbm>>
    %dma_wait3A_2501 = arith.constant 0 : i32
    %dma_wait3A_2502 = tpu.memref_slice %arg4[%add3A_1572, %dma_wait3A_2501] : memref<32768x128xf32, #tpu.memory_space<hbm>> -> memref<64x128xf32, #tpu.memory_space<hbm>>
    %dma_wait3A_2503 = arith.constant 0 : i32
    %dma_wait3A_2504 = arith.constant 0 : i32
    %dma_wait3A_2505 = tpu.memref_slice %arg6[%dma_wait3A_2494, %dma_wait3A_2503, %dma_wait3A_2504] : memref<8x64x128xf32, #tpu.memory_space<vmem>> -> memref<1x64x128xf32, #tpu.memory_space<vmem>>
    %dma_wait3A_2506 = tpu.memref_squeeze %dma_wait3A_2505 : memref<1x64x128xf32, #tpu.memory_space<vmem>> -> memref<64x128xf32, #tpu.memory_space<vmem>>
    tpu.wait_dma2 semaphore(%arg8 : memref<!tpu.dma_semaphore, #tpu.memory_space<semaphore_mem>>) src(%dma_wait3A_2506 : memref<64x128xf32, #tpu.memory_space<vmem>>) dst(%dma_wait3A_2502 : memref<64x128xf32, #tpu.memory_space<hbm>>)
    %mul3A_2507 = arith.constant 64 : i32
    %mul3A_2508 = arith.muli %squeeze3A_2493, %mul3A_2507 : i32
    %add3A_2509 = arith.addi %mul3A_47, %mul3A_2508 : i32
    %dma_start3A_2510 = arith.constant 5 : i32
    %dma_start3A_2511 = arith.constant 0 : i32
    %dma_start3A_2512 = arith.constant 0 : i32
    %dma_start3A_2513 = tpu.memref_slice %arg6[%dma_start3A_2510, %dma_start3A_2511, %dma_start3A_2512] : memref<8x64x128xf32, #tpu.memory_space<vmem>> -> memref<1x64x128xf32, #tpu.memory_space<vmem>>
    %dma_start3A_2514 = tpu.memref_squeeze %dma_start3A_2513 : memref<1x64x128xf32, #tpu.memory_space<vmem>> -> memref<64x128xf32, #tpu.memory_space<vmem>>
    %dma_start3A_2515 = arith.constant 0 : i32
    %dma_start3A_2516 = tpu.memref_slice %arg2[%add3A_2509, %dma_start3A_2515] : memref<131072x128xf32, #tpu.memory_space<hbm>> -> memref<64x128xf32, #tpu.memory_space<hbm>>
    %dma_start3A_2517 = arith.constant 0 : i32
    %dma_start3A_2518 = arith.constant 0 : i32
    %dma_start3A_2519 = tpu.memref_slice %arg6[%dma_start3A_2510, %dma_start3A_2517, %dma_start3A_2518] : memref<8x64x128xf32, #tpu.memory_space<vmem>> -> memref<1x64x128xf32, #tpu.memory_space<vmem>>
    %dma_start3A_2520 = tpu.memref_squeeze %dma_start3A_2519 : memref<1x64x128xf32, #tpu.memory_space<vmem>> -> memref<64x128xf32, #tpu.memory_space<vmem>>
    %dma_start3A_2521 = arith.constant 0 : i32
    %dma_start3A_2522 = tpu.memref_slice %arg2[%add3A_2509, %dma_start3A_2521] : memref<131072x128xf32, #tpu.memory_space<hbm>> -> memref<64x128xf32, #tpu.memory_space<hbm>>
    tpu.enqueue_dma source(%dma_start3A_2522 : memref<64x128xf32, #tpu.memory_space<hbm>>) target(%dma_start3A_2520 : memref<64x128xf32, #tpu.memory_space<vmem>>) target_semaphore(%arg7 : memref<!tpu.dma_semaphore, #tpu.memory_space<semaphore_mem>>)
    %dma_wait3A_2523 = arith.constant 2 : i32
    %dma_wait3A_2524 = arith.constant 0 : i32
    %dma_wait3A_2525 = arith.constant 0 : i32
    %dma_wait3A_2526 = tpu.memref_slice %arg6[%dma_wait3A_2523, %dma_wait3A_2524, %dma_wait3A_2525] : memref<8x64x128xf32, #tpu.memory_space<vmem>> -> memref<1x64x128xf32, #tpu.memory_space<vmem>>
    %dma_wait3A_2527 = tpu.memref_squeeze %dma_wait3A_2526 : memref<1x64x128xf32, #tpu.memory_space<vmem>> -> memref<64x128xf32, #tpu.memory_space<vmem>>
    %dma_wait3A_2528 = arith.constant 0 : i32
    %dma_wait3A_2529 = tpu.memref_slice %arg2[%add3A_1930, %dma_wait3A_2528] : memref<131072x128xf32, #tpu.memory_space<hbm>> -> memref<64x128xf32, #tpu.memory_space<hbm>>
    %dma_wait3A_2530 = arith.constant 0 : i32
    %dma_wait3A_2531 = arith.constant 0 : i32
    %dma_wait3A_2532 = tpu.memref_slice %arg6[%dma_wait3A_2523, %dma_wait3A_2530, %dma_wait3A_2531] : memref<8x64x128xf32, #tpu.memory_space<vmem>> -> memref<1x64x128xf32, #tpu.memory_space<vmem>>
    %dma_wait3A_2533 = tpu.memref_squeeze %dma_wait3A_2532 : memref<1x64x128xf32, #tpu.memory_space<vmem>> -> memref<64x128xf32, #tpu.memory_space<vmem>>
    %dma_wait3A_2534 = arith.constant 0 : i32
    %dma_wait3A_2535 = tpu.memref_slice %arg2[%add3A_1930, %dma_wait3A_2534] : memref<131072x128xf32, #tpu.memory_space<hbm>> -> memref<64x128xf32, #tpu.memory_space<hbm>>
    tpu.wait_dma2 semaphore(%arg7 : memref<!tpu.dma_semaphore, #tpu.memory_space<semaphore_mem>>) src(%dma_wait3A_2535 : memref<64x128xf32, #tpu.memory_space<hbm>>) dst(%dma_wait3A_2533 : memref<64x128xf32, #tpu.memory_space<vmem>>)
    %add3A_2536 = arith.constant 640 : i32
    %add3A_2537 = arith.addi %mul3A_49, %add3A_2536 : i32
    %dma_start3A_2538 = arith.constant 2 : i32
    %dma_start3A_2539 = arith.constant 0 : i32
    %dma_start3A_2540 = arith.constant 0 : i32
    %dma_start3A_2541 = tpu.memref_slice %arg6[%dma_start3A_2538, %dma_start3A_2539, %dma_start3A_2540] : memref<8x64x128xf32, #tpu.memory_space<vmem>> -> memref<1x64x128xf32, #tpu.memory_space<vmem>>
    %dma_start3A_2542 = tpu.memref_squeeze %dma_start3A_2541 : memref<1x64x128xf32, #tpu.memory_space<vmem>> -> memref<64x128xf32, #tpu.memory_space<vmem>>
    %dma_start3A_2543 = arith.constant 0 : i32
    %dma_start3A_2544 = tpu.memref_slice %arg4[%add3A_2537, %dma_start3A_2543] : memref<32768x128xf32, #tpu.memory_space<hbm>> -> memref<64x128xf32, #tpu.memory_space<hbm>>
    %dma_start3A_2545 = arith.constant 0 : i32
    %dma_start3A_2546 = tpu.memref_slice %arg4[%add3A_2537, %dma_start3A_2545] : memref<32768x128xf32, #tpu.memory_space<hbm>> -> memref<64x128xf32, #tpu.memory_space<hbm>>
    %dma_start3A_2547 = arith.constant 0 : i32
    %dma_start3A_2548 = arith.constant 0 : i32
    %dma_start3A_2549 = tpu.memref_slice %arg6[%dma_start3A_2538, %dma_start3A_2547, %dma_start3A_2548] : memref<8x64x128xf32, #tpu.memory_space<vmem>> -> memref<1x64x128xf32, #tpu.memory_space<vmem>>
    %dma_start3A_2550 = tpu.memref_squeeze %dma_start3A_2549 : memref<1x64x128xf32, #tpu.memory_space<vmem>> -> memref<64x128xf32, #tpu.memory_space<vmem>>
    tpu.enqueue_dma source(%dma_start3A_2550 : memref<64x128xf32, #tpu.memory_space<vmem>>) target(%dma_start3A_2546 : memref<64x128xf32, #tpu.memory_space<hbm>>) target_semaphore(%arg8 : memref<!tpu.dma_semaphore, #tpu.memory_space<semaphore_mem>>)
    %jit3A_2551 = arith.constant 0xFF800000 : f32
    %broadcast_in_dim3A_2552 = vector.broadcast %jit3A_2551 : f32 to vector<16xf32>
    %select_n3A_2553 = arith.select %and3A_2485, %get3A_2, %broadcast_in_dim3A_2552 : vector<16xi1>, vector<16xf32>
    %jit3A_2554 = arith.constant 0xFF800000 : f32
    %broadcast_in_dim3A_2555 = vector.broadcast %jit3A_2554 : f32 to vector<16xf32>
    %select_n3A_2556 = arith.select %and3A_2487, %get3A_5, %broadcast_in_dim3A_2555 : vector<16xi1>, vector<16xf32>
    %jit3A_2557 = arith.constant 0xFF800000 : f32
    %broadcast_in_dim3A_2558 = vector.broadcast %jit3A_2557 : f32 to vector<16xf32>
    %select_n3A_2559 = arith.select %and3A_2489, %get3A_8, %broadcast_in_dim3A_2558 : vector<16xi1>, vector<16xf32>
    %jit3A_2560 = arith.constant 0xFF800000 : f32
    %broadcast_in_dim3A_2561 = vector.broadcast %jit3A_2560 : f32 to vector<16xf32>
    %select_n3A_2562 = arith.select %and3A_2491, %get3A_11, %broadcast_in_dim3A_2561 : vector<16xi1>, vector<16xf32>
    %max3A_2563 = arith.maximumf %select_n3A_2553, %select_n3A_2556 : vector<16xf32>
    %max3A_2564 = arith.maximumf %max3A_2563, %select_n3A_2559 : vector<16xf32>
    %max3A_2565 = arith.maximumf %max3A_2564, %select_n3A_2562 : vector<16xf32>
    %lt3A_2566 = arith.constant 0 : i32
    %lt3A_2567 = vector.broadcast %lt3A_2566 : i32 to vector<16xi32>
    %lt3A_2568 = arith.cmpi slt, %xor3A_36, %lt3A_2567 : vector<16xi32>
    %add3A_2569 = arith.constant 16 : i32
    %add3A_2570 = vector.broadcast %add3A_2569 : i32 to vector<16xi32>
    %add3A_2571 = arith.addi %xor3A_36, %add3A_2570 : vector<16xi32>
    %select_n3A_2572 = arith.select %lt3A_2568, %add3A_2571, %xor3A_36 : vector<16xi1>, vector<16xi32>
    %broadcast_in_dim3A_2573 = vector.shape_cast %select_n3A_2572 : vector<16xi32> to vector<16x1xi32>
    %gather3A_2574 = vector.shape_cast %broadcast_in_dim3A_2573 : vector<16x1xi32> to vector<16xi32>
    %gather3A_2575 = tpu.dynamic_gather %max3A_2565[%gather3A_2574] in [0] : vector<16xf32>, vector<16xi32> -> vector<16xf32>
    %max3A_2576 = arith.maximumf %max3A_2565, %gather3A_2575 : vector<16xf32>
    %lt3A_2577 = arith.constant 0 : i32
    %lt3A_2578 = vector.broadcast %lt3A_2577 : i32 to vector<16xi32>
    %lt3A_2579 = arith.cmpi slt, %xor3A_39, %lt3A_2578 : vector<16xi32>
    %add3A_2580 = arith.constant 16 : i32
    %add3A_2581 = vector.broadcast %add3A_2580 : i32 to vector<16xi32>
    %add3A_2582 = arith.addi %xor3A_39, %add3A_2581 : vector<16xi32>
    %select_n3A_2583 = arith.select %lt3A_2579, %add3A_2582, %xor3A_39 : vector<16xi1>, vector<16xi32>
    %broadcast_in_dim3A_2584 = vector.shape_cast %select_n3A_2583 : vector<16xi32> to vector<16x1xi32>
    %gather3A_2585 = vector.shape_cast %broadcast_in_dim3A_2584 : vector<16x1xi32> to vector<16xi32>
    %gather3A_2586 = tpu.dynamic_gather %max3A_2576[%gather3A_2585] in [0] : vector<16xf32>, vector<16xi32> -> vector<16xf32>
    %max3A_2587 = arith.maximumf %max3A_2576, %gather3A_2586 : vector<16xf32>
    %lt3A_2588 = arith.constant 0 : i32
    %lt3A_2589 = vector.broadcast %lt3A_2588 : i32 to vector<16xi32>
    %lt3A_2590 = arith.cmpi slt, %xor3A_42, %lt3A_2589 : vector<16xi32>
    %add3A_2591 = arith.constant 16 : i32
    %add3A_2592 = vector.broadcast %add3A_2591 : i32 to vector<16xi32>
    %add3A_2593 = arith.addi %xor3A_42, %add3A_2592 : vector<16xi32>
    %select_n3A_2594 = arith.select %lt3A_2590, %add3A_2593, %xor3A_42 : vector<16xi1>, vector<16xi32>
    %broadcast_in_dim3A_2595 = vector.shape_cast %select_n3A_2594 : vector<16xi32> to vector<16x1xi32>
    %gather3A_2596 = vector.shape_cast %broadcast_in_dim3A_2595 : vector<16x1xi32> to vector<16xi32>
    %gather3A_2597 = tpu.dynamic_gather %max3A_2587[%gather3A_2596] in [0] : vector<16xf32>, vector<16xi32> -> vector<16xf32>
    %max3A_2598 = arith.maximumf %max3A_2587, %gather3A_2597 : vector<16xf32>
    %lt3A_2599 = arith.constant 0 : i32
    %lt3A_2600 = vector.broadcast %lt3A_2599 : i32 to vector<16xi32>
    %lt3A_2601 = arith.cmpi slt, %xor3A_45, %lt3A_2600 : vector<16xi32>
    %add3A_2602 = arith.constant 16 : i32
    %add3A_2603 = vector.broadcast %add3A_2602 : i32 to vector<16xi32>
    %add3A_2604 = arith.addi %xor3A_45, %add3A_2603 : vector<16xi32>
    %select_n3A_2605 = arith.select %lt3A_2601, %add3A_2604, %xor3A_45 : vector<16xi1>, vector<16xi32>
    %broadcast_in_dim3A_2606 = vector.shape_cast %select_n3A_2605 : vector<16xi32> to vector<16x1xi32>
    %gather3A_2607 = vector.shape_cast %broadcast_in_dim3A_2606 : vector<16x1xi32> to vector<16xi32>
    %gather3A_2608 = tpu.dynamic_gather %max3A_2598[%gather3A_2607] in [0] : vector<16xf32>, vector<16xi32> -> vector<16xf32>
    %max3A_2609 = arith.maximumf %max3A_2598, %gather3A_2608 : vector<16xf32>
    %eq3A_2610 = arith.cmpf oeq, %get3A_2, %max3A_2609 : vector<16xf32>
    %and3A_2611 = arith.andi %and3A_2485, %eq3A_2610 : vector<16xi1>
    %jit3A_2612 = arith.constant 64 : i32
    %broadcast_in_dim3A_2613 = vector.broadcast %jit3A_2612 : i32 to vector<16xi32>
    %select_n3A_2614 = arith.select %and3A_2611, %add3A_14, %broadcast_in_dim3A_2613 : vector<16xi1>, vector<16xi32>
    %eq3A_2615 = arith.cmpf oeq, %get3A_5, %max3A_2609 : vector<16xf32>
    %and3A_2616 = arith.andi %and3A_2487, %eq3A_2615 : vector<16xi1>
    %jit3A_2617 = arith.constant 64 : i32
    %broadcast_in_dim3A_2618 = vector.broadcast %jit3A_2617 : i32 to vector<16xi32>
    %select_n3A_2619 = arith.select %and3A_2616, %add3A_18, %broadcast_in_dim3A_2618 : vector<16xi1>, vector<16xi32>
    %min3A_2620 = arith.minsi %select_n3A_2614, %select_n3A_2619 : vector<16xi32>
    %eq3A_2621 = arith.cmpf oeq, %get3A_8, %max3A_2609 : vector<16xf32>
    %and3A_2622 = arith.andi %and3A_2489, %eq3A_2621 : vector<16xi1>
    %jit3A_2623 = arith.constant 64 : i32
    %broadcast_in_dim3A_2624 = vector.broadcast %jit3A_2623 : i32 to vector<16xi32>
    %select_n3A_2625 = arith.select %and3A_2622, %add3A_22, %broadcast_in_dim3A_2624 : vector<16xi1>, vector<16xi32>
    %min3A_2626 = arith.minsi %min3A_2620, %select_n3A_2625 : vector<16xi32>
    %eq3A_2627 = arith.cmpf oeq, %get3A_11, %max3A_2609 : vector<16xf32>
    %and3A_2628 = arith.andi %and3A_2491, %eq3A_2627 : vector<16xi1>
    %jit3A_2629 = arith.constant 64 : i32
    %broadcast_in_dim3A_2630 = vector.broadcast %jit3A_2629 : i32 to vector<16xi32>
    %select_n3A_2631 = arith.select %and3A_2628, %add3A_26, %broadcast_in_dim3A_2630 : vector<16xi1>, vector<16xi32>
    %min3A_2632 = arith.minsi %min3A_2626, %select_n3A_2631 : vector<16xi32>
    %lt3A_2633 = arith.constant 0 : i32
    %lt3A_2634 = vector.broadcast %lt3A_2633 : i32 to vector<16xi32>
    %lt3A_2635 = arith.cmpi slt, %xor3A_36, %lt3A_2634 : vector<16xi32>
    %add3A_2636 = arith.constant 16 : i32
    %add3A_2637 = vector.broadcast %add3A_2636 : i32 to vector<16xi32>
    %add3A_2638 = arith.addi %xor3A_36, %add3A_2637 : vector<16xi32>
    %select_n3A_2639 = arith.select %lt3A_2635, %add3A_2638, %xor3A_36 : vector<16xi1>, vector<16xi32>
    %broadcast_in_dim3A_2640 = vector.shape_cast %select_n3A_2639 : vector<16xi32> to vector<16x1xi32>
    %gather3A_2641 = vector.shape_cast %broadcast_in_dim3A_2640 : vector<16x1xi32> to vector<16xi32>
    %gather3A_2642 = tpu.dynamic_gather %min3A_2632[%gather3A_2641] in [0] : vector<16xi32>, vector<16xi32> -> vector<16xi32>
    %min3A_2643 = arith.minsi %min3A_2632, %gather3A_2642 : vector<16xi32>
    %lt3A_2644 = arith.constant 0 : i32
    %lt3A_2645 = vector.broadcast %lt3A_2644 : i32 to vector<16xi32>
    %lt3A_2646 = arith.cmpi slt, %xor3A_39, %lt3A_2645 : vector<16xi32>
    %add3A_2647 = arith.constant 16 : i32
    %add3A_2648 = vector.broadcast %add3A_2647 : i32 to vector<16xi32>
    %add3A_2649 = arith.addi %xor3A_39, %add3A_2648 : vector<16xi32>
    %select_n3A_2650 = arith.select %lt3A_2646, %add3A_2649, %xor3A_39 : vector<16xi1>, vector<16xi32>
    %broadcast_in_dim3A_2651 = vector.shape_cast %select_n3A_2650 : vector<16xi32> to vector<16x1xi32>
    %gather3A_2652 = vector.shape_cast %broadcast_in_dim3A_2651 : vector<16x1xi32> to vector<16xi32>
    %gather3A_2653 = tpu.dynamic_gather %min3A_2643[%gather3A_2652] in [0] : vector<16xi32>, vector<16xi32> -> vector<16xi32>
    %min3A_2654 = arith.minsi %min3A_2643, %gather3A_2653 : vector<16xi32>
    %lt3A_2655 = arith.constant 0 : i32
    %lt3A_2656 = vector.broadcast %lt3A_2655 : i32 to vector<16xi32>
    %lt3A_2657 = arith.cmpi slt, %xor3A_42, %lt3A_2656 : vector<16xi32>
    %add3A_2658 = arith.constant 16 : i32
    %add3A_2659 = vector.broadcast %add3A_2658 : i32 to vector<16xi32>
    %add3A_2660 = arith.addi %xor3A_42, %add3A_2659 : vector<16xi32>
    %select_n3A_2661 = arith.select %lt3A_2657, %add3A_2660, %xor3A_42 : vector<16xi1>, vector<16xi32>
    %broadcast_in_dim3A_2662 = vector.shape_cast %select_n3A_2661 : vector<16xi32> to vector<16x1xi32>
    %gather3A_2663 = vector.shape_cast %broadcast_in_dim3A_2662 : vector<16x1xi32> to vector<16xi32>
    %gather3A_2664 = tpu.dynamic_gather %min3A_2654[%gather3A_2663] in [0] : vector<16xi32>, vector<16xi32> -> vector<16xi32>
    %min3A_2665 = arith.minsi %min3A_2654, %gather3A_2664 : vector<16xi32>
    %lt3A_2666 = arith.constant 0 : i32
    %lt3A_2667 = vector.broadcast %lt3A_2666 : i32 to vector<16xi32>
    %lt3A_2668 = arith.cmpi slt, %xor3A_45, %lt3A_2667 : vector<16xi32>
    %add3A_2669 = arith.constant 16 : i32
    %add3A_2670 = vector.broadcast %add3A_2669 : i32 to vector<16xi32>
    %add3A_2671 = arith.addi %xor3A_45, %add3A_2670 : vector<16xi32>
    %select_n3A_2672 = arith.select %lt3A_2668, %add3A_2671, %xor3A_45 : vector<16xi1>, vector<16xi32>
    %broadcast_in_dim3A_2673 = vector.shape_cast %select_n3A_2672 : vector<16xi32> to vector<16x1xi32>
    %gather3A_2674 = vector.shape_cast %broadcast_in_dim3A_2673 : vector<16x1xi32> to vector<16xi32>
    %gather3A_2675 = tpu.dynamic_gather %min3A_2665[%gather3A_2674] in [0] : vector<16xi32>, vector<16xi32> -> vector<16xi32>
    %min3A_2676 = arith.minsi %min3A_2665, %gather3A_2675 : vector<16xi32>
    %ne3A_2677 = arith.cmpi ne, %add3A_14, %min3A_2676 : vector<16xi32>
    %and3A_2678 = arith.andi %and3A_2485, %ne3A_2677 : vector<16xi1>
    %ne3A_2679 = arith.cmpi ne, %add3A_18, %min3A_2676 : vector<16xi32>
    %and3A_2680 = arith.andi %and3A_2487, %ne3A_2679 : vector<16xi1>
    %ne3A_2681 = arith.cmpi ne, %add3A_22, %min3A_2676 : vector<16xi32>
    %and3A_2682 = arith.andi %and3A_2489, %ne3A_2681 : vector<16xi1>
    %ne3A_2683 = arith.cmpi ne, %add3A_26, %min3A_2676 : vector<16xi32>
    %and3A_2684 = arith.andi %and3A_2491, %ne3A_2683 : vector<16xi1>
    %slice3A_2685 = vector.extract_strided_slice %min3A_2676 {offsets = [0], sizes = [1], strides = [1]} : vector<16xi32> to vector<1xi32>
    %squeeze3A_2686 = vector.extract %slice3A_2685[0] : i32 from vector<1xi32>
    %dma_wait3A_2687 = arith.constant 6 : i32
    %dma_wait3A_2688 = arith.constant 0 : i32
    %dma_wait3A_2689 = arith.constant 0 : i32
    %dma_wait3A_2690 = tpu.memref_slice %arg6[%dma_wait3A_2687, %dma_wait3A_2688, %dma_wait3A_2689] : memref<8x64x128xf32, #tpu.memory_space<vmem>> -> memref<1x64x128xf32, #tpu.memory_space<vmem>>
    %dma_wait3A_2691 = tpu.memref_squeeze %dma_wait3A_2690 : memref<1x64x128xf32, #tpu.memory_space<vmem>> -> memref<64x128xf32, #tpu.memory_space<vmem>>
    %dma_wait3A_2692 = arith.constant 0 : i32
    %dma_wait3A_2693 = tpu.memref_slice %arg4[%add3A_1765, %dma_wait3A_2692] : memref<32768x128xf32, #tpu.memory_space<hbm>> -> memref<64x128xf32, #tpu.memory_space<hbm>>
    %dma_wait3A_2694 = arith.constant 0 : i32
    %dma_wait3A_2695 = tpu.memref_slice %arg4[%add3A_1765, %dma_wait3A_2694] : memref<32768x128xf32, #tpu.memory_space<hbm>> -> memref<64x128xf32, #tpu.memory_space<hbm>>
    %dma_wait3A_2696 = arith.constant 0 : i32
    %dma_wait3A_2697 = arith.constant 0 : i32
    %dma_wait3A_2698 = tpu.memref_slice %arg6[%dma_wait3A_2687, %dma_wait3A_2696, %dma_wait3A_2697] : memref<8x64x128xf32, #tpu.memory_space<vmem>> -> memref<1x64x128xf32, #tpu.memory_space<vmem>>
    %dma_wait3A_2699 = tpu.memref_squeeze %dma_wait3A_2698 : memref<1x64x128xf32, #tpu.memory_space<vmem>> -> memref<64x128xf32, #tpu.memory_space<vmem>>
    tpu.wait_dma2 semaphore(%arg8 : memref<!tpu.dma_semaphore, #tpu.memory_space<semaphore_mem>>) src(%dma_wait3A_2699 : memref<64x128xf32, #tpu.memory_space<vmem>>) dst(%dma_wait3A_2695 : memref<64x128xf32, #tpu.memory_space<hbm>>)
    %mul3A_2700 = arith.constant 64 : i32
    %mul3A_2701 = arith.muli %squeeze3A_2686, %mul3A_2700 : i32
    %add3A_2702 = arith.addi %mul3A_47, %mul3A_2701 : i32
    %dma_start3A_2703 = arith.constant 6 : i32
    %dma_start3A_2704 = arith.constant 0 : i32
    %dma_start3A_2705 = arith.constant 0 : i32
    %dma_start3A_2706 = tpu.memref_slice %arg6[%dma_start3A_2703, %dma_start3A_2704, %dma_start3A_2705] : memref<8x64x128xf32, #tpu.memory_space<vmem>> -> memref<1x64x128xf32, #tpu.memory_space<vmem>>
    %dma_start3A_2707 = tpu.memref_squeeze %dma_start3A_2706 : memref<1x64x128xf32, #tpu.memory_space<vmem>> -> memref<64x128xf32, #tpu.memory_space<vmem>>
    %dma_start3A_2708 = arith.constant 0 : i32
    %dma_start3A_2709 = tpu.memref_slice %arg2[%add3A_2702, %dma_start3A_2708] : memref<131072x128xf32, #tpu.memory_space<hbm>> -> memref<64x128xf32, #tpu.memory_space<hbm>>
    %dma_start3A_2710 = arith.constant 0 : i32
    %dma_start3A_2711 = arith.constant 0 : i32
    %dma_start3A_2712 = tpu.memref_slice %arg6[%dma_start3A_2703, %dma_start3A_2710, %dma_start3A_2711] : memref<8x64x128xf32, #tpu.memory_space<vmem>> -> memref<1x64x128xf32, #tpu.memory_space<vmem>>
    %dma_start3A_2713 = tpu.memref_squeeze %dma_start3A_2712 : memref<1x64x128xf32, #tpu.memory_space<vmem>> -> memref<64x128xf32, #tpu.memory_space<vmem>>
    %dma_start3A_2714 = arith.constant 0 : i32
    %dma_start3A_2715 = tpu.memref_slice %arg2[%add3A_2702, %dma_start3A_2714] : memref<131072x128xf32, #tpu.memory_space<hbm>> -> memref<64x128xf32, #tpu.memory_space<hbm>>
    tpu.enqueue_dma source(%dma_start3A_2715 : memref<64x128xf32, #tpu.memory_space<hbm>>) target(%dma_start3A_2713 : memref<64x128xf32, #tpu.memory_space<vmem>>) target_semaphore(%arg7 : memref<!tpu.dma_semaphore, #tpu.memory_space<semaphore_mem>>)
    %dma_wait3A_2716 = arith.constant 3 : i32
    %dma_wait3A_2717 = arith.constant 0 : i32
    %dma_wait3A_2718 = arith.constant 0 : i32
    %dma_wait3A_2719 = tpu.memref_slice %arg6[%dma_wait3A_2716, %dma_wait3A_2717, %dma_wait3A_2718] : memref<8x64x128xf32, #tpu.memory_space<vmem>> -> memref<1x64x128xf32, #tpu.memory_space<vmem>>
    %dma_wait3A_2720 = tpu.memref_squeeze %dma_wait3A_2719 : memref<1x64x128xf32, #tpu.memory_space<vmem>> -> memref<64x128xf32, #tpu.memory_space<vmem>>
    %dma_wait3A_2721 = arith.constant 0 : i32
    %dma_wait3A_2722 = tpu.memref_slice %arg2[%add3A_2123, %dma_wait3A_2721] : memref<131072x128xf32, #tpu.memory_space<hbm>> -> memref<64x128xf32, #tpu.memory_space<hbm>>
    %dma_wait3A_2723 = arith.constant 0 : i32
    %dma_wait3A_2724 = arith.constant 0 : i32
    %dma_wait3A_2725 = tpu.memref_slice %arg6[%dma_wait3A_2716, %dma_wait3A_2723, %dma_wait3A_2724] : memref<8x64x128xf32, #tpu.memory_space<vmem>> -> memref<1x64x128xf32, #tpu.memory_space<vmem>>
    %dma_wait3A_2726 = tpu.memref_squeeze %dma_wait3A_2725 : memref<1x64x128xf32, #tpu.memory_space<vmem>> -> memref<64x128xf32, #tpu.memory_space<vmem>>
    %dma_wait3A_2727 = arith.constant 0 : i32
    %dma_wait3A_2728 = tpu.memref_slice %arg2[%add3A_2123, %dma_wait3A_2727] : memref<131072x128xf32, #tpu.memory_space<hbm>> -> memref<64x128xf32, #tpu.memory_space<hbm>>
    tpu.wait_dma2 semaphore(%arg7 : memref<!tpu.dma_semaphore, #tpu.memory_space<semaphore_mem>>) src(%dma_wait3A_2728 : memref<64x128xf32, #tpu.memory_space<hbm>>) dst(%dma_wait3A_2726 : memref<64x128xf32, #tpu.memory_space<vmem>>)
    %add3A_2729 = arith.constant 704 : i32
    %add3A_2730 = arith.addi %mul3A_49, %add3A_2729 : i32
    %dma_start3A_2731 = arith.constant 3 : i32
    %dma_start3A_2732 = arith.constant 0 : i32
    %dma_start3A_2733 = arith.constant 0 : i32
    %dma_start3A_2734 = tpu.memref_slice %arg6[%dma_start3A_2731, %dma_start3A_2732, %dma_start3A_2733] : memref<8x64x128xf32, #tpu.memory_space<vmem>> -> memref<1x64x128xf32, #tpu.memory_space<vmem>>
    %dma_start3A_2735 = tpu.memref_squeeze %dma_start3A_2734 : memref<1x64x128xf32, #tpu.memory_space<vmem>> -> memref<64x128xf32, #tpu.memory_space<vmem>>
    %dma_start3A_2736 = arith.constant 0 : i32
    %dma_start3A_2737 = tpu.memref_slice %arg4[%add3A_2730, %dma_start3A_2736] : memref<32768x128xf32, #tpu.memory_space<hbm>> -> memref<64x128xf32, #tpu.memory_space<hbm>>
    %dma_start3A_2738 = arith.constant 0 : i32
    %dma_start3A_2739 = tpu.memref_slice %arg4[%add3A_2730, %dma_start3A_2738] : memref<32768x128xf32, #tpu.memory_space<hbm>> -> memref<64x128xf32, #tpu.memory_space<hbm>>
    %dma_start3A_2740 = arith.constant 0 : i32
    %dma_start3A_2741 = arith.constant 0 : i32
    %dma_start3A_2742 = tpu.memref_slice %arg6[%dma_start3A_2731, %dma_start3A_2740, %dma_start3A_2741] : memref<8x64x128xf32, #tpu.memory_space<vmem>> -> memref<1x64x128xf32, #tpu.memory_space<vmem>>
    %dma_start3A_2743 = tpu.memref_squeeze %dma_start3A_2742 : memref<1x64x128xf32, #tpu.memory_space<vmem>> -> memref<64x128xf32, #tpu.memory_space<vmem>>
    tpu.enqueue_dma source(%dma_start3A_2743 : memref<64x128xf32, #tpu.memory_space<vmem>>) target(%dma_start3A_2739 : memref<64x128xf32, #tpu.memory_space<hbm>>) target_semaphore(%arg8 : memref<!tpu.dma_semaphore, #tpu.memory_space<semaphore_mem>>)
    %jit3A_2744 = arith.constant 0xFF800000 : f32
    %broadcast_in_dim3A_2745 = vector.broadcast %jit3A_2744 : f32 to vector<16xf32>
    %select_n3A_2746 = arith.select %and3A_2678, %get3A_2, %broadcast_in_dim3A_2745 : vector<16xi1>, vector<16xf32>
    %jit3A_2747 = arith.constant 0xFF800000 : f32
    %broadcast_in_dim3A_2748 = vector.broadcast %jit3A_2747 : f32 to vector<16xf32>
    %select_n3A_2749 = arith.select %and3A_2680, %get3A_5, %broadcast_in_dim3A_2748 : vector<16xi1>, vector<16xf32>
    %jit3A_2750 = arith.constant 0xFF800000 : f32
    %broadcast_in_dim3A_2751 = vector.broadcast %jit3A_2750 : f32 to vector<16xf32>
    %select_n3A_2752 = arith.select %and3A_2682, %get3A_8, %broadcast_in_dim3A_2751 : vector<16xi1>, vector<16xf32>
    %jit3A_2753 = arith.constant 0xFF800000 : f32
    %broadcast_in_dim3A_2754 = vector.broadcast %jit3A_2753 : f32 to vector<16xf32>
    %select_n3A_2755 = arith.select %and3A_2684, %get3A_11, %broadcast_in_dim3A_2754 : vector<16xi1>, vector<16xf32>
    %max3A_2756 = arith.maximumf %select_n3A_2746, %select_n3A_2749 : vector<16xf32>
    %max3A_2757 = arith.maximumf %max3A_2756, %select_n3A_2752 : vector<16xf32>
    %max3A_2758 = arith.maximumf %max3A_2757, %select_n3A_2755 : vector<16xf32>
    %lt3A_2759 = arith.constant 0 : i32
    %lt3A_2760 = vector.broadcast %lt3A_2759 : i32 to vector<16xi32>
    %lt3A_2761 = arith.cmpi slt, %xor3A_36, %lt3A_2760 : vector<16xi32>
    %add3A_2762 = arith.constant 16 : i32
    %add3A_2763 = vector.broadcast %add3A_2762 : i32 to vector<16xi32>
    %add3A_2764 = arith.addi %xor3A_36, %add3A_2763 : vector<16xi32>
    %select_n3A_2765 = arith.select %lt3A_2761, %add3A_2764, %xor3A_36 : vector<16xi1>, vector<16xi32>
    %broadcast_in_dim3A_2766 = vector.shape_cast %select_n3A_2765 : vector<16xi32> to vector<16x1xi32>
    %gather3A_2767 = vector.shape_cast %broadcast_in_dim3A_2766 : vector<16x1xi32> to vector<16xi32>
    %gather3A_2768 = tpu.dynamic_gather %max3A_2758[%gather3A_2767] in [0] : vector<16xf32>, vector<16xi32> -> vector<16xf32>
    %max3A_2769 = arith.maximumf %max3A_2758, %gather3A_2768 : vector<16xf32>
    %lt3A_2770 = arith.constant 0 : i32
    %lt3A_2771 = vector.broadcast %lt3A_2770 : i32 to vector<16xi32>
    %lt3A_2772 = arith.cmpi slt, %xor3A_39, %lt3A_2771 : vector<16xi32>
    %add3A_2773 = arith.constant 16 : i32
    %add3A_2774 = vector.broadcast %add3A_2773 : i32 to vector<16xi32>
    %add3A_2775 = arith.addi %xor3A_39, %add3A_2774 : vector<16xi32>
    %select_n3A_2776 = arith.select %lt3A_2772, %add3A_2775, %xor3A_39 : vector<16xi1>, vector<16xi32>
    %broadcast_in_dim3A_2777 = vector.shape_cast %select_n3A_2776 : vector<16xi32> to vector<16x1xi32>
    %gather3A_2778 = vector.shape_cast %broadcast_in_dim3A_2777 : vector<16x1xi32> to vector<16xi32>
    %gather3A_2779 = tpu.dynamic_gather %max3A_2769[%gather3A_2778] in [0] : vector<16xf32>, vector<16xi32> -> vector<16xf32>
    %max3A_2780 = arith.maximumf %max3A_2769, %gather3A_2779 : vector<16xf32>
    %lt3A_2781 = arith.constant 0 : i32
    %lt3A_2782 = vector.broadcast %lt3A_2781 : i32 to vector<16xi32>
    %lt3A_2783 = arith.cmpi slt, %xor3A_42, %lt3A_2782 : vector<16xi32>
    %add3A_2784 = arith.constant 16 : i32
    %add3A_2785 = vector.broadcast %add3A_2784 : i32 to vector<16xi32>
    %add3A_2786 = arith.addi %xor3A_42, %add3A_2785 : vector<16xi32>
    %select_n3A_2787 = arith.select %lt3A_2783, %add3A_2786, %xor3A_42 : vector<16xi1>, vector<16xi32>
    %broadcast_in_dim3A_2788 = vector.shape_cast %select_n3A_2787 : vector<16xi32> to vector<16x1xi32>
    %gather3A_2789 = vector.shape_cast %broadcast_in_dim3A_2788 : vector<16x1xi32> to vector<16xi32>
    %gather3A_2790 = tpu.dynamic_gather %max3A_2780[%gather3A_2789] in [0] : vector<16xf32>, vector<16xi32> -> vector<16xf32>
    %max3A_2791 = arith.maximumf %max3A_2780, %gather3A_2790 : vector<16xf32>
    %lt3A_2792 = arith.constant 0 : i32
    %lt3A_2793 = vector.broadcast %lt3A_2792 : i32 to vector<16xi32>
    %lt3A_2794 = arith.cmpi slt, %xor3A_45, %lt3A_2793 : vector<16xi32>
    %add3A_2795 = arith.constant 16 : i32
    %add3A_2796 = vector.broadcast %add3A_2795 : i32 to vector<16xi32>
    %add3A_2797 = arith.addi %xor3A_45, %add3A_2796 : vector<16xi32>
    %select_n3A_2798 = arith.select %lt3A_2794, %add3A_2797, %xor3A_45 : vector<16xi1>, vector<16xi32>
    %broadcast_in_dim3A_2799 = vector.shape_cast %select_n3A_2798 : vector<16xi32> to vector<16x1xi32>
    %gather3A_2800 = vector.shape_cast %broadcast_in_dim3A_2799 : vector<16x1xi32> to vector<16xi32>
    %gather3A_2801 = tpu.dynamic_gather %max3A_2791[%gather3A_2800] in [0] : vector<16xf32>, vector<16xi32> -> vector<16xf32>
    %max3A_2802 = arith.maximumf %max3A_2791, %gather3A_2801 : vector<16xf32>
    %eq3A_2803 = arith.cmpf oeq, %get3A_2, %max3A_2802 : vector<16xf32>
    %and3A_2804 = arith.andi %and3A_2678, %eq3A_2803 : vector<16xi1>
    %jit3A_2805 = arith.constant 64 : i32
    %broadcast_in_dim3A_2806 = vector.broadcast %jit3A_2805 : i32 to vector<16xi32>
    %select_n3A_2807 = arith.select %and3A_2804, %add3A_14, %broadcast_in_dim3A_2806 : vector<16xi1>, vector<16xi32>
    %eq3A_2808 = arith.cmpf oeq, %get3A_5, %max3A_2802 : vector<16xf32>
    %and3A_2809 = arith.andi %and3A_2680, %eq3A_2808 : vector<16xi1>
    %jit3A_2810 = arith.constant 64 : i32
    %broadcast_in_dim3A_2811 = vector.broadcast %jit3A_2810 : i32 to vector<16xi32>
    %select_n3A_2812 = arith.select %and3A_2809, %add3A_18, %broadcast_in_dim3A_2811 : vector<16xi1>, vector<16xi32>
    %min3A_2813 = arith.minsi %select_n3A_2807, %select_n3A_2812 : vector<16xi32>
    %eq3A_2814 = arith.cmpf oeq, %get3A_8, %max3A_2802 : vector<16xf32>
    %and3A_2815 = arith.andi %and3A_2682, %eq3A_2814 : vector<16xi1>
    %jit3A_2816 = arith.constant 64 : i32
    %broadcast_in_dim3A_2817 = vector.broadcast %jit3A_2816 : i32 to vector<16xi32>
    %select_n3A_2818 = arith.select %and3A_2815, %add3A_22, %broadcast_in_dim3A_2817 : vector<16xi1>, vector<16xi32>
    %min3A_2819 = arith.minsi %min3A_2813, %select_n3A_2818 : vector<16xi32>
    %eq3A_2820 = arith.cmpf oeq, %get3A_11, %max3A_2802 : vector<16xf32>
    %and3A_2821 = arith.andi %and3A_2684, %eq3A_2820 : vector<16xi1>
    %jit3A_2822 = arith.constant 64 : i32
    %broadcast_in_dim3A_2823 = vector.broadcast %jit3A_2822 : i32 to vector<16xi32>
    %select_n3A_2824 = arith.select %and3A_2821, %add3A_26, %broadcast_in_dim3A_2823 : vector<16xi1>, vector<16xi32>
    %min3A_2825 = arith.minsi %min3A_2819, %select_n3A_2824 : vector<16xi32>
    %lt3A_2826 = arith.constant 0 : i32
    %lt3A_2827 = vector.broadcast %lt3A_2826 : i32 to vector<16xi32>
    %lt3A_2828 = arith.cmpi slt, %xor3A_36, %lt3A_2827 : vector<16xi32>
    %add3A_2829 = arith.constant 16 : i32
    %add3A_2830 = vector.broadcast %add3A_2829 : i32 to vector<16xi32>
    %add3A_2831 = arith.addi %xor3A_36, %add3A_2830 : vector<16xi32>
    %select_n3A_2832 = arith.select %lt3A_2828, %add3A_2831, %xor3A_36 : vector<16xi1>, vector<16xi32>
    %broadcast_in_dim3A_2833 = vector.shape_cast %select_n3A_2832 : vector<16xi32> to vector<16x1xi32>
    %gather3A_2834 = vector.shape_cast %broadcast_in_dim3A_2833 : vector<16x1xi32> to vector<16xi32>
    %gather3A_2835 = tpu.dynamic_gather %min3A_2825[%gather3A_2834] in [0] : vector<16xi32>, vector<16xi32> -> vector<16xi32>
    %min3A_2836 = arith.minsi %min3A_2825, %gather3A_2835 : vector<16xi32>
    %lt3A_2837 = arith.constant 0 : i32
    %lt3A_2838 = vector.broadcast %lt3A_2837 : i32 to vector<16xi32>
    %lt3A_2839 = arith.cmpi slt, %xor3A_39, %lt3A_2838 : vector<16xi32>
    %add3A_2840 = arith.constant 16 : i32
    %add3A_2841 = vector.broadcast %add3A_2840 : i32 to vector<16xi32>
    %add3A_2842 = arith.addi %xor3A_39, %add3A_2841 : vector<16xi32>
    %select_n3A_2843 = arith.select %lt3A_2839, %add3A_2842, %xor3A_39 : vector<16xi1>, vector<16xi32>
    %broadcast_in_dim3A_2844 = vector.shape_cast %select_n3A_2843 : vector<16xi32> to vector<16x1xi32>
    %gather3A_2845 = vector.shape_cast %broadcast_in_dim3A_2844 : vector<16x1xi32> to vector<16xi32>
    %gather3A_2846 = tpu.dynamic_gather %min3A_2836[%gather3A_2845] in [0] : vector<16xi32>, vector<16xi32> -> vector<16xi32>
    %min3A_2847 = arith.minsi %min3A_2836, %gather3A_2846 : vector<16xi32>
    %lt3A_2848 = arith.constant 0 : i32
    %lt3A_2849 = vector.broadcast %lt3A_2848 : i32 to vector<16xi32>
    %lt3A_2850 = arith.cmpi slt, %xor3A_42, %lt3A_2849 : vector<16xi32>
    %add3A_2851 = arith.constant 16 : i32
    %add3A_2852 = vector.broadcast %add3A_2851 : i32 to vector<16xi32>
    %add3A_2853 = arith.addi %xor3A_42, %add3A_2852 : vector<16xi32>
    %select_n3A_2854 = arith.select %lt3A_2850, %add3A_2853, %xor3A_42 : vector<16xi1>, vector<16xi32>
    %broadcast_in_dim3A_2855 = vector.shape_cast %select_n3A_2854 : vector<16xi32> to vector<16x1xi32>
    %gather3A_2856 = vector.shape_cast %broadcast_in_dim3A_2855 : vector<16x1xi32> to vector<16xi32>
    %gather3A_2857 = tpu.dynamic_gather %min3A_2847[%gather3A_2856] in [0] : vector<16xi32>, vector<16xi32> -> vector<16xi32>
    %min3A_2858 = arith.minsi %min3A_2847, %gather3A_2857 : vector<16xi32>
    %lt3A_2859 = arith.constant 0 : i32
    %lt3A_2860 = vector.broadcast %lt3A_2859 : i32 to vector<16xi32>
    %lt3A_2861 = arith.cmpi slt, %xor3A_45, %lt3A_2860 : vector<16xi32>
    %add3A_2862 = arith.constant 16 : i32
    %add3A_2863 = vector.broadcast %add3A_2862 : i32 to vector<16xi32>
    %add3A_2864 = arith.addi %xor3A_45, %add3A_2863 : vector<16xi32>
    %select_n3A_2865 = arith.select %lt3A_2861, %add3A_2864, %xor3A_45 : vector<16xi1>, vector<16xi32>
    %broadcast_in_dim3A_2866 = vector.shape_cast %select_n3A_2865 : vector<16xi32> to vector<16x1xi32>
    %gather3A_2867 = vector.shape_cast %broadcast_in_dim3A_2866 : vector<16x1xi32> to vector<16xi32>
    %gather3A_2868 = tpu.dynamic_gather %min3A_2858[%gather3A_2867] in [0] : vector<16xi32>, vector<16xi32> -> vector<16xi32>
    %min3A_2869 = arith.minsi %min3A_2858, %gather3A_2868 : vector<16xi32>
    %ne3A_2870 = arith.cmpi ne, %add3A_14, %min3A_2869 : vector<16xi32>
    %and3A_2871 = arith.andi %and3A_2678, %ne3A_2870 : vector<16xi1>
    %ne3A_2872 = arith.cmpi ne, %add3A_18, %min3A_2869 : vector<16xi32>
    %and3A_2873 = arith.andi %and3A_2680, %ne3A_2872 : vector<16xi1>
    %ne3A_2874 = arith.cmpi ne, %add3A_22, %min3A_2869 : vector<16xi32>
    %and3A_2875 = arith.andi %and3A_2682, %ne3A_2874 : vector<16xi1>
    %ne3A_2876 = arith.cmpi ne, %add3A_26, %min3A_2869 : vector<16xi32>
    %and3A_2877 = arith.andi %and3A_2684, %ne3A_2876 : vector<16xi1>
    %slice3A_2878 = vector.extract_strided_slice %min3A_2869 {offsets = [0], sizes = [1], strides = [1]} : vector<16xi32> to vector<1xi32>
    %squeeze3A_2879 = vector.extract %slice3A_2878[0] : i32 from vector<1xi32>
    %dma_wait3A_2880 = arith.constant 7 : i32
    %dma_wait3A_2881 = arith.constant 0 : i32
    %dma_wait3A_2882 = arith.constant 0 : i32
    %dma_wait3A_2883 = tpu.memref_slice %arg6[%dma_wait3A_2880, %dma_wait3A_2881, %dma_wait3A_2882] : memref<8x64x128xf32, #tpu.memory_space<vmem>> -> memref<1x64x128xf32, #tpu.memory_space<vmem>>
    %dma_wait3A_2884 = tpu.memref_squeeze %dma_wait3A_2883 : memref<1x64x128xf32, #tpu.memory_space<vmem>> -> memref<64x128xf32, #tpu.memory_space<vmem>>
    %dma_wait3A_2885 = arith.constant 0 : i32
    %dma_wait3A_2886 = tpu.memref_slice %arg4[%add3A_1958, %dma_wait3A_2885] : memref<32768x128xf32, #tpu.memory_space<hbm>> -> memref<64x128xf32, #tpu.memory_space<hbm>>
    %dma_wait3A_2887 = arith.constant 0 : i32
    %dma_wait3A_2888 = tpu.memref_slice %arg4[%add3A_1958, %dma_wait3A_2887] : memref<32768x128xf32, #tpu.memory_space<hbm>> -> memref<64x128xf32, #tpu.memory_space<hbm>>
    %dma_wait3A_2889 = arith.constant 0 : i32
    %dma_wait3A_2890 = arith.constant 0 : i32
    %dma_wait3A_2891 = tpu.memref_slice %arg6[%dma_wait3A_2880, %dma_wait3A_2889, %dma_wait3A_2890] : memref<8x64x128xf32, #tpu.memory_space<vmem>> -> memref<1x64x128xf32, #tpu.memory_space<vmem>>
    %dma_wait3A_2892 = tpu.memref_squeeze %dma_wait3A_2891 : memref<1x64x128xf32, #tpu.memory_space<vmem>> -> memref<64x128xf32, #tpu.memory_space<vmem>>
    tpu.wait_dma2 semaphore(%arg8 : memref<!tpu.dma_semaphore, #tpu.memory_space<semaphore_mem>>) src(%dma_wait3A_2892 : memref<64x128xf32, #tpu.memory_space<vmem>>) dst(%dma_wait3A_2888 : memref<64x128xf32, #tpu.memory_space<hbm>>)
    %mul3A_2893 = arith.constant 64 : i32
    %mul3A_2894 = arith.muli %squeeze3A_2879, %mul3A_2893 : i32
    %add3A_2895 = arith.addi %mul3A_47, %mul3A_2894 : i32
    %dma_start3A_2896 = arith.constant 7 : i32
    %dma_start3A_2897 = arith.constant 0 : i32
    %dma_start3A_2898 = arith.constant 0 : i32
    %dma_start3A_2899 = tpu.memref_slice %arg6[%dma_start3A_2896, %dma_start3A_2897, %dma_start3A_2898] : memref<8x64x128xf32, #tpu.memory_space<vmem>> -> memref<1x64x128xf32, #tpu.memory_space<vmem>>
    %dma_start3A_2900 = tpu.memref_squeeze %dma_start3A_2899 : memref<1x64x128xf32, #tpu.memory_space<vmem>> -> memref<64x128xf32, #tpu.memory_space<vmem>>
    %dma_start3A_2901 = arith.constant 0 : i32
    %dma_start3A_2902 = tpu.memref_slice %arg2[%add3A_2895, %dma_start3A_2901] : memref<131072x128xf32, #tpu.memory_space<hbm>> -> memref<64x128xf32, #tpu.memory_space<hbm>>
    %dma_start3A_2903 = arith.constant 0 : i32
    %dma_start3A_2904 = arith.constant 0 : i32
    %dma_start3A_2905 = tpu.memref_slice %arg6[%dma_start3A_2896, %dma_start3A_2903, %dma_start3A_2904] : memref<8x64x128xf32, #tpu.memory_space<vmem>> -> memref<1x64x128xf32, #tpu.memory_space<vmem>>
    %dma_start3A_2906 = tpu.memref_squeeze %dma_start3A_2905 : memref<1x64x128xf32, #tpu.memory_space<vmem>> -> memref<64x128xf32, #tpu.memory_space<vmem>>
    %dma_start3A_2907 = arith.constant 0 : i32
    %dma_start3A_2908 = tpu.memref_slice %arg2[%add3A_2895, %dma_start3A_2907] : memref<131072x128xf32, #tpu.memory_space<hbm>> -> memref<64x128xf32, #tpu.memory_space<hbm>>
    tpu.enqueue_dma source(%dma_start3A_2908 : memref<64x128xf32, #tpu.memory_space<hbm>>) target(%dma_start3A_2906 : memref<64x128xf32, #tpu.memory_space<vmem>>) target_semaphore(%arg7 : memref<!tpu.dma_semaphore, #tpu.memory_space<semaphore_mem>>)
    %dma_wait3A_2909 = arith.constant 4 : i32
    %dma_wait3A_2910 = arith.constant 0 : i32
    %dma_wait3A_2911 = arith.constant 0 : i32
    %dma_wait3A_2912 = tpu.memref_slice %arg6[%dma_wait3A_2909, %dma_wait3A_2910, %dma_wait3A_2911] : memref<8x64x128xf32, #tpu.memory_space<vmem>> -> memref<1x64x128xf32, #tpu.memory_space<vmem>>
    %dma_wait3A_2913 = tpu.memref_squeeze %dma_wait3A_2912 : memref<1x64x128xf32, #tpu.memory_space<vmem>> -> memref<64x128xf32, #tpu.memory_space<vmem>>
    %dma_wait3A_2914 = arith.constant 0 : i32
    %dma_wait3A_2915 = tpu.memref_slice %arg2[%add3A_2316, %dma_wait3A_2914] : memref<131072x128xf32, #tpu.memory_space<hbm>> -> memref<64x128xf32, #tpu.memory_space<hbm>>
    %dma_wait3A_2916 = arith.constant 0 : i32
    %dma_wait3A_2917 = arith.constant 0 : i32
    %dma_wait3A_2918 = tpu.memref_slice %arg6[%dma_wait3A_2909, %dma_wait3A_2916, %dma_wait3A_2917] : memref<8x64x128xf32, #tpu.memory_space<vmem>> -> memref<1x64x128xf32, #tpu.memory_space<vmem>>
    %dma_wait3A_2919 = tpu.memref_squeeze %dma_wait3A_2918 : memref<1x64x128xf32, #tpu.memory_space<vmem>> -> memref<64x128xf32, #tpu.memory_space<vmem>>
    %dma_wait3A_2920 = arith.constant 0 : i32
    %dma_wait3A_2921 = tpu.memref_slice %arg2[%add3A_2316, %dma_wait3A_2920] : memref<131072x128xf32, #tpu.memory_space<hbm>> -> memref<64x128xf32, #tpu.memory_space<hbm>>
    tpu.wait_dma2 semaphore(%arg7 : memref<!tpu.dma_semaphore, #tpu.memory_space<semaphore_mem>>) src(%dma_wait3A_2921 : memref<64x128xf32, #tpu.memory_space<hbm>>) dst(%dma_wait3A_2919 : memref<64x128xf32, #tpu.memory_space<vmem>>)
    %add3A_2922 = arith.constant 768 : i32
    %add3A_2923 = arith.addi %mul3A_49, %add3A_2922 : i32
    %dma_start3A_2924 = arith.constant 4 : i32
    %dma_start3A_2925 = arith.constant 0 : i32
    %dma_start3A_2926 = arith.constant 0 : i32
    %dma_start3A_2927 = tpu.memref_slice %arg6[%dma_start3A_2924, %dma_start3A_2925, %dma_start3A_2926] : memref<8x64x128xf32, #tpu.memory_space<vmem>> -> memref<1x64x128xf32, #tpu.memory_space<vmem>>
    %dma_start3A_2928 = tpu.memref_squeeze %dma_start3A_2927 : memref<1x64x128xf32, #tpu.memory_space<vmem>> -> memref<64x128xf32, #tpu.memory_space<vmem>>
    %dma_start3A_2929 = arith.constant 0 : i32
    %dma_start3A_2930 = tpu.memref_slice %arg4[%add3A_2923, %dma_start3A_2929] : memref<32768x128xf32, #tpu.memory_space<hbm>> -> memref<64x128xf32, #tpu.memory_space<hbm>>
    %dma_start3A_2931 = arith.constant 0 : i32
    %dma_start3A_2932 = tpu.memref_slice %arg4[%add3A_2923, %dma_start3A_2931] : memref<32768x128xf32, #tpu.memory_space<hbm>> -> memref<64x128xf32, #tpu.memory_space<hbm>>
    %dma_start3A_2933 = arith.constant 0 : i32
    %dma_start3A_2934 = arith.constant 0 : i32
    %dma_start3A_2935 = tpu.memref_slice %arg6[%dma_start3A_2924, %dma_start3A_2933, %dma_start3A_2934] : memref<8x64x128xf32, #tpu.memory_space<vmem>> -> memref<1x64x128xf32, #tpu.memory_space<vmem>>
    %dma_start3A_2936 = tpu.memref_squeeze %dma_start3A_2935 : memref<1x64x128xf32, #tpu.memory_space<vmem>> -> memref<64x128xf32, #tpu.memory_space<vmem>>
    tpu.enqueue_dma source(%dma_start3A_2936 : memref<64x128xf32, #tpu.memory_space<vmem>>) target(%dma_start3A_2932 : memref<64x128xf32, #tpu.memory_space<hbm>>) target_semaphore(%arg8 : memref<!tpu.dma_semaphore, #tpu.memory_space<semaphore_mem>>)
    %dma_wait3A_2937 = arith.constant 5 : i32
    %dma_wait3A_2938 = arith.constant 0 : i32
    %dma_wait3A_2939 = arith.constant 0 : i32
    %dma_wait3A_2940 = tpu.memref_slice %arg6[%dma_wait3A_2937, %dma_wait3A_2938, %dma_wait3A_2939] : memref<8x64x128xf32, #tpu.memory_space<vmem>> -> memref<1x64x128xf32, #tpu.memory_space<vmem>>
    %dma_wait3A_2941 = tpu.memref_squeeze %dma_wait3A_2940 : memref<1x64x128xf32, #tpu.memory_space<vmem>> -> memref<64x128xf32, #tpu.memory_space<vmem>>
    %dma_wait3A_2942 = arith.constant 0 : i32
    %dma_wait3A_2943 = tpu.memref_slice %arg2[%add3A_2509, %dma_wait3A_2942] : memref<131072x128xf32, #tpu.memory_space<hbm>> -> memref<64x128xf32, #tpu.memory_space<hbm>>
    %dma_wait3A_2944 = arith.constant 0 : i32
    %dma_wait3A_2945 = arith.constant 0 : i32
    %dma_wait3A_2946 = tpu.memref_slice %arg6[%dma_wait3A_2937, %dma_wait3A_2944, %dma_wait3A_2945] : memref<8x64x128xf32, #tpu.memory_space<vmem>> -> memref<1x64x128xf32, #tpu.memory_space<vmem>>
    %dma_wait3A_2947 = tpu.memref_squeeze %dma_wait3A_2946 : memref<1x64x128xf32, #tpu.memory_space<vmem>> -> memref<64x128xf32, #tpu.memory_space<vmem>>
    %dma_wait3A_2948 = arith.constant 0 : i32
    %dma_wait3A_2949 = tpu.memref_slice %arg2[%add3A_2509, %dma_wait3A_2948] : memref<131072x128xf32, #tpu.memory_space<hbm>> -> memref<64x128xf32, #tpu.memory_space<hbm>>
    tpu.wait_dma2 semaphore(%arg7 : memref<!tpu.dma_semaphore, #tpu.memory_space<semaphore_mem>>) src(%dma_wait3A_2949 : memref<64x128xf32, #tpu.memory_space<hbm>>) dst(%dma_wait3A_2947 : memref<64x128xf32, #tpu.memory_space<vmem>>)
    %add3A_2950 = arith.constant 832 : i32
    %add3A_2951 = arith.addi %mul3A_49, %add3A_2950 : i32
    %dma_start3A_2952 = arith.constant 5 : i32
    %dma_start3A_2953 = arith.constant 0 : i32
    %dma_start3A_2954 = arith.constant 0 : i32
    %dma_start3A_2955 = tpu.memref_slice %arg6[%dma_start3A_2952, %dma_start3A_2953, %dma_start3A_2954] : memref<8x64x128xf32, #tpu.memory_space<vmem>> -> memref<1x64x128xf32, #tpu.memory_space<vmem>>
    %dma_start3A_2956 = tpu.memref_squeeze %dma_start3A_2955 : memref<1x64x128xf32, #tpu.memory_space<vmem>> -> memref<64x128xf32, #tpu.memory_space<vmem>>
    %dma_start3A_2957 = arith.constant 0 : i32
    %dma_start3A_2958 = tpu.memref_slice %arg4[%add3A_2951, %dma_start3A_2957] : memref<32768x128xf32, #tpu.memory_space<hbm>> -> memref<64x128xf32, #tpu.memory_space<hbm>>
    %dma_start3A_2959 = arith.constant 0 : i32
    %dma_start3A_2960 = tpu.memref_slice %arg4[%add3A_2951, %dma_start3A_2959] : memref<32768x128xf32, #tpu.memory_space<hbm>> -> memref<64x128xf32, #tpu.memory_space<hbm>>
    %dma_start3A_2961 = arith.constant 0 : i32
    %dma_start3A_2962 = arith.constant 0 : i32
    %dma_start3A_2963 = tpu.memref_slice %arg6[%dma_start3A_2952, %dma_start3A_2961, %dma_start3A_2962] : memref<8x64x128xf32, #tpu.memory_space<vmem>> -> memref<1x64x128xf32, #tpu.memory_space<vmem>>
    %dma_start3A_2964 = tpu.memref_squeeze %dma_start3A_2963 : memref<1x64x128xf32, #tpu.memory_space<vmem>> -> memref<64x128xf32, #tpu.memory_space<vmem>>
    tpu.enqueue_dma source(%dma_start3A_2964 : memref<64x128xf32, #tpu.memory_space<vmem>>) target(%dma_start3A_2960 : memref<64x128xf32, #tpu.memory_space<hbm>>) target_semaphore(%arg8 : memref<!tpu.dma_semaphore, #tpu.memory_space<semaphore_mem>>)
    %dma_wait3A_2965 = arith.constant 6 : i32
    %dma_wait3A_2966 = arith.constant 0 : i32
    %dma_wait3A_2967 = arith.constant 0 : i32
    %dma_wait3A_2968 = tpu.memref_slice %arg6[%dma_wait3A_2965, %dma_wait3A_2966, %dma_wait3A_2967] : memref<8x64x128xf32, #tpu.memory_space<vmem>> -> memref<1x64x128xf32, #tpu.memory_space<vmem>>
    %dma_wait3A_2969 = tpu.memref_squeeze %dma_wait3A_2968 : memref<1x64x128xf32, #tpu.memory_space<vmem>> -> memref<64x128xf32, #tpu.memory_space<vmem>>
    %dma_wait3A_2970 = arith.constant 0 : i32
    %dma_wait3A_2971 = tpu.memref_slice %arg2[%add3A_2702, %dma_wait3A_2970] : memref<131072x128xf32, #tpu.memory_space<hbm>> -> memref<64x128xf32, #tpu.memory_space<hbm>>
    %dma_wait3A_2972 = arith.constant 0 : i32
    %dma_wait3A_2973 = arith.constant 0 : i32
    %dma_wait3A_2974 = tpu.memref_slice %arg6[%dma_wait3A_2965, %dma_wait3A_2972, %dma_wait3A_2973] : memref<8x64x128xf32, #tpu.memory_space<vmem>> -> memref<1x64x128xf32, #tpu.memory_space<vmem>>
    %dma_wait3A_2975 = tpu.memref_squeeze %dma_wait3A_2974 : memref<1x64x128xf32, #tpu.memory_space<vmem>> -> memref<64x128xf32, #tpu.memory_space<vmem>>
    %dma_wait3A_2976 = arith.constant 0 : i32
    %dma_wait3A_2977 = tpu.memref_slice %arg2[%add3A_2702, %dma_wait3A_2976] : memref<131072x128xf32, #tpu.memory_space<hbm>> -> memref<64x128xf32, #tpu.memory_space<hbm>>
    tpu.wait_dma2 semaphore(%arg7 : memref<!tpu.dma_semaphore, #tpu.memory_space<semaphore_mem>>) src(%dma_wait3A_2977 : memref<64x128xf32, #tpu.memory_space<hbm>>) dst(%dma_wait3A_2975 : memref<64x128xf32, #tpu.memory_space<vmem>>)
    %add3A_2978 = arith.constant 896 : i32
    %add3A_2979 = arith.addi %mul3A_49, %add3A_2978 : i32
    %dma_start3A_2980 = arith.constant 6 : i32
    %dma_start3A_2981 = arith.constant 0 : i32
    %dma_start3A_2982 = arith.constant 0 : i32
    %dma_start3A_2983 = tpu.memref_slice %arg6[%dma_start3A_2980, %dma_start3A_2981, %dma_start3A_2982] : memref<8x64x128xf32, #tpu.memory_space<vmem>> -> memref<1x64x128xf32, #tpu.memory_space<vmem>>
    %dma_start3A_2984 = tpu.memref_squeeze %dma_start3A_2983 : memref<1x64x128xf32, #tpu.memory_space<vmem>> -> memref<64x128xf32, #tpu.memory_space<vmem>>
    %dma_start3A_2985 = arith.constant 0 : i32
    %dma_start3A_2986 = tpu.memref_slice %arg4[%add3A_2979, %dma_start3A_2985] : memref<32768x128xf32, #tpu.memory_space<hbm>> -> memref<64x128xf32, #tpu.memory_space<hbm>>
    %dma_start3A_2987 = arith.constant 0 : i32
    %dma_start3A_2988 = tpu.memref_slice %arg4[%add3A_2979, %dma_start3A_2987] : memref<32768x128xf32, #tpu.memory_space<hbm>> -> memref<64x128xf32, #tpu.memory_space<hbm>>
    %dma_start3A_2989 = arith.constant 0 : i32
    %dma_start3A_2990 = arith.constant 0 : i32
    %dma_start3A_2991 = tpu.memref_slice %arg6[%dma_start3A_2980, %dma_start3A_2989, %dma_start3A_2990] : memref<8x64x128xf32, #tpu.memory_space<vmem>> -> memref<1x64x128xf32, #tpu.memory_space<vmem>>
    %dma_start3A_2992 = tpu.memref_squeeze %dma_start3A_2991 : memref<1x64x128xf32, #tpu.memory_space<vmem>> -> memref<64x128xf32, #tpu.memory_space<vmem>>
    tpu.enqueue_dma source(%dma_start3A_2992 : memref<64x128xf32, #tpu.memory_space<vmem>>) target(%dma_start3A_2988 : memref<64x128xf32, #tpu.memory_space<hbm>>) target_semaphore(%arg8 : memref<!tpu.dma_semaphore, #tpu.memory_space<semaphore_mem>>)
    %dma_wait3A_2993 = arith.constant 7 : i32
    %dma_wait3A_2994 = arith.constant 0 : i32
    %dma_wait3A_2995 = arith.constant 0 : i32
    %dma_wait3A_2996 = tpu.memref_slice %arg6[%dma_wait3A_2993, %dma_wait3A_2994, %dma_wait3A_2995] : memref<8x64x128xf32, #tpu.memory_space<vmem>> -> memref<1x64x128xf32, #tpu.memory_space<vmem>>
    %dma_wait3A_2997 = tpu.memref_squeeze %dma_wait3A_2996 : memref<1x64x128xf32, #tpu.memory_space<vmem>> -> memref<64x128xf32, #tpu.memory_space<vmem>>
    %dma_wait3A_2998 = arith.constant 0 : i32
    %dma_wait3A_2999 = tpu.memref_slice %arg2[%add3A_2895, %dma_wait3A_2998] : memref<131072x128xf32, #tpu.memory_space<hbm>> -> memref<64x128xf32, #tpu.memory_space<hbm>>
    %dma_wait3A_3000 = arith.constant 0 : i32
    %dma_wait3A_3001 = arith.constant 0 : i32
    %dma_wait3A_3002 = tpu.memref_slice %arg6[%dma_wait3A_2993, %dma_wait3A_3000, %dma_wait3A_3001] : memref<8x64x128xf32, #tpu.memory_space<vmem>> -> memref<1x64x128xf32, #tpu.memory_space<vmem>>
    %dma_wait3A_3003 = tpu.memref_squeeze %dma_wait3A_3002 : memref<1x64x128xf32, #tpu.memory_space<vmem>> -> memref<64x128xf32, #tpu.memory_space<vmem>>
    %dma_wait3A_3004 = arith.constant 0 : i32
    %dma_wait3A_3005 = tpu.memref_slice %arg2[%add3A_2895, %dma_wait3A_3004] : memref<131072x128xf32, #tpu.memory_space<hbm>> -> memref<64x128xf32, #tpu.memory_space<hbm>>
    tpu.wait_dma2 semaphore(%arg7 : memref<!tpu.dma_semaphore, #tpu.memory_space<semaphore_mem>>) src(%dma_wait3A_3005 : memref<64x128xf32, #tpu.memory_space<hbm>>) dst(%dma_wait3A_3003 : memref<64x128xf32, #tpu.memory_space<vmem>>)
    %add3A_3006 = arith.constant 960 : i32
    %add3A_3007 = arith.addi %mul3A_49, %add3A_3006 : i32
    %dma_start3A_3008 = arith.constant 7 : i32
    %dma_start3A_3009 = arith.constant 0 : i32
    %dma_start3A_3010 = arith.constant 0 : i32
    %dma_start3A_3011 = tpu.memref_slice %arg6[%dma_start3A_3008, %dma_start3A_3009, %dma_start3A_3010] : memref<8x64x128xf32, #tpu.memory_space<vmem>> -> memref<1x64x128xf32, #tpu.memory_space<vmem>>
    %dma_start3A_3012 = tpu.memref_squeeze %dma_start3A_3011 : memref<1x64x128xf32, #tpu.memory_space<vmem>> -> memref<64x128xf32, #tpu.memory_space<vmem>>
    %dma_start3A_3013 = arith.constant 0 : i32
    %dma_start3A_3014 = tpu.memref_slice %arg4[%add3A_3007, %dma_start3A_3013] : memref<32768x128xf32, #tpu.memory_space<hbm>> -> memref<64x128xf32, #tpu.memory_space<hbm>>
    %dma_start3A_3015 = arith.constant 0 : i32
    %dma_start3A_3016 = tpu.memref_slice %arg4[%add3A_3007, %dma_start3A_3015] : memref<32768x128xf32, #tpu.memory_space<hbm>> -> memref<64x128xf32, #tpu.memory_space<hbm>>
    %dma_start3A_3017 = arith.constant 0 : i32
    %dma_start3A_3018 = arith.constant 0 : i32
    %dma_start3A_3019 = tpu.memref_slice %arg6[%dma_start3A_3008, %dma_start3A_3017, %dma_start3A_3018] : memref<8x64x128xf32, #tpu.memory_space<vmem>> -> memref<1x64x128xf32, #tpu.memory_space<vmem>>
    %dma_start3A_3020 = tpu.memref_squeeze %dma_start3A_3019 : memref<1x64x128xf32, #tpu.memory_space<vmem>> -> memref<64x128xf32, #tpu.memory_space<vmem>>
    tpu.enqueue_dma source(%dma_start3A_3020 : memref<64x128xf32, #tpu.memory_space<vmem>>) target(%dma_start3A_3016 : memref<64x128xf32, #tpu.memory_space<hbm>>) target_semaphore(%arg8 : memref<!tpu.dma_semaphore, #tpu.memory_space<semaphore_mem>>)
    %dma_wait3A_3021 = arith.constant 0 : i32
    %dma_wait3A_3022 = arith.constant 0 : i32
    %dma_wait3A_3023 = arith.constant 0 : i32
    %dma_wait3A_3024 = tpu.memref_slice %arg6[%dma_wait3A_3021, %dma_wait3A_3022, %dma_wait3A_3023] : memref<8x64x128xf32, #tpu.memory_space<vmem>> -> memref<1x64x128xf32, #tpu.memory_space<vmem>>
    %dma_wait3A_3025 = tpu.memref_squeeze %dma_wait3A_3024 : memref<1x64x128xf32, #tpu.memory_space<vmem>> -> memref<64x128xf32, #tpu.memory_space<vmem>>
    %dma_wait3A_3026 = arith.constant 0 : i32
    %dma_wait3A_3027 = tpu.memref_slice %arg4[%add3A_2151, %dma_wait3A_3026] : memref<32768x128xf32, #tpu.memory_space<hbm>> -> memref<64x128xf32, #tpu.memory_space<hbm>>
    %dma_wait3A_3028 = arith.constant 0 : i32
    %dma_wait3A_3029 = tpu.memref_slice %arg4[%add3A_2151, %dma_wait3A_3028] : memref<32768x128xf32, #tpu.memory_space<hbm>> -> memref<64x128xf32, #tpu.memory_space<hbm>>
    %dma_wait3A_3030 = arith.constant 0 : i32
    %dma_wait3A_3031 = arith.constant 0 : i32
    %dma_wait3A_3032 = tpu.memref_slice %arg6[%dma_wait3A_3021, %dma_wait3A_3030, %dma_wait3A_3031] : memref<8x64x128xf32, #tpu.memory_space<vmem>> -> memref<1x64x128xf32, #tpu.memory_space<vmem>>
    %dma_wait3A_3033 = tpu.memref_squeeze %dma_wait3A_3032 : memref<1x64x128xf32, #tpu.memory_space<vmem>> -> memref<64x128xf32, #tpu.memory_space<vmem>>
    tpu.wait_dma2 semaphore(%arg8 : memref<!tpu.dma_semaphore, #tpu.memory_space<semaphore_mem>>) src(%dma_wait3A_3033 : memref<64x128xf32, #tpu.memory_space<vmem>>) dst(%dma_wait3A_3029 : memref<64x128xf32, #tpu.memory_space<hbm>>)
    %dma_wait3A_3034 = arith.constant 1 : i32
    %dma_wait3A_3035 = arith.constant 0 : i32
    %dma_wait3A_3036 = arith.constant 0 : i32
    %dma_wait3A_3037 = tpu.memref_slice %arg6[%dma_wait3A_3034, %dma_wait3A_3035, %dma_wait3A_3036] : memref<8x64x128xf32, #tpu.memory_space<vmem>> -> memref<1x64x128xf32, #tpu.memory_space<vmem>>
    %dma_wait3A_3038 = tpu.memref_squeeze %dma_wait3A_3037 : memref<1x64x128xf32, #tpu.memory_space<vmem>> -> memref<64x128xf32, #tpu.memory_space<vmem>>
    %dma_wait3A_3039 = arith.constant 0 : i32
    %dma_wait3A_3040 = tpu.memref_slice %arg4[%add3A_2344, %dma_wait3A_3039] : memref<32768x128xf32, #tpu.memory_space<hbm>> -> memref<64x128xf32, #tpu.memory_space<hbm>>
    %dma_wait3A_3041 = arith.constant 0 : i32
    %dma_wait3A_3042 = tpu.memref_slice %arg4[%add3A_2344, %dma_wait3A_3041] : memref<32768x128xf32, #tpu.memory_space<hbm>> -> memref<64x128xf32, #tpu.memory_space<hbm>>
    %dma_wait3A_3043 = arith.constant 0 : i32
    %dma_wait3A_3044 = arith.constant 0 : i32
    %dma_wait3A_3045 = tpu.memref_slice %arg6[%dma_wait3A_3034, %dma_wait3A_3043, %dma_wait3A_3044] : memref<8x64x128xf32, #tpu.memory_space<vmem>> -> memref<1x64x128xf32, #tpu.memory_space<vmem>>
    %dma_wait3A_3046 = tpu.memref_squeeze %dma_wait3A_3045 : memref<1x64x128xf32, #tpu.memory_space<vmem>> -> memref<64x128xf32, #tpu.memory_space<vmem>>
    tpu.wait_dma2 semaphore(%arg8 : memref<!tpu.dma_semaphore, #tpu.memory_space<semaphore_mem>>) src(%dma_wait3A_3046 : memref<64x128xf32, #tpu.memory_space<vmem>>) dst(%dma_wait3A_3042 : memref<64x128xf32, #tpu.memory_space<hbm>>)
    %dma_wait3A_3047 = arith.constant 2 : i32
    %dma_wait3A_3048 = arith.constant 0 : i32
    %dma_wait3A_3049 = arith.constant 0 : i32
    %dma_wait3A_3050 = tpu.memref_slice %arg6[%dma_wait3A_3047, %dma_wait3A_3048, %dma_wait3A_3049] : memref<8x64x128xf32, #tpu.memory_space<vmem>> -> memref<1x64x128xf32, #tpu.memory_space<vmem>>
    %dma_wait3A_3051 = tpu.memref_squeeze %dma_wait3A_3050 : memref<1x64x128xf32, #tpu.memory_space<vmem>> -> memref<64x128xf32, #tpu.memory_space<vmem>>
    %dma_wait3A_3052 = arith.constant 0 : i32
    %dma_wait3A_3053 = tpu.memref_slice %arg4[%add3A_2537, %dma_wait3A_3052] : memref<32768x128xf32, #tpu.memory_space<hbm>> -> memref<64x128xf32, #tpu.memory_space<hbm>>
    %dma_wait3A_3054 = arith.constant 0 : i32
    %dma_wait3A_3055 = tpu.memref_slice %arg4[%add3A_2537, %dma_wait3A_3054] : memref<32768x128xf32, #tpu.memory_space<hbm>> -> memref<64x128xf32, #tpu.memory_space<hbm>>
    %dma_wait3A_3056 = arith.constant 0 : i32
    %dma_wait3A_3057 = arith.constant 0 : i32
    %dma_wait3A_3058 = tpu.memref_slice %arg6[%dma_wait3A_3047, %dma_wait3A_3056, %dma_wait3A_3057] : memref<8x64x128xf32, #tpu.memory_space<vmem>> -> memref<1x64x128xf32, #tpu.memory_space<vmem>>
    %dma_wait3A_3059 = tpu.memref_squeeze %dma_wait3A_3058 : memref<1x64x128xf32, #tpu.memory_space<vmem>> -> memref<64x128xf32, #tpu.memory_space<vmem>>
    tpu.wait_dma2 semaphore(%arg8 : memref<!tpu.dma_semaphore, #tpu.memory_space<semaphore_mem>>) src(%dma_wait3A_3059 : memref<64x128xf32, #tpu.memory_space<vmem>>) dst(%dma_wait3A_3055 : memref<64x128xf32, #tpu.memory_space<hbm>>)
    %dma_wait3A_3060 = arith.constant 3 : i32
    %dma_wait3A_3061 = arith.constant 0 : i32
    %dma_wait3A_3062 = arith.constant 0 : i32
    %dma_wait3A_3063 = tpu.memref_slice %arg6[%dma_wait3A_3060, %dma_wait3A_3061, %dma_wait3A_3062] : memref<8x64x128xf32, #tpu.memory_space<vmem>> -> memref<1x64x128xf32, #tpu.memory_space<vmem>>
    %dma_wait3A_3064 = tpu.memref_squeeze %dma_wait3A_3063 : memref<1x64x128xf32, #tpu.memory_space<vmem>> -> memref<64x128xf32, #tpu.memory_space<vmem>>
    %dma_wait3A_3065 = arith.constant 0 : i32
    %dma_wait3A_3066 = tpu.memref_slice %arg4[%add3A_2730, %dma_wait3A_3065] : memref<32768x128xf32, #tpu.memory_space<hbm>> -> memref<64x128xf32, #tpu.memory_space<hbm>>
    %dma_wait3A_3067 = arith.constant 0 : i32
    %dma_wait3A_3068 = tpu.memref_slice %arg4[%add3A_2730, %dma_wait3A_3067] : memref<32768x128xf32, #tpu.memory_space<hbm>> -> memref<64x128xf32, #tpu.memory_space<hbm>>
    %dma_wait3A_3069 = arith.constant 0 : i32
    %dma_wait3A_3070 = arith.constant 0 : i32
    %dma_wait3A_3071 = tpu.memref_slice %arg6[%dma_wait3A_3060, %dma_wait3A_3069, %dma_wait3A_3070] : memref<8x64x128xf32, #tpu.memory_space<vmem>> -> memref<1x64x128xf32, #tpu.memory_space<vmem>>
    %dma_wait3A_3072 = tpu.memref_squeeze %dma_wait3A_3071 : memref<1x64x128xf32, #tpu.memory_space<vmem>> -> memref<64x128xf32, #tpu.memory_space<vmem>>
    tpu.wait_dma2 semaphore(%arg8 : memref<!tpu.dma_semaphore, #tpu.memory_space<semaphore_mem>>) src(%dma_wait3A_3072 : memref<64x128xf32, #tpu.memory_space<vmem>>) dst(%dma_wait3A_3068 : memref<64x128xf32, #tpu.memory_space<hbm>>)
    %dma_wait3A_3073 = arith.constant 4 : i32
    %dma_wait3A_3074 = arith.constant 0 : i32
    %dma_wait3A_3075 = arith.constant 0 : i32
    %dma_wait3A_3076 = tpu.memref_slice %arg6[%dma_wait3A_3073, %dma_wait3A_3074, %dma_wait3A_3075] : memref<8x64x128xf32, #tpu.memory_space<vmem>> -> memref<1x64x128xf32, #tpu.memory_space<vmem>>
    %dma_wait3A_3077 = tpu.memref_squeeze %dma_wait3A_3076 : memref<1x64x128xf32, #tpu.memory_space<vmem>> -> memref<64x128xf32, #tpu.memory_space<vmem>>
    %dma_wait3A_3078 = arith.constant 0 : i32
    %dma_wait3A_3079 = tpu.memref_slice %arg4[%add3A_2923, %dma_wait3A_3078] : memref<32768x128xf32, #tpu.memory_space<hbm>> -> memref<64x128xf32, #tpu.memory_space<hbm>>
    %dma_wait3A_3080 = arith.constant 0 : i32
    %dma_wait3A_3081 = tpu.memref_slice %arg4[%add3A_2923, %dma_wait3A_3080] : memref<32768x128xf32, #tpu.memory_space<hbm>> -> memref<64x128xf32, #tpu.memory_space<hbm>>
    %dma_wait3A_3082 = arith.constant 0 : i32
    %dma_wait3A_3083 = arith.constant 0 : i32
    %dma_wait3A_3084 = tpu.memref_slice %arg6[%dma_wait3A_3073, %dma_wait3A_3082, %dma_wait3A_3083] : memref<8x64x128xf32, #tpu.memory_space<vmem>> -> memref<1x64x128xf32, #tpu.memory_space<vmem>>
    %dma_wait3A_3085 = tpu.memref_squeeze %dma_wait3A_3084 : memref<1x64x128xf32, #tpu.memory_space<vmem>> -> memref<64x128xf32, #tpu.memory_space<vmem>>
    tpu.wait_dma2 semaphore(%arg8 : memref<!tpu.dma_semaphore, #tpu.memory_space<semaphore_mem>>) src(%dma_wait3A_3085 : memref<64x128xf32, #tpu.memory_space<vmem>>) dst(%dma_wait3A_3081 : memref<64x128xf32, #tpu.memory_space<hbm>>)
    %dma_wait3A_3086 = arith.constant 5 : i32
    %dma_wait3A_3087 = arith.constant 0 : i32
    %dma_wait3A_3088 = arith.constant 0 : i32
    %dma_wait3A_3089 = tpu.memref_slice %arg6[%dma_wait3A_3086, %dma_wait3A_3087, %dma_wait3A_3088] : memref<8x64x128xf32, #tpu.memory_space<vmem>> -> memref<1x64x128xf32, #tpu.memory_space<vmem>>
    %dma_wait3A_3090 = tpu.memref_squeeze %dma_wait3A_3089 : memref<1x64x128xf32, #tpu.memory_space<vmem>> -> memref<64x128xf32, #tpu.memory_space<vmem>>
    %dma_wait3A_3091 = arith.constant 0 : i32
    %dma_wait3A_3092 = tpu.memref_slice %arg4[%add3A_2951, %dma_wait3A_3091] : memref<32768x128xf32, #tpu.memory_space<hbm>> -> memref<64x128xf32, #tpu.memory_space<hbm>>
    %dma_wait3A_3093 = arith.constant 0 : i32
    %dma_wait3A_3094 = tpu.memref_slice %arg4[%add3A_2951, %dma_wait3A_3093] : memref<32768x128xf32, #tpu.memory_space<hbm>> -> memref<64x128xf32, #tpu.memory_space<hbm>>
    %dma_wait3A_3095 = arith.constant 0 : i32
    %dma_wait3A_3096 = arith.constant 0 : i32
    %dma_wait3A_3097 = tpu.memref_slice %arg6[%dma_wait3A_3086, %dma_wait3A_3095, %dma_wait3A_3096] : memref<8x64x128xf32, #tpu.memory_space<vmem>> -> memref<1x64x128xf32, #tpu.memory_space<vmem>>
    %dma_wait3A_3098 = tpu.memref_squeeze %dma_wait3A_3097 : memref<1x64x128xf32, #tpu.memory_space<vmem>> -> memref<64x128xf32, #tpu.memory_space<vmem>>
    tpu.wait_dma2 semaphore(%arg8 : memref<!tpu.dma_semaphore, #tpu.memory_space<semaphore_mem>>) src(%dma_wait3A_3098 : memref<64x128xf32, #tpu.memory_space<vmem>>) dst(%dma_wait3A_3094 : memref<64x128xf32, #tpu.memory_space<hbm>>)
    %dma_wait3A_3099 = arith.constant 6 : i32
    %dma_wait3A_3100 = arith.constant 0 : i32
    %dma_wait3A_3101 = arith.constant 0 : i32
    %dma_wait3A_3102 = tpu.memref_slice %arg6[%dma_wait3A_3099, %dma_wait3A_3100, %dma_wait3A_3101] : memref<8x64x128xf32, #tpu.memory_space<vmem>> -> memref<1x64x128xf32, #tpu.memory_space<vmem>>
    %dma_wait3A_3103 = tpu.memref_squeeze %dma_wait3A_3102 : memref<1x64x128xf32, #tpu.memory_space<vmem>> -> memref<64x128xf32, #tpu.memory_space<vmem>>
    %dma_wait3A_3104 = arith.constant 0 : i32
    %dma_wait3A_3105 = tpu.memref_slice %arg4[%add3A_2979, %dma_wait3A_3104] : memref<32768x128xf32, #tpu.memory_space<hbm>> -> memref<64x128xf32, #tpu.memory_space<hbm>>
    %dma_wait3A_3106 = arith.constant 0 : i32
    %dma_wait3A_3107 = tpu.memref_slice %arg4[%add3A_2979, %dma_wait3A_3106] : memref<32768x128xf32, #tpu.memory_space<hbm>> -> memref<64x128xf32, #tpu.memory_space<hbm>>
    %dma_wait3A_3108 = arith.constant 0 : i32
    %dma_wait3A_3109 = arith.constant 0 : i32
    %dma_wait3A_3110 = tpu.memref_slice %arg6[%dma_wait3A_3099, %dma_wait3A_3108, %dma_wait3A_3109] : memref<8x64x128xf32, #tpu.memory_space<vmem>> -> memref<1x64x128xf32, #tpu.memory_space<vmem>>
    %dma_wait3A_3111 = tpu.memref_squeeze %dma_wait3A_3110 : memref<1x64x128xf32, #tpu.memory_space<vmem>> -> memref<64x128xf32, #tpu.memory_space<vmem>>
    tpu.wait_dma2 semaphore(%arg8 : memref<!tpu.dma_semaphore, #tpu.memory_space<semaphore_mem>>) src(%dma_wait3A_3111 : memref<64x128xf32, #tpu.memory_space<vmem>>) dst(%dma_wait3A_3107 : memref<64x128xf32, #tpu.memory_space<hbm>>)
    %dma_wait3A_3112 = arith.constant 7 : i32
    %dma_wait3A_3113 = arith.constant 0 : i32
    %dma_wait3A_3114 = arith.constant 0 : i32
    %dma_wait3A_3115 = tpu.memref_slice %arg6[%dma_wait3A_3112, %dma_wait3A_3113, %dma_wait3A_3114] : memref<8x64x128xf32, #tpu.memory_space<vmem>> -> memref<1x64x128xf32, #tpu.memory_space<vmem>>
    %dma_wait3A_3116 = tpu.memref_squeeze %dma_wait3A_3115 : memref<1x64x128xf32, #tpu.memory_space<vmem>> -> memref<64x128xf32, #tpu.memory_space<vmem>>
    %dma_wait3A_3117 = arith.constant 0 : i32
    %dma_wait3A_3118 = tpu.memref_slice %arg4[%add3A_3007, %dma_wait3A_3117] : memref<32768x128xf32, #tpu.memory_space<hbm>> -> memref<64x128xf32, #tpu.memory_space<hbm>>
    %dma_wait3A_3119 = arith.constant 0 : i32
    %dma_wait3A_3120 = tpu.memref_slice %arg4[%add3A_3007, %dma_wait3A_3119] : memref<32768x128xf32, #tpu.memory_space<hbm>> -> memref<64x128xf32, #tpu.memory_space<hbm>>
    %dma_wait3A_3121 = arith.constant 0 : i32
    %dma_wait3A_3122 = arith.constant 0 : i32
    %dma_wait3A_3123 = tpu.memref_slice %arg6[%dma_wait3A_3112, %dma_wait3A_3121, %dma_wait3A_3122] : memref<8x64x128xf32, #tpu.memory_space<vmem>> -> memref<1x64x128xf32, #tpu.memory_space<vmem>>
    %dma_wait3A_3124 = tpu.memref_squeeze %dma_wait3A_3123 : memref<1x64x128xf32, #tpu.memory_space<vmem>> -> memref<64x128xf32, #tpu.memory_space<vmem>>
    tpu.wait_dma2 semaphore(%arg8 : memref<!tpu.dma_semaphore, #tpu.memory_space<semaphore_mem>>) src(%dma_wait3A_3124 : memref<64x128xf32, #tpu.memory_space<vmem>>) dst(%dma_wait3A_3120 : memref<64x128xf32, #tpu.memory_space<hbm>>)
    return
  }
}

</mosaic_0001>

<sc_bundles>
// kernel: kernel.3.cloned.1.call-start
scs
__scs_entry_jumppad:
0x0: {  	(pc) =	sbr.rel $0x88, $3  }
0x1: {  	(tag) =	ssettag $0x0;
	lr =	simm.s32 $0x1  }
0x2: {  	[smem:$0x3F9F] =	sst lr;
	_ =	strace $0xD0000000  }
0x3: {  	_ = 	snop  }
0x4: {  	_ = 	snop  }
0x5: {  	_ = 	snop  }
0x6: {  	_ = 	snop  }
0x7: {  	_ = 	snop  }
__scs_overlays_trampoline_lowered:
0x8: {  	[smem:$0x3FAE] =	sst s0  }
0x9: {  	[smem:$0x3FAF] =	sst s1  }
0xa: {  	[smem:$0x3FB0] =	sst s2  }
0xb: {  	[smem:$0x3FB1] =	sst s3  }
0xc: {  	[smem:$0x3FB2] =	sst s4  }
0xd: {  	[smem:$0x3FB3] =	sst s5  }
0xe: {  	[smem:$0x3FB4] =	sst s6  }
0xf: {  	[smem:$0x3FB5] =	sst s7  }
0x10: {  	[smem:$0x3FB6] =	sst s8  }
0x11: {  	[smem:$0x3FB7] =	sst s9;
	s0 =	simm.s32 @!p0 $0x0  }
0x12: {  	s1 =	sld [smem:$0x3F9D];
	s0 =	simm.s32 @p0 $0x1  }
0x13: {  	[smem:$0x3FB8] =	sst s0;
	s0 =	simm.s32 @!p1 $0x0  }
0x14: {  	s2 =	sld [smem:$0x3F9C];
	s0 =	simm.s32 @p1 $0x1  }
0x15: {  	[smem:$0x3FB9] =	sst s0;
	s0 =	simm.s32 @!p2 $0x0  }
0x16: {  	s3 =	sld [smem:$0x3FDB];
	s0 =	simm.s32 @p2 $0x1  }
0x17: {  	s4 =	simm.s32 $0x1BF5;
	[smem:$0x3FBB] =	sst s0  }
0x18: {  	s0 =	sld [smem:$0x3F9E];
	_ =	swait.ge [sflag:s4], $0x0  }
0x19: {  	s7 =	sld [smem:$0x3F9F]  }
0x1a: {  	s8 =	sadd.s32 $0xFFFFE003, lr  }
0x1b: {  	s9 =	sadd.s32 $0xFFFFFEF7, lr;
	s5 =	simm.s32 $0xFFFFFFFF;
	p2 =	slt.u32 s8, $0xFFFFF086  }
0x1c: {  	p1 =	slt.u32 s9, $0xF7A;
	s5 =	simm.s32 @!p2 $0x0  }
0x1d: {  	s5 =	simm.s32 @p1 $0x1;
	p0 =	seq.s32 s7, s2  }
0x1e: {  	s7 =	smul.u32 @!p0 $0xF7A, s2;
	p2 =	seq.s32 @!p0 s5, $0x0  }
0x1f: {  	s9 =	smul.u32 $0xF7A, s1;
	s8 =	simm.s32 @!p0 $0x1BF5;
	p2 =	por !p2, p0  }
0x20: {  	[sflag:s8] =	ssyncset.s32 @!p0 $0xFFFFF086;
	s6 =	sadd.s32 @!p0 s3, s7;
	s7 =	simm.s32 @!p0 $0x108  }
0x21: {  	s3 =	sadd.s32 s3, s9;
	s6 =	sadd.s32 @!p0 $0x88, s6;
	s7 =	simm.s32 @p2 $0x1082  }
0x22: {  	[simem:s7], [sflag:s8] =	dma.local @!p0 [hbm:s6], $0xF7A  }
0x23: {  	s9 =	sor.u32 $0xD0000000, s2;
	s6 =	simm.s32 $0x108;
	_ =	swait.ge @!p0 [sflag:s8], $0x0  }
0x24: {  	s3 =	sadd.s32 $0x88, s3;
	s6 =	simm.s32 @!p1 $0x1082;
	[sflag:s4] =	ssyncset.s32 $0xFFFFF086  }
0x25: {  	[simem:s6], [sflag:s4] =	dma.local [hbm:s3], $0xF7A  }
0x26: {  	[smem:$0x3F9F] =	sst s1;
	(tag) =	ssettag s2;
	_ =	strace s9  }
0x27: {  	s1 =	sld [smem:$0x3FAF]  }
0x28: {  	s2 =	sld [smem:$0x3FB0]  }
0x29: {  	s4 =	sld [smem:$0x3FB2]  }
0x2a: {  	p0 =	seq.s32 s5, $0x0;
	s5 =	sld [smem:$0x3FB3]  }
0x2b: {  	s6 =	sld [smem:$0x3FB4]  }
0x2c: {  	s7 =	sld [smem:$0x3FB5]  }
0x2d: {  	s3 =	simm.s32 $0x108;
	s8 =	sld [smem:$0x3FB6]  }
0x2e: {  	s3 =	simm.s32 @!p0 $0x1082;
	s9 =	sld [smem:$0x3FB7]  }
0x2f: {  	lr =	sadd.s32 s0, s3;
	s0 =	sld [smem:$0x3FAE]  }
0x30: {  	s3 =	sld [smem:$0x3FB1]  }
0x31: {  	[smem:$0x3FBA] =	sst s10  }
0x32: {  	s10 =	sld [smem:$0x3FB8];
	_ =	sdelay $0x3  }
0x33: {  	p0 =	seq.s32 s10, $0x1;
	s10 =	sld [smem:$0x3FBA];
	_ =	sdelay $0x3  }
0x34: {  	[smem:$0x3FBA] =	sst s10  }
0x35: {  	s10 =	sld [smem:$0x3FB9];
	_ =	sdelay $0x3  }
0x36: {  	p1 =	seq.s32 s10, $0x1;
	s10 =	sld [smem:$0x3FBA];
	_ =	sdelay $0x3  }
0x37: {  	[smem:$0x3FBA] =	sst s10  }
0x38: {  	s10 =	sld [smem:$0x3FBB]  }
0x39: {  	_ = 	snop;
	(pc) =	sbr.ind lr, $3  }
0x3a: {  	_ = 	snop  }
0x3b: {  	_ = 	snop  }
0x3c: {  	p2 =	seq.s32 s10, $0x1;
	s10 =	sld [smem:$0x3FBA]  }
0x3d: {  	_ =	shalt  }
0x3e: {  	_ =	shalt  }
0x3f: {  	_ =	shalt  }
0x40: {  	_ =	shalt  }
0x41: {  	_ =	shalt  }
0x42: {  	_ =	shalt  }
0x43: {  	_ =	shalt  }
0x44: {  	_ =	shalt  }
0x45: {  	_ =	shalt  }
0x46: {  	_ =	shalt  }
0x47: {  	_ =	shalt  }
0x48: {  	_ =	shalt  }
0x49: {  	_ =	shalt  }
0x4a: {  	_ =	shalt  }
0x4b: {  	_ =	shalt  }
0x4c: {  	_ =	shalt  }
0x4d: {  	_ =	shalt  }
0x4e: {  	_ =	shalt  }
0x4f: {  	_ =	shalt  }
0x50: {  	_ =	shalt  }
0x51: {  	_ =	shalt  }
0x52: {  	_ =	shalt  }
0x53: {  	_ =	shalt  }
0x54: {  	_ =	shalt  }
0x55: {  	_ =	shalt  }
0x56: {  	_ =	shalt  }
0x57: {  	_ =	shalt  }
0x58: {  	_ =	shalt  }
0x59: {  	_ =	shalt  }
0x5a: {  	_ =	shalt  }
0x5b: {  	_ =	shalt  }
0x5c: {  	_ =	shalt  }
0x5d: {  	_ =	shalt  }
0x5e: {  	_ =	shalt  }
0x5f: {  	_ =	shalt  }
0x60: {  	_ =	shalt  }
0x61: {  	_ =	shalt  }
0x62: {  	_ =	shalt  }
0x63: {  	_ =	shalt  }
0x64: {  	_ =	shalt  }
0x65: {  	_ =	shalt  }
0x66: {  	_ =	shalt  }
0x67: {  	_ =	shalt  }
0x68: {  	_ =	shalt  }
0x69: {  	_ =	shalt  }
0x6a: {  	_ =	shalt  }
0x6b: {  	_ =	shalt  }
0x6c: {  	_ =	shalt  }
0x6d: {  	_ =	shalt  }
0x6e: {  	_ =	shalt  }
0x6f: {  	_ =	shalt  }
0x70: {  	_ =	shalt  }
0x71: {  	_ =	shalt  }
0x72: {  	_ =	shalt  }
0x73: {  	_ =	shalt  }
0x74: {  	_ =	shalt  }
0x75: {  	_ =	shalt  }
0x76: {  	_ =	shalt  }
0x77: {  	_ =	shalt  }
0x78: {  	_ =	shalt  }
0x79: {  	_ =	shalt  }
0x7a: {  	_ =	shalt  }
0x7b: {  	_ =	shalt  }
0x7c: {  	_ =	shalt  }
0x7d: {  	_ =	shalt  }
0x7e: {  	_ =	shalt  }
0x7f: {  	_ =	shalt  }
0x80: {  	_ =	shalt  }
0x81: {  	_ =	shalt  }
0x82: {  	_ =	shalt  }
0x83: {  	_ =	shalt  }
0x84: {  	_ =	shalt  }
0x85: {  	_ =	shalt  }
0x86: {  	_ =	shalt  }
0x87: {  	_ =	shalt  }
.Lfunc_end0:
.L_simem_size_0:
called_computation_lowered:
.L_overlay_start_0:
0x88: {  	s2 =	sld [smem:$0x3FD9]  }
0x89: {  	s3 =	sld [smem:$0x3FFE];
	_ =	sdelay $0x1  }
0x8a: {  	s1 =	srdreg.scid  }
0x8b: {  	s0 =	sand.u32 $0x1, s1  }
0x8c: {  	s18 =	sshll.u32 s0, $0xA;
	s2 =	sadd.s32 s3, s2  }
0x8d: {  	s2 =	sadd.s32 s2, s18  }
0x8e: {  	[smem:$0x3FC6] =	sst s2  }
0x8f: {  	_ = 	snop  }
0x90: {  	s2 =	sld [smem:$0x3FC9]  }
0x91: {  	s19 =	sld [smem:$0x3FC8]  }
0x92: {  	s4 =	sld [smem:$0x3FD0];
	(tm) =	ssettm $0x1  }
0x93: {  	s5 =	sld [smem:$0x3FFB];
	_ =	sdelay $0x3  }
0x94: {  	_ =	strace s5  }
0x95: {  	s5 =	sld [smem:$0x3FFC];
	_ =	sdelay $0x3  }
0x96: {  	_ =	strace s5  }
0x97: {  	s5 =	sld [smem:$0x3FFD];
	_ =	sdelay $0x3  }
0x98: {  	_ =	strace s5  }
0x99: {  	_ =	strace $0x8FFFFFFF  }
0x9a: {  	s20 =	sld [smem:$0x3FDB];
	_ =	sdelay $0x1  }
0x9b: {  	s6 =	simm.s32 $_scs_section_size  }
0x9c: {  	s7 =	simm.s32 $_size__tile_overlayer_lowered;
	s8 =	simm.s32 $_tile_overlayer_lowered  }
0x9d: {  	s23 =	simm.s32 $0x1BFF;
	s22 =	sshll.u32 s8, $0x1;
	s5 =	sadd.s32 s6, s20  }
0x9e: {  	s9 =	simm.s32 $0x0;
	s21 =	sshll.u32 s7, $0x1;
	s7 =	sadd.s32 s22, s5  }
0x9f: {  	[timem:s9], [sflag:s23] =	dma.local [hbm:s7], s21  }
0xa0: {  	_ =	swait.ge [sflag:s23], s21  }
0xa1: {  	s6 =	ssub.s32 $0x0, s21;
	[sflag:s23] =	ssyncset.done $0x0  }
0xa2: {  	[sflag:s23] =	ssyncadd.s32 s6;
	_ =	sdelay $0x1  }
0xa3: {  	s24 =	simm.s32 $0x1B8B  }
0xa4: {  	_ =	swait.ge [sflag:s24], $0x1  }
0xa5: {  	[sflag:s24] =	ssyncset.done $0x0  }
0xa6: {  	s25 =	simm.s32 $0x1B8E;
	[sflag:s24] =	ssyncadd.s32 $0xFFFFFFFF  }
0xa7: {  	s26 =	simm.s32 $execute0_lowered;
	[smem:$0x3FD2] =	sst s25  }
0xa8: {  	s6 =	sshll.u32 s26, $0x1;
	_ =	strace $0x80000046;
	[dreg:$0x1] =	wrdreg $0xFFFFFFFF  }
0xa9: {  	s28 =	simm.s32 $_size_execute0_lowered;
	s5 =	sadd.s32 s5, s6;
	[dreg:$0x0] =	wrdreg $0x0  }
0xaa: {  	s6 =	sshll.u32 s28, $0x1;
	[dreg:$0x2] =	wrdreg s5  }
0xab: {  	[dreg:$0x3] =	wrdreg s6  }
0xac: {  	[dreg:$0x4] =	wrdreg $0xC0  }
0xad: {  	_ =	task [dreg:s9], $0x5FFFF  }
0xae: {  	[dreg:$0x1] =	wrdreg $0xFFFFFFFF  }
0xaf: {  	[dreg:$0x0] =	wrdreg $0x60  }
0xb0: {  	[dreg:$0x2] =	wrdreg s2  }
0xb1: {  	[dreg:$0x3] =	wrdreg s19  }
0xb2: {  	[dreg:$0x4] =	wrdreg s4  }
0xb3: {  	[dreg:$0x5] =	wrdreg $0x9  }
0xb4: {  	_ =	task.clear_ibuf [dreg:s9], $0x6FFFF;
	_ =	strace $0x90000046  }
0xb5: {  	s29 =	simm.s32 $0x9;
	_ =	strace $0x80000048  }
0xb6: {  	_ =	swait.ge [sflag:s29], $0x1  }
0xb7: {  	[sflag:s29] =	ssyncadd.s32 $0xFFFFFFFF  }
0xb8: {  	_ =	strace $0x90000048  }
0xb9: {  	_ =	sfence  }
0xba: {  	s30 =	sld [smem:$0x0];
	_ =	sdelay $0x2  }
0xbb: {  	s31 =	sshll.u32 s1, $0xD;
	s1 =	sshrl.u32 s1, $0x2  }
0xbc: {  	s3 =	sand.u32 $0x4000, s31;
	s1 =	sadd.s32 s1, s30  }
0xbd: {  	s0 =	sor.u32 s3, s0;
	s1 =	sshll.u32 s1, $0x11  }
0xbe: {  	s0 =	sor.u32 s1, s0  }
0xbf: {  	s0 =	sadd.s32 $0x8F2B, s0  }
0xc0: {  	[sflag:s0] =	ssyncadd.remote.s32 $0x1  }
0xc1: {  	_ =	sfence.sel $0xFFFF  }
0xc2: {  	[dreg:$0x0] =	wrdreg $0xFFFFFFFF;
	(pc) =	sbr.abs _section_cstart, $3  }
0xc3: {  	[dreg:$0x1] =	wrdreg $0xFFFFFFFF  }
0xc4: {  	_ =	task.clear_ibuf [dreg:s9], $0x2FFFF;
	_ =	strace $0x9FFFFFFF  }
0xc5: {  	(tm) =	ssettm $0x7FFFFFFF  }
tec
execute0_lowered:
.L_overlay_start_1:
0x0: {  	(tag) =	ssettag $0x1  }
0x1: {  	s1 =	rddreg [dreg:$0x0]  }
0x2: {  	s2 =	srdreg.scid;
	s0 =	stileid.u32  }
0x3: {  	s4 =	rddreg [dreg:$0x1];
	s7 =	sand.u32 $0x1, s2;
	s5 =	sshll.u32 s0, $0x1  }
0x4: {  	s6 =	rddreg [dreg:$0x2];
	s3 =	simm.s32 $0x0;
	s5 =	sor.u32 s7, s5  }
0x5: {  	s2 =	rddreg [dreg:$0x3];
	s8 =	sshll.u32 s5, $0x4;
	s9 =	sshll.u32 s5, $0xE  }
0x6: {  	[smem:$0x7FF] =	sst s3;
	s8 =	sadd.s32 s4, s8;
	s4 =	sadd.s32 s6, s9  }
0x7: {  	_ =	strace $0x80000047;
	[dreg:$0x4] =	wrdreg s8;
	s6 =	sadd.s32 $0x400, s4  }
0x8: {  	s16 =	sadd.s32 $0x800, s4;
	[dreg:$0x5] =	wrdreg s6  }
0x9: {  	s17 =	sadd.s32 $0xC00, s4;
	[dreg:$0x6] =	wrdreg s16  }
0xa: {  	v0 =	vimm.s32 $0xFEDCBA98;
	v1 =	vimm.s32 $0x76543210;
	s18 =	sadd.s32 $0x1000, s4;
	[dreg:$0x7] =	wrdreg s17  }
0xb: {  	v2 =	vimm.s32 $0xBA98FEDC;
	v3 =	vimm.s32 $0x32107654;
	s10 =	simm.s32 $0x4080;
	s19 =	sadd.s32 $0x1400, s4;
	[dreg:$0x8] =	wrdreg s18  }
0xc: {  	v4 =	vimm.s32 $0xDCFE98BA;
	v5 =	vimm.s32 $0x54761032;
	s11 =	simm.s32 $0x6080;
	s20 =	sadd.s32 $0x1800, s4;
	[dreg:$0x9] =	wrdreg s19  }
0xd: {  	v6 =	vimm.s32 $0xEFCDAB89;
	v7 =	vimm.s32 $0x67452301;
	s12 =	simm.s32 $0x1;
	s21 =	sadd.s32 $0x1C00, s4;
	[dreg:$0xa] =	wrdreg s20  }
0xe: {  	s13 =	simm.s32 $0x8080;
	v0 =	vunpack.c.l.s4.s8 v0;
	v1 =	vunpack.c.l.s4.s8 v1;
	v2 =	vunpack.c.l.s4.s8 v2;
	s22 =	sadd.s32 $0x2000, s4;
	[dreg:$0xb] =	wrdreg s21  }
0xf: {  	s14 =	simm.s32 $0xA080;
	v3 =	vunpack.c.l.s4.s8 v3;
	v4 =	vunpack.c.l.s4.s8 v4;
	v5 =	vunpack.c.l.s4.s8 v5;
	s23 =	sadd.s32 $0x2400, s4;
	[dreg:$0xc] =	wrdreg s22  }
0x10: {  	s15 =	simm.s32 $0xC080;
	v6 =	vunpack.c.l.s4.s8 v6;
	v7 =	vunpack.c.l.s4.s8 v7;
	v0 =	vunpack.c.0.s8.s32 v0;
	s24 =	sadd.s32 $0x2800, s4;
	[dreg:$0xd] =	wrdreg s23  }
0x11: {  	s7 =	ssub.s32 $0x2, s7;
	v2 =	vunpack.c.0.s8.s32 v2;
	v3 =	vunpack.c.0.s8.s32 v3;
	v4 =	vunpack.c.0.s8.s32 v4;
	s25 =	sadd.s32 $0x2C00, s4;
	[dreg:$0xe] =	wrdreg s24  }
0x12: {  	s30 =	sshrl.u32 s7, $0x1;
	v5 =	vunpack.c.0.s8.s32 v5;
	v6 =	vunpack.c.0.s8.s32 v6;
	v7 =	vunpack.c.0.s8.s32 v7;
	s26 =	sadd.s32 $0x3000, s4;
	[dreg:$0xf] =	wrdreg s25  }
0x13: {  	s5 =	sshll.u32 s5, $0x13;
	v1 =	vunpack.c.0.s8.s32 v1;
	s28 =	sadd.s32 $0x3400, s4;
	v2 =	vcombine.low v3, v2;
	[dreg:$0x10] =	wrdreg s26  }
0x14: {  	s7 =	ssub.s32 s7, s30;
	s29 =	sadd.s32 $0x3800, s4;
	v0 =	vand.u32 $0xF, v0;
	v3 =	vcombine.low v5, v4;
	v4 =	vcombine.low v7, v6;
	[dreg:$0x11] =	wrdreg s28  }
0x15: {  	s9 =	simm.s32 $0x2080;
	s31 =	sadd.s32 $0x3C00, s4;
	[dreg:$0x12] =	wrdreg s29;
	v0 =	vcombine.low v0, v1;
	v1 =	vand.u32 $0xF, v2  }
0x16: {  	s8 =	simm.s32 $0x80;
	[dreg:$0x13] =	wrdreg s31;
	s6 =	smax.u32 s7, $0x1;
	v2 =	vand.u32 $0xF, v3;
	v3 =	vand.u32 $0xF, v4;
	v4 =	vlaneseq.u32  }
0x17: {  	s7 =	simm.s32 $0x3;
	s16 =	simm.s32 $0xE080;
	s17 =	simm.s32 $0x2;
	v5 =	vor.u32 $0x30, v4;
	v6 =	vor.u32 $0x20, v4;
	v7 =	vor.u32 $0x10, v4  }
.LBB2_1:
0x18: {  	s18 =	rddreg [dreg:$0x4]  }
0x19: {  	[tilespmem:s3], [sflag:$0x3] =	stream.linear.gather [hbm4b:s18+s3], $0x80, $0x38;
	[tilespmem:$0x10080] =	vst v63  }
0x1a: {  	_ =	swait.ge [sflag:s7], $0x80  }
0x1b: {  	[sflag:s7] =	ssyncset.done $0x0  }
0x1c: {  	[sflag:s7] =	ssyncadd.s32 $0xFFFFFF80  }
0x1d: {  	v8 =	vld [tilespmem:$0x0]  }
0x1e: {  	v9 =	vld [tilespmem:$0x10]  }
0x1f: {  	v10 =	vld [tilespmem:$0x20]  }
0x20: {  	v11 =	vld [tilespmem:$0x30];
	_ =	sdelay $0x2  }
0x21: {  	v13 =	vmax.f32 v8, v9  }
0x22: {  	v12 =	vmax.f32 v13, v10  }
0x23: {  	v12 =	vmax.f32 v12, v11  }
0x24: {  	v14 =	vperm.xlane v12, v0;
	_ =	sdelay $0x1  }
0x25: {  	v12 =	vmax.f32 v12, v14  }
0x26: {  	v14 =	vperm.xlane v12, v1;
	_ =	sdelay $0x1  }
0x27: {  	v12 =	vmax.f32 v12, v14  }
0x28: {  	v14 =	vperm.xlane v12, v2;
	_ =	sdelay $0x1  }
0x29: {  	v12 =	vmax.f32 v12, v14  }
0x2a: {  	v14 =	vperm.xlane v12, v3;
	_ =	sdelay $0x1  }
0x2b: {  	v12 =	vmax.f32 v12, v14  }
0x2c: {  	vm0 =	veq.f32 v11, v12  }
0x2d: {  	vm1 =	veq.f32 v10, v12;
	v32 =	vnsel vm0, $0x40, v5  }
0x2e: {  	vm11 =	veq.f32 v9, v12;
	v14 =	vsel vm1, v6, v32  }
0x2f: {  	vm12 =	veq.f32 v8, v12;
	v33 =	vsel vm11, v7, v14  }
0x30: {  	v12 =	vsel vm12, v4, v33  }
0x31: {  	v34 =	vperm.xlane v12, v0;
	_ =	sdelay $0x1  }
0x32: {  	vm13 =	vlt.s32 v12, v34  }
0x33: {  	v12 =	vsel vm13, v12, v34  }
0x34: {  	v14 =	vperm.xlane v12, v1;
	_ =	sdelay $0x1  }
0x35: {  	vm0 =	vlt.s32 v12, v14  }
0x36: {  	v12 =	vsel vm0, v12, v14  }
0x37: {  	v14 =	vperm.xlane v12, v2;
	_ =	sdelay $0x1  }
0x38: {  	vm0 =	vlt.s32 v12, v14  }
0x39: {  	v12 =	vsel vm0, v12, v14  }
0x3a: {  	v14 =	vperm.xlane v12, v3;
	_ =	sdelay $0x1  }
0x3b: {  	vm0 =	vlt.s32 v12, v14  }
0x3c: {  	v12 =	vsel vm0, v12, v14  }
0x3d: {  	vm2 =	vne.s32 v12, v7  }
0x3e: {  	vm3 =	vne.s32 v12, v4;
	v35 =	vsel vm2, v13, v8  }
0x3f: {  	v14 =	vsel vm3, v35, v9  }
0x40: {  	vm14 =	vne.s32 v12, v6;
	v14 =	vmax.f32 v14, v10  }
0x41: {  	v13 =	vsel vm14, v14, v13  }
0x42: {  	vm0 =	vne.s32 v12, v5;
	v13 =	vmax.f32 v13, v11  }
0x43: {  	v13 =	vsel vm0, v13, v14  }
0x44: {  	v14 =	vperm.xlane v13, v0;
	_ =	sdelay $0x1  }
0x45: {  	v13 =	vmax.f32 v13, v14  }
0x46: {  	v14 =	vperm.xlane v13, v1;
	_ =	sdelay $0x1  }
0x47: {  	v13 =	vmax.f32 v13, v14  }
0x48: {  	v14 =	vperm.xlane v13, v2;
	_ =	sdelay $0x1  }
0x49: {  	v13 =	vmax.f32 v13, v14  }
0x4a: {  	v14 =	vperm.xlane v13, v3;
	_ =	sdelay $0x1  }
0x4b: {  	v13 =	vmax.f32 v13, v14  }
0x4c: {  	vm4 =	veq.f32 v11, v13  }
0x4d: {  	vm5 =	veq.f32 v10, v13;
	vm4 =	vmand vm0, vm4  }
0x4e: {  	vm6 =	veq.f32 v9, v13;
	vm5 =	vmand vm14, vm5;
	v36 =	vnsel vm4, $0x40, v5  }
0x4f: {  	vm15 =	veq.f32 v8, v13;
	vm6 =	vmand vm2, vm6;
	v37 =	vsel vm5, v6, v36  }
0x50: {  	vm4 =	vmand vm3, vm15;
	v13 =	vsel vm6, v7, v37  }
0x51: {  	v13 =	vsel vm4, v4, v13  }
0x52: {  	v38 =	vperm.xlane v13, v0;
	_ =	sdelay $0x1  }
0x53: {  	vm4 =	vlt.s32 v13, v38  }
0x54: {  	v13 =	vsel vm4, v13, v38  }
0x55: {  	v14 =	vperm.xlane v13, v1;
	_ =	sdelay $0x1  }
0x56: {  	vm4 =	vlt.s32 v13, v14  }
0x57: {  	v13 =	vsel vm4, v13, v14  }
0x58: {  	v14 =	vperm.xlane v13, v2;
	_ =	sdelay $0x1  }
0x59: {  	vm4 =	vlt.s32 v13, v14  }
0x5a: {  	v13 =	vsel vm4, v13, v14  }
0x5b: {  	v14 =	vperm.xlane v13, v3;
	_ =	sdelay $0x1  }
0x5c: {  	vm4 =	vlt.s32 v13, v14  }
0x5d: {  	v13 =	vsel vm4, v13, v14  }
0x5e: {  	vm4 =	vne.s32 v13, v7  }
0x5f: {  	vm2 =	vmand vm2, vm4  }
0x60: {  	vm9 =	vne.s32 v13, v4;
	v39 =	vnsel vm2, $0xFF800000, v9  }
0x61: {  	vm3 =	vmand vm3, vm9;
	v15 =	vmax.f32 v8, v39  }
0x62: {  	vm10 =	vne.s32 v13, v6;
	v14 =	vsel vm3, v15, v39  }
0x63: {  	vm1 =	vmand vm14, vm10;
	v15 =	vmax.f32 v14, v10  }
0x64: {  	vm11 =	vne.s32 v13, v5;
	v14 =	vsel vm1, v15, v14  }
0x65: {  	vm0 =	vmand vm0, vm11;
	v15 =	vmax.f32 v14, v11  }
0x66: {  	v14 =	vsel vm0, v15, v14  }
0x67: {  	v15 =	vperm.xlane v14, v0;
	_ =	sdelay $0x1  }
0x68: {  	v14 =	vmax.f32 v14, v15  }
0x69: {  	v15 =	vperm.xlane v14, v1;
	_ =	sdelay $0x1  }
0x6a: {  	v14 =	vmax.f32 v14, v15  }
0x6b: {  	v15 =	vperm.xlane v14, v2;
	_ =	sdelay $0x1  }
0x6c: {  	v14 =	vmax.f32 v14, v15  }
0x6d: {  	v15 =	vperm.xlane v14, v3;
	_ =	sdelay $0x1  }
0x6e: {  	v14 =	vmax.f32 v14, v15  }
0x6f: {  	vm12 =	veq.f32 v11, v14  }
0x70: {  	vm13 =	veq.f32 v10, v14;
	vm4 =	vmand vm0, vm12  }
0x71: {  	vm14 =	veq.f32 v9, v14;
	vm5 =	vmand vm1, vm13;
	v40 =	vnsel vm4, $0x40, v5  }
0x72: {  	vm15 =	veq.f32 v8, v14;
	vm6 =	vmand vm2, vm14;
	v41 =	vsel vm5, v6, v40  }
0x73: {  	vm4 =	vmand vm3, vm15;
	v14 =	vsel vm6, v7, v41  }
0x74: {  	v14 =	vsel vm4, v4, v14  }
0x75: {  	v42 =	vperm.xlane v14, v0;
	_ =	sdelay $0x1  }
0x76: {  	vm4 =	vlt.s32 v14, v42  }
0x77: {  	v14 =	vsel vm4, v14, v42  }
0x78: {  	v15 =	vperm.xlane v14, v1;
	_ =	sdelay $0x1  }
0x79: {  	vm4 =	vlt.s32 v14, v15  }
0x7a: {  	v14 =	vsel vm4, v14, v15  }
0x7b: {  	v15 =	vperm.xlane v14, v2;
	_ =	sdelay $0x1  }
0x7c: {  	vm4 =	vlt.s32 v14, v15  }
0x7d: {  	v14 =	vsel vm4, v14, v15  }
0x7e: {  	v15 =	vperm.xlane v14, v3;
	_ =	sdelay $0x1  }
0x7f: {  	vm4 =	vlt.s32 v14, v15  }
0x80: {  	v14 =	vsel vm4, v14, v15  }
0x81: {  	vm4 =	vne.s32 v14, v7  }
0x82: {  	vm2 =	vmand vm2, vm4  }
0x83: {  	vm9 =	vne.s32 v14, v4;
	v43 =	vnsel vm2, $0xFF800000, v9  }
0x84: {  	vm3 =	vmand vm3, vm9;
	v16 =	vmax.f32 v8, v43  }
0x85: {  	vm10 =	vne.s32 v14, v6;
	v15 =	vsel vm3, v16, v43  }
0x86: {  	vm1 =	vmand vm1, vm10;
	v16 =	vmax.f32 v15, v10  }
0x87: {  	vm11 =	vne.s32 v14, v5;
	v15 =	vsel vm1, v16, v15  }
0x88: {  	vm0 =	vmand vm0, vm11;
	v16 =	vmax.f32 v15, v11  }
0x89: {  	v15 =	vsel vm0, v16, v15  }
0x8a: {  	v16 =	vperm.xlane v15, v0;
	_ =	sdelay $0x1  }
0x8b: {  	v15 =	vmax.f32 v15, v16  }
0x8c: {  	v16 =	vperm.xlane v15, v1;
	_ =	sdelay $0x1  }
0x8d: {  	v15 =	vmax.f32 v15, v16  }
0x8e: {  	v16 =	vperm.xlane v15, v2;
	_ =	sdelay $0x1  }
0x8f: {  	v15 =	vmax.f32 v15, v16  }
0x90: {  	v16 =	vperm.xlane v15, v3;
	_ =	sdelay $0x1  }
0x91: {  	v15 =	vmax.f32 v15, v16  }
0x92: {  	vm12 =	veq.f32 v11, v15  }
0x93: {  	vm13 =	veq.f32 v10, v15;
	vm4 =	vmand vm0, vm12  }
0x94: {  	vm14 =	veq.f32 v9, v15;
	vm5 =	vmand vm1, vm13;
	v44 =	vnsel vm4, $0x40, v5  }
0x95: {  	vm15 =	veq.f32 v8, v15;
	vm6 =	vmand vm2, vm14;
	v45 =	vsel vm5, v6, v44  }
0x96: {  	vm4 =	vmand vm3, vm15;
	v15 =	vsel vm6, v7, v45  }
0x97: {  	v15 =	vsel vm4, v4, v15  }
0x98: {  	v46 =	vperm.xlane v15, v0;
	_ =	sdelay $0x1  }
0x99: {  	vm4 =	vlt.s32 v15, v46  }
0x9a: {  	v15 =	vsel vm4, v15, v46  }
0x9b: {  	v16 =	vperm.xlane v15, v1;
	_ =	sdelay $0x1  }
0x9c: {  	vm4 =	vlt.s32 v15, v16  }
0x9d: {  	v15 =	vsel vm4, v15, v16  }
0x9e: {  	v16 =	vperm.xlane v15, v2;
	_ =	sdelay $0x1  }
0x9f: {  	vm4 =	vlt.s32 v15, v16  }
0xa0: {  	v15 =	vsel vm4, v15, v16  }
0xa1: {  	v16 =	vperm.xlane v15, v3;
	_ =	sdelay $0x1  }
0xa2: {  	vm4 =	vlt.s32 v15, v16  }
0xa3: {  	v15 =	vsel vm4, v15, v16  }
0xa4: {  	vm4 =	vne.s32 v15, v7  }
0xa5: {  	vm4 =	vmand vm2, vm4  }
0xa6: {  	vm9 =	vne.s32 v15, v4;
	v47 =	vnsel vm4, $0xFF800000, v9  }
0xa7: {  	vm2 =	vmand vm3, vm9;
	v17 =	vmax.f32 v8, v47  }
0xa8: {  	vm10 =	vne.s32 v15, v6;
	v16 =	vsel vm2, v17, v47  }
0xa9: {  	vm1 =	vmand vm1, vm10;
	v17 =	vmax.f32 v16, v10  }
0xaa: {  	vm11 =	vne.s32 v15, v5;
	v16 =	vsel vm1, v17, v16  }
0xab: {  	vm0 =	vmand vm0, vm11;
	v17 =	vmax.f32 v16, v11  }
0xac: {  	v16 =	vsel vm0, v17, v16  }
0xad: {  	v17 =	vperm.xlane v16, v0;
	_ =	sdelay $0x1  }
0xae: {  	v16 =	vmax.f32 v16, v17  }
0xaf: {  	v17 =	vperm.xlane v16, v1;
	_ =	sdelay $0x1  }
0xb0: {  	v16 =	vmax.f32 v16, v17  }
0xb1: {  	v17 =	vperm.xlane v16, v2;
	_ =	sdelay $0x1  }
0xb2: {  	v16 =	vmax.f32 v16, v17  }
0xb3: {  	v17 =	vperm.xlane v16, v3;
	_ =	sdelay $0x1  }
0xb4: {  	v16 =	vmax.f32 v16, v17  }
0xb5: {  	vm12 =	veq.f32 v11, v16  }
0xb6: {  	vm13 =	veq.f32 v10, v16;
	vm3 =	vmand vm0, vm12  }
0xb7: {  	vm14 =	veq.f32 v9, v16;
	vm5 =	vmand vm1, vm13;
	v48 =	vnsel vm3, $0x40, v5  }
0xb8: {  	vm15 =	veq.f32 v8, v16;
	vm6 =	vmand vm4, vm14;
	v49 =	vsel vm5, v6, v48  }
0xb9: {  	vm3 =	vmand vm2, vm15;
	v16 =	vsel vm6, v7, v49  }
0xba: {  	v16 =	vsel vm3, v4, v16  }
0xbb: {  	v50 =	vperm.xlane v16, v0;
	_ =	sdelay $0x1  }
0xbc: {  	vm3 =	vlt.s32 v16, v50  }
0xbd: {  	v16 =	vsel vm3, v16, v50  }
0xbe: {  	v17 =	vperm.xlane v16, v1;
	_ =	sdelay $0x1  }
0xbf: {  	vm3 =	vlt.s32 v16, v17  }
0xc0: {  	v16 =	vsel vm3, v16, v17  }
0xc1: {  	v17 =	vperm.xlane v16, v2;
	_ =	sdelay $0x1  }
0xc2: {  	vm3 =	vlt.s32 v16, v17  }
0xc3: {  	v16 =	vsel vm3, v16, v17  }
0xc4: {  	v17 =	vperm.xlane v16, v3;
	_ =	sdelay $0x1  }
0xc5: {  	vm3 =	vlt.s32 v16, v17  }
0xc6: {  	v16 =	vsel vm3, v16, v17  }
0xc7: {  	vm3 =	vne.s32 v16, v7  }
0xc8: {  	vm3 =	vmand vm4, vm3  }
0xc9: {  	vm9 =	vne.s32 v16, v4;
	v51 =	vnsel vm3, $0xFF800000, v9  }
0xca: {  	vm2 =	vmand vm2, vm9;
	v18 =	vmax.f32 v8, v51  }
0xcb: {  	vm10 =	vne.s32 v16, v6;
	v17 =	vsel vm2, v18, v51  }
0xcc: {  	vm1 =	vmand vm1, vm10;
	v18 =	vmax.f32 v17, v10  }
0xcd: {  	vm11 =	vne.s32 v16, v5;
	v17 =	vsel vm1, v18, v17  }
0xce: {  	vm0 =	vmand vm0, vm11;
	v18 =	vmax.f32 v17, v11  }
0xcf: {  	v17 =	vsel vm0, v18, v17  }
0xd0: {  	v18 =	vperm.xlane v17, v0;
	_ =	sdelay $0x1  }
0xd1: {  	v17 =	vmax.f32 v17, v18  }
0xd2: {  	v18 =	vperm.xlane v17, v1;
	_ =	sdelay $0x1  }
0xd3: {  	v17 =	vmax.f32 v17, v18  }
0xd4: {  	v18 =	vperm.xlane v17, v2;
	_ =	sdelay $0x1  }
0xd5: {  	v17 =	vmax.f32 v17, v18  }
0xd6: {  	v18 =	vperm.xlane v17, v3;
	_ =	sdelay $0x1  }
0xd7: {  	v17 =	vmax.f32 v17, v18  }
0xd8: {  	vm12 =	veq.f32 v11, v17  }
0xd9: {  	vm13 =	veq.f32 v10, v17;
	vm4 =	vmand vm0, vm12  }
0xda: {  	vm14 =	veq.f32 v9, v17;
	vm5 =	vmand vm1, vm13;
	v52 =	vnsel vm4, $0x40, v5  }
0xdb: {  	vm15 =	veq.f32 v8, v17;
	vm6 =	vmand vm3, vm14;
	v53 =	vsel vm5, v6, v52  }
0xdc: {  	vm4 =	vmand vm2, vm15;
	v17 =	vsel vm6, v7, v53  }
0xdd: {  	v17 =	vsel vm4, v4, v17  }
0xde: {  	v54 =	vperm.xlane v17, v0;
	_ =	sdelay $0x1  }
0xdf: {  	vm4 =	vlt.s32 v17, v54  }
0xe0: {  	v17 =	vsel vm4, v17, v54  }
0xe1: {  	v18 =	vperm.xlane v17, v1;
	_ =	sdelay $0x1  }
0xe2: {  	vm4 =	vlt.s32 v17, v18  }
0xe3: {  	v17 =	vsel vm4, v17, v18  }
0xe4: {  	v18 =	vperm.xlane v17, v2;
	_ =	sdelay $0x1  }
0xe5: {  	vm4 =	vlt.s32 v17, v18  }
0xe6: {  	v17 =	vsel vm4, v17, v18  }
0xe7: {  	v18 =	vperm.xlane v17, v3;
	_ =	sdelay $0x1  }
0xe8: {  	vm4 =	vlt.s32 v17, v18  }
0xe9: {  	v17 =	vsel vm4, v17, v18  }
0xea: {  	vm4 =	vne.s32 v17, v7  }
0xeb: {  	vm3 =	vmand vm3, vm4  }
0xec: {  	vm9 =	vne.s32 v17, v4;
	v55 =	vnsel vm3, $0xFF800000, v9  }
0xed: {  	vm2 =	vmand vm2, vm9;
	v19 =	vmax.f32 v8, v55  }
0xee: {  	vm10 =	vne.s32 v17, v6;
	v18 =	vsel vm2, v19, v55  }
0xef: {  	vm1 =	vmand vm1, vm10;
	v19 =	vmax.f32 v18, v10  }
0xf0: {  	vm11 =	vne.s32 v17, v5;
	v18 =	vsel vm1, v19, v18  }
0xf1: {  	vm0 =	vmand vm0, vm11;
	v19 =	vmax.f32 v18, v11  }
0xf2: {  	v18 =	vsel vm0, v19, v18  }
0xf3: {  	v19 =	vperm.xlane v18, v0;
	_ =	sdelay $0x1  }
0xf4: {  	v18 =	vmax.f32 v18, v19  }
0xf5: {  	v19 =	vperm.xlane v18, v1;
	_ =	sdelay $0x1  }
0xf6: {  	v18 =	vmax.f32 v18, v19  }
0xf7: {  	v19 =	vperm.xlane v18, v2;
	_ =	sdelay $0x1  }
0xf8: {  	v18 =	vmax.f32 v18, v19  }
0xf9: {  	v19 =	vperm.xlane v18, v3;
	_ =	sdelay $0x1  }
0xfa: {  	v18 =	vmax.f32 v18, v19  }
0xfb: {  	vm12 =	veq.f32 v11, v18  }
0xfc: {  	vm13 =	veq.f32 v10, v18;
	vm4 =	vmand vm0, vm12  }
0xfd: {  	vm14 =	veq.f32 v9, v18;
	vm5 =	vmand vm1, vm13;
	v56 =	vnsel vm4, $0x40, v5  }
0xfe: {  	vm15 =	veq.f32 v8, v18;
	vm6 =	vmand vm3, vm14;
	v57 =	vsel vm5, v6, v56  }
0xff: {  	vm4 =	vmand vm2, vm15;
	v18 =	vsel vm6, v7, v57  }
0x100: {  	v18 =	vsel vm4, v4, v18  }
0x101: {  	v58 =	vperm.xlane v18, v0;
	_ =	sdelay $0x1  }
0x102: {  	vm4 =	vlt.s32 v18, v58  }
0x103: {  	v18 =	vsel vm4, v18, v58  }
0x104: {  	v19 =	vperm.xlane v18, v1;
	_ =	sdelay $0x1  }
0x105: {  	vm4 =	vlt.s32 v18, v19  }
0x106: {  	v18 =	vsel vm4, v18, v19  }
0x107: {  	v19 =	vperm.xlane v18, v2;
	_ =	sdelay $0x1  }
0x108: {  	vm4 =	vlt.s32 v18, v19  }
0x109: {  	v18 =	vsel vm4, v18, v19  }
0x10a: {  	v19 =	vperm.xlane v18, v3;
	_ =	sdelay $0x1  }
0x10b: {  	vm4 =	vlt.s32 v18, v19  }
0x10c: {  	v18 =	vsel vm4, v18, v19  }
0x10d: {  	vm4 =	vne.s32 v18, v7  }
0x10e: {  	vm3 =	vmand vm3, vm4  }
0x10f: {  	vm9 =	vne.s32 v18, v4;
	v59 =	vnsel vm3, $0xFF800000, v9  }
0x110: {  	vm2 =	vmand vm2, vm9;
	v20 =	vmax.f32 v8, v59  }
0x111: {  	vm10 =	vne.s32 v18, v6;
	v19 =	vsel vm2, v20, v59  }
0x112: {  	vm4 =	vmand vm1, vm10;
	v20 =	vmax.f32 v19, v10  }
0x113: {  	vm11 =	vne.s32 v18, v5;
	v19 =	vsel vm4, v20, v19  }
0x114: {  	vm5 =	vmand vm0, vm11;
	v20 =	vmax.f32 v19, v11  }
0x115: {  	v19 =	vsel vm5, v20, v19  }
0x116: {  	v20 =	vperm.xlane v19, v0;
	_ =	sdelay $0x1  }
0x117: {  	v19 =	vmax.f32 v19, v20  }
0x118: {  	v20 =	vperm.xlane v19, v1;
	_ =	sdelay $0x1  }
0x119: {  	v19 =	vmax.f32 v19, v20  }
0x11a: {  	v20 =	vperm.xlane v19, v2;
	_ =	sdelay $0x1  }
0x11b: {  	v19 =	vmax.f32 v19, v20  }
0x11c: {  	v20 =	vperm.xlane v19, v3;
	_ =	sdelay $0x1  }
0x11d: {  	v19 =	vmax.f32 v19, v20  }
0x11e: {  	vm12 =	veq.f32 v11, v19  }
0x11f: {  	vm13 =	veq.f32 v10, v19;
	vm0 =	vmand vm5, vm12  }
0x120: {  	vm14 =	veq.f32 v9, v19;
	vm1 =	vmand vm4, vm13;
	v60 =	vnsel vm0, $0x40, v5  }
0x121: {  	vm15 =	veq.f32 v8, v19;
	vm6 =	vmand vm3, vm14;
	v61 =	vsel vm1, v6, v60  }
0x122: {  	vm0 =	vmand vm2, vm15;
	v19 =	vsel vm6, v7, v61  }
0x123: {  	v19 =	vsel vm0, v4, v19  }
0x124: {  	v62 =	vperm.xlane v19, v0;
	_ =	sdelay $0x1  }
0x125: {  	vm0 =	vlt.s32 v19, v62  }
0x126: {  	v19 =	vsel vm0, v19, v62  }
0x127: {  	v20 =	vperm.xlane v19, v1;
	_ =	sdelay $0x1  }
0x128: {  	vm0 =	vlt.s32 v19, v20  }
0x129: {  	v19 =	vsel vm0, v19, v20  }
0x12a: {  	v20 =	vperm.xlane v19, v2;
	_ =	sdelay $0x1  }
0x12b: {  	vm0 =	vlt.s32 v19, v20  }
0x12c: {  	v19 =	vsel vm0, v19, v20  }
0x12d: {  	v20 =	vperm.xlane v19, v3;
	_ =	sdelay $0x1  }
0x12e: {  	vm0 =	vlt.s32 v19, v20  }
0x12f: {  	v19 =	vsel vm0, v19, v20  }
0x130: {  	vm0 =	vne.s32 v19, v7  }
0x131: {  	vm0 =	vmand vm3, vm0  }
0x132: {  	vm9 =	vne.s32 v19, v4;
	v63 =	vnsel vm0, $0xFF800000, v9  }
0x133: {  	vm1 =	vmand vm2, vm9;
	v21 =	vmax.f32 v8, v63  }
0x134: {  	vm10 =	vne.s32 v19, v6;
	v20 =	vsel vm1, v21, v63  }
0x135: {  	vm2 =	vmand vm4, vm10;
	v21 =	vmax.f32 v20, v10  }
0x136: {  	vm11 =	vne.s32 v19, v5;
	v20 =	vsel vm2, v21, v20  }
0x137: {  	vm3 =	vmand vm5, vm11;
	v21 =	vmax.f32 v20, v11  }
0x138: {  	v20 =	vsel vm3, v21, v20  }
0x139: {  	v21 =	vperm.xlane v20, v0;
	_ =	sdelay $0x1  }
0x13a: {  	v20 =	vmax.f32 v20, v21  }
0x13b: {  	v21 =	vperm.xlane v20, v1;
	_ =	sdelay $0x1  }
0x13c: {  	v20 =	vmax.f32 v20, v21  }
0x13d: {  	v21 =	vperm.xlane v20, v2;
	_ =	sdelay $0x1  }
0x13e: {  	v20 =	vmax.f32 v20, v21  }
0x13f: {  	v21 =	vperm.xlane v20, v3;
	_ =	sdelay $0x1  }
0x140: {  	v20 =	vmax.f32 v20, v21  }
0x141: {  	vm12 =	veq.f32 v11, v20  }
0x142: {  	(v2sf) =	vpush v12, $0x0;
	vm13 =	veq.f32 v10, v20;
	vm4 =	vmand vm3, vm12  }
0x143: {  	vm14 =	veq.f32 v9, v20;
	vm5 =	vmand vm2, vm13;
	v23 =	vnsel vm4, $0x40, v5  }
0x144: {  	vm15 =	veq.f32 v8, v20;
	vm8 =	vmand vm0, vm14;
	v12 =	vsel vm5, v6, v23  }
0x145: {  	vm4 =	vmand vm1, vm15;
	v12 =	vsel vm8, v7, v12  }
0x146: {  	v12 =	vsel vm4, v4, v12  }
0x147: {  	v24 =	vperm.xlane v12, v0;
	_ =	sdelay $0x1  }
0x148: {  	vm4 =	vlt.s32 v12, v24  }
0x149: {  	v12 =	vsel vm4, v12, v24  }
0x14a: {  	(v2sf) =	vpush v13, $0x0;
	v25 =	vperm.xlane v12, v1;
	_ =	sdelay $0x1  }
0x14b: {  	vm4 =	vlt.s32 v12, v25  }
0x14c: {  	v12 =	vsel vm4, v12, v25  }
0x14d: {  	v13 =	vperm.xlane v12, v2;
	_ =	sdelay $0x1  }
0x14e: {  	(v2sf) =	vpush v14, $0x0;
	vm4 =	vlt.s32 v12, v13  }
0x14f: {  	v12 =	vsel vm4, v12, v13  }
0x150: {  	v13 =	vperm.xlane v12, v3  }
0x151: {  	s24 =	spop (v2sf)  }
0x152: {  	s18 =	sshll.u32 s24, $0xD;
	vm4 =	vlt.s32 v12, v13  }
0x153: {  	s18 =	sadd.s32 s5, s18;
	v12 =	vsel vm4, v12, v13  }
0x154: {  	s18 =	sshrl.u32 s18, $0x3;
	(v2sf) =	vpush v15, $0x0;
	vm4 =	vne.s32 v12, v7  }
0x155: {  	s18 =	sadd.s32 s1, s18;
	vm0 =	vmand vm0, vm4  }
0x156: {  	[tilespmem:s8], [sflag:$0x1] =	stream.linear.gather [hbm4b:s18+s3], $0x2000, $0x38;
	vm9 =	vne.s32 v12, v4;
	v26 =	vnsel vm0, $0xFF800000, v9;
	[tilespmem:$0x10080] =	vst v63  }
0x157: {  	s25 =	spop (v2sf);
	vm1 =	vmand vm1, vm9;
	v27 =	vmax.f32 v8, v26  }
0x158: {  	s18 =	sshll.u32 s25, $0xD;
	vm10 =	vne.s32 v12, v6;
	v13 =	vsel vm1, v27, v26  }
0x159: {  	s18 =	sadd.s32 s5, s18;
	vm2 =	vmand vm2, vm10;
	v14 =	vmax.f32 v13, v10  }
0x15a: {  	s18 =	sshrl.u32 s18, $0x3;
	vm11 =	vne.s32 v12, v5;
	v13 =	vsel vm2, v14, v13  }
0x15b: {  	s18 =	sadd.s32 s1, s18;
	vm4 =	vmand vm3, vm11;
	v14 =	vmax.f32 v13, v11  }
0x15c: {  	[tilespmem:s9], [sflag:$0x1] =	stream.linear.gather [hbm4b:s18+s3], $0x2000, $0x38;
	v13 =	vsel vm4, v14, v13;
	[tilespmem:$0x10080] =	vst v63  }
0x15d: {  	s26 =	spop (v2sf);
	v14 =	vperm.xlane v13, v0  }
0x15e: {  	s18 =	sshll.u32 s26, $0xD  }
0x15f: {  	s18 =	sadd.s32 s5, s18;
	v13 =	vmax.f32 v13, v14  }
0x160: {  	s18 =	sshrl.u32 s18, $0x3;
	v14 =	vperm.xlane v13, v1  }
0x161: {  	s18 =	sadd.s32 s1, s18  }
0x162: {  	[tilespmem:s10], [sflag:$0x1] =	stream.linear.gather [hbm4b:s18+s3], $0x2000, $0x38;
	v13 =	vmax.f32 v13, v14;
	[tilespmem:$0x10080] =	vst v63  }
0x163: {  	s28 =	spop (v2sf);
	v14 =	vperm.xlane v13, v2  }
0x164: {  	s18 =	sshll.u32 s28, $0xD  }
0x165: {  	s18 =	sadd.s32 s5, s18;
	v13 =	vmax.f32 v13, v14  }
0x166: {  	s18 =	sshrl.u32 s18, $0x3;
	v14 =	vperm.xlane v13, v3  }
0x167: {  	s18 =	sadd.s32 s1, s18  }
0x168: {  	[tilespmem:s11], [sflag:$0x1] =	stream.linear.gather [hbm4b:s18+s3], $0x2000, $0x38;
	v13 =	vmax.f32 v13, v14;
	[tilespmem:$0x10080] =	vst v63  }
0x169: {  	_ =	swait.ge [sflag:s12], $0x2000;
	vm12 =	veq.f32 v11, v13  }
0x16a: {  	(v2sf) =	vpush v16, $0x0;
	vm13 =	veq.f32 v10, v13;
	vm3 =	vmand vm4, vm12  }
0x16b: {  	vm14 =	veq.f32 v9, v13;
	vm5 =	vmand vm2, vm13;
	v28 =	vnsel vm3, $0x40, v5  }
0x16c: {  	vm15 =	veq.f32 v8, v13;
	vm8 =	vmand vm0, vm14;
	v14 =	vsel vm5, v6, v28  }
0x16d: {  	vm3 =	vmand vm1, vm15;
	v29 =	vsel vm8, v7, v14  }
0x16e: {  	v13 =	vsel vm3, v4, v29  }
0x16f: {  	v30 =	vperm.xlane v13, v0;
	_ =	sdelay $0x1  }
0x170: {  	vm3 =	vlt.s32 v13, v30  }
0x171: {  	v13 =	vsel vm3, v13, v30  }
0x172: {  	v14 =	vperm.xlane v13, v1;
	_ =	sdelay $0x1  }
0x173: {  	vm3 =	vlt.s32 v13, v14  }
0x174: {  	v13 =	vsel vm3, v13, v14  }
0x175: {  	v14 =	vperm.xlane v13, v2  }
0x176: {  	[sflag:s12] =	ssyncset.done $0x0  }
0x177: {  	[sflag:s12] =	ssyncadd.s32 $0xFFFFE000;
	vm3 =	vlt.s32 v13, v14  }
0x178: {  	[hbm4b:s4+s3] =	stream.linear.scatter [tilespmem:s8], [sflag:$0x2], $0x2000, $0x38;
	v13 =	vsel vm3, v13, v14;
	[tilespmem:$0x10080] =	vst v63  }
0x179: {  	s29 =	spop (v2sf);
	v14 =	vperm.xlane v13, v3  }
0x17a: {  	s18 =	sshll.u32 s29, $0xD  }
0x17b: {  	s18 =	sadd.s32 s5, s18;
	vm3 =	vlt.s32 v13, v14  }
0x17c: {  	s18 =	sshrl.u32 s18, $0x3;
	v13 =	vsel vm3, v13, v14  }
0x17d: {  	s18 =	sadd.s32 s1, s18;
	vm3 =	vne.s32 v13, v7  }
0x17e: {  	[tilespmem:s13], [sflag:$0x1] =	stream.linear.gather [hbm4b:s18+s3], $0x2000, $0x38;
	vm3 =	vmand vm0, vm3;
	[tilespmem:$0x10080] =	vst v63  }
0x17f: {  	_ =	swait.ge [sflag:s12], $0x2000;
	vm9 =	vne.s32 v13, v4;
	v31 =	vnsel vm3, $0xFF800000, v9  }
0x180: {  	(v2sf) =	vpush v17, $0x0;
	vm0 =	vmand vm1, vm9;
	v32 =	vmax.f32 v8, v31  }
0x181: {  	vm10 =	vne.s32 v13, v6;
	v14 =	vsel vm0, v32, v31  }
0x182: {  	vm1 =	vmand vm2, vm10;
	v15 =	vmax.f32 v14, v10  }
0x183: {  	vm11 =	vne.s32 v13, v5;
	v14 =	vsel vm1, v15, v14  }
0x184: {  	vm4 =	vmand vm4, vm11;
	v15 =	vmax.f32 v14, v11  }
0x185: {  	v14 =	vsel vm4, v15, v14  }
0x186: {  	v15 =	vperm.xlane v14, v0;
	_ =	sdelay $0x1  }
0x187: {  	v14 =	vmax.f32 v14, v15  }
0x188: {  	v15 =	vperm.xlane v14, v1;
	_ =	sdelay $0x1  }
0x189: {  	v14 =	vmax.f32 v14, v15  }
0x18a: {  	[sflag:s12] =	ssyncset.done $0x0;
	v15 =	vperm.xlane v14, v2  }
0x18b: {  	s30 =	rddreg [dreg:$0x5];
	[sflag:s12] =	ssyncadd.s32 $0xFFFFE000  }
0x18c: {  	[hbm4b:s30+s3] =	stream.linear.scatter [tilespmem:s9], [sflag:$0x2], $0x2000, $0x38;
	v14 =	vmax.f32 v14, v15;
	[tilespmem:$0x10080] =	vst v63  }
0x18d: {  	s31 =	spop (v2sf);
	v15 =	vperm.xlane v14, v3  }
0x18e: {  	s18 =	sshll.u32 s31, $0xD  }
0x18f: {  	s18 =	sadd.s32 s5, s18;
	v14 =	vmax.f32 v14, v15  }
0x190: {  	s18 =	sshrl.u32 s18, $0x3;
	vm12 =	veq.f32 v11, v14  }
0x191: {  	s18 =	sadd.s32 s1, s18;
	vm13 =	veq.f32 v10, v14;
	vm2 =	vmand vm4, vm12  }
0x192: {  	[tilespmem:s14], [sflag:$0x1] =	stream.linear.gather [hbm4b:s18+s3], $0x2000, $0x38;
	vm14 =	veq.f32 v9, v14;
	vm5 =	vmand vm1, vm13;
	v33 =	vnsel vm2, $0x40, v5;
	[tilespmem:$0x10080] =	vst v63  }
0x193: {  	_ =	swait.ge [sflag:s12], $0x2000;
	vm15 =	veq.f32 v8, v14;
	vm6 =	vmand vm3, vm14;
	v34 =	vsel vm5, v6, v33  }
0x194: {  	(v2sf) =	vpush v18, $0x0;
	vm2 =	vmand vm0, vm15;
	v14 =	vsel vm6, v7, v34  }
0x195: {  	v14 =	vsel vm2, v4, v14  }
0x196: {  	v35 =	vperm.xlane v14, v0;
	_ =	sdelay $0x1  }
0x197: {  	vm2 =	vlt.s32 v14, v35  }
0x198: {  	v14 =	vsel vm2, v14, v35  }
0x199: {  	v15 =	vperm.xlane v14, v1;
	_ =	sdelay $0x1  }
0x19a: {  	vm2 =	vlt.s32 v14, v15  }
0x19b: {  	v14 =	vsel vm2, v14, v15  }
0x19c: {  	v15 =	vperm.xlane v14, v2;
	_ =	sdelay $0x1  }
0x19d: {  	[sflag:s12] =	ssyncset.done $0x0;
	vm2 =	vlt.s32 v14, v15  }
0x19e: {  	s19 =	rddreg [dreg:$0x6];
	[sflag:s12] =	ssyncadd.s32 $0xFFFFE000;
	v14 =	vsel vm2, v14, v15  }
0x19f: {  	[hbm4b:s19+s3] =	stream.linear.scatter [tilespmem:s10], [sflag:$0x2], $0x2000, $0x38;
	v15 =	vperm.xlane v14, v3;
	[tilespmem:$0x10080] =	vst v63  }
0x1a0: {  	s20 =	spop (v2sf)  }
0x1a1: {  	s18 =	sshll.u32 s20, $0xD;
	vm2 =	vlt.s32 v14, v15  }
0x1a2: {  	s18 =	sadd.s32 s5, s18;
	v14 =	vsel vm2, v14, v15  }
0x1a3: {  	s18 =	sshrl.u32 s18, $0x3;
	vm2 =	vne.s32 v14, v7  }
0x1a4: {  	s18 =	sadd.s32 s1, s18;
	vm3 =	vmand vm3, vm2  }
0x1a5: {  	[tilespmem:s15], [sflag:$0x1] =	stream.linear.gather [hbm4b:s18+s3], $0x2000, $0x38;
	vm9 =	vne.s32 v14, v4;
	v36 =	vnsel vm3, $0xFF800000, v9;
	[tilespmem:$0x10080] =	vst v63  }
0x1a6: {  	_ =	swait.ge [sflag:s12], $0x2000;
	vm2 =	vmand vm0, vm9;
	v37 =	vmax.f32 v8, v36  }
0x1a7: {  	(v2sf) =	vpush v19, $0x0;
	vm10 =	vne.s32 v14, v6;
	v15 =	vsel vm2, v37, v36  }
0x1a8: {  	vm1 =	vmand vm1, vm10;
	v16 =	vmax.f32 v15, v10  }
0x1a9: {  	vm11 =	vne.s32 v14, v5;
	v15 =	vsel vm1, v16, v15  }
0x1aa: {  	vm0 =	vmand vm4, vm11;
	v16 =	vmax.f32 v15, v11  }
0x1ab: {  	v15 =	vsel vm0, v16, v15  }
0x1ac: {  	v16 =	vperm.xlane v15, v0;
	_ =	sdelay $0x1  }
0x1ad: {  	v15 =	vmax.f32 v15, v16  }
0x1ae: {  	v16 =	vperm.xlane v15, v1;
	_ =	sdelay $0x1  }
0x1af: {  	v15 =	vmax.f32 v15, v16  }
0x1b0: {  	v16 =	vperm.xlane v15, v2  }
0x1b1: {  	[sflag:s12] =	ssyncset.done $0x0  }
0x1b2: {  	s21 =	rddreg [dreg:$0x7];
	[sflag:s12] =	ssyncadd.s32 $0xFFFFE000;
	v15 =	vmax.f32 v15, v16  }
0x1b3: {  	[hbm4b:s21+s3] =	stream.linear.scatter [tilespmem:s11], [sflag:$0x2], $0x2000, $0x38;
	v16 =	vperm.xlane v15, v3;
	[tilespmem:$0x10080] =	vst v63  }
0x1b4: {  	s22 =	spop (v2sf)  }
0x1b5: {  	s18 =	sshll.u32 s22, $0xD;
	v15 =	vmax.f32 v15, v16  }
0x1b6: {  	s18 =	sadd.s32 s5, s18;
	vm12 =	veq.f32 v11, v15  }
0x1b7: {  	s18 =	sshrl.u32 s18, $0x3;
	vm13 =	veq.f32 v10, v15;
	vm4 =	vmand vm0, vm12  }
0x1b8: {  	s18 =	sadd.s32 s1, s18;
	vm14 =	veq.f32 v9, v15;
	vm5 =	vmand vm1, vm13;
	v38 =	vnsel vm4, $0x40, v5  }
0x1b9: {  	[tilespmem:s16], [sflag:$0x1] =	stream.linear.gather [hbm4b:s18+s3], $0x2000, $0x38;
	vm15 =	veq.f32 v8, v15;
	vm8 =	vmand vm3, vm14;
	v16 =	vsel vm5, v6, v38;
	[tilespmem:$0x10080] =	vst v63  }
0x1ba: {  	_ =	swait.ge [sflag:s12], $0x2000;
	vm4 =	vmand vm2, vm15;
	v39 =	vsel vm8, v7, v16  }
0x1bb: {  	[sflag:s12] =	ssyncset.done $0x0;
	v40 =	vsel vm4, v4, v39  }
0x1bc: {  	s23 =	rddreg [dreg:$0x8];
	[sflag:s12] =	ssyncadd.s32 $0xFFFFE000;
	v15 =	vperm.xlane v40, v0  }
0x1bd: {  	[hbm4b:s23+s3] =	stream.linear.scatter [tilespmem:s13], [sflag:$0x2], $0x2000, $0x38;
	[tilespmem:$0x10080] =	vst v63  }
0x1be: {  	_ =	swait.ge [sflag:s17], $0x2000;
	vm4 =	vlt.s32 v40, v15  }
0x1bf: {  	(v2sf) =	vpush v12, $0x0;
	v12 =	vsel vm4, v40, v15  }
0x1c0: {  	v15 =	vperm.xlane v12, v1;
	_ =	sdelay $0x1  }
0x1c1: {  	vm4 =	vlt.s32 v12, v15  }
0x1c2: {  	v12 =	vsel vm4, v12, v15  }
0x1c3: {  	v15 =	vperm.xlane v12, v2;
	_ =	sdelay $0x1  }
0x1c4: {  	vm4 =	vlt.s32 v12, v15  }
0x1c5: {  	v12 =	vsel vm4, v12, v15  }
0x1c6: {  	v15 =	vperm.xlane v12, v3;
	_ =	sdelay $0x1  }
0x1c7: {  	vm4 =	vlt.s32 v12, v15  }
0x1c8: {  	v12 =	vsel vm4, v12, v15  }
0x1c9: {  	vm4 =	vne.s32 v12, v7  }
0x1ca: {  	vm3 =	vmand vm3, vm4  }
0x1cb: {  	s24 =	spop (v2sf);
	vm9 =	vne.s32 v12, v4;
	v41 =	vnsel vm3, $0xFF800000, v9  }
0x1cc: {  	s18 =	sshll.u32 s24, $0xD;
	vm2 =	vmand vm2, vm9;
	v42 =	vmax.f32 v8, v41  }
0x1cd: {  	s18 =	sadd.s32 s5, s18;
	vm10 =	vne.s32 v12, v6;
	v15 =	vsel vm2, v42, v41  }
0x1ce: {  	[sflag:s17] =	ssyncset.done $0x0;
	s18 =	sshrl.u32 s18, $0x3;
	vm1 =	vmand vm1, vm10;
	v16 =	vmax.f32 v15, v10  }
0x1cf: {  	[sflag:s17] =	ssyncadd.s32 $0xFFFFE000;
	s18 =	sadd.s32 s1, s18;
	vm11 =	vne.s32 v12, v5;
	v15 =	vsel vm1, v16, v15  }
0x1d0: {  	[tilespmem:s8], [sflag:$0x1] =	stream.linear.gather [hbm4b:s18+s3], $0x2000, $0x38;
	vm4 =	vmand vm0, vm11;
	v16 =	vmax.f32 v15, v11;
	[tilespmem:$0x10080] =	vst v63  }
0x1d1: {  	_ =	swait.ge [sflag:s12], $0x2000;
	v15 =	vsel vm4, v16, v15  }
0x1d2: {  	[sflag:s12] =	ssyncset.done $0x0;
	v16 =	vperm.xlane v15, v0  }
0x1d3: {  	s25 =	rddreg [dreg:$0x9];
	[sflag:s12] =	ssyncadd.s32 $0xFFFFE000  }
0x1d4: {  	[hbm4b:s25+s3] =	stream.linear.scatter [tilespmem:s14], [sflag:$0x2], $0x2000, $0x38;
	v43 =	vmax.f32 v15, v16;
	[tilespmem:$0x10080] =	vst v63  }
0x1d5: {  	_ =	swait.ge [sflag:s17], $0x2000;
	v15 =	vperm.xlane v43, v1  }
0x1d6: {  	(v2sf) =	vpush v13, $0x0  }
0x1d7: {  	v13 =	vmax.f32 v43, v15  }
0x1d8: {  	v15 =	vperm.xlane v13, v2;
	_ =	sdelay $0x1  }
0x1d9: {  	v13 =	vmax.f32 v13, v15  }
0x1da: {  	v15 =	vperm.xlane v13, v3;
	_ =	sdelay $0x1  }
0x1db: {  	v13 =	vmax.f32 v13, v15  }
0x1dc: {  	vm12 =	veq.f32 v11, v13  }
0x1dd: {  	vm13 =	veq.f32 v10, v13;
	vm0 =	vmand vm4, vm12  }
0x1de: {  	vm14 =	veq.f32 v9, v13;
	vm5 =	vmand vm1, vm13;
	v44 =	vnsel vm0, $0x40, v5  }
0x1df: {  	vm15 =	veq.f32 v8, v13;
	vm8 =	vmand vm3, vm14;
	v15 =	vsel vm5, v6, v44  }
0x1e0: {  	vm0 =	vmand vm2, vm15;
	v45 =	vsel vm8, v7, v15  }
0x1e1: {  	v13 =	vsel vm0, v4, v45  }
0x1e2: {  	v46 =	vperm.xlane v13, v0  }
0x1e3: {  	s26 =	spop (v2sf)  }
0x1e4: {  	s18 =	sshll.u32 s26, $0xD;
	vm0 =	vlt.s32 v13, v46  }
0x1e5: {  	s18 =	sadd.s32 s5, s18;
	v13 =	vsel vm0, v13, v46  }
0x1e6: {  	[sflag:s17] =	ssyncset.done $0x0;
	s18 =	sshrl.u32 s18, $0x3;
	v15 =	vperm.xlane v13, v1  }
0x1e7: {  	[sflag:s17] =	ssyncadd.s32 $0xFFFFE000;
	s18 =	sadd.s32 s1, s18  }
0x1e8: {  	[tilespmem:s9], [sflag:$0x1] =	stream.linear.gather [hbm4b:s18+s3], $0x2000, $0x38;
	vm0 =	vlt.s32 v13, v15;
	[tilespmem:$0x10080] =	vst v63  }
0x1e9: {  	_ =	swait.ge [sflag:s12], $0x2000;
	v13 =	vsel vm0, v13, v15  }
0x1ea: {  	[sflag:s12] =	ssyncset.done $0x0;
	v15 =	vperm.xlane v13, v2  }
0x1eb: {  	s28 =	rddreg [dreg:$0xa];
	[sflag:s12] =	ssyncadd.s32 $0xFFFFE000  }
0x1ec: {  	[hbm4b:s28+s3] =	stream.linear.scatter [tilespmem:s15], [sflag:$0x2], $0x2000, $0x38;
	vm0 =	vlt.s32 v13, v15;
	[tilespmem:$0x10080] =	vst v63  }
0x1ed: {  	_ =	swait.ge [sflag:s17], $0x2000;
	v13 =	vsel vm0, v13, v15  }
0x1ee: {  	(v2sf) =	vpush v14, $0x0;
	v47 =	vperm.xlane v13, v3;
	_ =	sdelay $0x1  }
0x1ef: {  	vm0 =	vlt.s32 v13, v47  }
0x1f0: {  	v13 =	vsel vm0, v13, v47  }
0x1f1: {  	vm0 =	vne.s32 v13, v7  }
0x1f2: {  	vm3 =	vmand vm3, vm0  }
0x1f3: {  	vm9 =	vne.s32 v13, v4;
	v48 =	vnsel vm3, $0xFF800000, v9  }
0x1f4: {  	vm2 =	vmand vm2, vm9;
	v49 =	vmax.f32 v8, v48  }
0x1f5: {  	vm10 =	vne.s32 v13, v6;
	v14 =	vsel vm2, v49, v48  }
0x1f6: {  	vm0 =	vmand vm1, vm10;
	v15 =	vmax.f32 v14, v10  }
0x1f7: {  	vm11 =	vne.s32 v13, v5;
	v14 =	vsel vm0, v15, v14  }
0x1f8: {  	vm1 =	vmand vm4, vm11;
	v15 =	vmax.f32 v14, v11  }
0x1f9: {  	v14 =	vsel vm1, v15, v14  }
0x1fa: {  	v15 =	vperm.xlane v14, v0;
	_ =	sdelay $0x1  }
0x1fb: {  	s29 =	spop (v2sf);
	v14 =	vmax.f32 v14, v15  }
0x1fc: {  	s18 =	sshll.u32 s29, $0xD;
	v15 =	vperm.xlane v14, v1  }
0x1fd: {  	s18 =	sadd.s32 s5, s18  }
0x1fe: {  	[sflag:s17] =	ssyncset.done $0x0;
	s18 =	sshrl.u32 s18, $0x3;
	v14 =	vmax.f32 v14, v15  }
0x1ff: {  	[sflag:s17] =	ssyncadd.s32 $0xFFFFE000;
	s18 =	sadd.s32 s1, s18;
	v15 =	vperm.xlane v14, v2  }
0x200: {  	[tilespmem:s10], [sflag:$0x1] =	stream.linear.gather [hbm4b:s18+s3], $0x2000, $0x38;
	[tilespmem:$0x10080] =	vst v63  }
0x201: {  	_ =	swait.ge [sflag:s12], $0x2000;
	v14 =	vmax.f32 v14, v15  }
0x202: {  	[sflag:s12] =	ssyncset.done $0x0;
	v15 =	vperm.xlane v14, v3  }
0x203: {  	s30 =	rddreg [dreg:$0xb];
	[sflag:s12] =	ssyncadd.s32 $0xFFFFE000  }
0x204: {  	[hbm4b:s30+s3] =	stream.linear.scatter [tilespmem:s16], [sflag:$0x2], $0x2000, $0x38;
	v14 =	vmax.f32 v14, v15;
	[tilespmem:$0x10080] =	vst v63  }
0x205: {  	_ =	swait.ge [sflag:s17], $0x2000;
	vm12 =	veq.f32 v11, v14  }
0x206: {  	(v2sf) =	vpush v12, $0x0;
	vm13 =	veq.f32 v10, v14;
	vm4 =	vmand vm1, vm12  }
0x207: {  	vm14 =	veq.f32 v9, v14;
	vm5 =	vmand vm0, vm13;
	v50 =	vnsel vm4, $0x40, v5  }
0x208: {  	vm15 =	veq.f32 v8, v14;
	vm6 =	vmand vm3, vm14;
	v12 =	vsel vm5, v6, v50  }
0x209: {  	vm4 =	vmand vm2, vm15;
	v12 =	vsel vm6, v7, v12  }
0x20a: {  	v12 =	vsel vm4, v4, v12  }
0x20b: {  	v51 =	vperm.xlane v12, v0;
	_ =	sdelay $0x1  }
0x20c: {  	vm4 =	vlt.s32 v12, v51  }
0x20d: {  	v12 =	vsel vm4, v12, v51  }
0x20e: {  	v14 =	vperm.xlane v12, v1;
	_ =	sdelay $0x1  }
0x20f: {  	vm4 =	vlt.s32 v12, v14  }
0x210: {  	v12 =	vsel vm4, v12, v14  }
0x211: {  	v14 =	vperm.xlane v12, v2;
	_ =	sdelay $0x1  }
0x212: {  	vm4 =	vlt.s32 v12, v14  }
0x213: {  	s31 =	spop (v2sf);
	v12 =	vsel vm4, v12, v14  }
0x214: {  	s18 =	sshll.u32 s31, $0xD;
	v14 =	vperm.xlane v12, v3  }
0x215: {  	s18 =	sadd.s32 s5, s18  }
0x216: {  	[sflag:s17] =	ssyncset.done $0x0;
	s18 =	sshrl.u32 s18, $0x3;
	vm4 =	vlt.s32 v12, v14  }
0x217: {  	[sflag:s17] =	ssyncadd.s32 $0xFFFFE000;
	s18 =	sadd.s32 s1, s18;
	v12 =	vsel vm4, v12, v14  }
0x218: {  	[tilespmem:s11], [sflag:$0x1] =	stream.linear.gather [hbm4b:s18+s3], $0x2000, $0x38;
	vm4 =	vne.s32 v12, v7;
	[tilespmem:$0x10080] =	vst v63  }
0x219: {  	_ =	swait.ge [sflag:s12], $0x2000;
	vm3 =	vmand vm3, vm4  }
0x21a: {  	[sflag:s12] =	ssyncset.done $0x0;
	vm9 =	vne.s32 v12, v4;
	v52 =	vnsel vm3, $0xFF800000, v9  }
0x21b: {  	s19 =	rddreg [dreg:$0xc];
	[sflag:s12] =	ssyncadd.s32 $0xFFFFE000;
	vm2 =	vmand vm2, vm9;
	v53 =	vmax.f32 v8, v52  }
0x21c: {  	[hbm4b:s19+s3] =	stream.linear.scatter [tilespmem:s8], [sflag:$0x2], $0x2000, $0x38;
	vm10 =	vne.s32 v12, v6;
	v14 =	vsel vm2, v53, v52;
	[tilespmem:$0x10080] =	vst v63  }
0x21d: {  	_ =	swait.ge [sflag:s17], $0x2000;
	vm4 =	vmand vm0, vm10;
	v54 =	vmax.f32 v14, v10  }
0x21e: {  	(v2sf) =	vpush v13, $0x0;
	vm11 =	vne.s32 v12, v5;
	v13 =	vsel vm4, v54, v14  }
0x21f: {  	vm0 =	vmand vm1, vm11;
	v14 =	vmax.f32 v13, v11  }
0x220: {  	v13 =	vsel vm0, v14, v13  }
0x221: {  	v14 =	vperm.xlane v13, v0;
	_ =	sdelay $0x1  }
0x222: {  	v13 =	vmax.f32 v13, v14  }
0x223: {  	v14 =	vperm.xlane v13, v1;
	_ =	sdelay $0x1  }
0x224: {  	v13 =	vmax.f32 v13, v14  }
0x225: {  	v14 =	vperm.xlane v13, v2;
	_ =	sdelay $0x1  }
0x226: {  	v13 =	vmax.f32 v13, v14  }
0x227: {  	v14 =	vperm.xlane v13, v3;
	_ =	sdelay $0x1  }
0x228: {  	v13 =	vmax.f32 v13, v14  }
0x229: {  	vm12 =	veq.f32 v11, v13  }
0x22a: {  	vm13 =	veq.f32 v10, v13;
	vm1 =	vmand vm0, vm12  }
0x22b: {  	s20 =	spop (v2sf);
	vm14 =	veq.f32 v9, v13;
	vm5 =	vmand vm4, vm13;
	v55 =	vnsel vm1, $0x40, v5  }
0x22c: {  	s18 =	sshll.u32 s20, $0xD;
	vm15 =	veq.f32 v8, v13;
	vm8 =	vmand vm3, vm14;
	v14 =	vsel vm5, v6, v55  }
0x22d: {  	s18 =	sadd.s32 s5, s18;
	vm1 =	vmand vm2, vm15;
	v56 =	vsel vm8, v7, v14  }
0x22e: {  	[sflag:s17] =	ssyncset.done $0x0;
	s18 =	sshrl.u32 s18, $0x3;
	v13 =	vsel vm1, v4, v56  }
0x22f: {  	[sflag:s17] =	ssyncadd.s32 $0xFFFFE000;
	s18 =	sadd.s32 s1, s18;
	v57 =	vperm.xlane v13, v0  }
0x230: {  	[tilespmem:s13], [sflag:$0x1] =	stream.linear.gather [hbm4b:s18+s3], $0x2000, $0x38;
	[tilespmem:$0x10080] =	vst v63  }
0x231: {  	_ =	swait.ge [sflag:s12], $0x2000;
	vm1 =	vlt.s32 v13, v57  }
0x232: {  	[sflag:s12] =	ssyncset.done $0x0;
	v13 =	vsel vm1, v13, v57  }
0x233: {  	s21 =	rddreg [dreg:$0xd];
	[sflag:s12] =	ssyncadd.s32 $0xFFFFE000;
	v14 =	vperm.xlane v13, v1  }
0x234: {  	[hbm4b:s21+s3] =	stream.linear.scatter [tilespmem:s9], [sflag:$0x2], $0x2000, $0x38;
	[tilespmem:$0x10080] =	vst v63  }
0x235: {  	_ =	swait.ge [sflag:s17], $0x2000;
	vm1 =	vlt.s32 v13, v14  }
0x236: {  	(v2sf) =	vpush v12, $0x0;
	v58 =	vsel vm1, v13, v14  }
0x237: {  	v13 =	vperm.xlane v58, v2;
	_ =	sdelay $0x1  }
0x238: {  	vm1 =	vlt.s32 v58, v13  }
0x239: {  	v12 =	vsel vm1, v58, v13  }
0x23a: {  	v13 =	vperm.xlane v12, v3;
	_ =	sdelay $0x1  }
0x23b: {  	vm1 =	vlt.s32 v12, v13  }
0x23c: {  	v12 =	vsel vm1, v12, v13  }
0x23d: {  	vm1 =	vne.s32 v12, v7  }
0x23e: {  	vm1 =	vmand vm3, vm1  }
0x23f: {  	vm9 =	vne.s32 v12, v4;
	v59 =	vnsel vm1, $0xFF800000, v9  }
0x240: {  	vm2 =	vmand vm2, vm9;
	v60 =	vmax.f32 v8, v59  }
0x241: {  	vm10 =	vne.s32 v12, v6;
	v13 =	vsel vm2, v60, v59  }
0x242: {  	vm3 =	vmand vm4, vm10;
	v14 =	vmax.f32 v13, v10  }
0x243: {  	s22 =	spop (v2sf);
	vm11 =	vne.s32 v12, v5;
	v13 =	vsel vm3, v14, v13  }
0x244: {  	s18 =	sshll.u32 s22, $0xD;
	vm0 =	vmand vm0, vm11;
	v14 =	vmax.f32 v13, v11  }
0x245: {  	s18 =	sadd.s32 s5, s18;
	v13 =	vsel vm0, v14, v13  }
0x246: {  	[sflag:s17] =	ssyncset.done $0x0;
	s18 =	sshrl.u32 s18, $0x3;
	v14 =	vperm.xlane v13, v0  }
0x247: {  	[sflag:s17] =	ssyncadd.s32 $0xFFFFE000;
	s18 =	sadd.s32 s1, s18  }
0x248: {  	[tilespmem:s14], [sflag:$0x1] =	stream.linear.gather [hbm4b:s18+s3], $0x2000, $0x38;
	v13 =	vmax.f32 v13, v14;
	[tilespmem:$0x10080] =	vst v63  }
0x249: {  	_ =	swait.ge [sflag:s12], $0x2000;
	v14 =	vperm.xlane v13, v1  }
0x24a: {  	[sflag:s12] =	ssyncset.done $0x0  }
0x24b: {  	s23 =	rddreg [dreg:$0xe];
	[sflag:s12] =	ssyncadd.s32 $0xFFFFE000;
	v13 =	vmax.f32 v13, v14  }
0x24c: {  	[hbm4b:s23+s3] =	stream.linear.scatter [tilespmem:s10], [sflag:$0x2], $0x2000, $0x38;
	v14 =	vperm.xlane v13, v2;
	[tilespmem:$0x10080] =	vst v63  }
0x24d: {  	_ =	swait.ge [sflag:s17], $0x2000  }
0x24e: {  	(v2sf) =	vpush v12, $0x0;
	v61 =	vmax.f32 v13, v14  }
0x24f: {  	v13 =	vperm.xlane v61, v3;
	_ =	sdelay $0x1  }
0x250: {  	v12 =	vmax.f32 v61, v13  }
0x251: {  	vm12 =	veq.f32 v11, v12  }
0x252: {  	vm13 =	veq.f32 v10, v12;
	vm0 =	vmand vm0, vm12  }
0x253: {  	vm14 =	veq.f32 v9, v12;
	vm3 =	vmand vm3, vm13;
	v62 =	vnsel vm0, $0x40, v5  }
0x254: {  	vm15 =	veq.f32 v8, v12;
	vm1 =	vmand vm1, vm14;
	v8 =	vsel vm3, v6, v62  }
0x255: {  	vm0 =	vmand vm2, vm15;
	v8 =	vsel vm1, v7, v8  }
0x256: {  	v8 =	vsel vm0, v4, v8  }
0x257: {  	v63 =	vperm.xlane v8, v0;
	_ =	sdelay $0x1  }
0x258: {  	vm0 =	vlt.s32 v8, v63  }
0x259: {  	v8 =	vsel vm0, v8, v63  }
0x25a: {  	v9 =	vperm.xlane v8, v1  }
0x25b: {  	s24 =	spop (v2sf)  }
0x25c: {  	s18 =	sshll.u32 s24, $0xD;
	vm0 =	vlt.s32 v8, v9  }
0x25d: {  	s18 =	sadd.s32 s5, s18;
	v8 =	vsel vm0, v8, v9  }
0x25e: {  	[sflag:s17] =	ssyncset.done $0x0;
	s18 =	sshrl.u32 s18, $0x3;
	v9 =	vperm.xlane v8, v2  }
0x25f: {  	[sflag:s17] =	ssyncadd.s32 $0xFFFFE000;
	s18 =	sadd.s32 s1, s18  }
0x260: {  	[tilespmem:s15], [sflag:$0x1] =	stream.linear.gather [hbm4b:s18+s3], $0x2000, $0x38;
	vm0 =	vlt.s32 v8, v9;
	[tilespmem:$0x10080] =	vst v63  }
0x261: {  	_ =	swait.ge [sflag:s12], $0x2000;
	v8 =	vsel vm0, v8, v9  }
0x262: {  	[sflag:s12] =	ssyncset.done $0x0;
	v9 =	vperm.xlane v8, v3  }
0x263: {  	s25 =	rddreg [dreg:$0xf];
	[sflag:s12] =	ssyncadd.s32 $0xFFFFE000  }
0x264: {  	[hbm4b:s25+s3] =	stream.linear.scatter [tilespmem:s11], [sflag:$0x2], $0x2000, $0x38;
	vm0 =	vlt.s32 v8, v9;
	[tilespmem:$0x10080] =	vst v63  }
0x265: {  	_ =	swait.ge [sflag:s17], $0x2000;
	v8 =	vsel vm0, v8, v9  }
0x266: {  	(v2sf) =	vpush v8, $0x0;
	_ =	sdelay $0xe  }
0x267: {  	s26 =	spop (v2sf)  }
0x268: {  	s18 =	sshll.u32 s26, $0xD  }
0x269: {  	s18 =	sadd.s32 s5, s18  }
0x26a: {  	[sflag:s17] =	ssyncset.done $0x0;
	s18 =	sshrl.u32 s18, $0x3  }
0x26b: {  	[sflag:s17] =	ssyncadd.s32 $0xFFFFE000;
	s18 =	sadd.s32 s1, s18  }
0x26c: {  	[tilespmem:s16], [sflag:$0x1] =	stream.linear.gather [hbm4b:s18+s3], $0x2000, $0x38;
	[tilespmem:$0x10080] =	vst v63  }
0x26d: {  	_ =	swait.ge [sflag:s12], $0x2000  }
0x26e: {  	[sflag:s12] =	ssyncset.done $0x0  }
0x26f: {  	s28 =	rddreg [dreg:$0x10];
	[sflag:s12] =	ssyncadd.s32 $0xFFFFE000  }
0x270: {  	[hbm4b:s28+s3] =	stream.linear.scatter [tilespmem:s13], [sflag:$0x2], $0x2000, $0x38;
	[tilespmem:$0x10080] =	vst v63  }
0x271: {  	_ =	swait.ge [sflag:s12], $0x2000  }
0x272: {  	[sflag:s12] =	ssyncset.done $0x0  }
0x273: {  	s29 =	rddreg [dreg:$0x11];
	[sflag:s12] =	ssyncadd.s32 $0xFFFFE000  }
0x274: {  	[hbm4b:s29+s3] =	stream.linear.scatter [tilespmem:s14], [sflag:$0x2], $0x2000, $0x38;
	[tilespmem:$0x10080] =	vst v63  }
0x275: {  	_ =	swait.ge [sflag:s12], $0x2000  }
0x276: {  	[sflag:s12] =	ssyncset.done $0x0  }
0x277: {  	s30 =	rddreg [dreg:$0x12];
	[sflag:s12] =	ssyncadd.s32 $0xFFFFE000  }
0x278: {  	[hbm4b:s30+s3] =	stream.linear.scatter [tilespmem:s15], [sflag:$0x2], $0x2000, $0x38;
	[tilespmem:$0x10080] =	vst v63  }
0x279: {  	_ =	swait.ge [sflag:s12], $0x2000  }
0x27a: {  	[sflag:s12] =	ssyncset.done $0x0  }
0x27b: {  	s31 =	rddreg [dreg:$0x13];
	[sflag:s12] =	ssyncadd.s32 $0xFFFFE000  }
0x27c: {  	[hbm4b:s31+s3] =	stream.linear.scatter [tilespmem:s16], [sflag:$0x2], $0x2000, $0x38;
	[tilespmem:$0x10080] =	vst v63  }
0x27d: {  	_ =	swait.ge [sflag:s17], $0x2000  }
0x27e: {  	[sflag:s17] =	ssyncset.done $0x0  }
0x27f: {  	[sflag:s17] =	ssyncadd.s32 $0xFFFFE000  }
0x280: {  	_ =	swait.ge [sflag:s17], $0x2000  }
0x281: {  	[sflag:s17] =	ssyncset.done $0x0  }
0x282: {  	[sflag:s17] =	ssyncadd.s32 $0xFFFFE000  }
0x283: {  	_ =	swait.ge [sflag:s17], $0x2000  }
0x284: {  	[sflag:s17] =	ssyncset.done $0x0  }
0x285: {  	[sflag:s17] =	ssyncadd.s32 $0xFFFFE000  }
0x286: {  	_ =	swait.ge [sflag:s17], $0x2000  }
0x287: {  	[sflag:s17] =	ssyncset.done $0x0  }
0x288: {  	[sflag:s17] =	ssyncadd.s32 $0xFFFFE000  }
0x289: {  	_ =	swait.ge [sflag:s17], $0x2000  }
0x28a: {  	[sflag:s17] =	ssyncset.done $0x0  }
0x28b: {  	[sflag:s17] =	ssyncadd.s32 $0xFFFFE000  }
0x28c: {  	_ =	swait.ge [sflag:s17], $0x2000  }
0x28d: {  	[sflag:s17] =	ssyncset.done $0x0  }
0x28e: {  	[sflag:s17] =	ssyncadd.s32 $0xFFFFE000  }
0x28f: {  	p0 =	sne.s32 s6, $0x1;
	_ =	swait.ge [sflag:s17], $0x2000  }
.Ltmp0:
0x290: {  	[sflag:s17] =	ssyncset.done $0x0;
	(pc) =	sbr.rel @p0 .LBB2_1-.Ltmp0, $4  }
0x291: {  	[sflag:s17] =	ssyncadd.s32 $0xFFFFE000  }
0x292: {  	_ =	swait.ge [sflag:s17], $0x2000  }
0x293: {  	[sflag:s17] =	ssyncset.done $0x0  }
0x294: {  	s6 =	sadd.s32 $0xFFFFFFFF, s6;
	[sflag:s17] =	ssyncadd.s32 $0xFFFFE000  }
0x295: {  	_ =	sfence.sel $0x180000  }
0x296: {  	[bflag:$0x0] =	sbarrier.arrive $0xFFFF  }
0x297: {  	p0 =	sne.s32 s0, $0x0;
	_ =	strace $0x90000047  }
0x298: {  	s0 =	sadd.s32 @!p0 $0x100000, s2;
	[bflag:$0x2] =	sbarrier.arrive $0xFFFF  }
0x299: {  	[sflag:s0] =	ssyncadd.tile.s32 @!p0 $0x1;
	_ =	shalt  }
.Lfunc_end2:
_tile_overlayer_lowered:
.L_overlay_start_2:
0x29a: {  	(tag) =	ssettag $0x2  }
0x29b: {  	s0 =	rddreg [dreg:$0x0];
	s2 =	stileid.u32  }
0x29c: {  	s1 =	rddreg [dreg:$0x1];
	p0 =	sne.s32 s2, $0x0  }
0x29d: {  	s3 =	rddreg [dreg:$0x2];
	[bflag:$0x3] =	sbarrier.arrive $0xFFFF;
	s2 =	simm.s32 @!p0 $0x1C03  }
0x29e: {  	[timem:s3], [sflag:s2] =	dma.local @!p0 [hbm:s0], s1  }
0x29f: {  	s0 =	simm.s32 @!p0 $0x3  }
0x2a0: {  	_ =	swait.ge @!p0 [sflag:s0], s1  }
0x2a1: {  	s1 =	ssub.s32 @!p0 $0x0, s1;
	[sflag:s0] =	ssyncset.done @!p0 $0x0  }
0x2a2: {  	[sflag:s0] =	ssyncadd.s32 @!p0 s1  }
0x2a3: {  	[bflag:$0x3] =	sbarrier.arrive $0xFFFF  }
0x2a4: {  	_ =	shalt  }

</sc_bundles>
